<compile_context>
chip_gen: v7x
topology: tpu7x:2x2x1
jax: 0.10.2.dev20260603
libtpu: 0.0.44.dev20260713+nightly
codegen_flags: <defaults>
</compile_context>

<pallas_src>
import functools

import jax
import jax.numpy as jnp
from jax import lax
from jax.experimental import pallas as pl
from jax.experimental.pallas import tpu as pltpu
from jax.experimental.pallas import tpu_sc as plsc

N = 1_000_000
NBINS = 64
EPS = 1e-10

LO, HI = -5.0, 5.0
NB = 512
LS = NB + 16
DX = (HI - LO) / NB

NC, NSUB, LANES = 2, 16, 16
NW = NC * NSUB

PPT = 31232
VPT = PPT // LANES
CH = 256
NFULL = 7
TAIL = VPT - NFULL * CH
XP = 512
XV = XP // LANES
XOFF = NW * PPT
EXTRA_P = N - NW * PPT - XP


@functools.partial(
    pl.kernel,
    out_type=jax.ShapeDtypeStruct((NW, LS), jnp.float32),
    mesh=plsc.VectorSubcoreMesh(core_axis_name="c", subcore_axis_name="s"),
    compiler_params=pltpu.CompilerParams(
        needs_layout_passes=False, skip_device_barrier=True),
    scratch_types=[
        pltpu.VMEM((CH * LANES,), jnp.float32),
        pltpu.VMEM((CH * LANES,), jnp.float32),
        pltpu.VMEM((LANES * LS,), jnp.float32),
        pltpu.VMEM((1, LS), jnp.float32),
        pltpu.VMEM((XP,), jnp.float32),
        pltpu.SemaphoreType.DMA,
        pltpu.SemaphoreType.DMA,
    ],
)
def _sc_deposit(xt_hbm, out_hbm, buf0, buf1, hist, row, bufx, sem0, sem1):
    wid = lax.axis_index("s") * NC + lax.axis_index("c")
    base = wid * PPT

    bufs = (buf0, buf1)
    sems = (sem0, sem1)
    copies = [None, None]
    copies[0] = pltpu.async_copy(
        xt_hbm.at[0, pl.ds(base, CH * LANES)], buf0, sem0)

    zeros16 = jnp.zeros((LANES,), jnp.float32)

    def zbody(k, c):
        b = k * (16 * 8)
        for u in range(8):
            hist[pl.ds(b + u * 16, 16)] = zeros16
        return c

    lax.fori_loop(0, (LANES * LS) // (16 * 8), zbody, 0)

    iota16 = lax.iota(jnp.int32, LANES)
    lane_off = iota16 * LS
    ones16 = jnp.full((LANES,), 1.0, jnp.float32)
    inv_dx = 1.0 / DX
    off_t = -LO * inv_dx + 0.5
    hi_t = NB + 0.4

    def depgroup(buf, vbase, count):
        xs = [buf[pl.ds((vbase + u) * LANES, LANES)] for u in range(count)]
        idxs = []
        for xv in xs:
            t = xv * inv_dx + off_t
            t = jnp.minimum(jnp.maximum(t, 0.0), hi_t)
            idxs.append(lane_off + t.astype(jnp.int32))
        for idx in idxs:
            plsc.addupdate_scatter(hist, [idx], ones16)

    U = 16

    def deposit(buf, nvec):
        nfull, rem = divmod(nvec, U)
        if nfull:
            def body(v, c):
                depgroup(buf, v * U, U)
                return c

            lax.fori_loop(0, nfull, body, 0)
        if rem:
            depgroup(buf, nfull * U, rem)

    @pl.when(wid == 0)
    def _():
        pltpu.sync_copy(xt_hbm.at[0, pl.ds(XOFF, XP)], bufx)
        deposit(bufx, XV)

    for ci in range(NFULL):
        nb = (ci + 1) % 2
        if ci + 1 < NFULL:
            copies[nb] = pltpu.async_copy(
                xt_hbm.at[0, pl.ds(base + (ci + 1) * CH * LANES, CH * LANES)],
                bufs[nb], sems[nb])
        else:
            copies[nb] = pltpu.async_copy(
                xt_hbm.at[0, pl.ds(base + NFULL * CH * LANES, TAIL * LANES)],
                bufs[nb].at[pl.ds(0, TAIL * LANES)], sems[nb])
        copies[ci % 2].wait()
        deposit(bufs[ci % 2], CH)
    copies[NFULL % 2].wait()
    deposit(bufs[NFULL % 2], TAIL)

    def red(k, c):
        s = k * 16
        vs = [hist[pl.ds(lane * LS + s, 16)] for lane in range(LANES)]
        while len(vs) > 1:
            vs = [vs[i] + vs[i + 1] for i in range(0, len(vs), 2)]
        row[0, pl.ds(s, 16)] = vs[0]
        return c

    lax.fori_loop(0, LS // 16, red, 0)
    pltpu.sync_copy(row, out_hbm.at[pl.ds(wid, 1)])


def _tc_finish(parts_ref, edges_ref, tail_ref, out_ref):
    w = jnp.sum(parts_ref[...], axis=0, keepdims=True)
    e = edges_ref[...]
    res = e[:, 1:2] - e[:, 0:1]
    centers = 0.5 * (e[:, 0:NBINS] + e[:, 1:NBINS + 1])
    ct = jnp.reshape(centers, (NBINS, 1))
    nodes = LO + DX * lax.broadcasted_iota(jnp.int32, (1, LS), 1).astype(
        jnp.float32)
    inv = -0.5 / (res * res)
    d = nodes - ct
    kern = jnp.exp(inv * d * d)
    tl = jnp.reshape(tail_ref[...], (1, EXTRA_P))
    dt = tl - ct
    ktail = jnp.exp(inv * dt * dt)
    h = (jnp.sum(kern * w, axis=1, keepdims=True)
         + jnp.sum(ktail, axis=1, keepdims=True)) * (1.0 / N)
    out_ref[...] = h / (jnp.sum(h) * res + EPS)


_finish = pl.pallas_call(
    _tc_finish,
    out_shape=jax.ShapeDtypeStruct((NBINS, 1), jnp.float32),
    compiler_params=pltpu.CompilerParams(skip_device_barrier=True),
)


def kernel(x, edges):
    parts = _sc_deposit(jnp.transpose(x))
    tail = x[NW * PPT + XP:, 0:1]
    h = _finish(parts, jnp.reshape(edges, (1, edges.shape[0])), tail)
    return jnp.reshape(h, (NBINS,))

# --- scband reference (transcript-rebuilt; emitter-appended) ---
"""Pipeline reference for scband-histogram1-d-3384434229368 (READ-ONLY COPY).

The authoritative reference and input builder live on the scoring server;
editing this copy changes nothing except your own understanding.
"""

import jax, jax.numpy as jnp
import numpy as np

N_PARTICLES = 1000000
NDIM = 6
N_EDGES = 65
AXIS = 0
BANDWIDTH_FRAC = 1.0
EPS = 1e-10


def setup_inputs(seed: int = 0) -> dict:
    key = jax.random.key(seed)
    x = jax.random.normal(key, (N_PARTICLES, NDIM), dtype=jnp.float32)
    # registered buffer: histogram bin edges (init kwarg)
    edges = jnp.linspace(-4.0, 4.0, N_EDGES, dtype=jnp.float32)
    return {"x": x, "edges": edges}


def coords_from_edges(edges):
    # bin centers
    return 0.5 * (edges[:-1] + edges[1:])


def kde_histogram_1d(x_proj, edges, bandwidth):
    coords = coords_from_edges(edges)
    resolution = edges[1] - edges[0]
    # Gaussian KDE evaluated at bin centers
    resid = x_proj[:, None] - coords[None, :]
    kernel = jnp.exp(-0.5 * jnp.square(resid / bandwidth))
    hist = jnp.mean(kernel, axis=0)
    # normalize to a density over the binned coordinate
    hist = hist / (jnp.sum(hist) * resolution + EPS)
    return hist


def reference(x, edges):
    # Histogram1D.forward with kde=True, direction=None, noise=False
    resolution = edges[1] - edges[0]
    bandwidth = BANDWIDTH_FRAC * resolution
    # project(): select coordinate along self.axis
    x_proj = x[:, AXIS]
    # bin(): KDE histogram
    hist = kde_histogram_1d(x_proj, edges, bandwidth)
    return hist

if __name__ == "__main__":
    import jax
    _d = setup_inputs()
    print(jax.jit(kernel)(*tuple(_d.values())))

</pallas_src>

<mosaic_0001>
#map = affine_map<(d0, d1) -> (0, 0)>
module attributes {stable_mosaic.version = 14 : i64} {
  func.func @_sc_deposit(%arg0: i32, %arg1: i32, %arg2: memref<6x1000000xf32, #tpu.memory_space<hbm>>, %arg3: memref<32x528xf32, #tpu.memory_space<hbm>>, %arg4: memref<4096xf32, #tpu.memory_space<vmem>>, %arg5: memref<4096xf32, #tpu.memory_space<vmem>>, %arg6: memref<8448xf32, #tpu.memory_space<vmem>>, %arg7: memref<1x528xf32, #tpu.memory_space<vmem>>, %arg8: memref<512xf32, #tpu.memory_space<vmem>>, %arg9: memref<!tpu.dma_semaphore, #tpu.memory_space<semaphore_mem>>, %arg10: memref<!tpu.dma_semaphore, #tpu.memory_space<semaphore_mem>>) attributes {dimension_semantics = [#tpu.dimension_semantics<core_parallel>, #tpu.dimension_semantics<subcore_parallel>], iteration_bounds = array<i64: 2, 16>, scalar_prefetch = 0 : i64, scratch_operands = 7 : i64, tpu.core_type = #tpu.core_type<sc_vector_subcore>, window_params = [{transform_indices = #map}, {transform_indices = #map}]} {
    %mul3A = arith.constant 2 : i32
    %mul3A_0 = arith.muli %arg1, %mul3A : i32
    %add3A = arith.addi %mul3A_0, %arg0 : i32
    %mul3A_1 = arith.constant 31232 : i32
    %mul3A_2 = arith.muli %add3A, %mul3A_1 : i32
    %dma_start3A = arith.constant 0 : i32
    %dma_start3A_3 = tpu.memref_slice %arg2[%dma_start3A, %mul3A_2] : memref<6x1000000xf32, #tpu.memory_space<hbm>> -> memref<1x4096xf32, #tpu.memory_space<hbm>>
    %dma_start3A_4 = tpu.memref_squeeze %dma_start3A_3 : memref<1x4096xf32, #tpu.memory_space<hbm>> -> memref<4096xf32, #tpu.memory_space<hbm>>
    %dma_start3A_5 = tpu.memref_slice %arg2[%dma_start3A, %mul3A_2] : memref<6x1000000xf32, #tpu.memory_space<hbm>> -> memref<1x4096xf32, #tpu.memory_space<hbm>>
    %dma_start3A_6 = tpu.memref_squeeze %dma_start3A_5 : memref<1x4096xf32, #tpu.memory_space<hbm>> -> memref<4096xf32, #tpu.memory_space<hbm>>
    tpu.enqueue_dma source(%dma_start3A_6 : memref<4096xf32, #tpu.memory_space<hbm>>) target(%arg4 : memref<4096xf32, #tpu.memory_space<vmem>>) target_semaphore(%arg9 : memref<!tpu.dma_semaphore, #tpu.memory_space<semaphore_mem>>)
    %broadcast_in_dim3A = arith.constant 0.000000e+00 : f32
    %broadcast_in_dim3A_7 = vector.broadcast %broadcast_in_dim3A : f32 to vector<16xf32>
    %scan3A = arith.constant 0 : i32
    %scan3A_8 = arith.constant 0 : i32
    %scan3A_9 = arith.constant 66 : i32
    %scan3A_10 = arith.addi %scan3A_8, %scan3A_9 : i32
    %scan3A_11 = arith.constant 1 : i32
    scf.for %scan3A_170 = %scan3A_8 to %scan3A_10 step %scan3A_11  : i32 {
      %mul3A_171 = arith.constant 128 : i32
      %mul3A_172 = arith.muli %scan3A_170, %mul3A_171 : i32
      %add3A_173 = arith.constant 0 : i32
      %add3A_174 = arith.addi %mul3A_172, %add3A_173 : i32
      %swap3A = arith.index_cast %add3A_174 : i32 to index
      %swap3A_175 = tpu.vector_load %arg6[%swap3A] {strides = array<i32>} : memref<8448xf32, #tpu.memory_space<vmem>>, vector<16xf32>,
      tpu.vector_store %arg6[%swap3A], %broadcast_in_dim3A_7 {strides = array<i32>} : memref<8448xf32, #tpu.memory_space<vmem>>, vector<16xf32>,
      %add3A_176 = arith.constant 16 : i32
      %add3A_177 = arith.addi %mul3A_172, %add3A_176 : i32
      %swap3A_178 = arith.index_cast %add3A_177 : i32 to index
      %swap3A_179 = tpu.vector_load %arg6[%swap3A_178] {strides = array<i32>} : memref<8448xf32, #tpu.memory_space<vmem>>, vector<16xf32>,
      tpu.vector_store %arg6[%swap3A_178], %broadcast_in_dim3A_7 {strides = array<i32>} : memref<8448xf32, #tpu.memory_space<vmem>>, vector<16xf32>,
      %add3A_180 = arith.constant 32 : i32
      %add3A_181 = arith.addi %mul3A_172, %add3A_180 : i32
      %swap3A_182 = arith.index_cast %add3A_181 : i32 to index
      %swap3A_183 = tpu.vector_load %arg6[%swap3A_182] {strides = array<i32>} : memref<8448xf32, #tpu.memory_space<vmem>>, vector<16xf32>,
      tpu.vector_store %arg6[%swap3A_182], %broadcast_in_dim3A_7 {strides = array<i32>} : memref<8448xf32, #tpu.memory_space<vmem>>, vector<16xf32>,
      %add3A_184 = arith.constant 48 : i32
      %add3A_185 = arith.addi %mul3A_172, %add3A_184 : i32
      %swap3A_186 = arith.index_cast %add3A_185 : i32 to index
      %swap3A_187 = tpu.vector_load %arg6[%swap3A_186] {strides = array<i32>} : memref<8448xf32, #tpu.memory_space<vmem>>, vector<16xf32>,
      tpu.vector_store %arg6[%swap3A_186], %broadcast_in_dim3A_7 {strides = array<i32>} : memref<8448xf32, #tpu.memory_space<vmem>>, vector<16xf32>,
      %add3A_188 = arith.constant 64 : i32
      %add3A_189 = arith.addi %mul3A_172, %add3A_188 : i32
      %swap3A_190 = arith.index_cast %add3A_189 : i32 to index
      %swap3A_191 = tpu.vector_load %arg6[%swap3A_190] {strides = array<i32>} : memref<8448xf32, #tpu.memory_space<vmem>>, vector<16xf32>,
      tpu.vector_store %arg6[%swap3A_190], %broadcast_in_dim3A_7 {strides = array<i32>} : memref<8448xf32, #tpu.memory_space<vmem>>, vector<16xf32>,
      %add3A_192 = arith.constant 80 : i32
      %add3A_193 = arith.addi %mul3A_172, %add3A_192 : i32
      %swap3A_194 = arith.index_cast %add3A_193 : i32 to index
      %swap3A_195 = tpu.vector_load %arg6[%swap3A_194] {strides = array<i32>} : memref<8448xf32, #tpu.memory_space<vmem>>, vector<16xf32>,
      tpu.vector_store %arg6[%swap3A_194], %broadcast_in_dim3A_7 {strides = array<i32>} : memref<8448xf32, #tpu.memory_space<vmem>>, vector<16xf32>,
      %add3A_196 = arith.constant 96 : i32
      %add3A_197 = arith.addi %mul3A_172, %add3A_196 : i32
      %swap3A_198 = arith.index_cast %add3A_197 : i32 to index
      %swap3A_199 = tpu.vector_load %arg6[%swap3A_198] {strides = array<i32>} : memref<8448xf32, #tpu.memory_space<vmem>>, vector<16xf32>,
      tpu.vector_store %arg6[%swap3A_198], %broadcast_in_dim3A_7 {strides = array<i32>} : memref<8448xf32, #tpu.memory_space<vmem>>, vector<16xf32>,
      %add3A_200 = arith.constant 112 : i32
      %add3A_201 = arith.addi %mul3A_172, %add3A_200 : i32
      %swap3A_202 = arith.index_cast %add3A_201 : i32 to index
      %swap3A_203 = tpu.vector_load %arg6[%swap3A_202] {strides = array<i32>} : memref<8448xf32, #tpu.memory_space<vmem>>, vector<16xf32>,
      tpu.vector_store %arg6[%swap3A_202], %broadcast_in_dim3A_7 {strides = array<i32>} : memref<8448xf32, #tpu.memory_space<vmem>>, vector<16xf32>,
    }
    %scan3A_12 = arith.constant 66 : i32
    %iota3A = tpu.iota {dimensions = array<i32: 0>} : vector<16xi32>
    %mul3A_13 = arith.constant 528 : i32
    %mul3A_14 = vector.broadcast %mul3A_13 : i32 to vector<16xi32>
    %mul3A_15 = arith.muli %iota3A, %mul3A_14 : vector<16xi32>
    %broadcast_in_dim3A_16 = arith.constant 1.000000e+00 : f32
    %broadcast_in_dim3A_17 = vector.broadcast %broadcast_in_dim3A_16 : f32 to vector<16xf32>
    %eq3A = arith.constant 0 : i32
    %eq3A_18 = arith.cmpi eq, %add3A, %eq3A : i32
    %convert_element_type3A = arith.extui %eq3A_18 : i1 to i32
    %cond3A = arith.constant 0 : i32
    %cond3A_19 = arith.cmpi ne, %convert_element_type3A, %cond3A : i32
    scf.if %cond3A_19 {
      %run_scoped3A = arith.constant 0 : i32
      "tpu.region"() ({
        %run_scoped3A_176 = tpu.sem_alloc : memref<!tpu.dma_semaphore, #tpu.memory_space<semaphore_mem>>
        %dma_start3A_177 = arith.constant 999424 : i32
        %dma_start3A_178 = tpu.memref_slice %arg2[%run_scoped3A, %dma_start3A_177] : memref<6x1000000xf32, #tpu.memory_space<hbm>> -> memref<1x512xf32, #tpu.memory_space<hbm>>
        %dma_start3A_179 = tpu.memref_squeeze %dma_start3A_178 : memref<1x512xf32, #tpu.memory_space<hbm>> -> memref<512xf32, #tpu.memory_space<hbm>>
        %dma_start3A_180 = arith.constant 999424 : i32
        %dma_start3A_181 = tpu.memref_slice %arg2[%run_scoped3A, %dma_start3A_180] : memref<6x1000000xf32, #tpu.memory_space<hbm>> -> memref<1x512xf32, #tpu.memory_space<hbm>>
        %dma_start3A_182 = tpu.memref_squeeze %dma_start3A_181 : memref<1x512xf32, #tpu.memory_space<hbm>> -> memref<512xf32, #tpu.memory_space<hbm>>
        tpu.enqueue_dma source(%dma_start3A_182 : memref<512xf32, #tpu.memory_space<hbm>>) target(%arg8 : memref<512xf32, #tpu.memory_space<vmem>>) target_semaphore(%run_scoped3A_176 : memref<!tpu.dma_semaphore, #tpu.memory_space<semaphore_mem>>)
        %dma_wait3A_183 = arith.constant 999424 : i32
        %dma_wait3A_184 = tpu.memref_slice %arg2[%run_scoped3A, %dma_wait3A_183] : memref<6x1000000xf32, #tpu.memory_space<hbm>> -> memref<1x512xf32, #tpu.memory_space<hbm>>
        %dma_wait3A_185 = tpu.memref_squeeze %dma_wait3A_184 : memref<1x512xf32, #tpu.memory_space<hbm>> -> memref<512xf32, #tpu.memory_space<hbm>>
        %dma_wait3A_186 = arith.constant 999424 : i32
        %dma_wait3A_187 = tpu.memref_slice %arg2[%run_scoped3A, %dma_wait3A_186] : memref<6x1000000xf32, #tpu.memory_space<hbm>> -> memref<1x512xf32, #tpu.memory_space<hbm>>
        %dma_wait3A_188 = tpu.memref_squeeze %dma_wait3A_187 : memref<1x512xf32, #tpu.memory_space<hbm>> -> memref<512xf32, #tpu.memory_space<hbm>>
        tpu.wait_dma2 semaphore(%run_scoped3A_176 : memref<!tpu.dma_semaphore, #tpu.memory_space<semaphore_mem>>) src(%dma_wait3A_188 : memref<512xf32, #tpu.memory_space<hbm>>) dst(%arg8 : memref<512xf32, #tpu.memory_space<vmem>>)
        tpu.yield
      }) : () -> ()
      %scan3A_170 = arith.constant 0 : i32
      %scan3A_171 = arith.constant 0 : i32
      %scan3A_172 = arith.constant 2 : i32
      %scan3A_173 = arith.addi %scan3A_171, %scan3A_172 : i32
      %scan3A_174 = arith.constant 1 : i32
      scf.for %scan3A_176 = %scan3A_171 to %scan3A_173 step %scan3A_174  : i32 {
        %mul3A_177 = arith.constant 16 : i32
        %mul3A_178 = arith.muli %scan3A_176, %mul3A_177 : i32
        %add3A_179 = arith.constant 0 : i32
        %add3A_180 = arith.addi %mul3A_178, %add3A_179 : i32
        %mul3A_181 = arith.constant 16 : i32
        %mul3A_182 = arith.muli %add3A_180, %mul3A_181 : i32
        %get3A = arith.index_cast %mul3A_182 : i32 to index
        %get3A_183 = tpu.vector_load %arg8[%get3A] {strides = array<i32>} : memref<512xf32, #tpu.memory_space<vmem>>, vector<16xf32>,
        %add3A_184 = arith.constant 1 : i32
        %add3A_185 = arith.addi %mul3A_178, %add3A_184 : i32
        %mul3A_186 = arith.constant 16 : i32
        %mul3A_187 = arith.muli %add3A_185, %mul3A_186 : i32
        %get3A_188 = arith.index_cast %mul3A_187 : i32 to index
        %get3A_189 = tpu.vector_load %arg8[%get3A_188] {strides = array<i32>} : memref<512xf32, #tpu.memory_space<vmem>>, vector<16xf32>,
        %add3A_190 = arith.constant 2 : i32
        %add3A_191 = arith.addi %mul3A_178, %add3A_190 : i32
        %mul3A_192 = arith.constant 16 : i32
        %mul3A_193 = arith.muli %add3A_191, %mul3A_192 : i32
        %get3A_194 = arith.index_cast %mul3A_193 : i32 to index
        %get3A_195 = tpu.vector_load %arg8[%get3A_194] {strides = array<i32>} : memref<512xf32, #tpu.memory_space<vmem>>, vector<16xf32>,
        %add3A_196 = arith.constant 3 : i32
        %add3A_197 = arith.addi %mul3A_178, %add3A_196 : i32
        %mul3A_198 = arith.constant 16 : i32
        %mul3A_199 = arith.muli %add3A_197, %mul3A_198 : i32
        %get3A_200 = arith.index_cast %mul3A_199 : i32 to index
        %get3A_201 = tpu.vector_load %arg8[%get3A_200] {strides = array<i32>} : memref<512xf32, #tpu.memory_space<vmem>>, vector<16xf32>,
        %add3A_202 = arith.constant 4 : i32
        %add3A_203 = arith.addi %mul3A_178, %add3A_202 : i32
        %mul3A_204 = arith.constant 16 : i32
        %mul3A_205 = arith.muli %add3A_203, %mul3A_204 : i32
        %get3A_206 = arith.index_cast %mul3A_205 : i32 to index
        %get3A_207 = tpu.vector_load %arg8[%get3A_206] {strides = array<i32>} : memref<512xf32, #tpu.memory_space<vmem>>, vector<16xf32>,
        %add3A_208 = arith.constant 5 : i32
        %add3A_209 = arith.addi %mul3A_178, %add3A_208 : i32
        %mul3A_210 = arith.constant 16 : i32
        %mul3A_211 = arith.muli %add3A_209, %mul3A_210 : i32
        %get3A_212 = arith.index_cast %mul3A_211 : i32 to index
        %get3A_213 = tpu.vector_load %arg8[%get3A_212] {strides = array<i32>} : memref<512xf32, #tpu.memory_space<vmem>>, vector<16xf32>,
        %add3A_214 = arith.constant 6 : i32
        %add3A_215 = arith.addi %mul3A_178, %add3A_214 : i32
        %mul3A_216 = arith.constant 16 : i32
        %mul3A_217 = arith.muli %add3A_215, %mul3A_216 : i32
        %get3A_218 = arith.index_cast %mul3A_217 : i32 to index
        %get3A_219 = tpu.vector_load %arg8[%get3A_218] {strides = array<i32>} : memref<512xf32, #tpu.memory_space<vmem>>, vector<16xf32>,
        %add3A_220 = arith.constant 7 : i32
        %add3A_221 = arith.addi %mul3A_178, %add3A_220 : i32
        %mul3A_222 = arith.constant 16 : i32
        %mul3A_223 = arith.muli %add3A_221, %mul3A_222 : i32
        %get3A_224 = arith.index_cast %mul3A_223 : i32 to index
        %get3A_225 = tpu.vector_load %arg8[%get3A_224] {strides = array<i32>} : memref<512xf32, #tpu.memory_space<vmem>>, vector<16xf32>,
        %add3A_226 = arith.constant 8 : i32
        %add3A_227 = arith.addi %mul3A_178, %add3A_226 : i32
        %mul3A_228 = arith.constant 16 : i32
        %mul3A_229 = arith.muli %add3A_227, %mul3A_228 : i32
        %get3A_230 = arith.index_cast %mul3A_229 : i32 to index
        %get3A_231 = tpu.vector_load %arg8[%get3A_230] {strides = array<i32>} : memref<512xf32, #tpu.memory_space<vmem>>, vector<16xf32>,
        %add3A_232 = arith.constant 9 : i32
        %add3A_233 = arith.addi %mul3A_178, %add3A_232 : i32
        %mul3A_234 = arith.constant 16 : i32
        %mul3A_235 = arith.muli %add3A_233, %mul3A_234 : i32
        %get3A_236 = arith.index_cast %mul3A_235 : i32 to index
        %get3A_237 = tpu.vector_load %arg8[%get3A_236] {strides = array<i32>} : memref<512xf32, #tpu.memory_space<vmem>>, vector<16xf32>,
        %add3A_238 = arith.constant 10 : i32
        %add3A_239 = arith.addi %mul3A_178, %add3A_238 : i32
        %mul3A_240 = arith.constant 16 : i32
        %mul3A_241 = arith.muli %add3A_239, %mul3A_240 : i32
        %get3A_242 = arith.index_cast %mul3A_241 : i32 to index
        %get3A_243 = tpu.vector_load %arg8[%get3A_242] {strides = array<i32>} : memref<512xf32, #tpu.memory_space<vmem>>, vector<16xf32>,
        %add3A_244 = arith.constant 11 : i32
        %add3A_245 = arith.addi %mul3A_178, %add3A_244 : i32
        %mul3A_246 = arith.constant 16 : i32
        %mul3A_247 = arith.muli %add3A_245, %mul3A_246 : i32
        %get3A_248 = arith.index_cast %mul3A_247 : i32 to index
        %get3A_249 = tpu.vector_load %arg8[%get3A_248] {strides = array<i32>} : memref<512xf32, #tpu.memory_space<vmem>>, vector<16xf32>,
        %add3A_250 = arith.constant 12 : i32
        %add3A_251 = arith.addi %mul3A_178, %add3A_250 : i32
        %mul3A_252 = arith.constant 16 : i32
        %mul3A_253 = arith.muli %add3A_251, %mul3A_252 : i32
        %get3A_254 = arith.index_cast %mul3A_253 : i32 to index
        %get3A_255 = tpu.vector_load %arg8[%get3A_254] {strides = array<i32>} : memref<512xf32, #tpu.memory_space<vmem>>, vector<16xf32>,
        %add3A_256 = arith.constant 13 : i32
        %add3A_257 = arith.addi %mul3A_178, %add3A_256 : i32
        %mul3A_258 = arith.constant 16 : i32
        %mul3A_259 = arith.muli %add3A_257, %mul3A_258 : i32
        %get3A_260 = arith.index_cast %mul3A_259 : i32 to index
        %get3A_261 = tpu.vector_load %arg8[%get3A_260] {strides = array<i32>} : memref<512xf32, #tpu.memory_space<vmem>>, vector<16xf32>,
        %add3A_262 = arith.constant 14 : i32
        %add3A_263 = arith.addi %mul3A_178, %add3A_262 : i32
        %mul3A_264 = arith.constant 16 : i32
        %mul3A_265 = arith.muli %add3A_263, %mul3A_264 : i32
        %get3A_266 = arith.index_cast %mul3A_265 : i32 to index
        %get3A_267 = tpu.vector_load %arg8[%get3A_266] {strides = array<i32>} : memref<512xf32, #tpu.memory_space<vmem>>, vector<16xf32>,
        %add3A_268 = arith.constant 15 : i32
        %add3A_269 = arith.addi %mul3A_178, %add3A_268 : i32
        %mul3A_270 = arith.constant 16 : i32
        %mul3A_271 = arith.muli %add3A_269, %mul3A_270 : i32
        %get3A_272 = arith.index_cast %mul3A_271 : i32 to index
        %get3A_273 = tpu.vector_load %arg8[%get3A_272] {strides = array<i32>} : memref<512xf32, #tpu.memory_space<vmem>>, vector<16xf32>,
        %mul3A_274 = arith.constant 5.120000e+01 : f32
        %mul3A_275 = vector.broadcast %mul3A_274 : f32 to vector<16xf32>
        %mul3A_276 = arith.mulf %get3A_183, %mul3A_275 : vector<16xf32>
        %add3A_277 = arith.constant 2.565000e+02 : f32
        %add3A_278 = vector.broadcast %add3A_277 : f32 to vector<16xf32>
        %add3A_279 = arith.addf %mul3A_276, %add3A_278 : vector<16xf32>
        %max3A = arith.constant 0.000000e+00 : f32
        %max3A_280 = vector.broadcast %max3A : f32 to vector<16xf32>
        %max3A_281 = arith.maximumf %add3A_279, %max3A_280 : vector<16xf32>
        %min3A = arith.constant 5.124000e+02 : f32
        %min3A_282 = vector.broadcast %min3A : f32 to vector<16xf32>
        %min3A_283 = arith.minimumf %max3A_281, %min3A_282 : vector<16xf32>
        %convert_element_type3A_284 = arith.fptosi %min3A_283 : vector<16xf32> to vector<16xi32>
        %add3A_285 = arith.addi %mul3A_15, %convert_element_type3A_284 : vector<16xi32>
        %mul3A_286 = arith.constant 5.120000e+01 : f32
        %mul3A_287 = vector.broadcast %mul3A_286 : f32 to vector<16xf32>
        %mul3A_288 = arith.mulf %get3A_189, %mul3A_287 : vector<16xf32>
        %add3A_289 = arith.constant 2.565000e+02 : f32
        %add3A_290 = vector.broadcast %add3A_289 : f32 to vector<16xf32>
        %add3A_291 = arith.addf %mul3A_288, %add3A_290 : vector<16xf32>
        %max3A_292 = arith.constant 0.000000e+00 : f32
        %max3A_293 = vector.broadcast %max3A_292 : f32 to vector<16xf32>
        %max3A_294 = arith.maximumf %add3A_291, %max3A_293 : vector<16xf32>
        %min3A_295 = arith.constant 5.124000e+02 : f32
        %min3A_296 = vector.broadcast %min3A_295 : f32 to vector<16xf32>
        %min3A_297 = arith.minimumf %max3A_294, %min3A_296 : vector<16xf32>
        %convert_element_type3A_298 = arith.fptosi %min3A_297 : vector<16xf32> to vector<16xi32>
        %add3A_299 = arith.addi %mul3A_15, %convert_element_type3A_298 : vector<16xi32>
        %mul3A_300 = arith.constant 5.120000e+01 : f32
        %mul3A_301 = vector.broadcast %mul3A_300 : f32 to vector<16xf32>
        %mul3A_302 = arith.mulf %get3A_195, %mul3A_301 : vector<16xf32>
        %add3A_303 = arith.constant 2.565000e+02 : f32
        %add3A_304 = vector.broadcast %add3A_303 : f32 to vector<16xf32>
        %add3A_305 = arith.addf %mul3A_302, %add3A_304 : vector<16xf32>
        %max3A_306 = arith.constant 0.000000e+00 : f32
        %max3A_307 = vector.broadcast %max3A_306 : f32 to vector<16xf32>
        %max3A_308 = arith.maximumf %add3A_305, %max3A_307 : vector<16xf32>
        %min3A_309 = arith.constant 5.124000e+02 : f32
        %min3A_310 = vector.broadcast %min3A_309 : f32 to vector<16xf32>
        %min3A_311 = arith.minimumf %max3A_308, %min3A_310 : vector<16xf32>
        %convert_element_type3A_312 = arith.fptosi %min3A_311 : vector<16xf32> to vector<16xi32>
        %add3A_313 = arith.addi %mul3A_15, %convert_element_type3A_312 : vector<16xi32>
        %mul3A_314 = arith.constant 5.120000e+01 : f32
        %mul3A_315 = vector.broadcast %mul3A_314 : f32 to vector<16xf32>
        %mul3A_316 = arith.mulf %get3A_201, %mul3A_315 : vector<16xf32>
        %add3A_317 = arith.constant 2.565000e+02 : f32
        %add3A_318 = vector.broadcast %add3A_317 : f32 to vector<16xf32>
        %add3A_319 = arith.addf %mul3A_316, %add3A_318 : vector<16xf32>
        %max3A_320 = arith.constant 0.000000e+00 : f32
        %max3A_321 = vector.broadcast %max3A_320 : f32 to vector<16xf32>
        %max3A_322 = arith.maximumf %add3A_319, %max3A_321 : vector<16xf32>
        %min3A_323 = arith.constant 5.124000e+02 : f32
        %min3A_324 = vector.broadcast %min3A_323 : f32 to vector<16xf32>
        %min3A_325 = arith.minimumf %max3A_322, %min3A_324 : vector<16xf32>
        %convert_element_type3A_326 = arith.fptosi %min3A_325 : vector<16xf32> to vector<16xi32>
        %add3A_327 = arith.addi %mul3A_15, %convert_element_type3A_326 : vector<16xi32>
        %mul3A_328 = arith.constant 5.120000e+01 : f32
        %mul3A_329 = vector.broadcast %mul3A_328 : f32 to vector<16xf32>
        %mul3A_330 = arith.mulf %get3A_207, %mul3A_329 : vector<16xf32>
        %add3A_331 = arith.constant 2.565000e+02 : f32
        %add3A_332 = vector.broadcast %add3A_331 : f32 to vector<16xf32>
        %add3A_333 = arith.addf %mul3A_330, %add3A_332 : vector<16xf32>
        %max3A_334 = arith.constant 0.000000e+00 : f32
        %max3A_335 = vector.broadcast %max3A_334 : f32 to vector<16xf32>
        %max3A_336 = arith.maximumf %add3A_333, %max3A_335 : vector<16xf32>
        %min3A_337 = arith.constant 5.124000e+02 : f32
        %min3A_338 = vector.broadcast %min3A_337 : f32 to vector<16xf32>
        %min3A_339 = arith.minimumf %max3A_336, %min3A_338 : vector<16xf32>
        %convert_element_type3A_340 = arith.fptosi %min3A_339 : vector<16xf32> to vector<16xi32>
        %add3A_341 = arith.addi %mul3A_15, %convert_element_type3A_340 : vector<16xi32>
        %mul3A_342 = arith.constant 5.120000e+01 : f32
        %mul3A_343 = vector.broadcast %mul3A_342 : f32 to vector<16xf32>
        %mul3A_344 = arith.mulf %get3A_213, %mul3A_343 : vector<16xf32>
        %add3A_345 = arith.constant 2.565000e+02 : f32
        %add3A_346 = vector.broadcast %add3A_345 : f32 to vector<16xf32>
        %add3A_347 = arith.addf %mul3A_344, %add3A_346 : vector<16xf32>
        %max3A_348 = arith.constant 0.000000e+00 : f32
        %max3A_349 = vector.broadcast %max3A_348 : f32 to vector<16xf32>
        %max3A_350 = arith.maximumf %add3A_347, %max3A_349 : vector<16xf32>
        %min3A_351 = arith.constant 5.124000e+02 : f32
        %min3A_352 = vector.broadcast %min3A_351 : f32 to vector<16xf32>
        %min3A_353 = arith.minimumf %max3A_350, %min3A_352 : vector<16xf32>
        %convert_element_type3A_354 = arith.fptosi %min3A_353 : vector<16xf32> to vector<16xi32>
        %add3A_355 = arith.addi %mul3A_15, %convert_element_type3A_354 : vector<16xi32>
        %mul3A_356 = arith.constant 5.120000e+01 : f32
        %mul3A_357 = vector.broadcast %mul3A_356 : f32 to vector<16xf32>
        %mul3A_358 = arith.mulf %get3A_219, %mul3A_357 : vector<16xf32>
        %add3A_359 = arith.constant 2.565000e+02 : f32
        %add3A_360 = vector.broadcast %add3A_359 : f32 to vector<16xf32>
        %add3A_361 = arith.addf %mul3A_358, %add3A_360 : vector<16xf32>
        %max3A_362 = arith.constant 0.000000e+00 : f32
        %max3A_363 = vector.broadcast %max3A_362 : f32 to vector<16xf32>
        %max3A_364 = arith.maximumf %add3A_361, %max3A_363 : vector<16xf32>
        %min3A_365 = arith.constant 5.124000e+02 : f32
        %min3A_366 = vector.broadcast %min3A_365 : f32 to vector<16xf32>
        %min3A_367 = arith.minimumf %max3A_364, %min3A_366 : vector<16xf32>
        %convert_element_type3A_368 = arith.fptosi %min3A_367 : vector<16xf32> to vector<16xi32>
        %add3A_369 = arith.addi %mul3A_15, %convert_element_type3A_368 : vector<16xi32>
        %mul3A_370 = arith.constant 5.120000e+01 : f32
        %mul3A_371 = vector.broadcast %mul3A_370 : f32 to vector<16xf32>
        %mul3A_372 = arith.mulf %get3A_225, %mul3A_371 : vector<16xf32>
        %add3A_373 = arith.constant 2.565000e+02 : f32
        %add3A_374 = vector.broadcast %add3A_373 : f32 to vector<16xf32>
        %add3A_375 = arith.addf %mul3A_372, %add3A_374 : vector<16xf32>
        %max3A_376 = arith.constant 0.000000e+00 : f32
        %max3A_377 = vector.broadcast %max3A_376 : f32 to vector<16xf32>
        %max3A_378 = arith.maximumf %add3A_375, %max3A_377 : vector<16xf32>
        %min3A_379 = arith.constant 5.124000e+02 : f32
        %min3A_380 = vector.broadcast %min3A_379 : f32 to vector<16xf32>
        %min3A_381 = arith.minimumf %max3A_378, %min3A_380 : vector<16xf32>
        %convert_element_type3A_382 = arith.fptosi %min3A_381 : vector<16xf32> to vector<16xi32>
        %add3A_383 = arith.addi %mul3A_15, %convert_element_type3A_382 : vector<16xi32>
        %mul3A_384 = arith.constant 5.120000e+01 : f32
        %mul3A_385 = vector.broadcast %mul3A_384 : f32 to vector<16xf32>
        %mul3A_386 = arith.mulf %get3A_231, %mul3A_385 : vector<16xf32>
        %add3A_387 = arith.constant 2.565000e+02 : f32
        %add3A_388 = vector.broadcast %add3A_387 : f32 to vector<16xf32>
        %add3A_389 = arith.addf %mul3A_386, %add3A_388 : vector<16xf32>
        %max3A_390 = arith.constant 0.000000e+00 : f32
        %max3A_391 = vector.broadcast %max3A_390 : f32 to vector<16xf32>
        %max3A_392 = arith.maximumf %add3A_389, %max3A_391 : vector<16xf32>
        %min3A_393 = arith.constant 5.124000e+02 : f32
        %min3A_394 = vector.broadcast %min3A_393 : f32 to vector<16xf32>
        %min3A_395 = arith.minimumf %max3A_392, %min3A_394 : vector<16xf32>
        %convert_element_type3A_396 = arith.fptosi %min3A_395 : vector<16xf32> to vector<16xi32>
        %add3A_397 = arith.addi %mul3A_15, %convert_element_type3A_396 : vector<16xi32>
        %mul3A_398 = arith.constant 5.120000e+01 : f32
        %mul3A_399 = vector.broadcast %mul3A_398 : f32 to vector<16xf32>
        %mul3A_400 = arith.mulf %get3A_237, %mul3A_399 : vector<16xf32>
        %add3A_401 = arith.constant 2.565000e+02 : f32
        %add3A_402 = vector.broadcast %add3A_401 : f32 to vector<16xf32>
        %add3A_403 = arith.addf %mul3A_400, %add3A_402 : vector<16xf32>
        %max3A_404 = arith.constant 0.000000e+00 : f32
        %max3A_405 = vector.broadcast %max3A_404 : f32 to vector<16xf32>
        %max3A_406 = arith.maximumf %add3A_403, %max3A_405 : vector<16xf32>
        %min3A_407 = arith.constant 5.124000e+02 : f32
        %min3A_408 = vector.broadcast %min3A_407 : f32 to vector<16xf32>
        %min3A_409 = arith.minimumf %max3A_406, %min3A_408 : vector<16xf32>
        %convert_element_type3A_410 = arith.fptosi %min3A_409 : vector<16xf32> to vector<16xi32>
        %add3A_411 = arith.addi %mul3A_15, %convert_element_type3A_410 : vector<16xi32>
        %mul3A_412 = arith.constant 5.120000e+01 : f32
        %mul3A_413 = vector.broadcast %mul3A_412 : f32 to vector<16xf32>
        %mul3A_414 = arith.mulf %get3A_243, %mul3A_413 : vector<16xf32>
        %add3A_415 = arith.constant 2.565000e+02 : f32
        %add3A_416 = vector.broadcast %add3A_415 : f32 to vector<16xf32>
        %add3A_417 = arith.addf %mul3A_414, %add3A_416 : vector<16xf32>
        %max3A_418 = arith.constant 0.000000e+00 : f32
        %max3A_419 = vector.broadcast %max3A_418 : f32 to vector<16xf32>
        %max3A_420 = arith.maximumf %add3A_417, %max3A_419 : vector<16xf32>
        %min3A_421 = arith.constant 5.124000e+02 : f32
        %min3A_422 = vector.broadcast %min3A_421 : f32 to vector<16xf32>
        %min3A_423 = arith.minimumf %max3A_420, %min3A_422 : vector<16xf32>
        %convert_element_type3A_424 = arith.fptosi %min3A_423 : vector<16xf32> to vector<16xi32>
        %add3A_425 = arith.addi %mul3A_15, %convert_element_type3A_424 : vector<16xi32>
        %mul3A_426 = arith.constant 5.120000e+01 : f32
        %mul3A_427 = vector.broadcast %mul3A_426 : f32 to vector<16xf32>
        %mul3A_428 = arith.mulf %get3A_249, %mul3A_427 : vector<16xf32>
        %add3A_429 = arith.constant 2.565000e+02 : f32
        %add3A_430 = vector.broadcast %add3A_429 : f32 to vector<16xf32>
        %add3A_431 = arith.addf %mul3A_428, %add3A_430 : vector<16xf32>
        %max3A_432 = arith.constant 0.000000e+00 : f32
        %max3A_433 = vector.broadcast %max3A_432 : f32 to vector<16xf32>
        %max3A_434 = arith.maximumf %add3A_431, %max3A_433 : vector<16xf32>
        %min3A_435 = arith.constant 5.124000e+02 : f32
        %min3A_436 = vector.broadcast %min3A_435 : f32 to vector<16xf32>
        %min3A_437 = arith.minimumf %max3A_434, %min3A_436 : vector<16xf32>
        %convert_element_type3A_438 = arith.fptosi %min3A_437 : vector<16xf32> to vector<16xi32>
        %add3A_439 = arith.addi %mul3A_15, %convert_element_type3A_438 : vector<16xi32>
        %mul3A_440 = arith.constant 5.120000e+01 : f32
        %mul3A_441 = vector.broadcast %mul3A_440 : f32 to vector<16xf32>
        %mul3A_442 = arith.mulf %get3A_255, %mul3A_441 : vector<16xf32>
        %add3A_443 = arith.constant 2.565000e+02 : f32
        %add3A_444 = vector.broadcast %add3A_443 : f32 to vector<16xf32>
        %add3A_445 = arith.addf %mul3A_442, %add3A_444 : vector<16xf32>
        %max3A_446 = arith.constant 0.000000e+00 : f32
        %max3A_447 = vector.broadcast %max3A_446 : f32 to vector<16xf32>
        %max3A_448 = arith.maximumf %add3A_445, %max3A_447 : vector<16xf32>
        %min3A_449 = arith.constant 5.124000e+02 : f32
        %min3A_450 = vector.broadcast %min3A_449 : f32 to vector<16xf32>
        %min3A_451 = arith.minimumf %max3A_448, %min3A_450 : vector<16xf32>
        %convert_element_type3A_452 = arith.fptosi %min3A_451 : vector<16xf32> to vector<16xi32>
        %add3A_453 = arith.addi %mul3A_15, %convert_element_type3A_452 : vector<16xi32>
        %mul3A_454 = arith.constant 5.120000e+01 : f32
        %mul3A_455 = vector.broadcast %mul3A_454 : f32 to vector<16xf32>
        %mul3A_456 = arith.mulf %get3A_261, %mul3A_455 : vector<16xf32>
        %add3A_457 = arith.constant 2.565000e+02 : f32
        %add3A_458 = vector.broadcast %add3A_457 : f32 to vector<16xf32>
        %add3A_459 = arith.addf %mul3A_456, %add3A_458 : vector<16xf32>
        %max3A_460 = arith.constant 0.000000e+00 : f32
        %max3A_461 = vector.broadcast %max3A_460 : f32 to vector<16xf32>
        %max3A_462 = arith.maximumf %add3A_459, %max3A_461 : vector<16xf32>
        %min3A_463 = arith.constant 5.124000e+02 : f32
        %min3A_464 = vector.broadcast %min3A_463 : f32 to vector<16xf32>
        %min3A_465 = arith.minimumf %max3A_462, %min3A_464 : vector<16xf32>
        %convert_element_type3A_466 = arith.fptosi %min3A_465 : vector<16xf32> to vector<16xi32>
        %add3A_467 = arith.addi %mul3A_15, %convert_element_type3A_466 : vector<16xi32>
        %mul3A_468 = arith.constant 5.120000e+01 : f32
        %mul3A_469 = vector.broadcast %mul3A_468 : f32 to vector<16xf32>
        %mul3A_470 = arith.mulf %get3A_267, %mul3A_469 : vector<16xf32>
        %add3A_471 = arith.constant 2.565000e+02 : f32
        %add3A_472 = vector.broadcast %add3A_471 : f32 to vector<16xf32>
        %add3A_473 = arith.addf %mul3A_470, %add3A_472 : vector<16xf32>
        %max3A_474 = arith.constant 0.000000e+00 : f32
        %max3A_475 = vector.broadcast %max3A_474 : f32 to vector<16xf32>
        %max3A_476 = arith.maximumf %add3A_473, %max3A_475 : vector<16xf32>
        %min3A_477 = arith.constant 5.124000e+02 : f32
        %min3A_478 = vector.broadcast %min3A_477 : f32 to vector<16xf32>
        %min3A_479 = arith.minimumf %max3A_476, %min3A_478 : vector<16xf32>
        %convert_element_type3A_480 = arith.fptosi %min3A_479 : vector<16xf32> to vector<16xi32>
        %add3A_481 = arith.addi %mul3A_15, %convert_element_type3A_480 : vector<16xi32>
        %mul3A_482 = arith.constant 5.120000e+01 : f32
        %mul3A_483 = vector.broadcast %mul3A_482 : f32 to vector<16xf32>
        %mul3A_484 = arith.mulf %get3A_273, %mul3A_483 : vector<16xf32>
        %add3A_485 = arith.constant 2.565000e+02 : f32
        %add3A_486 = vector.broadcast %add3A_485 : f32 to vector<16xf32>
        %add3A_487 = arith.addf %mul3A_484, %add3A_486 : vector<16xf32>
        %max3A_488 = arith.constant 0.000000e+00 : f32
        %max3A_489 = vector.broadcast %max3A_488 : f32 to vector<16xf32>
        %max3A_490 = arith.maximumf %add3A_487, %max3A_489 : vector<16xf32>
        %min3A_491 = arith.constant 5.124000e+02 : f32
        %min3A_492 = vector.broadcast %min3A_491 : f32 to vector<16xf32>
        %min3A_493 = arith.minimumf %max3A_490, %min3A_492 : vector<16xf32>
        %convert_element_type3A_494 = arith.fptosi %min3A_493 : vector<16xf32> to vector<16xi32>
        %add3A_495 = arith.addi %mul3A_15, %convert_element_type3A_494 : vector<16xi32>
        tpu.vector_store_idx %arg6[%add3A_285], %broadcast_in_dim3A_17 {add = true} : memref<8448xf32, #tpu.memory_space<vmem>>[vector<16xi32>], vector<16xf32>,
        tpu.vector_store_idx %arg6[%add3A_299], %broadcast_in_dim3A_17 {add = true} : memref<8448xf32, #tpu.memory_space<vmem>>[vector<16xi32>], vector<16xf32>,
        tpu.vector_store_idx %arg6[%add3A_313], %broadcast_in_dim3A_17 {add = true} : memref<8448xf32, #tpu.memory_space<vmem>>[vector<16xi32>], vector<16xf32>,
        tpu.vector_store_idx %arg6[%add3A_327], %broadcast_in_dim3A_17 {add = true} : memref<8448xf32, #tpu.memory_space<vmem>>[vector<16xi32>], vector<16xf32>,
        tpu.vector_store_idx %arg6[%add3A_341], %broadcast_in_dim3A_17 {add = true} : memref<8448xf32, #tpu.memory_space<vmem>>[vector<16xi32>], vector<16xf32>,
        tpu.vector_store_idx %arg6[%add3A_355], %broadcast_in_dim3A_17 {add = true} : memref<8448xf32, #tpu.memory_space<vmem>>[vector<16xi32>], vector<16xf32>,
        tpu.vector_store_idx %arg6[%add3A_369], %broadcast_in_dim3A_17 {add = true} : memref<8448xf32, #tpu.memory_space<vmem>>[vector<16xi32>], vector<16xf32>,
        tpu.vector_store_idx %arg6[%add3A_383], %broadcast_in_dim3A_17 {add = true} : memref<8448xf32, #tpu.memory_space<vmem>>[vector<16xi32>], vector<16xf32>,
        tpu.vector_store_idx %arg6[%add3A_397], %broadcast_in_dim3A_17 {add = true} : memref<8448xf32, #tpu.memory_space<vmem>>[vector<16xi32>], vector<16xf32>,
        tpu.vector_store_idx %arg6[%add3A_411], %broadcast_in_dim3A_17 {add = true} : memref<8448xf32, #tpu.memory_space<vmem>>[vector<16xi32>], vector<16xf32>,
        tpu.vector_store_idx %arg6[%add3A_425], %broadcast_in_dim3A_17 {add = true} : memref<8448xf32, #tpu.memory_space<vmem>>[vector<16xi32>], vector<16xf32>,
        tpu.vector_store_idx %arg6[%add3A_439], %broadcast_in_dim3A_17 {add = true} : memref<8448xf32, #tpu.memory_space<vmem>>[vector<16xi32>], vector<16xf32>,
        tpu.vector_store_idx %arg6[%add3A_453], %broadcast_in_dim3A_17 {add = true} : memref<8448xf32, #tpu.memory_space<vmem>>[vector<16xi32>], vector<16xf32>,
        tpu.vector_store_idx %arg6[%add3A_467], %broadcast_in_dim3A_17 {add = true} : memref<8448xf32, #tpu.memory_space<vmem>>[vector<16xi32>], vector<16xf32>,
        tpu.vector_store_idx %arg6[%add3A_481], %broadcast_in_dim3A_17 {add = true} : memref<8448xf32, #tpu.memory_space<vmem>>[vector<16xi32>], vector<16xf32>,
        tpu.vector_store_idx %arg6[%add3A_495], %broadcast_in_dim3A_17 {add = true} : memref<8448xf32, #tpu.memory_space<vmem>>[vector<16xi32>], vector<16xf32>,
      }
      %scan3A_175 = arith.constant 2 : i32
    } else {
    }
    %add3A_20 = arith.constant 4096 : i32
    %add3A_21 = arith.addi %mul3A_2, %add3A_20 : i32
    %dma_start3A_22 = arith.constant 0 : i32
    %dma_start3A_23 = tpu.memref_slice %arg2[%dma_start3A_22, %add3A_21] : memref<6x1000000xf32, #tpu.memory_space<hbm>> -> memref<1x4096xf32, #tpu.memory_space<hbm>>
    %dma_start3A_24 = tpu.memref_squeeze %dma_start3A_23 : memref<1x4096xf32, #tpu.memory_space<hbm>> -> memref<4096xf32, #tpu.memory_space<hbm>>
    %dma_start3A_25 = tpu.memref_slice %arg2[%dma_start3A_22, %add3A_21] : memref<6x1000000xf32, #tpu.memory_space<hbm>> -> memref<1x4096xf32, #tpu.memory_space<hbm>>
    %dma_start3A_26 = tpu.memref_squeeze %dma_start3A_25 : memref<1x4096xf32, #tpu.memory_space<hbm>> -> memref<4096xf32, #tpu.memory_space<hbm>>
    tpu.enqueue_dma source(%dma_start3A_26 : memref<4096xf32, #tpu.memory_space<hbm>>) target(%arg5 : memref<4096xf32, #tpu.memory_space<vmem>>) target_semaphore(%arg10 : memref<!tpu.dma_semaphore, #tpu.memory_space<semaphore_mem>>)
    %dma_wait3A = arith.constant 0 : i32
    %dma_wait3A_27 = tpu.memref_slice %arg2[%dma_wait3A, %mul3A_2] : memref<6x1000000xf32, #tpu.memory_space<hbm>> -> memref<1x4096xf32, #tpu.memory_space<hbm>>
    %dma_wait3A_28 = tpu.memref_squeeze %dma_wait3A_27 : memref<1x4096xf32, #tpu.memory_space<hbm>> -> memref<4096xf32, #tpu.memory_space<hbm>>
    %dma_wait3A_29 = tpu.memref_slice %arg2[%dma_wait3A, %mul3A_2] : memref<6x1000000xf32, #tpu.memory_space<hbm>> -> memref<1x4096xf32, #tpu.memory_space<hbm>>
    %dma_wait3A_30 = tpu.memref_squeeze %dma_wait3A_29 : memref<1x4096xf32, #tpu.memory_space<hbm>> -> memref<4096xf32, #tpu.memory_space<hbm>>
    tpu.wait_dma2 semaphore(%arg9 : memref<!tpu.dma_semaphore, #tpu.memory_space<semaphore_mem>>) src(%dma_wait3A_30 : memref<4096xf32, #tpu.memory_space<hbm>>) dst(%arg4 : memref<4096xf32, #tpu.memory_space<vmem>>)
    %scan3A_31 = arith.constant 0 : i32
    %scan3A_32 = arith.constant 0 : i32
    %scan3A_33 = arith.constant 16 : i32
    %scan3A_34 = arith.addi %scan3A_32, %scan3A_33 : i32
    %scan3A_35 = arith.constant 1 : i32
    scf.for %scan3A_170 = %scan3A_32 to %scan3A_34 step %scan3A_35  : i32 {
      %mul3A_171 = arith.constant 16 : i32
      %mul3A_172 = arith.muli %scan3A_170, %mul3A_171 : i32
      %add3A_173 = arith.constant 0 : i32
      %add3A_174 = arith.addi %mul3A_172, %add3A_173 : i32
      %mul3A_175 = arith.constant 16 : i32
      %mul3A_176 = arith.muli %add3A_174, %mul3A_175 : i32
      %get3A = arith.index_cast %mul3A_176 : i32 to index
      %get3A_177 = tpu.vector_load %arg4[%get3A] {strides = array<i32>} : memref<4096xf32, #tpu.memory_space<vmem>>, vector<16xf32>,
      %add3A_178 = arith.constant 1 : i32
      %add3A_179 = arith.addi %mul3A_172, %add3A_178 : i32
      %mul3A_180 = arith.constant 16 : i32
      %mul3A_181 = arith.muli %add3A_179, %mul3A_180 : i32
      %get3A_182 = arith.index_cast %mul3A_181 : i32 to index
      %get3A_183 = tpu.vector_load %arg4[%get3A_182] {strides = array<i32>} : memref<4096xf32, #tpu.memory_space<vmem>>, vector<16xf32>,
      %add3A_184 = arith.constant 2 : i32
      %add3A_185 = arith.addi %mul3A_172, %add3A_184 : i32
      %mul3A_186 = arith.constant 16 : i32
      %mul3A_187 = arith.muli %add3A_185, %mul3A_186 : i32
      %get3A_188 = arith.index_cast %mul3A_187 : i32 to index
      %get3A_189 = tpu.vector_load %arg4[%get3A_188] {strides = array<i32>} : memref<4096xf32, #tpu.memory_space<vmem>>, vector<16xf32>,
      %add3A_190 = arith.constant 3 : i32
      %add3A_191 = arith.addi %mul3A_172, %add3A_190 : i32
      %mul3A_192 = arith.constant 16 : i32
      %mul3A_193 = arith.muli %add3A_191, %mul3A_192 : i32
      %get3A_194 = arith.index_cast %mul3A_193 : i32 to index
      %get3A_195 = tpu.vector_load %arg4[%get3A_194] {strides = array<i32>} : memref<4096xf32, #tpu.memory_space<vmem>>, vector<16xf32>,
      %add3A_196 = arith.constant 4 : i32
      %add3A_197 = arith.addi %mul3A_172, %add3A_196 : i32
      %mul3A_198 = arith.constant 16 : i32
      %mul3A_199 = arith.muli %add3A_197, %mul3A_198 : i32
      %get3A_200 = arith.index_cast %mul3A_199 : i32 to index
      %get3A_201 = tpu.vector_load %arg4[%get3A_200] {strides = array<i32>} : memref<4096xf32, #tpu.memory_space<vmem>>, vector<16xf32>,
      %add3A_202 = arith.constant 5 : i32
      %add3A_203 = arith.addi %mul3A_172, %add3A_202 : i32
      %mul3A_204 = arith.constant 16 : i32
      %mul3A_205 = arith.muli %add3A_203, %mul3A_204 : i32
      %get3A_206 = arith.index_cast %mul3A_205 : i32 to index
      %get3A_207 = tpu.vector_load %arg4[%get3A_206] {strides = array<i32>} : memref<4096xf32, #tpu.memory_space<vmem>>, vector<16xf32>,
      %add3A_208 = arith.constant 6 : i32
      %add3A_209 = arith.addi %mul3A_172, %add3A_208 : i32
      %mul3A_210 = arith.constant 16 : i32
      %mul3A_211 = arith.muli %add3A_209, %mul3A_210 : i32
      %get3A_212 = arith.index_cast %mul3A_211 : i32 to index
      %get3A_213 = tpu.vector_load %arg4[%get3A_212] {strides = array<i32>} : memref<4096xf32, #tpu.memory_space<vmem>>, vector<16xf32>,
      %add3A_214 = arith.constant 7 : i32
      %add3A_215 = arith.addi %mul3A_172, %add3A_214 : i32
      %mul3A_216 = arith.constant 16 : i32
      %mul3A_217 = arith.muli %add3A_215, %mul3A_216 : i32
      %get3A_218 = arith.index_cast %mul3A_217 : i32 to index
      %get3A_219 = tpu.vector_load %arg4[%get3A_218] {strides = array<i32>} : memref<4096xf32, #tpu.memory_space<vmem>>, vector<16xf32>,
      %add3A_220 = arith.constant 8 : i32
      %add3A_221 = arith.addi %mul3A_172, %add3A_220 : i32
      %mul3A_222 = arith.constant 16 : i32
      %mul3A_223 = arith.muli %add3A_221, %mul3A_222 : i32
      %get3A_224 = arith.index_cast %mul3A_223 : i32 to index
      %get3A_225 = tpu.vector_load %arg4[%get3A_224] {strides = array<i32>} : memref<4096xf32, #tpu.memory_space<vmem>>, vector<16xf32>,
      %add3A_226 = arith.constant 9 : i32
      %add3A_227 = arith.addi %mul3A_172, %add3A_226 : i32
      %mul3A_228 = arith.constant 16 : i32
      %mul3A_229 = arith.muli %add3A_227, %mul3A_228 : i32
      %get3A_230 = arith.index_cast %mul3A_229 : i32 to index
      %get3A_231 = tpu.vector_load %arg4[%get3A_230] {strides = array<i32>} : memref<4096xf32, #tpu.memory_space<vmem>>, vector<16xf32>,
      %add3A_232 = arith.constant 10 : i32
      %add3A_233 = arith.addi %mul3A_172, %add3A_232 : i32
      %mul3A_234 = arith.constant 16 : i32
      %mul3A_235 = arith.muli %add3A_233, %mul3A_234 : i32
      %get3A_236 = arith.index_cast %mul3A_235 : i32 to index
      %get3A_237 = tpu.vector_load %arg4[%get3A_236] {strides = array<i32>} : memref<4096xf32, #tpu.memory_space<vmem>>, vector<16xf32>,
      %add3A_238 = arith.constant 11 : i32
      %add3A_239 = arith.addi %mul3A_172, %add3A_238 : i32
      %mul3A_240 = arith.constant 16 : i32
      %mul3A_241 = arith.muli %add3A_239, %mul3A_240 : i32
      %get3A_242 = arith.index_cast %mul3A_241 : i32 to index
      %get3A_243 = tpu.vector_load %arg4[%get3A_242] {strides = array<i32>} : memref<4096xf32, #tpu.memory_space<vmem>>, vector<16xf32>,
      %add3A_244 = arith.constant 12 : i32
      %add3A_245 = arith.addi %mul3A_172, %add3A_244 : i32
      %mul3A_246 = arith.constant 16 : i32
      %mul3A_247 = arith.muli %add3A_245, %mul3A_246 : i32
      %get3A_248 = arith.index_cast %mul3A_247 : i32 to index
      %get3A_249 = tpu.vector_load %arg4[%get3A_248] {strides = array<i32>} : memref<4096xf32, #tpu.memory_space<vmem>>, vector<16xf32>,
      %add3A_250 = arith.constant 13 : i32
      %add3A_251 = arith.addi %mul3A_172, %add3A_250 : i32
      %mul3A_252 = arith.constant 16 : i32
      %mul3A_253 = arith.muli %add3A_251, %mul3A_252 : i32
      %get3A_254 = arith.index_cast %mul3A_253 : i32 to index
      %get3A_255 = tpu.vector_load %arg4[%get3A_254] {strides = array<i32>} : memref<4096xf32, #tpu.memory_space<vmem>>, vector<16xf32>,
      %add3A_256 = arith.constant 14 : i32
      %add3A_257 = arith.addi %mul3A_172, %add3A_256 : i32
      %mul3A_258 = arith.constant 16 : i32
      %mul3A_259 = arith.muli %add3A_257, %mul3A_258 : i32
      %get3A_260 = arith.index_cast %mul3A_259 : i32 to index
      %get3A_261 = tpu.vector_load %arg4[%get3A_260] {strides = array<i32>} : memref<4096xf32, #tpu.memory_space<vmem>>, vector<16xf32>,
      %add3A_262 = arith.constant 15 : i32
      %add3A_263 = arith.addi %mul3A_172, %add3A_262 : i32
      %mul3A_264 = arith.constant 16 : i32
      %mul3A_265 = arith.muli %add3A_263, %mul3A_264 : i32
      %get3A_266 = arith.index_cast %mul3A_265 : i32 to index
      %get3A_267 = tpu.vector_load %arg4[%get3A_266] {strides = array<i32>} : memref<4096xf32, #tpu.memory_space<vmem>>, vector<16xf32>,
      %mul3A_268 = arith.constant 5.120000e+01 : f32
      %mul3A_269 = vector.broadcast %mul3A_268 : f32 to vector<16xf32>
      %mul3A_270 = arith.mulf %get3A_177, %mul3A_269 : vector<16xf32>
      %add3A_271 = arith.constant 2.565000e+02 : f32
      %add3A_272 = vector.broadcast %add3A_271 : f32 to vector<16xf32>
      %add3A_273 = arith.addf %mul3A_270, %add3A_272 : vector<16xf32>
      %max3A = arith.constant 0.000000e+00 : f32
      %max3A_274 = vector.broadcast %max3A : f32 to vector<16xf32>
      %max3A_275 = arith.maximumf %add3A_273, %max3A_274 : vector<16xf32>
      %min3A = arith.constant 5.124000e+02 : f32
      %min3A_276 = vector.broadcast %min3A : f32 to vector<16xf32>
      %min3A_277 = arith.minimumf %max3A_275, %min3A_276 : vector<16xf32>
      %convert_element_type3A_278 = arith.fptosi %min3A_277 : vector<16xf32> to vector<16xi32>
      %add3A_279 = arith.addi %mul3A_15, %convert_element_type3A_278 : vector<16xi32>
      %mul3A_280 = arith.constant 5.120000e+01 : f32
      %mul3A_281 = vector.broadcast %mul3A_280 : f32 to vector<16xf32>
      %mul3A_282 = arith.mulf %get3A_183, %mul3A_281 : vector<16xf32>
      %add3A_283 = arith.constant 2.565000e+02 : f32
      %add3A_284 = vector.broadcast %add3A_283 : f32 to vector<16xf32>
      %add3A_285 = arith.addf %mul3A_282, %add3A_284 : vector<16xf32>
      %max3A_286 = arith.constant 0.000000e+00 : f32
      %max3A_287 = vector.broadcast %max3A_286 : f32 to vector<16xf32>
      %max3A_288 = arith.maximumf %add3A_285, %max3A_287 : vector<16xf32>
      %min3A_289 = arith.constant 5.124000e+02 : f32
      %min3A_290 = vector.broadcast %min3A_289 : f32 to vector<16xf32>
      %min3A_291 = arith.minimumf %max3A_288, %min3A_290 : vector<16xf32>
      %convert_element_type3A_292 = arith.fptosi %min3A_291 : vector<16xf32> to vector<16xi32>
      %add3A_293 = arith.addi %mul3A_15, %convert_element_type3A_292 : vector<16xi32>
      %mul3A_294 = arith.constant 5.120000e+01 : f32
      %mul3A_295 = vector.broadcast %mul3A_294 : f32 to vector<16xf32>
      %mul3A_296 = arith.mulf %get3A_189, %mul3A_295 : vector<16xf32>
      %add3A_297 = arith.constant 2.565000e+02 : f32
      %add3A_298 = vector.broadcast %add3A_297 : f32 to vector<16xf32>
      %add3A_299 = arith.addf %mul3A_296, %add3A_298 : vector<16xf32>
      %max3A_300 = arith.constant 0.000000e+00 : f32
      %max3A_301 = vector.broadcast %max3A_300 : f32 to vector<16xf32>
      %max3A_302 = arith.maximumf %add3A_299, %max3A_301 : vector<16xf32>
      %min3A_303 = arith.constant 5.124000e+02 : f32
      %min3A_304 = vector.broadcast %min3A_303 : f32 to vector<16xf32>
      %min3A_305 = arith.minimumf %max3A_302, %min3A_304 : vector<16xf32>
      %convert_element_type3A_306 = arith.fptosi %min3A_305 : vector<16xf32> to vector<16xi32>
      %add3A_307 = arith.addi %mul3A_15, %convert_element_type3A_306 : vector<16xi32>
      %mul3A_308 = arith.constant 5.120000e+01 : f32
      %mul3A_309 = vector.broadcast %mul3A_308 : f32 to vector<16xf32>
      %mul3A_310 = arith.mulf %get3A_195, %mul3A_309 : vector<16xf32>
      %add3A_311 = arith.constant 2.565000e+02 : f32
      %add3A_312 = vector.broadcast %add3A_311 : f32 to vector<16xf32>
      %add3A_313 = arith.addf %mul3A_310, %add3A_312 : vector<16xf32>
      %max3A_314 = arith.constant 0.000000e+00 : f32
      %max3A_315 = vector.broadcast %max3A_314 : f32 to vector<16xf32>
      %max3A_316 = arith.maximumf %add3A_313, %max3A_315 : vector<16xf32>
      %min3A_317 = arith.constant 5.124000e+02 : f32
      %min3A_318 = vector.broadcast %min3A_317 : f32 to vector<16xf32>
      %min3A_319 = arith.minimumf %max3A_316, %min3A_318 : vector<16xf32>
      %convert_element_type3A_320 = arith.fptosi %min3A_319 : vector<16xf32> to vector<16xi32>
      %add3A_321 = arith.addi %mul3A_15, %convert_element_type3A_320 : vector<16xi32>
      %mul3A_322 = arith.constant 5.120000e+01 : f32
      %mul3A_323 = vector.broadcast %mul3A_322 : f32 to vector<16xf32>
      %mul3A_324 = arith.mulf %get3A_201, %mul3A_323 : vector<16xf32>
      %add3A_325 = arith.constant 2.565000e+02 : f32
      %add3A_326 = vector.broadcast %add3A_325 : f32 to vector<16xf32>
      %add3A_327 = arith.addf %mul3A_324, %add3A_326 : vector<16xf32>
      %max3A_328 = arith.constant 0.000000e+00 : f32
      %max3A_329 = vector.broadcast %max3A_328 : f32 to vector<16xf32>
      %max3A_330 = arith.maximumf %add3A_327, %max3A_329 : vector<16xf32>
      %min3A_331 = arith.constant 5.124000e+02 : f32
      %min3A_332 = vector.broadcast %min3A_331 : f32 to vector<16xf32>
      %min3A_333 = arith.minimumf %max3A_330, %min3A_332 : vector<16xf32>
      %convert_element_type3A_334 = arith.fptosi %min3A_333 : vector<16xf32> to vector<16xi32>
      %add3A_335 = arith.addi %mul3A_15, %convert_element_type3A_334 : vector<16xi32>
      %mul3A_336 = arith.constant 5.120000e+01 : f32
      %mul3A_337 = vector.broadcast %mul3A_336 : f32 to vector<16xf32>
      %mul3A_338 = arith.mulf %get3A_207, %mul3A_337 : vector<16xf32>
      %add3A_339 = arith.constant 2.565000e+02 : f32
      %add3A_340 = vector.broadcast %add3A_339 : f32 to vector<16xf32>
      %add3A_341 = arith.addf %mul3A_338, %add3A_340 : vector<16xf32>
      %max3A_342 = arith.constant 0.000000e+00 : f32
      %max3A_343 = vector.broadcast %max3A_342 : f32 to vector<16xf32>
      %max3A_344 = arith.maximumf %add3A_341, %max3A_343 : vector<16xf32>
      %min3A_345 = arith.constant 5.124000e+02 : f32
      %min3A_346 = vector.broadcast %min3A_345 : f32 to vector<16xf32>
      %min3A_347 = arith.minimumf %max3A_344, %min3A_346 : vector<16xf32>
      %convert_element_type3A_348 = arith.fptosi %min3A_347 : vector<16xf32> to vector<16xi32>
      %add3A_349 = arith.addi %mul3A_15, %convert_element_type3A_348 : vector<16xi32>
      %mul3A_350 = arith.constant 5.120000e+01 : f32
      %mul3A_351 = vector.broadcast %mul3A_350 : f32 to vector<16xf32>
      %mul3A_352 = arith.mulf %get3A_213, %mul3A_351 : vector<16xf32>
      %add3A_353 = arith.constant 2.565000e+02 : f32
      %add3A_354 = vector.broadcast %add3A_353 : f32 to vector<16xf32>
      %add3A_355 = arith.addf %mul3A_352, %add3A_354 : vector<16xf32>
      %max3A_356 = arith.constant 0.000000e+00 : f32
      %max3A_357 = vector.broadcast %max3A_356 : f32 to vector<16xf32>
      %max3A_358 = arith.maximumf %add3A_355, %max3A_357 : vector<16xf32>
      %min3A_359 = arith.constant 5.124000e+02 : f32
      %min3A_360 = vector.broadcast %min3A_359 : f32 to vector<16xf32>
      %min3A_361 = arith.minimumf %max3A_358, %min3A_360 : vector<16xf32>
      %convert_element_type3A_362 = arith.fptosi %min3A_361 : vector<16xf32> to vector<16xi32>
      %add3A_363 = arith.addi %mul3A_15, %convert_element_type3A_362 : vector<16xi32>
      %mul3A_364 = arith.constant 5.120000e+01 : f32
      %mul3A_365 = vector.broadcast %mul3A_364 : f32 to vector<16xf32>
      %mul3A_366 = arith.mulf %get3A_219, %mul3A_365 : vector<16xf32>
      %add3A_367 = arith.constant 2.565000e+02 : f32
      %add3A_368 = vector.broadcast %add3A_367 : f32 to vector<16xf32>
      %add3A_369 = arith.addf %mul3A_366, %add3A_368 : vector<16xf32>
      %max3A_370 = arith.constant 0.000000e+00 : f32
      %max3A_371 = vector.broadcast %max3A_370 : f32 to vector<16xf32>
      %max3A_372 = arith.maximumf %add3A_369, %max3A_371 : vector<16xf32>
      %min3A_373 = arith.constant 5.124000e+02 : f32
      %min3A_374 = vector.broadcast %min3A_373 : f32 to vector<16xf32>
      %min3A_375 = arith.minimumf %max3A_372, %min3A_374 : vector<16xf32>
      %convert_element_type3A_376 = arith.fptosi %min3A_375 : vector<16xf32> to vector<16xi32>
      %add3A_377 = arith.addi %mul3A_15, %convert_element_type3A_376 : vector<16xi32>
      %mul3A_378 = arith.constant 5.120000e+01 : f32
      %mul3A_379 = vector.broadcast %mul3A_378 : f32 to vector<16xf32>
      %mul3A_380 = arith.mulf %get3A_225, %mul3A_379 : vector<16xf32>
      %add3A_381 = arith.constant 2.565000e+02 : f32
      %add3A_382 = vector.broadcast %add3A_381 : f32 to vector<16xf32>
      %add3A_383 = arith.addf %mul3A_380, %add3A_382 : vector<16xf32>
      %max3A_384 = arith.constant 0.000000e+00 : f32
      %max3A_385 = vector.broadcast %max3A_384 : f32 to vector<16xf32>
      %max3A_386 = arith.maximumf %add3A_383, %max3A_385 : vector<16xf32>
      %min3A_387 = arith.constant 5.124000e+02 : f32
      %min3A_388 = vector.broadcast %min3A_387 : f32 to vector<16xf32>
      %min3A_389 = arith.minimumf %max3A_386, %min3A_388 : vector<16xf32>
      %convert_element_type3A_390 = arith.fptosi %min3A_389 : vector<16xf32> to vector<16xi32>
      %add3A_391 = arith.addi %mul3A_15, %convert_element_type3A_390 : vector<16xi32>
      %mul3A_392 = arith.constant 5.120000e+01 : f32
      %mul3A_393 = vector.broadcast %mul3A_392 : f32 to vector<16xf32>
      %mul3A_394 = arith.mulf %get3A_231, %mul3A_393 : vector<16xf32>
      %add3A_395 = arith.constant 2.565000e+02 : f32
      %add3A_396 = vector.broadcast %add3A_395 : f32 to vector<16xf32>
      %add3A_397 = arith.addf %mul3A_394, %add3A_396 : vector<16xf32>
      %max3A_398 = arith.constant 0.000000e+00 : f32
      %max3A_399 = vector.broadcast %max3A_398 : f32 to vector<16xf32>
      %max3A_400 = arith.maximumf %add3A_397, %max3A_399 : vector<16xf32>
      %min3A_401 = arith.constant 5.124000e+02 : f32
      %min3A_402 = vector.broadcast %min3A_401 : f32 to vector<16xf32>
      %min3A_403 = arith.minimumf %max3A_400, %min3A_402 : vector<16xf32>
      %convert_element_type3A_404 = arith.fptosi %min3A_403 : vector<16xf32> to vector<16xi32>
      %add3A_405 = arith.addi %mul3A_15, %convert_element_type3A_404 : vector<16xi32>
      %mul3A_406 = arith.constant 5.120000e+01 : f32
      %mul3A_407 = vector.broadcast %mul3A_406 : f32 to vector<16xf32>
      %mul3A_408 = arith.mulf %get3A_237, %mul3A_407 : vector<16xf32>
      %add3A_409 = arith.constant 2.565000e+02 : f32
      %add3A_410 = vector.broadcast %add3A_409 : f32 to vector<16xf32>
      %add3A_411 = arith.addf %mul3A_408, %add3A_410 : vector<16xf32>
      %max3A_412 = arith.constant 0.000000e+00 : f32
      %max3A_413 = vector.broadcast %max3A_412 : f32 to vector<16xf32>
      %max3A_414 = arith.maximumf %add3A_411, %max3A_413 : vector<16xf32>
      %min3A_415 = arith.constant 5.124000e+02 : f32
      %min3A_416 = vector.broadcast %min3A_415 : f32 to vector<16xf32>
      %min3A_417 = arith.minimumf %max3A_414, %min3A_416 : vector<16xf32>
      %convert_element_type3A_418 = arith.fptosi %min3A_417 : vector<16xf32> to vector<16xi32>
      %add3A_419 = arith.addi %mul3A_15, %convert_element_type3A_418 : vector<16xi32>
      %mul3A_420 = arith.constant 5.120000e+01 : f32
      %mul3A_421 = vector.broadcast %mul3A_420 : f32 to vector<16xf32>
      %mul3A_422 = arith.mulf %get3A_243, %mul3A_421 : vector<16xf32>
      %add3A_423 = arith.constant 2.565000e+02 : f32
      %add3A_424 = vector.broadcast %add3A_423 : f32 to vector<16xf32>
      %add3A_425 = arith.addf %mul3A_422, %add3A_424 : vector<16xf32>
      %max3A_426 = arith.constant 0.000000e+00 : f32
      %max3A_427 = vector.broadcast %max3A_426 : f32 to vector<16xf32>
      %max3A_428 = arith.maximumf %add3A_425, %max3A_427 : vector<16xf32>
      %min3A_429 = arith.constant 5.124000e+02 : f32
      %min3A_430 = vector.broadcast %min3A_429 : f32 to vector<16xf32>
      %min3A_431 = arith.minimumf %max3A_428, %min3A_430 : vector<16xf32>
      %convert_element_type3A_432 = arith.fptosi %min3A_431 : vector<16xf32> to vector<16xi32>
      %add3A_433 = arith.addi %mul3A_15, %convert_element_type3A_432 : vector<16xi32>
      %mul3A_434 = arith.constant 5.120000e+01 : f32
      %mul3A_435 = vector.broadcast %mul3A_434 : f32 to vector<16xf32>
      %mul3A_436 = arith.mulf %get3A_249, %mul3A_435 : vector<16xf32>
      %add3A_437 = arith.constant 2.565000e+02 : f32
      %add3A_438 = vector.broadcast %add3A_437 : f32 to vector<16xf32>
      %add3A_439 = arith.addf %mul3A_436, %add3A_438 : vector<16xf32>
      %max3A_440 = arith.constant 0.000000e+00 : f32
      %max3A_441 = vector.broadcast %max3A_440 : f32 to vector<16xf32>
      %max3A_442 = arith.maximumf %add3A_439, %max3A_441 : vector<16xf32>
      %min3A_443 = arith.constant 5.124000e+02 : f32
      %min3A_444 = vector.broadcast %min3A_443 : f32 to vector<16xf32>
      %min3A_445 = arith.minimumf %max3A_442, %min3A_444 : vector<16xf32>
      %convert_element_type3A_446 = arith.fptosi %min3A_445 : vector<16xf32> to vector<16xi32>
      %add3A_447 = arith.addi %mul3A_15, %convert_element_type3A_446 : vector<16xi32>
      %mul3A_448 = arith.constant 5.120000e+01 : f32
      %mul3A_449 = vector.broadcast %mul3A_448 : f32 to vector<16xf32>
      %mul3A_450 = arith.mulf %get3A_255, %mul3A_449 : vector<16xf32>
      %add3A_451 = arith.constant 2.565000e+02 : f32
      %add3A_452 = vector.broadcast %add3A_451 : f32 to vector<16xf32>
      %add3A_453 = arith.addf %mul3A_450, %add3A_452 : vector<16xf32>
      %max3A_454 = arith.constant 0.000000e+00 : f32
      %max3A_455 = vector.broadcast %max3A_454 : f32 to vector<16xf32>
      %max3A_456 = arith.maximumf %add3A_453, %max3A_455 : vector<16xf32>
      %min3A_457 = arith.constant 5.124000e+02 : f32
      %min3A_458 = vector.broadcast %min3A_457 : f32 to vector<16xf32>
      %min3A_459 = arith.minimumf %max3A_456, %min3A_458 : vector<16xf32>
      %convert_element_type3A_460 = arith.fptosi %min3A_459 : vector<16xf32> to vector<16xi32>
      %add3A_461 = arith.addi %mul3A_15, %convert_element_type3A_460 : vector<16xi32>
      %mul3A_462 = arith.constant 5.120000e+01 : f32
      %mul3A_463 = vector.broadcast %mul3A_462 : f32 to vector<16xf32>
      %mul3A_464 = arith.mulf %get3A_261, %mul3A_463 : vector<16xf32>
      %add3A_465 = arith.constant 2.565000e+02 : f32
      %add3A_466 = vector.broadcast %add3A_465 : f32 to vector<16xf32>
      %add3A_467 = arith.addf %mul3A_464, %add3A_466 : vector<16xf32>
      %max3A_468 = arith.constant 0.000000e+00 : f32
      %max3A_469 = vector.broadcast %max3A_468 : f32 to vector<16xf32>
      %max3A_470 = arith.maximumf %add3A_467, %max3A_469 : vector<16xf32>
      %min3A_471 = arith.constant 5.124000e+02 : f32
      %min3A_472 = vector.broadcast %min3A_471 : f32 to vector<16xf32>
      %min3A_473 = arith.minimumf %max3A_470, %min3A_472 : vector<16xf32>
      %convert_element_type3A_474 = arith.fptosi %min3A_473 : vector<16xf32> to vector<16xi32>
      %add3A_475 = arith.addi %mul3A_15, %convert_element_type3A_474 : vector<16xi32>
      %mul3A_476 = arith.constant 5.120000e+01 : f32
      %mul3A_477 = vector.broadcast %mul3A_476 : f32 to vector<16xf32>
      %mul3A_478 = arith.mulf %get3A_267, %mul3A_477 : vector<16xf32>
      %add3A_479 = arith.constant 2.565000e+02 : f32
      %add3A_480 = vector.broadcast %add3A_479 : f32 to vector<16xf32>
      %add3A_481 = arith.addf %mul3A_478, %add3A_480 : vector<16xf32>
      %max3A_482 = arith.constant 0.000000e+00 : f32
      %max3A_483 = vector.broadcast %max3A_482 : f32 to vector<16xf32>
      %max3A_484 = arith.maximumf %add3A_481, %max3A_483 : vector<16xf32>
      %min3A_485 = arith.constant 5.124000e+02 : f32
      %min3A_486 = vector.broadcast %min3A_485 : f32 to vector<16xf32>
      %min3A_487 = arith.minimumf %max3A_484, %min3A_486 : vector<16xf32>
      %convert_element_type3A_488 = arith.fptosi %min3A_487 : vector<16xf32> to vector<16xi32>
      %add3A_489 = arith.addi %mul3A_15, %convert_element_type3A_488 : vector<16xi32>
      tpu.vector_store_idx %arg6[%add3A_279], %broadcast_in_dim3A_17 {add = true} : memref<8448xf32, #tpu.memory_space<vmem>>[vector<16xi32>], vector<16xf32>,
      tpu.vector_store_idx %arg6[%add3A_293], %broadcast_in_dim3A_17 {add = true} : memref<8448xf32, #tpu.memory_space<vmem>>[vector<16xi32>], vector<16xf32>,
      tpu.vector_store_idx %arg6[%add3A_307], %broadcast_in_dim3A_17 {add = true} : memref<8448xf32, #tpu.memory_space<vmem>>[vector<16xi32>], vector<16xf32>,
      tpu.vector_store_idx %arg6[%add3A_321], %broadcast_in_dim3A_17 {add = true} : memref<8448xf32, #tpu.memory_space<vmem>>[vector<16xi32>], vector<16xf32>,
      tpu.vector_store_idx %arg6[%add3A_335], %broadcast_in_dim3A_17 {add = true} : memref<8448xf32, #tpu.memory_space<vmem>>[vector<16xi32>], vector<16xf32>,
      tpu.vector_store_idx %arg6[%add3A_349], %broadcast_in_dim3A_17 {add = true} : memref<8448xf32, #tpu.memory_space<vmem>>[vector<16xi32>], vector<16xf32>,
      tpu.vector_store_idx %arg6[%add3A_363], %broadcast_in_dim3A_17 {add = true} : memref<8448xf32, #tpu.memory_space<vmem>>[vector<16xi32>], vector<16xf32>,
      tpu.vector_store_idx %arg6[%add3A_377], %broadcast_in_dim3A_17 {add = true} : memref<8448xf32, #tpu.memory_space<vmem>>[vector<16xi32>], vector<16xf32>,
      tpu.vector_store_idx %arg6[%add3A_391], %broadcast_in_dim3A_17 {add = true} : memref<8448xf32, #tpu.memory_space<vmem>>[vector<16xi32>], vector<16xf32>,
      tpu.vector_store_idx %arg6[%add3A_405], %broadcast_in_dim3A_17 {add = true} : memref<8448xf32, #tpu.memory_space<vmem>>[vector<16xi32>], vector<16xf32>,
      tpu.vector_store_idx %arg6[%add3A_419], %broadcast_in_dim3A_17 {add = true} : memref<8448xf32, #tpu.memory_space<vmem>>[vector<16xi32>], vector<16xf32>,
      tpu.vector_store_idx %arg6[%add3A_433], %broadcast_in_dim3A_17 {add = true} : memref<8448xf32, #tpu.memory_space<vmem>>[vector<16xi32>], vector<16xf32>,
      tpu.vector_store_idx %arg6[%add3A_447], %broadcast_in_dim3A_17 {add = true} : memref<8448xf32, #tpu.memory_space<vmem>>[vector<16xi32>], vector<16xf32>,
      tpu.vector_store_idx %arg6[%add3A_461], %broadcast_in_dim3A_17 {add = true} : memref<8448xf32, #tpu.memory_space<vmem>>[vector<16xi32>], vector<16xf32>,
      tpu.vector_store_idx %arg6[%add3A_475], %broadcast_in_dim3A_17 {add = true} : memref<8448xf32, #tpu.memory_space<vmem>>[vector<16xi32>], vector<16xf32>,
      tpu.vector_store_idx %arg6[%add3A_489], %broadcast_in_dim3A_17 {add = true} : memref<8448xf32, #tpu.memory_space<vmem>>[vector<16xi32>], vector<16xf32>,
    }
    %scan3A_36 = arith.constant 16 : i32
    %add3A_37 = arith.constant 8192 : i32
    %add3A_38 = arith.addi %mul3A_2, %add3A_37 : i32
    %dma_start3A_39 = arith.constant 0 : i32
    %dma_start3A_40 = tpu.memref_slice %arg2[%dma_start3A_39, %add3A_38] : memref<6x1000000xf32, #tpu.memory_space<hbm>> -> memref<1x4096xf32, #tpu.memory_space<hbm>>
    %dma_start3A_41 = tpu.memref_squeeze %dma_start3A_40 : memref<1x4096xf32, #tpu.memory_space<hbm>> -> memref<4096xf32, #tpu.memory_space<hbm>>
    %dma_start3A_42 = tpu.memref_slice %arg2[%dma_start3A_39, %add3A_38] : memref<6x1000000xf32, #tpu.memory_space<hbm>> -> memref<1x4096xf32, #tpu.memory_space<hbm>>
    %dma_start3A_43 = tpu.memref_squeeze %dma_start3A_42 : memref<1x4096xf32, #tpu.memory_space<hbm>> -> memref<4096xf32, #tpu.memory_space<hbm>>
    tpu.enqueue_dma source(%dma_start3A_43 : memref<4096xf32, #tpu.memory_space<hbm>>) target(%arg4 : memref<4096xf32, #tpu.memory_space<vmem>>) target_semaphore(%arg9 : memref<!tpu.dma_semaphore, #tpu.memory_space<semaphore_mem>>)
    %dma_wait3A_44 = arith.constant 0 : i32
    %dma_wait3A_45 = tpu.memref_slice %arg2[%dma_wait3A_44, %add3A_21] : memref<6x1000000xf32, #tpu.memory_space<hbm>> -> memref<1x4096xf32, #tpu.memory_space<hbm>>
    %dma_wait3A_46 = tpu.memref_squeeze %dma_wait3A_45 : memref<1x4096xf32, #tpu.memory_space<hbm>> -> memref<4096xf32, #tpu.memory_space<hbm>>
    %dma_wait3A_47 = tpu.memref_slice %arg2[%dma_wait3A_44, %add3A_21] : memref<6x1000000xf32, #tpu.memory_space<hbm>> -> memref<1x4096xf32, #tpu.memory_space<hbm>>
    %dma_wait3A_48 = tpu.memref_squeeze %dma_wait3A_47 : memref<1x4096xf32, #tpu.memory_space<hbm>> -> memref<4096xf32, #tpu.memory_space<hbm>>
    tpu.wait_dma2 semaphore(%arg10 : memref<!tpu.dma_semaphore, #tpu.memory_space<semaphore_mem>>) src(%dma_wait3A_48 : memref<4096xf32, #tpu.memory_space<hbm>>) dst(%arg5 : memref<4096xf32, #tpu.memory_space<vmem>>)
    %scan3A_49 = arith.constant 0 : i32
    %scan3A_50 = arith.constant 0 : i32
    %scan3A_51 = arith.constant 16 : i32
    %scan3A_52 = arith.addi %scan3A_50, %scan3A_51 : i32
    %scan3A_53 = arith.constant 1 : i32
    scf.for %scan3A_170 = %scan3A_50 to %scan3A_52 step %scan3A_53  : i32 {
      %mul3A_171 = arith.constant 16 : i32
      %mul3A_172 = arith.muli %scan3A_170, %mul3A_171 : i32
      %add3A_173 = arith.constant 0 : i32
      %add3A_174 = arith.addi %mul3A_172, %add3A_173 : i32
      %mul3A_175 = arith.constant 16 : i32
      %mul3A_176 = arith.muli %add3A_174, %mul3A_175 : i32
      %get3A = arith.index_cast %mul3A_176 : i32 to index
      %get3A_177 = tpu.vector_load %arg5[%get3A] {strides = array<i32>} : memref<4096xf32, #tpu.memory_space<vmem>>, vector<16xf32>,
      %add3A_178 = arith.constant 1 : i32
      %add3A_179 = arith.addi %mul3A_172, %add3A_178 : i32
      %mul3A_180 = arith.constant 16 : i32
      %mul3A_181 = arith.muli %add3A_179, %mul3A_180 : i32
      %get3A_182 = arith.index_cast %mul3A_181 : i32 to index
      %get3A_183 = tpu.vector_load %arg5[%get3A_182] {strides = array<i32>} : memref<4096xf32, #tpu.memory_space<vmem>>, vector<16xf32>,
      %add3A_184 = arith.constant 2 : i32
      %add3A_185 = arith.addi %mul3A_172, %add3A_184 : i32
      %mul3A_186 = arith.constant 16 : i32
      %mul3A_187 = arith.muli %add3A_185, %mul3A_186 : i32
      %get3A_188 = arith.index_cast %mul3A_187 : i32 to index
      %get3A_189 = tpu.vector_load %arg5[%get3A_188] {strides = array<i32>} : memref<4096xf32, #tpu.memory_space<vmem>>, vector<16xf32>,
      %add3A_190 = arith.constant 3 : i32
      %add3A_191 = arith.addi %mul3A_172, %add3A_190 : i32
      %mul3A_192 = arith.constant 16 : i32
      %mul3A_193 = arith.muli %add3A_191, %mul3A_192 : i32
      %get3A_194 = arith.index_cast %mul3A_193 : i32 to index
      %get3A_195 = tpu.vector_load %arg5[%get3A_194] {strides = array<i32>} : memref<4096xf32, #tpu.memory_space<vmem>>, vector<16xf32>,
      %add3A_196 = arith.constant 4 : i32
      %add3A_197 = arith.addi %mul3A_172, %add3A_196 : i32
      %mul3A_198 = arith.constant 16 : i32
      %mul3A_199 = arith.muli %add3A_197, %mul3A_198 : i32
      %get3A_200 = arith.index_cast %mul3A_199 : i32 to index
      %get3A_201 = tpu.vector_load %arg5[%get3A_200] {strides = array<i32>} : memref<4096xf32, #tpu.memory_space<vmem>>, vector<16xf32>,
      %add3A_202 = arith.constant 5 : i32
      %add3A_203 = arith.addi %mul3A_172, %add3A_202 : i32
      %mul3A_204 = arith.constant 16 : i32
      %mul3A_205 = arith.muli %add3A_203, %mul3A_204 : i32
      %get3A_206 = arith.index_cast %mul3A_205 : i32 to index
      %get3A_207 = tpu.vector_load %arg5[%get3A_206] {strides = array<i32>} : memref<4096xf32, #tpu.memory_space<vmem>>, vector<16xf32>,
      %add3A_208 = arith.constant 6 : i32
      %add3A_209 = arith.addi %mul3A_172, %add3A_208 : i32
      %mul3A_210 = arith.constant 16 : i32
      %mul3A_211 = arith.muli %add3A_209, %mul3A_210 : i32
      %get3A_212 = arith.index_cast %mul3A_211 : i32 to index
      %get3A_213 = tpu.vector_load %arg5[%get3A_212] {strides = array<i32>} : memref<4096xf32, #tpu.memory_space<vmem>>, vector<16xf32>,
      %add3A_214 = arith.constant 7 : i32
      %add3A_215 = arith.addi %mul3A_172, %add3A_214 : i32
      %mul3A_216 = arith.constant 16 : i32
      %mul3A_217 = arith.muli %add3A_215, %mul3A_216 : i32
      %get3A_218 = arith.index_cast %mul3A_217 : i32 to index
      %get3A_219 = tpu.vector_load %arg5[%get3A_218] {strides = array<i32>} : memref<4096xf32, #tpu.memory_space<vmem>>, vector<16xf32>,
      %add3A_220 = arith.constant 8 : i32
      %add3A_221 = arith.addi %mul3A_172, %add3A_220 : i32
      %mul3A_222 = arith.constant 16 : i32
      %mul3A_223 = arith.muli %add3A_221, %mul3A_222 : i32
      %get3A_224 = arith.index_cast %mul3A_223 : i32 to index
      %get3A_225 = tpu.vector_load %arg5[%get3A_224] {strides = array<i32>} : memref<4096xf32, #tpu.memory_space<vmem>>, vector<16xf32>,
      %add3A_226 = arith.constant 9 : i32
      %add3A_227 = arith.addi %mul3A_172, %add3A_226 : i32
      %mul3A_228 = arith.constant 16 : i32
      %mul3A_229 = arith.muli %add3A_227, %mul3A_228 : i32
      %get3A_230 = arith.index_cast %mul3A_229 : i32 to index
      %get3A_231 = tpu.vector_load %arg5[%get3A_230] {strides = array<i32>} : memref<4096xf32, #tpu.memory_space<vmem>>, vector<16xf32>,
      %add3A_232 = arith.constant 10 : i32
      %add3A_233 = arith.addi %mul3A_172, %add3A_232 : i32
      %mul3A_234 = arith.constant 16 : i32
      %mul3A_235 = arith.muli %add3A_233, %mul3A_234 : i32
      %get3A_236 = arith.index_cast %mul3A_235 : i32 to index
      %get3A_237 = tpu.vector_load %arg5[%get3A_236] {strides = array<i32>} : memref<4096xf32, #tpu.memory_space<vmem>>, vector<16xf32>,
      %add3A_238 = arith.constant 11 : i32
      %add3A_239 = arith.addi %mul3A_172, %add3A_238 : i32
      %mul3A_240 = arith.constant 16 : i32
      %mul3A_241 = arith.muli %add3A_239, %mul3A_240 : i32
      %get3A_242 = arith.index_cast %mul3A_241 : i32 to index
      %get3A_243 = tpu.vector_load %arg5[%get3A_242] {strides = array<i32>} : memref<4096xf32, #tpu.memory_space<vmem>>, vector<16xf32>,
      %add3A_244 = arith.constant 12 : i32
      %add3A_245 = arith.addi %mul3A_172, %add3A_244 : i32
      %mul3A_246 = arith.constant 16 : i32
      %mul3A_247 = arith.muli %add3A_245, %mul3A_246 : i32
      %get3A_248 = arith.index_cast %mul3A_247 : i32 to index
      %get3A_249 = tpu.vector_load %arg5[%get3A_248] {strides = array<i32>} : memref<4096xf32, #tpu.memory_space<vmem>>, vector<16xf32>,
      %add3A_250 = arith.constant 13 : i32
      %add3A_251 = arith.addi %mul3A_172, %add3A_250 : i32
      %mul3A_252 = arith.constant 16 : i32
      %mul3A_253 = arith.muli %add3A_251, %mul3A_252 : i32
      %get3A_254 = arith.index_cast %mul3A_253 : i32 to index
      %get3A_255 = tpu.vector_load %arg5[%get3A_254] {strides = array<i32>} : memref<4096xf32, #tpu.memory_space<vmem>>, vector<16xf32>,
      %add3A_256 = arith.constant 14 : i32
      %add3A_257 = arith.addi %mul3A_172, %add3A_256 : i32
      %mul3A_258 = arith.constant 16 : i32
      %mul3A_259 = arith.muli %add3A_257, %mul3A_258 : i32
      %get3A_260 = arith.index_cast %mul3A_259 : i32 to index
      %get3A_261 = tpu.vector_load %arg5[%get3A_260] {strides = array<i32>} : memref<4096xf32, #tpu.memory_space<vmem>>, vector<16xf32>,
      %add3A_262 = arith.constant 15 : i32
      %add3A_263 = arith.addi %mul3A_172, %add3A_262 : i32
      %mul3A_264 = arith.constant 16 : i32
      %mul3A_265 = arith.muli %add3A_263, %mul3A_264 : i32
      %get3A_266 = arith.index_cast %mul3A_265 : i32 to index
      %get3A_267 = tpu.vector_load %arg5[%get3A_266] {strides = array<i32>} : memref<4096xf32, #tpu.memory_space<vmem>>, vector<16xf32>,
      %mul3A_268 = arith.constant 5.120000e+01 : f32
      %mul3A_269 = vector.broadcast %mul3A_268 : f32 to vector<16xf32>
      %mul3A_270 = arith.mulf %get3A_177, %mul3A_269 : vector<16xf32>
      %add3A_271 = arith.constant 2.565000e+02 : f32
      %add3A_272 = vector.broadcast %add3A_271 : f32 to vector<16xf32>
      %add3A_273 = arith.addf %mul3A_270, %add3A_272 : vector<16xf32>
      %max3A = arith.constant 0.000000e+00 : f32
      %max3A_274 = vector.broadcast %max3A : f32 to vector<16xf32>
      %max3A_275 = arith.maximumf %add3A_273, %max3A_274 : vector<16xf32>
      %min3A = arith.constant 5.124000e+02 : f32
      %min3A_276 = vector.broadcast %min3A : f32 to vector<16xf32>
      %min3A_277 = arith.minimumf %max3A_275, %min3A_276 : vector<16xf32>
      %convert_element_type3A_278 = arith.fptosi %min3A_277 : vector<16xf32> to vector<16xi32>
      %add3A_279 = arith.addi %mul3A_15, %convert_element_type3A_278 : vector<16xi32>
      %mul3A_280 = arith.constant 5.120000e+01 : f32
      %mul3A_281 = vector.broadcast %mul3A_280 : f32 to vector<16xf32>
      %mul3A_282 = arith.mulf %get3A_183, %mul3A_281 : vector<16xf32>
      %add3A_283 = arith.constant 2.565000e+02 : f32
      %add3A_284 = vector.broadcast %add3A_283 : f32 to vector<16xf32>
      %add3A_285 = arith.addf %mul3A_282, %add3A_284 : vector<16xf32>
      %max3A_286 = arith.constant 0.000000e+00 : f32
      %max3A_287 = vector.broadcast %max3A_286 : f32 to vector<16xf32>
      %max3A_288 = arith.maximumf %add3A_285, %max3A_287 : vector<16xf32>
      %min3A_289 = arith.constant 5.124000e+02 : f32
      %min3A_290 = vector.broadcast %min3A_289 : f32 to vector<16xf32>
      %min3A_291 = arith.minimumf %max3A_288, %min3A_290 : vector<16xf32>
      %convert_element_type3A_292 = arith.fptosi %min3A_291 : vector<16xf32> to vector<16xi32>
      %add3A_293 = arith.addi %mul3A_15, %convert_element_type3A_292 : vector<16xi32>
      %mul3A_294 = arith.constant 5.120000e+01 : f32
      %mul3A_295 = vector.broadcast %mul3A_294 : f32 to vector<16xf32>
      %mul3A_296 = arith.mulf %get3A_189, %mul3A_295 : vector<16xf32>
      %add3A_297 = arith.constant 2.565000e+02 : f32
      %add3A_298 = vector.broadcast %add3A_297 : f32 to vector<16xf32>
      %add3A_299 = arith.addf %mul3A_296, %add3A_298 : vector<16xf32>
      %max3A_300 = arith.constant 0.000000e+00 : f32
      %max3A_301 = vector.broadcast %max3A_300 : f32 to vector<16xf32>
      %max3A_302 = arith.maximumf %add3A_299, %max3A_301 : vector<16xf32>
      %min3A_303 = arith.constant 5.124000e+02 : f32
      %min3A_304 = vector.broadcast %min3A_303 : f32 to vector<16xf32>
      %min3A_305 = arith.minimumf %max3A_302, %min3A_304 : vector<16xf32>
      %convert_element_type3A_306 = arith.fptosi %min3A_305 : vector<16xf32> to vector<16xi32>
      %add3A_307 = arith.addi %mul3A_15, %convert_element_type3A_306 : vector<16xi32>
      %mul3A_308 = arith.constant 5.120000e+01 : f32
      %mul3A_309 = vector.broadcast %mul3A_308 : f32 to vector<16xf32>
      %mul3A_310 = arith.mulf %get3A_195, %mul3A_309 : vector<16xf32>
      %add3A_311 = arith.constant 2.565000e+02 : f32
      %add3A_312 = vector.broadcast %add3A_311 : f32 to vector<16xf32>
      %add3A_313 = arith.addf %mul3A_310, %add3A_312 : vector<16xf32>
      %max3A_314 = arith.constant 0.000000e+00 : f32
      %max3A_315 = vector.broadcast %max3A_314 : f32 to vector<16xf32>
      %max3A_316 = arith.maximumf %add3A_313, %max3A_315 : vector<16xf32>
      %min3A_317 = arith.constant 5.124000e+02 : f32
      %min3A_318 = vector.broadcast %min3A_317 : f32 to vector<16xf32>
      %min3A_319 = arith.minimumf %max3A_316, %min3A_318 : vector<16xf32>
      %convert_element_type3A_320 = arith.fptosi %min3A_319 : vector<16xf32> to vector<16xi32>
      %add3A_321 = arith.addi %mul3A_15, %convert_element_type3A_320 : vector<16xi32>
      %mul3A_322 = arith.constant 5.120000e+01 : f32
      %mul3A_323 = vector.broadcast %mul3A_322 : f32 to vector<16xf32>
      %mul3A_324 = arith.mulf %get3A_201, %mul3A_323 : vector<16xf32>
      %add3A_325 = arith.constant 2.565000e+02 : f32
      %add3A_326 = vector.broadcast %add3A_325 : f32 to vector<16xf32>
      %add3A_327 = arith.addf %mul3A_324, %add3A_326 : vector<16xf32>
      %max3A_328 = arith.constant 0.000000e+00 : f32
      %max3A_329 = vector.broadcast %max3A_328 : f32 to vector<16xf32>
      %max3A_330 = arith.maximumf %add3A_327, %max3A_329 : vector<16xf32>
      %min3A_331 = arith.constant 5.124000e+02 : f32
      %min3A_332 = vector.broadcast %min3A_331 : f32 to vector<16xf32>
      %min3A_333 = arith.minimumf %max3A_330, %min3A_332 : vector<16xf32>
      %convert_element_type3A_334 = arith.fptosi %min3A_333 : vector<16xf32> to vector<16xi32>
      %add3A_335 = arith.addi %mul3A_15, %convert_element_type3A_334 : vector<16xi32>
      %mul3A_336 = arith.constant 5.120000e+01 : f32
      %mul3A_337 = vector.broadcast %mul3A_336 : f32 to vector<16xf32>
      %mul3A_338 = arith.mulf %get3A_207, %mul3A_337 : vector<16xf32>
      %add3A_339 = arith.constant 2.565000e+02 : f32
      %add3A_340 = vector.broadcast %add3A_339 : f32 to vector<16xf32>
      %add3A_341 = arith.addf %mul3A_338, %add3A_340 : vector<16xf32>
      %max3A_342 = arith.constant 0.000000e+00 : f32
      %max3A_343 = vector.broadcast %max3A_342 : f32 to vector<16xf32>
      %max3A_344 = arith.maximumf %add3A_341, %max3A_343 : vector<16xf32>
      %min3A_345 = arith.constant 5.124000e+02 : f32
      %min3A_346 = vector.broadcast %min3A_345 : f32 to vector<16xf32>
      %min3A_347 = arith.minimumf %max3A_344, %min3A_346 : vector<16xf32>
      %convert_element_type3A_348 = arith.fptosi %min3A_347 : vector<16xf32> to vector<16xi32>
      %add3A_349 = arith.addi %mul3A_15, %convert_element_type3A_348 : vector<16xi32>
      %mul3A_350 = arith.constant 5.120000e+01 : f32
      %mul3A_351 = vector.broadcast %mul3A_350 : f32 to vector<16xf32>
      %mul3A_352 = arith.mulf %get3A_213, %mul3A_351 : vector<16xf32>
      %add3A_353 = arith.constant 2.565000e+02 : f32
      %add3A_354 = vector.broadcast %add3A_353 : f32 to vector<16xf32>
      %add3A_355 = arith.addf %mul3A_352, %add3A_354 : vector<16xf32>
      %max3A_356 = arith.constant 0.000000e+00 : f32
      %max3A_357 = vector.broadcast %max3A_356 : f32 to vector<16xf32>
      %max3A_358 = arith.maximumf %add3A_355, %max3A_357 : vector<16xf32>
      %min3A_359 = arith.constant 5.124000e+02 : f32
      %min3A_360 = vector.broadcast %min3A_359 : f32 to vector<16xf32>
      %min3A_361 = arith.minimumf %max3A_358, %min3A_360 : vector<16xf32>
      %convert_element_type3A_362 = arith.fptosi %min3A_361 : vector<16xf32> to vector<16xi32>
      %add3A_363 = arith.addi %mul3A_15, %convert_element_type3A_362 : vector<16xi32>
      %mul3A_364 = arith.constant 5.120000e+01 : f32
      %mul3A_365 = vector.broadcast %mul3A_364 : f32 to vector<16xf32>
      %mul3A_366 = arith.mulf %get3A_219, %mul3A_365 : vector<16xf32>
      %add3A_367 = arith.constant 2.565000e+02 : f32
      %add3A_368 = vector.broadcast %add3A_367 : f32 to vector<16xf32>
      %add3A_369 = arith.addf %mul3A_366, %add3A_368 : vector<16xf32>
      %max3A_370 = arith.constant 0.000000e+00 : f32
      %max3A_371 = vector.broadcast %max3A_370 : f32 to vector<16xf32>
      %max3A_372 = arith.maximumf %add3A_369, %max3A_371 : vector<16xf32>
      %min3A_373 = arith.constant 5.124000e+02 : f32
      %min3A_374 = vector.broadcast %min3A_373 : f32 to vector<16xf32>
      %min3A_375 = arith.minimumf %max3A_372, %min3A_374 : vector<16xf32>
      %convert_element_type3A_376 = arith.fptosi %min3A_375 : vector<16xf32> to vector<16xi32>
      %add3A_377 = arith.addi %mul3A_15, %convert_element_type3A_376 : vector<16xi32>
      %mul3A_378 = arith.constant 5.120000e+01 : f32
      %mul3A_379 = vector.broadcast %mul3A_378 : f32 to vector<16xf32>
      %mul3A_380 = arith.mulf %get3A_225, %mul3A_379 : vector<16xf32>
      %add3A_381 = arith.constant 2.565000e+02 : f32
      %add3A_382 = vector.broadcast %add3A_381 : f32 to vector<16xf32>
      %add3A_383 = arith.addf %mul3A_380, %add3A_382 : vector<16xf32>
      %max3A_384 = arith.constant 0.000000e+00 : f32
      %max3A_385 = vector.broadcast %max3A_384 : f32 to vector<16xf32>
      %max3A_386 = arith.maximumf %add3A_383, %max3A_385 : vector<16xf32>
      %min3A_387 = arith.constant 5.124000e+02 : f32
      %min3A_388 = vector.broadcast %min3A_387 : f32 to vector<16xf32>
      %min3A_389 = arith.minimumf %max3A_386, %min3A_388 : vector<16xf32>
      %convert_element_type3A_390 = arith.fptosi %min3A_389 : vector<16xf32> to vector<16xi32>
      %add3A_391 = arith.addi %mul3A_15, %convert_element_type3A_390 : vector<16xi32>
      %mul3A_392 = arith.constant 5.120000e+01 : f32
      %mul3A_393 = vector.broadcast %mul3A_392 : f32 to vector<16xf32>
      %mul3A_394 = arith.mulf %get3A_231, %mul3A_393 : vector<16xf32>
      %add3A_395 = arith.constant 2.565000e+02 : f32
      %add3A_396 = vector.broadcast %add3A_395 : f32 to vector<16xf32>
      %add3A_397 = arith.addf %mul3A_394, %add3A_396 : vector<16xf32>
      %max3A_398 = arith.constant 0.000000e+00 : f32
      %max3A_399 = vector.broadcast %max3A_398 : f32 to vector<16xf32>
      %max3A_400 = arith.maximumf %add3A_397, %max3A_399 : vector<16xf32>
      %min3A_401 = arith.constant 5.124000e+02 : f32
      %min3A_402 = vector.broadcast %min3A_401 : f32 to vector<16xf32>
      %min3A_403 = arith.minimumf %max3A_400, %min3A_402 : vector<16xf32>
      %convert_element_type3A_404 = arith.fptosi %min3A_403 : vector<16xf32> to vector<16xi32>
      %add3A_405 = arith.addi %mul3A_15, %convert_element_type3A_404 : vector<16xi32>
      %mul3A_406 = arith.constant 5.120000e+01 : f32
      %mul3A_407 = vector.broadcast %mul3A_406 : f32 to vector<16xf32>
      %mul3A_408 = arith.mulf %get3A_237, %mul3A_407 : vector<16xf32>
      %add3A_409 = arith.constant 2.565000e+02 : f32
      %add3A_410 = vector.broadcast %add3A_409 : f32 to vector<16xf32>
      %add3A_411 = arith.addf %mul3A_408, %add3A_410 : vector<16xf32>
      %max3A_412 = arith.constant 0.000000e+00 : f32
      %max3A_413 = vector.broadcast %max3A_412 : f32 to vector<16xf32>
      %max3A_414 = arith.maximumf %add3A_411, %max3A_413 : vector<16xf32>
      %min3A_415 = arith.constant 5.124000e+02 : f32
      %min3A_416 = vector.broadcast %min3A_415 : f32 to vector<16xf32>
      %min3A_417 = arith.minimumf %max3A_414, %min3A_416 : vector<16xf32>
      %convert_element_type3A_418 = arith.fptosi %min3A_417 : vector<16xf32> to vector<16xi32>
      %add3A_419 = arith.addi %mul3A_15, %convert_element_type3A_418 : vector<16xi32>
      %mul3A_420 = arith.constant 5.120000e+01 : f32
      %mul3A_421 = vector.broadcast %mul3A_420 : f32 to vector<16xf32>
      %mul3A_422 = arith.mulf %get3A_243, %mul3A_421 : vector<16xf32>
      %add3A_423 = arith.constant 2.565000e+02 : f32
      %add3A_424 = vector.broadcast %add3A_423 : f32 to vector<16xf32>
      %add3A_425 = arith.addf %mul3A_422, %add3A_424 : vector<16xf32>
      %max3A_426 = arith.constant 0.000000e+00 : f32
      %max3A_427 = vector.broadcast %max3A_426 : f32 to vector<16xf32>
      %max3A_428 = arith.maximumf %add3A_425, %max3A_427 : vector<16xf32>
      %min3A_429 = arith.constant 5.124000e+02 : f32
      %min3A_430 = vector.broadcast %min3A_429 : f32 to vector<16xf32>
      %min3A_431 = arith.minimumf %max3A_428, %min3A_430 : vector<16xf32>
      %convert_element_type3A_432 = arith.fptosi %min3A_431 : vector<16xf32> to vector<16xi32>
      %add3A_433 = arith.addi %mul3A_15, %convert_element_type3A_432 : vector<16xi32>
      %mul3A_434 = arith.constant 5.120000e+01 : f32
      %mul3A_435 = vector.broadcast %mul3A_434 : f32 to vector<16xf32>
      %mul3A_436 = arith.mulf %get3A_249, %mul3A_435 : vector<16xf32>
      %add3A_437 = arith.constant 2.565000e+02 : f32
      %add3A_438 = vector.broadcast %add3A_437 : f32 to vector<16xf32>
      %add3A_439 = arith.addf %mul3A_436, %add3A_438 : vector<16xf32>
      %max3A_440 = arith.constant 0.000000e+00 : f32
      %max3A_441 = vector.broadcast %max3A_440 : f32 to vector<16xf32>
      %max3A_442 = arith.maximumf %add3A_439, %max3A_441 : vector<16xf32>
      %min3A_443 = arith.constant 5.124000e+02 : f32
      %min3A_444 = vector.broadcast %min3A_443 : f32 to vector<16xf32>
      %min3A_445 = arith.minimumf %max3A_442, %min3A_444 : vector<16xf32>
      %convert_element_type3A_446 = arith.fptosi %min3A_445 : vector<16xf32> to vector<16xi32>
      %add3A_447 = arith.addi %mul3A_15, %convert_element_type3A_446 : vector<16xi32>
      %mul3A_448 = arith.constant 5.120000e+01 : f32
      %mul3A_449 = vector.broadcast %mul3A_448 : f32 to vector<16xf32>
      %mul3A_450 = arith.mulf %get3A_255, %mul3A_449 : vector<16xf32>
      %add3A_451 = arith.constant 2.565000e+02 : f32
      %add3A_452 = vector.broadcast %add3A_451 : f32 to vector<16xf32>
      %add3A_453 = arith.addf %mul3A_450, %add3A_452 : vector<16xf32>
      %max3A_454 = arith.constant 0.000000e+00 : f32
      %max3A_455 = vector.broadcast %max3A_454 : f32 to vector<16xf32>
      %max3A_456 = arith.maximumf %add3A_453, %max3A_455 : vector<16xf32>
      %min3A_457 = arith.constant 5.124000e+02 : f32
      %min3A_458 = vector.broadcast %min3A_457 : f32 to vector<16xf32>
      %min3A_459 = arith.minimumf %max3A_456, %min3A_458 : vector<16xf32>
      %convert_element_type3A_460 = arith.fptosi %min3A_459 : vector<16xf32> to vector<16xi32>
      %add3A_461 = arith.addi %mul3A_15, %convert_element_type3A_460 : vector<16xi32>
      %mul3A_462 = arith.constant 5.120000e+01 : f32
      %mul3A_463 = vector.broadcast %mul3A_462 : f32 to vector<16xf32>
      %mul3A_464 = arith.mulf %get3A_261, %mul3A_463 : vector<16xf32>
      %add3A_465 = arith.constant 2.565000e+02 : f32
      %add3A_466 = vector.broadcast %add3A_465 : f32 to vector<16xf32>
      %add3A_467 = arith.addf %mul3A_464, %add3A_466 : vector<16xf32>
      %max3A_468 = arith.constant 0.000000e+00 : f32
      %max3A_469 = vector.broadcast %max3A_468 : f32 to vector<16xf32>
      %max3A_470 = arith.maximumf %add3A_467, %max3A_469 : vector<16xf32>
      %min3A_471 = arith.constant 5.124000e+02 : f32
      %min3A_472 = vector.broadcast %min3A_471 : f32 to vector<16xf32>
      %min3A_473 = arith.minimumf %max3A_470, %min3A_472 : vector<16xf32>
      %convert_element_type3A_474 = arith.fptosi %min3A_473 : vector<16xf32> to vector<16xi32>
      %add3A_475 = arith.addi %mul3A_15, %convert_element_type3A_474 : vector<16xi32>
      %mul3A_476 = arith.constant 5.120000e+01 : f32
      %mul3A_477 = vector.broadcast %mul3A_476 : f32 to vector<16xf32>
      %mul3A_478 = arith.mulf %get3A_267, %mul3A_477 : vector<16xf32>
      %add3A_479 = arith.constant 2.565000e+02 : f32
      %add3A_480 = vector.broadcast %add3A_479 : f32 to vector<16xf32>
      %add3A_481 = arith.addf %mul3A_478, %add3A_480 : vector<16xf32>
      %max3A_482 = arith.constant 0.000000e+00 : f32
      %max3A_483 = vector.broadcast %max3A_482 : f32 to vector<16xf32>
      %max3A_484 = arith.maximumf %add3A_481, %max3A_483 : vector<16xf32>
      %min3A_485 = arith.constant 5.124000e+02 : f32
      %min3A_486 = vector.broadcast %min3A_485 : f32 to vector<16xf32>
      %min3A_487 = arith.minimumf %max3A_484, %min3A_486 : vector<16xf32>
      %convert_element_type3A_488 = arith.fptosi %min3A_487 : vector<16xf32> to vector<16xi32>
      %add3A_489 = arith.addi %mul3A_15, %convert_element_type3A_488 : vector<16xi32>
      tpu.vector_store_idx %arg6[%add3A_279], %broadcast_in_dim3A_17 {add = true} : memref<8448xf32, #tpu.memory_space<vmem>>[vector<16xi32>], vector<16xf32>,
      tpu.vector_store_idx %arg6[%add3A_293], %broadcast_in_dim3A_17 {add = true} : memref<8448xf32, #tpu.memory_space<vmem>>[vector<16xi32>], vector<16xf32>,
      tpu.vector_store_idx %arg6[%add3A_307], %broadcast_in_dim3A_17 {add = true} : memref<8448xf32, #tpu.memory_space<vmem>>[vector<16xi32>], vector<16xf32>,
      tpu.vector_store_idx %arg6[%add3A_321], %broadcast_in_dim3A_17 {add = true} : memref<8448xf32, #tpu.memory_space<vmem>>[vector<16xi32>], vector<16xf32>,
      tpu.vector_store_idx %arg6[%add3A_335], %broadcast_in_dim3A_17 {add = true} : memref<8448xf32, #tpu.memory_space<vmem>>[vector<16xi32>], vector<16xf32>,
      tpu.vector_store_idx %arg6[%add3A_349], %broadcast_in_dim3A_17 {add = true} : memref<8448xf32, #tpu.memory_space<vmem>>[vector<16xi32>], vector<16xf32>,
      tpu.vector_store_idx %arg6[%add3A_363], %broadcast_in_dim3A_17 {add = true} : memref<8448xf32, #tpu.memory_space<vmem>>[vector<16xi32>], vector<16xf32>,
      tpu.vector_store_idx %arg6[%add3A_377], %broadcast_in_dim3A_17 {add = true} : memref<8448xf32, #tpu.memory_space<vmem>>[vector<16xi32>], vector<16xf32>,
      tpu.vector_store_idx %arg6[%add3A_391], %broadcast_in_dim3A_17 {add = true} : memref<8448xf32, #tpu.memory_space<vmem>>[vector<16xi32>], vector<16xf32>,
      tpu.vector_store_idx %arg6[%add3A_405], %broadcast_in_dim3A_17 {add = true} : memref<8448xf32, #tpu.memory_space<vmem>>[vector<16xi32>], vector<16xf32>,
      tpu.vector_store_idx %arg6[%add3A_419], %broadcast_in_dim3A_17 {add = true} : memref<8448xf32, #tpu.memory_space<vmem>>[vector<16xi32>], vector<16xf32>,
      tpu.vector_store_idx %arg6[%add3A_433], %broadcast_in_dim3A_17 {add = true} : memref<8448xf32, #tpu.memory_space<vmem>>[vector<16xi32>], vector<16xf32>,
      tpu.vector_store_idx %arg6[%add3A_447], %broadcast_in_dim3A_17 {add = true} : memref<8448xf32, #tpu.memory_space<vmem>>[vector<16xi32>], vector<16xf32>,
      tpu.vector_store_idx %arg6[%add3A_461], %broadcast_in_dim3A_17 {add = true} : memref<8448xf32, #tpu.memory_space<vmem>>[vector<16xi32>], vector<16xf32>,
      tpu.vector_store_idx %arg6[%add3A_475], %broadcast_in_dim3A_17 {add = true} : memref<8448xf32, #tpu.memory_space<vmem>>[vector<16xi32>], vector<16xf32>,
      tpu.vector_store_idx %arg6[%add3A_489], %broadcast_in_dim3A_17 {add = true} : memref<8448xf32, #tpu.memory_space<vmem>>[vector<16xi32>], vector<16xf32>,
    }
    %scan3A_54 = arith.constant 16 : i32
    %add3A_55 = arith.constant 12288 : i32
    %add3A_56 = arith.addi %mul3A_2, %add3A_55 : i32
    %dma_start3A_57 = arith.constant 0 : i32
    %dma_start3A_58 = tpu.memref_slice %arg2[%dma_start3A_57, %add3A_56] : memref<6x1000000xf32, #tpu.memory_space<hbm>> -> memref<1x4096xf32, #tpu.memory_space<hbm>>
    %dma_start3A_59 = tpu.memref_squeeze %dma_start3A_58 : memref<1x4096xf32, #tpu.memory_space<hbm>> -> memref<4096xf32, #tpu.memory_space<hbm>>
    %dma_start3A_60 = tpu.memref_slice %arg2[%dma_start3A_57, %add3A_56] : memref<6x1000000xf32, #tpu.memory_space<hbm>> -> memref<1x4096xf32, #tpu.memory_space<hbm>>
    %dma_start3A_61 = tpu.memref_squeeze %dma_start3A_60 : memref<1x4096xf32, #tpu.memory_space<hbm>> -> memref<4096xf32, #tpu.memory_space<hbm>>
    tpu.enqueue_dma source(%dma_start3A_61 : memref<4096xf32, #tpu.memory_space<hbm>>) target(%arg5 : memref<4096xf32, #tpu.memory_space<vmem>>) target_semaphore(%arg10 : memref<!tpu.dma_semaphore, #tpu.memory_space<semaphore_mem>>)
    %dma_wait3A_62 = arith.constant 0 : i32
    %dma_wait3A_63 = tpu.memref_slice %arg2[%dma_wait3A_62, %add3A_38] : memref<6x1000000xf32, #tpu.memory_space<hbm>> -> memref<1x4096xf32, #tpu.memory_space<hbm>>
    %dma_wait3A_64 = tpu.memref_squeeze %dma_wait3A_63 : memref<1x4096xf32, #tpu.memory_space<hbm>> -> memref<4096xf32, #tpu.memory_space<hbm>>
    %dma_wait3A_65 = tpu.memref_slice %arg2[%dma_wait3A_62, %add3A_38] : memref<6x1000000xf32, #tpu.memory_space<hbm>> -> memref<1x4096xf32, #tpu.memory_space<hbm>>
    %dma_wait3A_66 = tpu.memref_squeeze %dma_wait3A_65 : memref<1x4096xf32, #tpu.memory_space<hbm>> -> memref<4096xf32, #tpu.memory_space<hbm>>
    tpu.wait_dma2 semaphore(%arg9 : memref<!tpu.dma_semaphore, #tpu.memory_space<semaphore_mem>>) src(%dma_wait3A_66 : memref<4096xf32, #tpu.memory_space<hbm>>) dst(%arg4 : memref<4096xf32, #tpu.memory_space<vmem>>)
    %scan3A_67 = arith.constant 0 : i32
    %scan3A_68 = arith.constant 0 : i32
    %scan3A_69 = arith.constant 16 : i32
    %scan3A_70 = arith.addi %scan3A_68, %scan3A_69 : i32
    %scan3A_71 = arith.constant 1 : i32
    scf.for %scan3A_170 = %scan3A_68 to %scan3A_70 step %scan3A_71  : i32 {
      %mul3A_171 = arith.constant 16 : i32
      %mul3A_172 = arith.muli %scan3A_170, %mul3A_171 : i32
      %add3A_173 = arith.constant 0 : i32
      %add3A_174 = arith.addi %mul3A_172, %add3A_173 : i32
      %mul3A_175 = arith.constant 16 : i32
      %mul3A_176 = arith.muli %add3A_174, %mul3A_175 : i32
      %get3A = arith.index_cast %mul3A_176 : i32 to index
      %get3A_177 = tpu.vector_load %arg4[%get3A] {strides = array<i32>} : memref<4096xf32, #tpu.memory_space<vmem>>, vector<16xf32>,
      %add3A_178 = arith.constant 1 : i32
      %add3A_179 = arith.addi %mul3A_172, %add3A_178 : i32
      %mul3A_180 = arith.constant 16 : i32
      %mul3A_181 = arith.muli %add3A_179, %mul3A_180 : i32
      %get3A_182 = arith.index_cast %mul3A_181 : i32 to index
      %get3A_183 = tpu.vector_load %arg4[%get3A_182] {strides = array<i32>} : memref<4096xf32, #tpu.memory_space<vmem>>, vector<16xf32>,
      %add3A_184 = arith.constant 2 : i32
      %add3A_185 = arith.addi %mul3A_172, %add3A_184 : i32
      %mul3A_186 = arith.constant 16 : i32
      %mul3A_187 = arith.muli %add3A_185, %mul3A_186 : i32
      %get3A_188 = arith.index_cast %mul3A_187 : i32 to index
      %get3A_189 = tpu.vector_load %arg4[%get3A_188] {strides = array<i32>} : memref<4096xf32, #tpu.memory_space<vmem>>, vector<16xf32>,
      %add3A_190 = arith.constant 3 : i32
      %add3A_191 = arith.addi %mul3A_172, %add3A_190 : i32
      %mul3A_192 = arith.constant 16 : i32
      %mul3A_193 = arith.muli %add3A_191, %mul3A_192 : i32
      %get3A_194 = arith.index_cast %mul3A_193 : i32 to index
      %get3A_195 = tpu.vector_load %arg4[%get3A_194] {strides = array<i32>} : memref<4096xf32, #tpu.memory_space<vmem>>, vector<16xf32>,
      %add3A_196 = arith.constant 4 : i32
      %add3A_197 = arith.addi %mul3A_172, %add3A_196 : i32
      %mul3A_198 = arith.constant 16 : i32
      %mul3A_199 = arith.muli %add3A_197, %mul3A_198 : i32
      %get3A_200 = arith.index_cast %mul3A_199 : i32 to index
      %get3A_201 = tpu.vector_load %arg4[%get3A_200] {strides = array<i32>} : memref<4096xf32, #tpu.memory_space<vmem>>, vector<16xf32>,
      %add3A_202 = arith.constant 5 : i32
      %add3A_203 = arith.addi %mul3A_172, %add3A_202 : i32
      %mul3A_204 = arith.constant 16 : i32
      %mul3A_205 = arith.muli %add3A_203, %mul3A_204 : i32
      %get3A_206 = arith.index_cast %mul3A_205 : i32 to index
      %get3A_207 = tpu.vector_load %arg4[%get3A_206] {strides = array<i32>} : memref<4096xf32, #tpu.memory_space<vmem>>, vector<16xf32>,
      %add3A_208 = arith.constant 6 : i32
      %add3A_209 = arith.addi %mul3A_172, %add3A_208 : i32
      %mul3A_210 = arith.constant 16 : i32
      %mul3A_211 = arith.muli %add3A_209, %mul3A_210 : i32
      %get3A_212 = arith.index_cast %mul3A_211 : i32 to index
      %get3A_213 = tpu.vector_load %arg4[%get3A_212] {strides = array<i32>} : memref<4096xf32, #tpu.memory_space<vmem>>, vector<16xf32>,
      %add3A_214 = arith.constant 7 : i32
      %add3A_215 = arith.addi %mul3A_172, %add3A_214 : i32
      %mul3A_216 = arith.constant 16 : i32
      %mul3A_217 = arith.muli %add3A_215, %mul3A_216 : i32
      %get3A_218 = arith.index_cast %mul3A_217 : i32 to index
      %get3A_219 = tpu.vector_load %arg4[%get3A_218] {strides = array<i32>} : memref<4096xf32, #tpu.memory_space<vmem>>, vector<16xf32>,
      %add3A_220 = arith.constant 8 : i32
      %add3A_221 = arith.addi %mul3A_172, %add3A_220 : i32
      %mul3A_222 = arith.constant 16 : i32
      %mul3A_223 = arith.muli %add3A_221, %mul3A_222 : i32
      %get3A_224 = arith.index_cast %mul3A_223 : i32 to index
      %get3A_225 = tpu.vector_load %arg4[%get3A_224] {strides = array<i32>} : memref<4096xf32, #tpu.memory_space<vmem>>, vector<16xf32>,
      %add3A_226 = arith.constant 9 : i32
      %add3A_227 = arith.addi %mul3A_172, %add3A_226 : i32
      %mul3A_228 = arith.constant 16 : i32
      %mul3A_229 = arith.muli %add3A_227, %mul3A_228 : i32
      %get3A_230 = arith.index_cast %mul3A_229 : i32 to index
      %get3A_231 = tpu.vector_load %arg4[%get3A_230] {strides = array<i32>} : memref<4096xf32, #tpu.memory_space<vmem>>, vector<16xf32>,
      %add3A_232 = arith.constant 10 : i32
      %add3A_233 = arith.addi %mul3A_172, %add3A_232 : i32
      %mul3A_234 = arith.constant 16 : i32
      %mul3A_235 = arith.muli %add3A_233, %mul3A_234 : i32
      %get3A_236 = arith.index_cast %mul3A_235 : i32 to index
      %get3A_237 = tpu.vector_load %arg4[%get3A_236] {strides = array<i32>} : memref<4096xf32, #tpu.memory_space<vmem>>, vector<16xf32>,
      %add3A_238 = arith.constant 11 : i32
      %add3A_239 = arith.addi %mul3A_172, %add3A_238 : i32
      %mul3A_240 = arith.constant 16 : i32
      %mul3A_241 = arith.muli %add3A_239, %mul3A_240 : i32
      %get3A_242 = arith.index_cast %mul3A_241 : i32 to index
      %get3A_243 = tpu.vector_load %arg4[%get3A_242] {strides = array<i32>} : memref<4096xf32, #tpu.memory_space<vmem>>, vector<16xf32>,
      %add3A_244 = arith.constant 12 : i32
      %add3A_245 = arith.addi %mul3A_172, %add3A_244 : i32
      %mul3A_246 = arith.constant 16 : i32
      %mul3A_247 = arith.muli %add3A_245, %mul3A_246 : i32
      %get3A_248 = arith.index_cast %mul3A_247 : i32 to index
      %get3A_249 = tpu.vector_load %arg4[%get3A_248] {strides = array<i32>} : memref<4096xf32, #tpu.memory_space<vmem>>, vector<16xf32>,
      %add3A_250 = arith.constant 13 : i32
      %add3A_251 = arith.addi %mul3A_172, %add3A_250 : i32
      %mul3A_252 = arith.constant 16 : i32
      %mul3A_253 = arith.muli %add3A_251, %mul3A_252 : i32
      %get3A_254 = arith.index_cast %mul3A_253 : i32 to index
      %get3A_255 = tpu.vector_load %arg4[%get3A_254] {strides = array<i32>} : memref<4096xf32, #tpu.memory_space<vmem>>, vector<16xf32>,
      %add3A_256 = arith.constant 14 : i32
      %add3A_257 = arith.addi %mul3A_172, %add3A_256 : i32
      %mul3A_258 = arith.constant 16 : i32
      %mul3A_259 = arith.muli %add3A_257, %mul3A_258 : i32
      %get3A_260 = arith.index_cast %mul3A_259 : i32 to index
      %get3A_261 = tpu.vector_load %arg4[%get3A_260] {strides = array<i32>} : memref<4096xf32, #tpu.memory_space<vmem>>, vector<16xf32>,
      %add3A_262 = arith.constant 15 : i32
      %add3A_263 = arith.addi %mul3A_172, %add3A_262 : i32
      %mul3A_264 = arith.constant 16 : i32
      %mul3A_265 = arith.muli %add3A_263, %mul3A_264 : i32
      %get3A_266 = arith.index_cast %mul3A_265 : i32 to index
      %get3A_267 = tpu.vector_load %arg4[%get3A_266] {strides = array<i32>} : memref<4096xf32, #tpu.memory_space<vmem>>, vector<16xf32>,
      %mul3A_268 = arith.constant 5.120000e+01 : f32
      %mul3A_269 = vector.broadcast %mul3A_268 : f32 to vector<16xf32>
      %mul3A_270 = arith.mulf %get3A_177, %mul3A_269 : vector<16xf32>
      %add3A_271 = arith.constant 2.565000e+02 : f32
      %add3A_272 = vector.broadcast %add3A_271 : f32 to vector<16xf32>
      %add3A_273 = arith.addf %mul3A_270, %add3A_272 : vector<16xf32>
      %max3A = arith.constant 0.000000e+00 : f32
      %max3A_274 = vector.broadcast %max3A : f32 to vector<16xf32>
      %max3A_275 = arith.maximumf %add3A_273, %max3A_274 : vector<16xf32>
      %min3A = arith.constant 5.124000e+02 : f32
      %min3A_276 = vector.broadcast %min3A : f32 to vector<16xf32>
      %min3A_277 = arith.minimumf %max3A_275, %min3A_276 : vector<16xf32>
      %convert_element_type3A_278 = arith.fptosi %min3A_277 : vector<16xf32> to vector<16xi32>
      %add3A_279 = arith.addi %mul3A_15, %convert_element_type3A_278 : vector<16xi32>
      %mul3A_280 = arith.constant 5.120000e+01 : f32
      %mul3A_281 = vector.broadcast %mul3A_280 : f32 to vector<16xf32>
      %mul3A_282 = arith.mulf %get3A_183, %mul3A_281 : vector<16xf32>
      %add3A_283 = arith.constant 2.565000e+02 : f32
      %add3A_284 = vector.broadcast %add3A_283 : f32 to vector<16xf32>
      %add3A_285 = arith.addf %mul3A_282, %add3A_284 : vector<16xf32>
      %max3A_286 = arith.constant 0.000000e+00 : f32
      %max3A_287 = vector.broadcast %max3A_286 : f32 to vector<16xf32>
      %max3A_288 = arith.maximumf %add3A_285, %max3A_287 : vector<16xf32>
      %min3A_289 = arith.constant 5.124000e+02 : f32
      %min3A_290 = vector.broadcast %min3A_289 : f32 to vector<16xf32>
      %min3A_291 = arith.minimumf %max3A_288, %min3A_290 : vector<16xf32>
      %convert_element_type3A_292 = arith.fptosi %min3A_291 : vector<16xf32> to vector<16xi32>
      %add3A_293 = arith.addi %mul3A_15, %convert_element_type3A_292 : vector<16xi32>
      %mul3A_294 = arith.constant 5.120000e+01 : f32
      %mul3A_295 = vector.broadcast %mul3A_294 : f32 to vector<16xf32>
      %mul3A_296 = arith.mulf %get3A_189, %mul3A_295 : vector<16xf32>
      %add3A_297 = arith.constant 2.565000e+02 : f32
      %add3A_298 = vector.broadcast %add3A_297 : f32 to vector<16xf32>
      %add3A_299 = arith.addf %mul3A_296, %add3A_298 : vector<16xf32>
      %max3A_300 = arith.constant 0.000000e+00 : f32
      %max3A_301 = vector.broadcast %max3A_300 : f32 to vector<16xf32>
      %max3A_302 = arith.maximumf %add3A_299, %max3A_301 : vector<16xf32>
      %min3A_303 = arith.constant 5.124000e+02 : f32
      %min3A_304 = vector.broadcast %min3A_303 : f32 to vector<16xf32>
      %min3A_305 = arith.minimumf %max3A_302, %min3A_304 : vector<16xf32>
      %convert_element_type3A_306 = arith.fptosi %min3A_305 : vector<16xf32> to vector<16xi32>
      %add3A_307 = arith.addi %mul3A_15, %convert_element_type3A_306 : vector<16xi32>
      %mul3A_308 = arith.constant 5.120000e+01 : f32
      %mul3A_309 = vector.broadcast %mul3A_308 : f32 to vector<16xf32>
      %mul3A_310 = arith.mulf %get3A_195, %mul3A_309 : vector<16xf32>
      %add3A_311 = arith.constant 2.565000e+02 : f32
      %add3A_312 = vector.broadcast %add3A_311 : f32 to vector<16xf32>
      %add3A_313 = arith.addf %mul3A_310, %add3A_312 : vector<16xf32>
      %max3A_314 = arith.constant 0.000000e+00 : f32
      %max3A_315 = vector.broadcast %max3A_314 : f32 to vector<16xf32>
      %max3A_316 = arith.maximumf %add3A_313, %max3A_315 : vector<16xf32>
      %min3A_317 = arith.constant 5.124000e+02 : f32
      %min3A_318 = vector.broadcast %min3A_317 : f32 to vector<16xf32>
      %min3A_319 = arith.minimumf %max3A_316, %min3A_318 : vector<16xf32>
      %convert_element_type3A_320 = arith.fptosi %min3A_319 : vector<16xf32> to vector<16xi32>
      %add3A_321 = arith.addi %mul3A_15, %convert_element_type3A_320 : vector<16xi32>
      %mul3A_322 = arith.constant 5.120000e+01 : f32
      %mul3A_323 = vector.broadcast %mul3A_322 : f32 to vector<16xf32>
      %mul3A_324 = arith.mulf %get3A_201, %mul3A_323 : vector<16xf32>
      %add3A_325 = arith.constant 2.565000e+02 : f32
      %add3A_326 = vector.broadcast %add3A_325 : f32 to vector<16xf32>
      %add3A_327 = arith.addf %mul3A_324, %add3A_326 : vector<16xf32>
      %max3A_328 = arith.constant 0.000000e+00 : f32
      %max3A_329 = vector.broadcast %max3A_328 : f32 to vector<16xf32>
      %max3A_330 = arith.maximumf %add3A_327, %max3A_329 : vector<16xf32>
      %min3A_331 = arith.constant 5.124000e+02 : f32
      %min3A_332 = vector.broadcast %min3A_331 : f32 to vector<16xf32>
      %min3A_333 = arith.minimumf %max3A_330, %min3A_332 : vector<16xf32>
      %convert_element_type3A_334 = arith.fptosi %min3A_333 : vector<16xf32> to vector<16xi32>
      %add3A_335 = arith.addi %mul3A_15, %convert_element_type3A_334 : vector<16xi32>
      %mul3A_336 = arith.constant 5.120000e+01 : f32
      %mul3A_337 = vector.broadcast %mul3A_336 : f32 to vector<16xf32>
      %mul3A_338 = arith.mulf %get3A_207, %mul3A_337 : vector<16xf32>
      %add3A_339 = arith.constant 2.565000e+02 : f32
      %add3A_340 = vector.broadcast %add3A_339 : f32 to vector<16xf32>
      %add3A_341 = arith.addf %mul3A_338, %add3A_340 : vector<16xf32>
      %max3A_342 = arith.constant 0.000000e+00 : f32
      %max3A_343 = vector.broadcast %max3A_342 : f32 to vector<16xf32>
      %max3A_344 = arith.maximumf %add3A_341, %max3A_343 : vector<16xf32>
      %min3A_345 = arith.constant 5.124000e+02 : f32
      %min3A_346 = vector.broadcast %min3A_345 : f32 to vector<16xf32>
      %min3A_347 = arith.minimumf %max3A_344, %min3A_346 : vector<16xf32>
      %convert_element_type3A_348 = arith.fptosi %min3A_347 : vector<16xf32> to vector<16xi32>
      %add3A_349 = arith.addi %mul3A_15, %convert_element_type3A_348 : vector<16xi32>
      %mul3A_350 = arith.constant 5.120000e+01 : f32
      %mul3A_351 = vector.broadcast %mul3A_350 : f32 to vector<16xf32>
      %mul3A_352 = arith.mulf %get3A_213, %mul3A_351 : vector<16xf32>
      %add3A_353 = arith.constant 2.565000e+02 : f32
      %add3A_354 = vector.broadcast %add3A_353 : f32 to vector<16xf32>
      %add3A_355 = arith.addf %mul3A_352, %add3A_354 : vector<16xf32>
      %max3A_356 = arith.constant 0.000000e+00 : f32
      %max3A_357 = vector.broadcast %max3A_356 : f32 to vector<16xf32>
      %max3A_358 = arith.maximumf %add3A_355, %max3A_357 : vector<16xf32>
      %min3A_359 = arith.constant 5.124000e+02 : f32
      %min3A_360 = vector.broadcast %min3A_359 : f32 to vector<16xf32>
      %min3A_361 = arith.minimumf %max3A_358, %min3A_360 : vector<16xf32>
      %convert_element_type3A_362 = arith.fptosi %min3A_361 : vector<16xf32> to vector<16xi32>
      %add3A_363 = arith.addi %mul3A_15, %convert_element_type3A_362 : vector<16xi32>
      %mul3A_364 = arith.constant 5.120000e+01 : f32
      %mul3A_365 = vector.broadcast %mul3A_364 : f32 to vector<16xf32>
      %mul3A_366 = arith.mulf %get3A_219, %mul3A_365 : vector<16xf32>
      %add3A_367 = arith.constant 2.565000e+02 : f32
      %add3A_368 = vector.broadcast %add3A_367 : f32 to vector<16xf32>
      %add3A_369 = arith.addf %mul3A_366, %add3A_368 : vector<16xf32>
      %max3A_370 = arith.constant 0.000000e+00 : f32
      %max3A_371 = vector.broadcast %max3A_370 : f32 to vector<16xf32>
      %max3A_372 = arith.maximumf %add3A_369, %max3A_371 : vector<16xf32>
      %min3A_373 = arith.constant 5.124000e+02 : f32
      %min3A_374 = vector.broadcast %min3A_373 : f32 to vector<16xf32>
      %min3A_375 = arith.minimumf %max3A_372, %min3A_374 : vector<16xf32>
      %convert_element_type3A_376 = arith.fptosi %min3A_375 : vector<16xf32> to vector<16xi32>
      %add3A_377 = arith.addi %mul3A_15, %convert_element_type3A_376 : vector<16xi32>
      %mul3A_378 = arith.constant 5.120000e+01 : f32
      %mul3A_379 = vector.broadcast %mul3A_378 : f32 to vector<16xf32>
      %mul3A_380 = arith.mulf %get3A_225, %mul3A_379 : vector<16xf32>
      %add3A_381 = arith.constant 2.565000e+02 : f32
      %add3A_382 = vector.broadcast %add3A_381 : f32 to vector<16xf32>
      %add3A_383 = arith.addf %mul3A_380, %add3A_382 : vector<16xf32>
      %max3A_384 = arith.constant 0.000000e+00 : f32
      %max3A_385 = vector.broadcast %max3A_384 : f32 to vector<16xf32>
      %max3A_386 = arith.maximumf %add3A_383, %max3A_385 : vector<16xf32>
      %min3A_387 = arith.constant 5.124000e+02 : f32
      %min3A_388 = vector.broadcast %min3A_387 : f32 to vector<16xf32>
      %min3A_389 = arith.minimumf %max3A_386, %min3A_388 : vector<16xf32>
      %convert_element_type3A_390 = arith.fptosi %min3A_389 : vector<16xf32> to vector<16xi32>
      %add3A_391 = arith.addi %mul3A_15, %convert_element_type3A_390 : vector<16xi32>
      %mul3A_392 = arith.constant 5.120000e+01 : f32
      %mul3A_393 = vector.broadcast %mul3A_392 : f32 to vector<16xf32>
      %mul3A_394 = arith.mulf %get3A_231, %mul3A_393 : vector<16xf32>
      %add3A_395 = arith.constant 2.565000e+02 : f32
      %add3A_396 = vector.broadcast %add3A_395 : f32 to vector<16xf32>
      %add3A_397 = arith.addf %mul3A_394, %add3A_396 : vector<16xf32>
      %max3A_398 = arith.constant 0.000000e+00 : f32
      %max3A_399 = vector.broadcast %max3A_398 : f32 to vector<16xf32>
      %max3A_400 = arith.maximumf %add3A_397, %max3A_399 : vector<16xf32>
      %min3A_401 = arith.constant 5.124000e+02 : f32
      %min3A_402 = vector.broadcast %min3A_401 : f32 to vector<16xf32>
      %min3A_403 = arith.minimumf %max3A_400, %min3A_402 : vector<16xf32>
      %convert_element_type3A_404 = arith.fptosi %min3A_403 : vector<16xf32> to vector<16xi32>
      %add3A_405 = arith.addi %mul3A_15, %convert_element_type3A_404 : vector<16xi32>
      %mul3A_406 = arith.constant 5.120000e+01 : f32
      %mul3A_407 = vector.broadcast %mul3A_406 : f32 to vector<16xf32>
      %mul3A_408 = arith.mulf %get3A_237, %mul3A_407 : vector<16xf32>
      %add3A_409 = arith.constant 2.565000e+02 : f32
      %add3A_410 = vector.broadcast %add3A_409 : f32 to vector<16xf32>
      %add3A_411 = arith.addf %mul3A_408, %add3A_410 : vector<16xf32>
      %max3A_412 = arith.constant 0.000000e+00 : f32
      %max3A_413 = vector.broadcast %max3A_412 : f32 to vector<16xf32>
      %max3A_414 = arith.maximumf %add3A_411, %max3A_413 : vector<16xf32>
      %min3A_415 = arith.constant 5.124000e+02 : f32
      %min3A_416 = vector.broadcast %min3A_415 : f32 to vector<16xf32>
      %min3A_417 = arith.minimumf %max3A_414, %min3A_416 : vector<16xf32>
      %convert_element_type3A_418 = arith.fptosi %min3A_417 : vector<16xf32> to vector<16xi32>
      %add3A_419 = arith.addi %mul3A_15, %convert_element_type3A_418 : vector<16xi32>
      %mul3A_420 = arith.constant 5.120000e+01 : f32
      %mul3A_421 = vector.broadcast %mul3A_420 : f32 to vector<16xf32>
      %mul3A_422 = arith.mulf %get3A_243, %mul3A_421 : vector<16xf32>
      %add3A_423 = arith.constant 2.565000e+02 : f32
      %add3A_424 = vector.broadcast %add3A_423 : f32 to vector<16xf32>
      %add3A_425 = arith.addf %mul3A_422, %add3A_424 : vector<16xf32>
      %max3A_426 = arith.constant 0.000000e+00 : f32
      %max3A_427 = vector.broadcast %max3A_426 : f32 to vector<16xf32>
      %max3A_428 = arith.maximumf %add3A_425, %max3A_427 : vector<16xf32>
      %min3A_429 = arith.constant 5.124000e+02 : f32
      %min3A_430 = vector.broadcast %min3A_429 : f32 to vector<16xf32>
      %min3A_431 = arith.minimumf %max3A_428, %min3A_430 : vector<16xf32>
      %convert_element_type3A_432 = arith.fptosi %min3A_431 : vector<16xf32> to vector<16xi32>
      %add3A_433 = arith.addi %mul3A_15, %convert_element_type3A_432 : vector<16xi32>
      %mul3A_434 = arith.constant 5.120000e+01 : f32
      %mul3A_435 = vector.broadcast %mul3A_434 : f32 to vector<16xf32>
      %mul3A_436 = arith.mulf %get3A_249, %mul3A_435 : vector<16xf32>
      %add3A_437 = arith.constant 2.565000e+02 : f32
      %add3A_438 = vector.broadcast %add3A_437 : f32 to vector<16xf32>
      %add3A_439 = arith.addf %mul3A_436, %add3A_438 : vector<16xf32>
      %max3A_440 = arith.constant 0.000000e+00 : f32
      %max3A_441 = vector.broadcast %max3A_440 : f32 to vector<16xf32>
      %max3A_442 = arith.maximumf %add3A_439, %max3A_441 : vector<16xf32>
      %min3A_443 = arith.constant 5.124000e+02 : f32
      %min3A_444 = vector.broadcast %min3A_443 : f32 to vector<16xf32>
      %min3A_445 = arith.minimumf %max3A_442, %min3A_444 : vector<16xf32>
      %convert_element_type3A_446 = arith.fptosi %min3A_445 : vector<16xf32> to vector<16xi32>
      %add3A_447 = arith.addi %mul3A_15, %convert_element_type3A_446 : vector<16xi32>
      %mul3A_448 = arith.constant 5.120000e+01 : f32
      %mul3A_449 = vector.broadcast %mul3A_448 : f32 to vector<16xf32>
      %mul3A_450 = arith.mulf %get3A_255, %mul3A_449 : vector<16xf32>
      %add3A_451 = arith.constant 2.565000e+02 : f32
      %add3A_452 = vector.broadcast %add3A_451 : f32 to vector<16xf32>
      %add3A_453 = arith.addf %mul3A_450, %add3A_452 : vector<16xf32>
      %max3A_454 = arith.constant 0.000000e+00 : f32
      %max3A_455 = vector.broadcast %max3A_454 : f32 to vector<16xf32>
      %max3A_456 = arith.maximumf %add3A_453, %max3A_455 : vector<16xf32>
      %min3A_457 = arith.constant 5.124000e+02 : f32
      %min3A_458 = vector.broadcast %min3A_457 : f32 to vector<16xf32>
      %min3A_459 = arith.minimumf %max3A_456, %min3A_458 : vector<16xf32>
      %convert_element_type3A_460 = arith.fptosi %min3A_459 : vector<16xf32> to vector<16xi32>
      %add3A_461 = arith.addi %mul3A_15, %convert_element_type3A_460 : vector<16xi32>
      %mul3A_462 = arith.constant 5.120000e+01 : f32
      %mul3A_463 = vector.broadcast %mul3A_462 : f32 to vector<16xf32>
      %mul3A_464 = arith.mulf %get3A_261, %mul3A_463 : vector<16xf32>
      %add3A_465 = arith.constant 2.565000e+02 : f32
      %add3A_466 = vector.broadcast %add3A_465 : f32 to vector<16xf32>
      %add3A_467 = arith.addf %mul3A_464, %add3A_466 : vector<16xf32>
      %max3A_468 = arith.constant 0.000000e+00 : f32
      %max3A_469 = vector.broadcast %max3A_468 : f32 to vector<16xf32>
      %max3A_470 = arith.maximumf %add3A_467, %max3A_469 : vector<16xf32>
      %min3A_471 = arith.constant 5.124000e+02 : f32
      %min3A_472 = vector.broadcast %min3A_471 : f32 to vector<16xf32>
      %min3A_473 = arith.minimumf %max3A_470, %min3A_472 : vector<16xf32>
      %convert_element_type3A_474 = arith.fptosi %min3A_473 : vector<16xf32> to vector<16xi32>
      %add3A_475 = arith.addi %mul3A_15, %convert_element_type3A_474 : vector<16xi32>
      %mul3A_476 = arith.constant 5.120000e+01 : f32
      %mul3A_477 = vector.broadcast %mul3A_476 : f32 to vector<16xf32>
      %mul3A_478 = arith.mulf %get3A_267, %mul3A_477 : vector<16xf32>
      %add3A_479 = arith.constant 2.565000e+02 : f32
      %add3A_480 = vector.broadcast %add3A_479 : f32 to vector<16xf32>
      %add3A_481 = arith.addf %mul3A_478, %add3A_480 : vector<16xf32>
      %max3A_482 = arith.constant 0.000000e+00 : f32
      %max3A_483 = vector.broadcast %max3A_482 : f32 to vector<16xf32>
      %max3A_484 = arith.maximumf %add3A_481, %max3A_483 : vector<16xf32>
      %min3A_485 = arith.constant 5.124000e+02 : f32
      %min3A_486 = vector.broadcast %min3A_485 : f32 to vector<16xf32>
      %min3A_487 = arith.minimumf %max3A_484, %min3A_486 : vector<16xf32>
      %convert_element_type3A_488 = arith.fptosi %min3A_487 : vector<16xf32> to vector<16xi32>
      %add3A_489 = arith.addi %mul3A_15, %convert_element_type3A_488 : vector<16xi32>
      tpu.vector_store_idx %arg6[%add3A_279], %broadcast_in_dim3A_17 {add = true} : memref<8448xf32, #tpu.memory_space<vmem>>[vector<16xi32>], vector<16xf32>,
      tpu.vector_store_idx %arg6[%add3A_293], %broadcast_in_dim3A_17 {add = true} : memref<8448xf32, #tpu.memory_space<vmem>>[vector<16xi32>], vector<16xf32>,
      tpu.vector_store_idx %arg6[%add3A_307], %broadcast_in_dim3A_17 {add = true} : memref<8448xf32, #tpu.memory_space<vmem>>[vector<16xi32>], vector<16xf32>,
      tpu.vector_store_idx %arg6[%add3A_321], %broadcast_in_dim3A_17 {add = true} : memref<8448xf32, #tpu.memory_space<vmem>>[vector<16xi32>], vector<16xf32>,
      tpu.vector_store_idx %arg6[%add3A_335], %broadcast_in_dim3A_17 {add = true} : memref<8448xf32, #tpu.memory_space<vmem>>[vector<16xi32>], vector<16xf32>,
      tpu.vector_store_idx %arg6[%add3A_349], %broadcast_in_dim3A_17 {add = true} : memref<8448xf32, #tpu.memory_space<vmem>>[vector<16xi32>], vector<16xf32>,
      tpu.vector_store_idx %arg6[%add3A_363], %broadcast_in_dim3A_17 {add = true} : memref<8448xf32, #tpu.memory_space<vmem>>[vector<16xi32>], vector<16xf32>,
      tpu.vector_store_idx %arg6[%add3A_377], %broadcast_in_dim3A_17 {add = true} : memref<8448xf32, #tpu.memory_space<vmem>>[vector<16xi32>], vector<16xf32>,
      tpu.vector_store_idx %arg6[%add3A_391], %broadcast_in_dim3A_17 {add = true} : memref<8448xf32, #tpu.memory_space<vmem>>[vector<16xi32>], vector<16xf32>,
      tpu.vector_store_idx %arg6[%add3A_405], %broadcast_in_dim3A_17 {add = true} : memref<8448xf32, #tpu.memory_space<vmem>>[vector<16xi32>], vector<16xf32>,
      tpu.vector_store_idx %arg6[%add3A_419], %broadcast_in_dim3A_17 {add = true} : memref<8448xf32, #tpu.memory_space<vmem>>[vector<16xi32>], vector<16xf32>,
      tpu.vector_store_idx %arg6[%add3A_433], %broadcast_in_dim3A_17 {add = true} : memref<8448xf32, #tpu.memory_space<vmem>>[vector<16xi32>], vector<16xf32>,
      tpu.vector_store_idx %arg6[%add3A_447], %broadcast_in_dim3A_17 {add = true} : memref<8448xf32, #tpu.memory_space<vmem>>[vector<16xi32>], vector<16xf32>,
      tpu.vector_store_idx %arg6[%add3A_461], %broadcast_in_dim3A_17 {add = true} : memref<8448xf32, #tpu.memory_space<vmem>>[vector<16xi32>], vector<16xf32>,
      tpu.vector_store_idx %arg6[%add3A_475], %broadcast_in_dim3A_17 {add = true} : memref<8448xf32, #tpu.memory_space<vmem>>[vector<16xi32>], vector<16xf32>,
      tpu.vector_store_idx %arg6[%add3A_489], %broadcast_in_dim3A_17 {add = true} : memref<8448xf32, #tpu.memory_space<vmem>>[vector<16xi32>], vector<16xf32>,
    }
    %scan3A_72 = arith.constant 16 : i32
    %add3A_73 = arith.constant 16384 : i32
    %add3A_74 = arith.addi %mul3A_2, %add3A_73 : i32
    %dma_start3A_75 = arith.constant 0 : i32
    %dma_start3A_76 = tpu.memref_slice %arg2[%dma_start3A_75, %add3A_74] : memref<6x1000000xf32, #tpu.memory_space<hbm>> -> memref<1x4096xf32, #tpu.memory_space<hbm>>
    %dma_start3A_77 = tpu.memref_squeeze %dma_start3A_76 : memref<1x4096xf32, #tpu.memory_space<hbm>> -> memref<4096xf32, #tpu.memory_space<hbm>>
    %dma_start3A_78 = tpu.memref_slice %arg2[%dma_start3A_75, %add3A_74] : memref<6x1000000xf32, #tpu.memory_space<hbm>> -> memref<1x4096xf32, #tpu.memory_space<hbm>>
    %dma_start3A_79 = tpu.memref_squeeze %dma_start3A_78 : memref<1x4096xf32, #tpu.memory_space<hbm>> -> memref<4096xf32, #tpu.memory_space<hbm>>
    tpu.enqueue_dma source(%dma_start3A_79 : memref<4096xf32, #tpu.memory_space<hbm>>) target(%arg4 : memref<4096xf32, #tpu.memory_space<vmem>>) target_semaphore(%arg9 : memref<!tpu.dma_semaphore, #tpu.memory_space<semaphore_mem>>)
    %dma_wait3A_80 = arith.constant 0 : i32
    %dma_wait3A_81 = tpu.memref_slice %arg2[%dma_wait3A_80, %add3A_56] : memref<6x1000000xf32, #tpu.memory_space<hbm>> -> memref<1x4096xf32, #tpu.memory_space<hbm>>
    %dma_wait3A_82 = tpu.memref_squeeze %dma_wait3A_81 : memref<1x4096xf32, #tpu.memory_space<hbm>> -> memref<4096xf32, #tpu.memory_space<hbm>>
    %dma_wait3A_83 = tpu.memref_slice %arg2[%dma_wait3A_80, %add3A_56] : memref<6x1000000xf32, #tpu.memory_space<hbm>> -> memref<1x4096xf32, #tpu.memory_space<hbm>>
    %dma_wait3A_84 = tpu.memref_squeeze %dma_wait3A_83 : memref<1x4096xf32, #tpu.memory_space<hbm>> -> memref<4096xf32, #tpu.memory_space<hbm>>
    tpu.wait_dma2 semaphore(%arg10 : memref<!tpu.dma_semaphore, #tpu.memory_space<semaphore_mem>>) src(%dma_wait3A_84 : memref<4096xf32, #tpu.memory_space<hbm>>) dst(%arg5 : memref<4096xf32, #tpu.memory_space<vmem>>)
    %scan3A_85 = arith.constant 0 : i32
    %scan3A_86 = arith.constant 0 : i32
    %scan3A_87 = arith.constant 16 : i32
    %scan3A_88 = arith.addi %scan3A_86, %scan3A_87 : i32
    %scan3A_89 = arith.constant 1 : i32
    scf.for %scan3A_170 = %scan3A_86 to %scan3A_88 step %scan3A_89  : i32 {
      %mul3A_171 = arith.constant 16 : i32
      %mul3A_172 = arith.muli %scan3A_170, %mul3A_171 : i32
      %add3A_173 = arith.constant 0 : i32
      %add3A_174 = arith.addi %mul3A_172, %add3A_173 : i32
      %mul3A_175 = arith.constant 16 : i32
      %mul3A_176 = arith.muli %add3A_174, %mul3A_175 : i32
      %get3A = arith.index_cast %mul3A_176 : i32 to index
      %get3A_177 = tpu.vector_load %arg5[%get3A] {strides = array<i32>} : memref<4096xf32, #tpu.memory_space<vmem>>, vector<16xf32>,
      %add3A_178 = arith.constant 1 : i32
      %add3A_179 = arith.addi %mul3A_172, %add3A_178 : i32
      %mul3A_180 = arith.constant 16 : i32
      %mul3A_181 = arith.muli %add3A_179, %mul3A_180 : i32
      %get3A_182 = arith.index_cast %mul3A_181 : i32 to index
      %get3A_183 = tpu.vector_load %arg5[%get3A_182] {strides = array<i32>} : memref<4096xf32, #tpu.memory_space<vmem>>, vector<16xf32>,
      %add3A_184 = arith.constant 2 : i32
      %add3A_185 = arith.addi %mul3A_172, %add3A_184 : i32
      %mul3A_186 = arith.constant 16 : i32
      %mul3A_187 = arith.muli %add3A_185, %mul3A_186 : i32
      %get3A_188 = arith.index_cast %mul3A_187 : i32 to index
      %get3A_189 = tpu.vector_load %arg5[%get3A_188] {strides = array<i32>} : memref<4096xf32, #tpu.memory_space<vmem>>, vector<16xf32>,
      %add3A_190 = arith.constant 3 : i32
      %add3A_191 = arith.addi %mul3A_172, %add3A_190 : i32
      %mul3A_192 = arith.constant 16 : i32
      %mul3A_193 = arith.muli %add3A_191, %mul3A_192 : i32
      %get3A_194 = arith.index_cast %mul3A_193 : i32 to index
      %get3A_195 = tpu.vector_load %arg5[%get3A_194] {strides = array<i32>} : memref<4096xf32, #tpu.memory_space<vmem>>, vector<16xf32>,
      %add3A_196 = arith.constant 4 : i32
      %add3A_197 = arith.addi %mul3A_172, %add3A_196 : i32
      %mul3A_198 = arith.constant 16 : i32
      %mul3A_199 = arith.muli %add3A_197, %mul3A_198 : i32
      %get3A_200 = arith.index_cast %mul3A_199 : i32 to index
      %get3A_201 = tpu.vector_load %arg5[%get3A_200] {strides = array<i32>} : memref<4096xf32, #tpu.memory_space<vmem>>, vector<16xf32>,
      %add3A_202 = arith.constant 5 : i32
      %add3A_203 = arith.addi %mul3A_172, %add3A_202 : i32
      %mul3A_204 = arith.constant 16 : i32
      %mul3A_205 = arith.muli %add3A_203, %mul3A_204 : i32
      %get3A_206 = arith.index_cast %mul3A_205 : i32 to index
      %get3A_207 = tpu.vector_load %arg5[%get3A_206] {strides = array<i32>} : memref<4096xf32, #tpu.memory_space<vmem>>, vector<16xf32>,
      %add3A_208 = arith.constant 6 : i32
      %add3A_209 = arith.addi %mul3A_172, %add3A_208 : i32
      %mul3A_210 = arith.constant 16 : i32
      %mul3A_211 = arith.muli %add3A_209, %mul3A_210 : i32
      %get3A_212 = arith.index_cast %mul3A_211 : i32 to index
      %get3A_213 = tpu.vector_load %arg5[%get3A_212] {strides = array<i32>} : memref<4096xf32, #tpu.memory_space<vmem>>, vector<16xf32>,
      %add3A_214 = arith.constant 7 : i32
      %add3A_215 = arith.addi %mul3A_172, %add3A_214 : i32
      %mul3A_216 = arith.constant 16 : i32
      %mul3A_217 = arith.muli %add3A_215, %mul3A_216 : i32
      %get3A_218 = arith.index_cast %mul3A_217 : i32 to index
      %get3A_219 = tpu.vector_load %arg5[%get3A_218] {strides = array<i32>} : memref<4096xf32, #tpu.memory_space<vmem>>, vector<16xf32>,
      %add3A_220 = arith.constant 8 : i32
      %add3A_221 = arith.addi %mul3A_172, %add3A_220 : i32
      %mul3A_222 = arith.constant 16 : i32
      %mul3A_223 = arith.muli %add3A_221, %mul3A_222 : i32
      %get3A_224 = arith.index_cast %mul3A_223 : i32 to index
      %get3A_225 = tpu.vector_load %arg5[%get3A_224] {strides = array<i32>} : memref<4096xf32, #tpu.memory_space<vmem>>, vector<16xf32>,
      %add3A_226 = arith.constant 9 : i32
      %add3A_227 = arith.addi %mul3A_172, %add3A_226 : i32
      %mul3A_228 = arith.constant 16 : i32
      %mul3A_229 = arith.muli %add3A_227, %mul3A_228 : i32
      %get3A_230 = arith.index_cast %mul3A_229 : i32 to index
      %get3A_231 = tpu.vector_load %arg5[%get3A_230] {strides = array<i32>} : memref<4096xf32, #tpu.memory_space<vmem>>, vector<16xf32>,
      %add3A_232 = arith.constant 10 : i32
      %add3A_233 = arith.addi %mul3A_172, %add3A_232 : i32
      %mul3A_234 = arith.constant 16 : i32
      %mul3A_235 = arith.muli %add3A_233, %mul3A_234 : i32
      %get3A_236 = arith.index_cast %mul3A_235 : i32 to index
      %get3A_237 = tpu.vector_load %arg5[%get3A_236] {strides = array<i32>} : memref<4096xf32, #tpu.memory_space<vmem>>, vector<16xf32>,
      %add3A_238 = arith.constant 11 : i32
      %add3A_239 = arith.addi %mul3A_172, %add3A_238 : i32
      %mul3A_240 = arith.constant 16 : i32
      %mul3A_241 = arith.muli %add3A_239, %mul3A_240 : i32
      %get3A_242 = arith.index_cast %mul3A_241 : i32 to index
      %get3A_243 = tpu.vector_load %arg5[%get3A_242] {strides = array<i32>} : memref<4096xf32, #tpu.memory_space<vmem>>, vector<16xf32>,
      %add3A_244 = arith.constant 12 : i32
      %add3A_245 = arith.addi %mul3A_172, %add3A_244 : i32
      %mul3A_246 = arith.constant 16 : i32
      %mul3A_247 = arith.muli %add3A_245, %mul3A_246 : i32
      %get3A_248 = arith.index_cast %mul3A_247 : i32 to index
      %get3A_249 = tpu.vector_load %arg5[%get3A_248] {strides = array<i32>} : memref<4096xf32, #tpu.memory_space<vmem>>, vector<16xf32>,
      %add3A_250 = arith.constant 13 : i32
      %add3A_251 = arith.addi %mul3A_172, %add3A_250 : i32
      %mul3A_252 = arith.constant 16 : i32
      %mul3A_253 = arith.muli %add3A_251, %mul3A_252 : i32
      %get3A_254 = arith.index_cast %mul3A_253 : i32 to index
      %get3A_255 = tpu.vector_load %arg5[%get3A_254] {strides = array<i32>} : memref<4096xf32, #tpu.memory_space<vmem>>, vector<16xf32>,
      %add3A_256 = arith.constant 14 : i32
      %add3A_257 = arith.addi %mul3A_172, %add3A_256 : i32
      %mul3A_258 = arith.constant 16 : i32
      %mul3A_259 = arith.muli %add3A_257, %mul3A_258 : i32
      %get3A_260 = arith.index_cast %mul3A_259 : i32 to index
      %get3A_261 = tpu.vector_load %arg5[%get3A_260] {strides = array<i32>} : memref<4096xf32, #tpu.memory_space<vmem>>, vector<16xf32>,
      %add3A_262 = arith.constant 15 : i32
      %add3A_263 = arith.addi %mul3A_172, %add3A_262 : i32
      %mul3A_264 = arith.constant 16 : i32
      %mul3A_265 = arith.muli %add3A_263, %mul3A_264 : i32
      %get3A_266 = arith.index_cast %mul3A_265 : i32 to index
      %get3A_267 = tpu.vector_load %arg5[%get3A_266] {strides = array<i32>} : memref<4096xf32, #tpu.memory_space<vmem>>, vector<16xf32>,
      %mul3A_268 = arith.constant 5.120000e+01 : f32
      %mul3A_269 = vector.broadcast %mul3A_268 : f32 to vector<16xf32>
      %mul3A_270 = arith.mulf %get3A_177, %mul3A_269 : vector<16xf32>
      %add3A_271 = arith.constant 2.565000e+02 : f32
      %add3A_272 = vector.broadcast %add3A_271 : f32 to vector<16xf32>
      %add3A_273 = arith.addf %mul3A_270, %add3A_272 : vector<16xf32>
      %max3A = arith.constant 0.000000e+00 : f32
      %max3A_274 = vector.broadcast %max3A : f32 to vector<16xf32>
      %max3A_275 = arith.maximumf %add3A_273, %max3A_274 : vector<16xf32>
      %min3A = arith.constant 5.124000e+02 : f32
      %min3A_276 = vector.broadcast %min3A : f32 to vector<16xf32>
      %min3A_277 = arith.minimumf %max3A_275, %min3A_276 : vector<16xf32>
      %convert_element_type3A_278 = arith.fptosi %min3A_277 : vector<16xf32> to vector<16xi32>
      %add3A_279 = arith.addi %mul3A_15, %convert_element_type3A_278 : vector<16xi32>
      %mul3A_280 = arith.constant 5.120000e+01 : f32
      %mul3A_281 = vector.broadcast %mul3A_280 : f32 to vector<16xf32>
      %mul3A_282 = arith.mulf %get3A_183, %mul3A_281 : vector<16xf32>
      %add3A_283 = arith.constant 2.565000e+02 : f32
      %add3A_284 = vector.broadcast %add3A_283 : f32 to vector<16xf32>
      %add3A_285 = arith.addf %mul3A_282, %add3A_284 : vector<16xf32>
      %max3A_286 = arith.constant 0.000000e+00 : f32
      %max3A_287 = vector.broadcast %max3A_286 : f32 to vector<16xf32>
      %max3A_288 = arith.maximumf %add3A_285, %max3A_287 : vector<16xf32>
      %min3A_289 = arith.constant 5.124000e+02 : f32
      %min3A_290 = vector.broadcast %min3A_289 : f32 to vector<16xf32>
      %min3A_291 = arith.minimumf %max3A_288, %min3A_290 : vector<16xf32>
      %convert_element_type3A_292 = arith.fptosi %min3A_291 : vector<16xf32> to vector<16xi32>
      %add3A_293 = arith.addi %mul3A_15, %convert_element_type3A_292 : vector<16xi32>
      %mul3A_294 = arith.constant 5.120000e+01 : f32
      %mul3A_295 = vector.broadcast %mul3A_294 : f32 to vector<16xf32>
      %mul3A_296 = arith.mulf %get3A_189, %mul3A_295 : vector<16xf32>
      %add3A_297 = arith.constant 2.565000e+02 : f32
      %add3A_298 = vector.broadcast %add3A_297 : f32 to vector<16xf32>
      %add3A_299 = arith.addf %mul3A_296, %add3A_298 : vector<16xf32>
      %max3A_300 = arith.constant 0.000000e+00 : f32
      %max3A_301 = vector.broadcast %max3A_300 : f32 to vector<16xf32>
      %max3A_302 = arith.maximumf %add3A_299, %max3A_301 : vector<16xf32>
      %min3A_303 = arith.constant 5.124000e+02 : f32
      %min3A_304 = vector.broadcast %min3A_303 : f32 to vector<16xf32>
      %min3A_305 = arith.minimumf %max3A_302, %min3A_304 : vector<16xf32>
      %convert_element_type3A_306 = arith.fptosi %min3A_305 : vector<16xf32> to vector<16xi32>
      %add3A_307 = arith.addi %mul3A_15, %convert_element_type3A_306 : vector<16xi32>
      %mul3A_308 = arith.constant 5.120000e+01 : f32
      %mul3A_309 = vector.broadcast %mul3A_308 : f32 to vector<16xf32>
      %mul3A_310 = arith.mulf %get3A_195, %mul3A_309 : vector<16xf32>
      %add3A_311 = arith.constant 2.565000e+02 : f32
      %add3A_312 = vector.broadcast %add3A_311 : f32 to vector<16xf32>
      %add3A_313 = arith.addf %mul3A_310, %add3A_312 : vector<16xf32>
      %max3A_314 = arith.constant 0.000000e+00 : f32
      %max3A_315 = vector.broadcast %max3A_314 : f32 to vector<16xf32>
      %max3A_316 = arith.maximumf %add3A_313, %max3A_315 : vector<16xf32>
      %min3A_317 = arith.constant 5.124000e+02 : f32
      %min3A_318 = vector.broadcast %min3A_317 : f32 to vector<16xf32>
      %min3A_319 = arith.minimumf %max3A_316, %min3A_318 : vector<16xf32>
      %convert_element_type3A_320 = arith.fptosi %min3A_319 : vector<16xf32> to vector<16xi32>
      %add3A_321 = arith.addi %mul3A_15, %convert_element_type3A_320 : vector<16xi32>
      %mul3A_322 = arith.constant 5.120000e+01 : f32
      %mul3A_323 = vector.broadcast %mul3A_322 : f32 to vector<16xf32>
      %mul3A_324 = arith.mulf %get3A_201, %mul3A_323 : vector<16xf32>
      %add3A_325 = arith.constant 2.565000e+02 : f32
      %add3A_326 = vector.broadcast %add3A_325 : f32 to vector<16xf32>
      %add3A_327 = arith.addf %mul3A_324, %add3A_326 : vector<16xf32>
      %max3A_328 = arith.constant 0.000000e+00 : f32
      %max3A_329 = vector.broadcast %max3A_328 : f32 to vector<16xf32>
      %max3A_330 = arith.maximumf %add3A_327, %max3A_329 : vector<16xf32>
      %min3A_331 = arith.constant 5.124000e+02 : f32
      %min3A_332 = vector.broadcast %min3A_331 : f32 to vector<16xf32>
      %min3A_333 = arith.minimumf %max3A_330, %min3A_332 : vector<16xf32>
      %convert_element_type3A_334 = arith.fptosi %min3A_333 : vector<16xf32> to vector<16xi32>
      %add3A_335 = arith.addi %mul3A_15, %convert_element_type3A_334 : vector<16xi32>
      %mul3A_336 = arith.constant 5.120000e+01 : f32
      %mul3A_337 = vector.broadcast %mul3A_336 : f32 to vector<16xf32>
      %mul3A_338 = arith.mulf %get3A_207, %mul3A_337 : vector<16xf32>
      %add3A_339 = arith.constant 2.565000e+02 : f32
      %add3A_340 = vector.broadcast %add3A_339 : f32 to vector<16xf32>
      %add3A_341 = arith.addf %mul3A_338, %add3A_340 : vector<16xf32>
      %max3A_342 = arith.constant 0.000000e+00 : f32
      %max3A_343 = vector.broadcast %max3A_342 : f32 to vector<16xf32>
      %max3A_344 = arith.maximumf %add3A_341, %max3A_343 : vector<16xf32>
      %min3A_345 = arith.constant 5.124000e+02 : f32
      %min3A_346 = vector.broadcast %min3A_345 : f32 to vector<16xf32>
      %min3A_347 = arith.minimumf %max3A_344, %min3A_346 : vector<16xf32>
      %convert_element_type3A_348 = arith.fptosi %min3A_347 : vector<16xf32> to vector<16xi32>
      %add3A_349 = arith.addi %mul3A_15, %convert_element_type3A_348 : vector<16xi32>
      %mul3A_350 = arith.constant 5.120000e+01 : f32
      %mul3A_351 = vector.broadcast %mul3A_350 : f32 to vector<16xf32>
      %mul3A_352 = arith.mulf %get3A_213, %mul3A_351 : vector<16xf32>
      %add3A_353 = arith.constant 2.565000e+02 : f32
      %add3A_354 = vector.broadcast %add3A_353 : f32 to vector<16xf32>
      %add3A_355 = arith.addf %mul3A_352, %add3A_354 : vector<16xf32>
      %max3A_356 = arith.constant 0.000000e+00 : f32
      %max3A_357 = vector.broadcast %max3A_356 : f32 to vector<16xf32>
      %max3A_358 = arith.maximumf %add3A_355, %max3A_357 : vector<16xf32>
      %min3A_359 = arith.constant 5.124000e+02 : f32
      %min3A_360 = vector.broadcast %min3A_359 : f32 to vector<16xf32>
      %min3A_361 = arith.minimumf %max3A_358, %min3A_360 : vector<16xf32>
      %convert_element_type3A_362 = arith.fptosi %min3A_361 : vector<16xf32> to vector<16xi32>
      %add3A_363 = arith.addi %mul3A_15, %convert_element_type3A_362 : vector<16xi32>
      %mul3A_364 = arith.constant 5.120000e+01 : f32
      %mul3A_365 = vector.broadcast %mul3A_364 : f32 to vector<16xf32>
      %mul3A_366 = arith.mulf %get3A_219, %mul3A_365 : vector<16xf32>
      %add3A_367 = arith.constant 2.565000e+02 : f32
      %add3A_368 = vector.broadcast %add3A_367 : f32 to vector<16xf32>
      %add3A_369 = arith.addf %mul3A_366, %add3A_368 : vector<16xf32>
      %max3A_370 = arith.constant 0.000000e+00 : f32
      %max3A_371 = vector.broadcast %max3A_370 : f32 to vector<16xf32>
      %max3A_372 = arith.maximumf %add3A_369, %max3A_371 : vector<16xf32>
      %min3A_373 = arith.constant 5.124000e+02 : f32
      %min3A_374 = vector.broadcast %min3A_373 : f32 to vector<16xf32>
      %min3A_375 = arith.minimumf %max3A_372, %min3A_374 : vector<16xf32>
      %convert_element_type3A_376 = arith.fptosi %min3A_375 : vector<16xf32> to vector<16xi32>
      %add3A_377 = arith.addi %mul3A_15, %convert_element_type3A_376 : vector<16xi32>
      %mul3A_378 = arith.constant 5.120000e+01 : f32
      %mul3A_379 = vector.broadcast %mul3A_378 : f32 to vector<16xf32>
      %mul3A_380 = arith.mulf %get3A_225, %mul3A_379 : vector<16xf32>
      %add3A_381 = arith.constant 2.565000e+02 : f32
      %add3A_382 = vector.broadcast %add3A_381 : f32 to vector<16xf32>
      %add3A_383 = arith.addf %mul3A_380, %add3A_382 : vector<16xf32>
      %max3A_384 = arith.constant 0.000000e+00 : f32
      %max3A_385 = vector.broadcast %max3A_384 : f32 to vector<16xf32>
      %max3A_386 = arith.maximumf %add3A_383, %max3A_385 : vector<16xf32>
      %min3A_387 = arith.constant 5.124000e+02 : f32
      %min3A_388 = vector.broadcast %min3A_387 : f32 to vector<16xf32>
      %min3A_389 = arith.minimumf %max3A_386, %min3A_388 : vector<16xf32>
      %convert_element_type3A_390 = arith.fptosi %min3A_389 : vector<16xf32> to vector<16xi32>
      %add3A_391 = arith.addi %mul3A_15, %convert_element_type3A_390 : vector<16xi32>
      %mul3A_392 = arith.constant 5.120000e+01 : f32
      %mul3A_393 = vector.broadcast %mul3A_392 : f32 to vector<16xf32>
      %mul3A_394 = arith.mulf %get3A_231, %mul3A_393 : vector<16xf32>
      %add3A_395 = arith.constant 2.565000e+02 : f32
      %add3A_396 = vector.broadcast %add3A_395 : f32 to vector<16xf32>
      %add3A_397 = arith.addf %mul3A_394, %add3A_396 : vector<16xf32>
      %max3A_398 = arith.constant 0.000000e+00 : f32
      %max3A_399 = vector.broadcast %max3A_398 : f32 to vector<16xf32>
      %max3A_400 = arith.maximumf %add3A_397, %max3A_399 : vector<16xf32>
      %min3A_401 = arith.constant 5.124000e+02 : f32
      %min3A_402 = vector.broadcast %min3A_401 : f32 to vector<16xf32>
      %min3A_403 = arith.minimumf %max3A_400, %min3A_402 : vector<16xf32>
      %convert_element_type3A_404 = arith.fptosi %min3A_403 : vector<16xf32> to vector<16xi32>
      %add3A_405 = arith.addi %mul3A_15, %convert_element_type3A_404 : vector<16xi32>
      %mul3A_406 = arith.constant 5.120000e+01 : f32
      %mul3A_407 = vector.broadcast %mul3A_406 : f32 to vector<16xf32>
      %mul3A_408 = arith.mulf %get3A_237, %mul3A_407 : vector<16xf32>
      %add3A_409 = arith.constant 2.565000e+02 : f32
      %add3A_410 = vector.broadcast %add3A_409 : f32 to vector<16xf32>
      %add3A_411 = arith.addf %mul3A_408, %add3A_410 : vector<16xf32>
      %max3A_412 = arith.constant 0.000000e+00 : f32
      %max3A_413 = vector.broadcast %max3A_412 : f32 to vector<16xf32>
      %max3A_414 = arith.maximumf %add3A_411, %max3A_413 : vector<16xf32>
      %min3A_415 = arith.constant 5.124000e+02 : f32
      %min3A_416 = vector.broadcast %min3A_415 : f32 to vector<16xf32>
      %min3A_417 = arith.minimumf %max3A_414, %min3A_416 : vector<16xf32>
      %convert_element_type3A_418 = arith.fptosi %min3A_417 : vector<16xf32> to vector<16xi32>
      %add3A_419 = arith.addi %mul3A_15, %convert_element_type3A_418 : vector<16xi32>
      %mul3A_420 = arith.constant 5.120000e+01 : f32
      %mul3A_421 = vector.broadcast %mul3A_420 : f32 to vector<16xf32>
      %mul3A_422 = arith.mulf %get3A_243, %mul3A_421 : vector<16xf32>
      %add3A_423 = arith.constant 2.565000e+02 : f32
      %add3A_424 = vector.broadcast %add3A_423 : f32 to vector<16xf32>
      %add3A_425 = arith.addf %mul3A_422, %add3A_424 : vector<16xf32>
      %max3A_426 = arith.constant 0.000000e+00 : f32
      %max3A_427 = vector.broadcast %max3A_426 : f32 to vector<16xf32>
      %max3A_428 = arith.maximumf %add3A_425, %max3A_427 : vector<16xf32>
      %min3A_429 = arith.constant 5.124000e+02 : f32
      %min3A_430 = vector.broadcast %min3A_429 : f32 to vector<16xf32>
      %min3A_431 = arith.minimumf %max3A_428, %min3A_430 : vector<16xf32>
      %convert_element_type3A_432 = arith.fptosi %min3A_431 : vector<16xf32> to vector<16xi32>
      %add3A_433 = arith.addi %mul3A_15, %convert_element_type3A_432 : vector<16xi32>
      %mul3A_434 = arith.constant 5.120000e+01 : f32
      %mul3A_435 = vector.broadcast %mul3A_434 : f32 to vector<16xf32>
      %mul3A_436 = arith.mulf %get3A_249, %mul3A_435 : vector<16xf32>
      %add3A_437 = arith.constant 2.565000e+02 : f32
      %add3A_438 = vector.broadcast %add3A_437 : f32 to vector<16xf32>
      %add3A_439 = arith.addf %mul3A_436, %add3A_438 : vector<16xf32>
      %max3A_440 = arith.constant 0.000000e+00 : f32
      %max3A_441 = vector.broadcast %max3A_440 : f32 to vector<16xf32>
      %max3A_442 = arith.maximumf %add3A_439, %max3A_441 : vector<16xf32>
      %min3A_443 = arith.constant 5.124000e+02 : f32
      %min3A_444 = vector.broadcast %min3A_443 : f32 to vector<16xf32>
      %min3A_445 = arith.minimumf %max3A_442, %min3A_444 : vector<16xf32>
      %convert_element_type3A_446 = arith.fptosi %min3A_445 : vector<16xf32> to vector<16xi32>
      %add3A_447 = arith.addi %mul3A_15, %convert_element_type3A_446 : vector<16xi32>
      %mul3A_448 = arith.constant 5.120000e+01 : f32
      %mul3A_449 = vector.broadcast %mul3A_448 : f32 to vector<16xf32>
      %mul3A_450 = arith.mulf %get3A_255, %mul3A_449 : vector<16xf32>
      %add3A_451 = arith.constant 2.565000e+02 : f32
      %add3A_452 = vector.broadcast %add3A_451 : f32 to vector<16xf32>
      %add3A_453 = arith.addf %mul3A_450, %add3A_452 : vector<16xf32>
      %max3A_454 = arith.constant 0.000000e+00 : f32
      %max3A_455 = vector.broadcast %max3A_454 : f32 to vector<16xf32>
      %max3A_456 = arith.maximumf %add3A_453, %max3A_455 : vector<16xf32>
      %min3A_457 = arith.constant 5.124000e+02 : f32
      %min3A_458 = vector.broadcast %min3A_457 : f32 to vector<16xf32>
      %min3A_459 = arith.minimumf %max3A_456, %min3A_458 : vector<16xf32>
      %convert_element_type3A_460 = arith.fptosi %min3A_459 : vector<16xf32> to vector<16xi32>
      %add3A_461 = arith.addi %mul3A_15, %convert_element_type3A_460 : vector<16xi32>
      %mul3A_462 = arith.constant 5.120000e+01 : f32
      %mul3A_463 = vector.broadcast %mul3A_462 : f32 to vector<16xf32>
      %mul3A_464 = arith.mulf %get3A_261, %mul3A_463 : vector<16xf32>
      %add3A_465 = arith.constant 2.565000e+02 : f32
      %add3A_466 = vector.broadcast %add3A_465 : f32 to vector<16xf32>
      %add3A_467 = arith.addf %mul3A_464, %add3A_466 : vector<16xf32>
      %max3A_468 = arith.constant 0.000000e+00 : f32
      %max3A_469 = vector.broadcast %max3A_468 : f32 to vector<16xf32>
      %max3A_470 = arith.maximumf %add3A_467, %max3A_469 : vector<16xf32>
      %min3A_471 = arith.constant 5.124000e+02 : f32
      %min3A_472 = vector.broadcast %min3A_471 : f32 to vector<16xf32>
      %min3A_473 = arith.minimumf %max3A_470, %min3A_472 : vector<16xf32>
      %convert_element_type3A_474 = arith.fptosi %min3A_473 : vector<16xf32> to vector<16xi32>
      %add3A_475 = arith.addi %mul3A_15, %convert_element_type3A_474 : vector<16xi32>
      %mul3A_476 = arith.constant 5.120000e+01 : f32
      %mul3A_477 = vector.broadcast %mul3A_476 : f32 to vector<16xf32>
      %mul3A_478 = arith.mulf %get3A_267, %mul3A_477 : vector<16xf32>
      %add3A_479 = arith.constant 2.565000e+02 : f32
      %add3A_480 = vector.broadcast %add3A_479 : f32 to vector<16xf32>
      %add3A_481 = arith.addf %mul3A_478, %add3A_480 : vector<16xf32>
      %max3A_482 = arith.constant 0.000000e+00 : f32
      %max3A_483 = vector.broadcast %max3A_482 : f32 to vector<16xf32>
      %max3A_484 = arith.maximumf %add3A_481, %max3A_483 : vector<16xf32>
      %min3A_485 = arith.constant 5.124000e+02 : f32
      %min3A_486 = vector.broadcast %min3A_485 : f32 to vector<16xf32>
      %min3A_487 = arith.minimumf %max3A_484, %min3A_486 : vector<16xf32>
      %convert_element_type3A_488 = arith.fptosi %min3A_487 : vector<16xf32> to vector<16xi32>
      %add3A_489 = arith.addi %mul3A_15, %convert_element_type3A_488 : vector<16xi32>
      tpu.vector_store_idx %arg6[%add3A_279], %broadcast_in_dim3A_17 {add = true} : memref<8448xf32, #tpu.memory_space<vmem>>[vector<16xi32>], vector<16xf32>,
      tpu.vector_store_idx %arg6[%add3A_293], %broadcast_in_dim3A_17 {add = true} : memref<8448xf32, #tpu.memory_space<vmem>>[vector<16xi32>], vector<16xf32>,
      tpu.vector_store_idx %arg6[%add3A_307], %broadcast_in_dim3A_17 {add = true} : memref<8448xf32, #tpu.memory_space<vmem>>[vector<16xi32>], vector<16xf32>,
      tpu.vector_store_idx %arg6[%add3A_321], %broadcast_in_dim3A_17 {add = true} : memref<8448xf32, #tpu.memory_space<vmem>>[vector<16xi32>], vector<16xf32>,
      tpu.vector_store_idx %arg6[%add3A_335], %broadcast_in_dim3A_17 {add = true} : memref<8448xf32, #tpu.memory_space<vmem>>[vector<16xi32>], vector<16xf32>,
      tpu.vector_store_idx %arg6[%add3A_349], %broadcast_in_dim3A_17 {add = true} : memref<8448xf32, #tpu.memory_space<vmem>>[vector<16xi32>], vector<16xf32>,
      tpu.vector_store_idx %arg6[%add3A_363], %broadcast_in_dim3A_17 {add = true} : memref<8448xf32, #tpu.memory_space<vmem>>[vector<16xi32>], vector<16xf32>,
      tpu.vector_store_idx %arg6[%add3A_377], %broadcast_in_dim3A_17 {add = true} : memref<8448xf32, #tpu.memory_space<vmem>>[vector<16xi32>], vector<16xf32>,
      tpu.vector_store_idx %arg6[%add3A_391], %broadcast_in_dim3A_17 {add = true} : memref<8448xf32, #tpu.memory_space<vmem>>[vector<16xi32>], vector<16xf32>,
      tpu.vector_store_idx %arg6[%add3A_405], %broadcast_in_dim3A_17 {add = true} : memref<8448xf32, #tpu.memory_space<vmem>>[vector<16xi32>], vector<16xf32>,
      tpu.vector_store_idx %arg6[%add3A_419], %broadcast_in_dim3A_17 {add = true} : memref<8448xf32, #tpu.memory_space<vmem>>[vector<16xi32>], vector<16xf32>,
      tpu.vector_store_idx %arg6[%add3A_433], %broadcast_in_dim3A_17 {add = true} : memref<8448xf32, #tpu.memory_space<vmem>>[vector<16xi32>], vector<16xf32>,
      tpu.vector_store_idx %arg6[%add3A_447], %broadcast_in_dim3A_17 {add = true} : memref<8448xf32, #tpu.memory_space<vmem>>[vector<16xi32>], vector<16xf32>,
      tpu.vector_store_idx %arg6[%add3A_461], %broadcast_in_dim3A_17 {add = true} : memref<8448xf32, #tpu.memory_space<vmem>>[vector<16xi32>], vector<16xf32>,
      tpu.vector_store_idx %arg6[%add3A_475], %broadcast_in_dim3A_17 {add = true} : memref<8448xf32, #tpu.memory_space<vmem>>[vector<16xi32>], vector<16xf32>,
      tpu.vector_store_idx %arg6[%add3A_489], %broadcast_in_dim3A_17 {add = true} : memref<8448xf32, #tpu.memory_space<vmem>>[vector<16xi32>], vector<16xf32>,
    }
    %scan3A_90 = arith.constant 16 : i32
    %add3A_91 = arith.constant 20480 : i32
    %add3A_92 = arith.addi %mul3A_2, %add3A_91 : i32
    %dma_start3A_93 = arith.constant 0 : i32
    %dma_start3A_94 = tpu.memref_slice %arg2[%dma_start3A_93, %add3A_92] : memref<6x1000000xf32, #tpu.memory_space<hbm>> -> memref<1x4096xf32, #tpu.memory_space<hbm>>
    %dma_start3A_95 = tpu.memref_squeeze %dma_start3A_94 : memref<1x4096xf32, #tpu.memory_space<hbm>> -> memref<4096xf32, #tpu.memory_space<hbm>>
    %dma_start3A_96 = tpu.memref_slice %arg2[%dma_start3A_93, %add3A_92] : memref<6x1000000xf32, #tpu.memory_space<hbm>> -> memref<1x4096xf32, #tpu.memory_space<hbm>>
    %dma_start3A_97 = tpu.memref_squeeze %dma_start3A_96 : memref<1x4096xf32, #tpu.memory_space<hbm>> -> memref<4096xf32, #tpu.memory_space<hbm>>
    tpu.enqueue_dma source(%dma_start3A_97 : memref<4096xf32, #tpu.memory_space<hbm>>) target(%arg5 : memref<4096xf32, #tpu.memory_space<vmem>>) target_semaphore(%arg10 : memref<!tpu.dma_semaphore, #tpu.memory_space<semaphore_mem>>)
    %dma_wait3A_98 = arith.constant 0 : i32
    %dma_wait3A_99 = tpu.memref_slice %arg2[%dma_wait3A_98, %add3A_74] : memref<6x1000000xf32, #tpu.memory_space<hbm>> -> memref<1x4096xf32, #tpu.memory_space<hbm>>
    %dma_wait3A_100 = tpu.memref_squeeze %dma_wait3A_99 : memref<1x4096xf32, #tpu.memory_space<hbm>> -> memref<4096xf32, #tpu.memory_space<hbm>>
    %dma_wait3A_101 = tpu.memref_slice %arg2[%dma_wait3A_98, %add3A_74] : memref<6x1000000xf32, #tpu.memory_space<hbm>> -> memref<1x4096xf32, #tpu.memory_space<hbm>>
    %dma_wait3A_102 = tpu.memref_squeeze %dma_wait3A_101 : memref<1x4096xf32, #tpu.memory_space<hbm>> -> memref<4096xf32, #tpu.memory_space<hbm>>
    tpu.wait_dma2 semaphore(%arg9 : memref<!tpu.dma_semaphore, #tpu.memory_space<semaphore_mem>>) src(%dma_wait3A_102 : memref<4096xf32, #tpu.memory_space<hbm>>) dst(%arg4 : memref<4096xf32, #tpu.memory_space<vmem>>)
    %scan3A_103 = arith.constant 0 : i32
    %scan3A_104 = arith.constant 0 : i32
    %scan3A_105 = arith.constant 16 : i32
    %scan3A_106 = arith.addi %scan3A_104, %scan3A_105 : i32
    %scan3A_107 = arith.constant 1 : i32
    scf.for %scan3A_170 = %scan3A_104 to %scan3A_106 step %scan3A_107  : i32 {
      %mul3A_171 = arith.constant 16 : i32
      %mul3A_172 = arith.muli %scan3A_170, %mul3A_171 : i32
      %add3A_173 = arith.constant 0 : i32
      %add3A_174 = arith.addi %mul3A_172, %add3A_173 : i32
      %mul3A_175 = arith.constant 16 : i32
      %mul3A_176 = arith.muli %add3A_174, %mul3A_175 : i32
      %get3A = arith.index_cast %mul3A_176 : i32 to index
      %get3A_177 = tpu.vector_load %arg4[%get3A] {strides = array<i32>} : memref<4096xf32, #tpu.memory_space<vmem>>, vector<16xf32>,
      %add3A_178 = arith.constant 1 : i32
      %add3A_179 = arith.addi %mul3A_172, %add3A_178 : i32
      %mul3A_180 = arith.constant 16 : i32
      %mul3A_181 = arith.muli %add3A_179, %mul3A_180 : i32
      %get3A_182 = arith.index_cast %mul3A_181 : i32 to index
      %get3A_183 = tpu.vector_load %arg4[%get3A_182] {strides = array<i32>} : memref<4096xf32, #tpu.memory_space<vmem>>, vector<16xf32>,
      %add3A_184 = arith.constant 2 : i32
      %add3A_185 = arith.addi %mul3A_172, %add3A_184 : i32
      %mul3A_186 = arith.constant 16 : i32
      %mul3A_187 = arith.muli %add3A_185, %mul3A_186 : i32
      %get3A_188 = arith.index_cast %mul3A_187 : i32 to index
      %get3A_189 = tpu.vector_load %arg4[%get3A_188] {strides = array<i32>} : memref<4096xf32, #tpu.memory_space<vmem>>, vector<16xf32>,
      %add3A_190 = arith.constant 3 : i32
      %add3A_191 = arith.addi %mul3A_172, %add3A_190 : i32
      %mul3A_192 = arith.constant 16 : i32
      %mul3A_193 = arith.muli %add3A_191, %mul3A_192 : i32
      %get3A_194 = arith.index_cast %mul3A_193 : i32 to index
      %get3A_195 = tpu.vector_load %arg4[%get3A_194] {strides = array<i32>} : memref<4096xf32, #tpu.memory_space<vmem>>, vector<16xf32>,
      %add3A_196 = arith.constant 4 : i32
      %add3A_197 = arith.addi %mul3A_172, %add3A_196 : i32
      %mul3A_198 = arith.constant 16 : i32
      %mul3A_199 = arith.muli %add3A_197, %mul3A_198 : i32
      %get3A_200 = arith.index_cast %mul3A_199 : i32 to index
      %get3A_201 = tpu.vector_load %arg4[%get3A_200] {strides = array<i32>} : memref<4096xf32, #tpu.memory_space<vmem>>, vector<16xf32>,
      %add3A_202 = arith.constant 5 : i32
      %add3A_203 = arith.addi %mul3A_172, %add3A_202 : i32
      %mul3A_204 = arith.constant 16 : i32
      %mul3A_205 = arith.muli %add3A_203, %mul3A_204 : i32
      %get3A_206 = arith.index_cast %mul3A_205 : i32 to index
      %get3A_207 = tpu.vector_load %arg4[%get3A_206] {strides = array<i32>} : memref<4096xf32, #tpu.memory_space<vmem>>, vector<16xf32>,
      %add3A_208 = arith.constant 6 : i32
      %add3A_209 = arith.addi %mul3A_172, %add3A_208 : i32
      %mul3A_210 = arith.constant 16 : i32
      %mul3A_211 = arith.muli %add3A_209, %mul3A_210 : i32
      %get3A_212 = arith.index_cast %mul3A_211 : i32 to index
      %get3A_213 = tpu.vector_load %arg4[%get3A_212] {strides = array<i32>} : memref<4096xf32, #tpu.memory_space<vmem>>, vector<16xf32>,
      %add3A_214 = arith.constant 7 : i32
      %add3A_215 = arith.addi %mul3A_172, %add3A_214 : i32
      %mul3A_216 = arith.constant 16 : i32
      %mul3A_217 = arith.muli %add3A_215, %mul3A_216 : i32
      %get3A_218 = arith.index_cast %mul3A_217 : i32 to index
      %get3A_219 = tpu.vector_load %arg4[%get3A_218] {strides = array<i32>} : memref<4096xf32, #tpu.memory_space<vmem>>, vector<16xf32>,
      %add3A_220 = arith.constant 8 : i32
      %add3A_221 = arith.addi %mul3A_172, %add3A_220 : i32
      %mul3A_222 = arith.constant 16 : i32
      %mul3A_223 = arith.muli %add3A_221, %mul3A_222 : i32
      %get3A_224 = arith.index_cast %mul3A_223 : i32 to index
      %get3A_225 = tpu.vector_load %arg4[%get3A_224] {strides = array<i32>} : memref<4096xf32, #tpu.memory_space<vmem>>, vector<16xf32>,
      %add3A_226 = arith.constant 9 : i32
      %add3A_227 = arith.addi %mul3A_172, %add3A_226 : i32
      %mul3A_228 = arith.constant 16 : i32
      %mul3A_229 = arith.muli %add3A_227, %mul3A_228 : i32
      %get3A_230 = arith.index_cast %mul3A_229 : i32 to index
      %get3A_231 = tpu.vector_load %arg4[%get3A_230] {strides = array<i32>} : memref<4096xf32, #tpu.memory_space<vmem>>, vector<16xf32>,
      %add3A_232 = arith.constant 10 : i32
      %add3A_233 = arith.addi %mul3A_172, %add3A_232 : i32
      %mul3A_234 = arith.constant 16 : i32
      %mul3A_235 = arith.muli %add3A_233, %mul3A_234 : i32
      %get3A_236 = arith.index_cast %mul3A_235 : i32 to index
      %get3A_237 = tpu.vector_load %arg4[%get3A_236] {strides = array<i32>} : memref<4096xf32, #tpu.memory_space<vmem>>, vector<16xf32>,
      %add3A_238 = arith.constant 11 : i32
      %add3A_239 = arith.addi %mul3A_172, %add3A_238 : i32
      %mul3A_240 = arith.constant 16 : i32
      %mul3A_241 = arith.muli %add3A_239, %mul3A_240 : i32
      %get3A_242 = arith.index_cast %mul3A_241 : i32 to index
      %get3A_243 = tpu.vector_load %arg4[%get3A_242] {strides = array<i32>} : memref<4096xf32, #tpu.memory_space<vmem>>, vector<16xf32>,
      %add3A_244 = arith.constant 12 : i32
      %add3A_245 = arith.addi %mul3A_172, %add3A_244 : i32
      %mul3A_246 = arith.constant 16 : i32
      %mul3A_247 = arith.muli %add3A_245, %mul3A_246 : i32
      %get3A_248 = arith.index_cast %mul3A_247 : i32 to index
      %get3A_249 = tpu.vector_load %arg4[%get3A_248] {strides = array<i32>} : memref<4096xf32, #tpu.memory_space<vmem>>, vector<16xf32>,
      %add3A_250 = arith.constant 13 : i32
      %add3A_251 = arith.addi %mul3A_172, %add3A_250 : i32
      %mul3A_252 = arith.constant 16 : i32
      %mul3A_253 = arith.muli %add3A_251, %mul3A_252 : i32
      %get3A_254 = arith.index_cast %mul3A_253 : i32 to index
      %get3A_255 = tpu.vector_load %arg4[%get3A_254] {strides = array<i32>} : memref<4096xf32, #tpu.memory_space<vmem>>, vector<16xf32>,
      %add3A_256 = arith.constant 14 : i32
      %add3A_257 = arith.addi %mul3A_172, %add3A_256 : i32
      %mul3A_258 = arith.constant 16 : i32
      %mul3A_259 = arith.muli %add3A_257, %mul3A_258 : i32
      %get3A_260 = arith.index_cast %mul3A_259 : i32 to index
      %get3A_261 = tpu.vector_load %arg4[%get3A_260] {strides = array<i32>} : memref<4096xf32, #tpu.memory_space<vmem>>, vector<16xf32>,
      %add3A_262 = arith.constant 15 : i32
      %add3A_263 = arith.addi %mul3A_172, %add3A_262 : i32
      %mul3A_264 = arith.constant 16 : i32
      %mul3A_265 = arith.muli %add3A_263, %mul3A_264 : i32
      %get3A_266 = arith.index_cast %mul3A_265 : i32 to index
      %get3A_267 = tpu.vector_load %arg4[%get3A_266] {strides = array<i32>} : memref<4096xf32, #tpu.memory_space<vmem>>, vector<16xf32>,
      %mul3A_268 = arith.constant 5.120000e+01 : f32
      %mul3A_269 = vector.broadcast %mul3A_268 : f32 to vector<16xf32>
      %mul3A_270 = arith.mulf %get3A_177, %mul3A_269 : vector<16xf32>
      %add3A_271 = arith.constant 2.565000e+02 : f32
      %add3A_272 = vector.broadcast %add3A_271 : f32 to vector<16xf32>
      %add3A_273 = arith.addf %mul3A_270, %add3A_272 : vector<16xf32>
      %max3A = arith.constant 0.000000e+00 : f32
      %max3A_274 = vector.broadcast %max3A : f32 to vector<16xf32>
      %max3A_275 = arith.maximumf %add3A_273, %max3A_274 : vector<16xf32>
      %min3A = arith.constant 5.124000e+02 : f32
      %min3A_276 = vector.broadcast %min3A : f32 to vector<16xf32>
      %min3A_277 = arith.minimumf %max3A_275, %min3A_276 : vector<16xf32>
      %convert_element_type3A_278 = arith.fptosi %min3A_277 : vector<16xf32> to vector<16xi32>
      %add3A_279 = arith.addi %mul3A_15, %convert_element_type3A_278 : vector<16xi32>
      %mul3A_280 = arith.constant 5.120000e+01 : f32
      %mul3A_281 = vector.broadcast %mul3A_280 : f32 to vector<16xf32>
      %mul3A_282 = arith.mulf %get3A_183, %mul3A_281 : vector<16xf32>
      %add3A_283 = arith.constant 2.565000e+02 : f32
      %add3A_284 = vector.broadcast %add3A_283 : f32 to vector<16xf32>
      %add3A_285 = arith.addf %mul3A_282, %add3A_284 : vector<16xf32>
      %max3A_286 = arith.constant 0.000000e+00 : f32
      %max3A_287 = vector.broadcast %max3A_286 : f32 to vector<16xf32>
      %max3A_288 = arith.maximumf %add3A_285, %max3A_287 : vector<16xf32>
      %min3A_289 = arith.constant 5.124000e+02 : f32
      %min3A_290 = vector.broadcast %min3A_289 : f32 to vector<16xf32>
      %min3A_291 = arith.minimumf %max3A_288, %min3A_290 : vector<16xf32>
      %convert_element_type3A_292 = arith.fptosi %min3A_291 : vector<16xf32> to vector<16xi32>
      %add3A_293 = arith.addi %mul3A_15, %convert_element_type3A_292 : vector<16xi32>
      %mul3A_294 = arith.constant 5.120000e+01 : f32
      %mul3A_295 = vector.broadcast %mul3A_294 : f32 to vector<16xf32>
      %mul3A_296 = arith.mulf %get3A_189, %mul3A_295 : vector<16xf32>
      %add3A_297 = arith.constant 2.565000e+02 : f32
      %add3A_298 = vector.broadcast %add3A_297 : f32 to vector<16xf32>
      %add3A_299 = arith.addf %mul3A_296, %add3A_298 : vector<16xf32>
      %max3A_300 = arith.constant 0.000000e+00 : f32
      %max3A_301 = vector.broadcast %max3A_300 : f32 to vector<16xf32>
      %max3A_302 = arith.maximumf %add3A_299, %max3A_301 : vector<16xf32>
      %min3A_303 = arith.constant 5.124000e+02 : f32
      %min3A_304 = vector.broadcast %min3A_303 : f32 to vector<16xf32>
      %min3A_305 = arith.minimumf %max3A_302, %min3A_304 : vector<16xf32>
      %convert_element_type3A_306 = arith.fptosi %min3A_305 : vector<16xf32> to vector<16xi32>
      %add3A_307 = arith.addi %mul3A_15, %convert_element_type3A_306 : vector<16xi32>
      %mul3A_308 = arith.constant 5.120000e+01 : f32
      %mul3A_309 = vector.broadcast %mul3A_308 : f32 to vector<16xf32>
      %mul3A_310 = arith.mulf %get3A_195, %mul3A_309 : vector<16xf32>
      %add3A_311 = arith.constant 2.565000e+02 : f32
      %add3A_312 = vector.broadcast %add3A_311 : f32 to vector<16xf32>
      %add3A_313 = arith.addf %mul3A_310, %add3A_312 : vector<16xf32>
      %max3A_314 = arith.constant 0.000000e+00 : f32
      %max3A_315 = vector.broadcast %max3A_314 : f32 to vector<16xf32>
      %max3A_316 = arith.maximumf %add3A_313, %max3A_315 : vector<16xf32>
      %min3A_317 = arith.constant 5.124000e+02 : f32
      %min3A_318 = vector.broadcast %min3A_317 : f32 to vector<16xf32>
      %min3A_319 = arith.minimumf %max3A_316, %min3A_318 : vector<16xf32>
      %convert_element_type3A_320 = arith.fptosi %min3A_319 : vector<16xf32> to vector<16xi32>
      %add3A_321 = arith.addi %mul3A_15, %convert_element_type3A_320 : vector<16xi32>
      %mul3A_322 = arith.constant 5.120000e+01 : f32
      %mul3A_323 = vector.broadcast %mul3A_322 : f32 to vector<16xf32>
      %mul3A_324 = arith.mulf %get3A_201, %mul3A_323 : vector<16xf32>
      %add3A_325 = arith.constant 2.565000e+02 : f32
      %add3A_326 = vector.broadcast %add3A_325 : f32 to vector<16xf32>
      %add3A_327 = arith.addf %mul3A_324, %add3A_326 : vector<16xf32>
      %max3A_328 = arith.constant 0.000000e+00 : f32
      %max3A_329 = vector.broadcast %max3A_328 : f32 to vector<16xf32>
      %max3A_330 = arith.maximumf %add3A_327, %max3A_329 : vector<16xf32>
      %min3A_331 = arith.constant 5.124000e+02 : f32
      %min3A_332 = vector.broadcast %min3A_331 : f32 to vector<16xf32>
      %min3A_333 = arith.minimumf %max3A_330, %min3A_332 : vector<16xf32>
      %convert_element_type3A_334 = arith.fptosi %min3A_333 : vector<16xf32> to vector<16xi32>
      %add3A_335 = arith.addi %mul3A_15, %convert_element_type3A_334 : vector<16xi32>
      %mul3A_336 = arith.constant 5.120000e+01 : f32
      %mul3A_337 = vector.broadcast %mul3A_336 : f32 to vector<16xf32>
      %mul3A_338 = arith.mulf %get3A_207, %mul3A_337 : vector<16xf32>
      %add3A_339 = arith.constant 2.565000e+02 : f32
      %add3A_340 = vector.broadcast %add3A_339 : f32 to vector<16xf32>
      %add3A_341 = arith.addf %mul3A_338, %add3A_340 : vector<16xf32>
      %max3A_342 = arith.constant 0.000000e+00 : f32
      %max3A_343 = vector.broadcast %max3A_342 : f32 to vector<16xf32>
      %max3A_344 = arith.maximumf %add3A_341, %max3A_343 : vector<16xf32>
      %min3A_345 = arith.constant 5.124000e+02 : f32
      %min3A_346 = vector.broadcast %min3A_345 : f32 to vector<16xf32>
      %min3A_347 = arith.minimumf %max3A_344, %min3A_346 : vector<16xf32>
      %convert_element_type3A_348 = arith.fptosi %min3A_347 : vector<16xf32> to vector<16xi32>
      %add3A_349 = arith.addi %mul3A_15, %convert_element_type3A_348 : vector<16xi32>
      %mul3A_350 = arith.constant 5.120000e+01 : f32
      %mul3A_351 = vector.broadcast %mul3A_350 : f32 to vector<16xf32>
      %mul3A_352 = arith.mulf %get3A_213, %mul3A_351 : vector<16xf32>
      %add3A_353 = arith.constant 2.565000e+02 : f32
      %add3A_354 = vector.broadcast %add3A_353 : f32 to vector<16xf32>
      %add3A_355 = arith.addf %mul3A_352, %add3A_354 : vector<16xf32>
      %max3A_356 = arith.constant 0.000000e+00 : f32
      %max3A_357 = vector.broadcast %max3A_356 : f32 to vector<16xf32>
      %max3A_358 = arith.maximumf %add3A_355, %max3A_357 : vector<16xf32>
      %min3A_359 = arith.constant 5.124000e+02 : f32
      %min3A_360 = vector.broadcast %min3A_359 : f32 to vector<16xf32>
      %min3A_361 = arith.minimumf %max3A_358, %min3A_360 : vector<16xf32>
      %convert_element_type3A_362 = arith.fptosi %min3A_361 : vector<16xf32> to vector<16xi32>
      %add3A_363 = arith.addi %mul3A_15, %convert_element_type3A_362 : vector<16xi32>
      %mul3A_364 = arith.constant 5.120000e+01 : f32
      %mul3A_365 = vector.broadcast %mul3A_364 : f32 to vector<16xf32>
      %mul3A_366 = arith.mulf %get3A_219, %mul3A_365 : vector<16xf32>
      %add3A_367 = arith.constant 2.565000e+02 : f32
      %add3A_368 = vector.broadcast %add3A_367 : f32 to vector<16xf32>
      %add3A_369 = arith.addf %mul3A_366, %add3A_368 : vector<16xf32>
      %max3A_370 = arith.constant 0.000000e+00 : f32
      %max3A_371 = vector.broadcast %max3A_370 : f32 to vector<16xf32>
      %max3A_372 = arith.maximumf %add3A_369, %max3A_371 : vector<16xf32>
      %min3A_373 = arith.constant 5.124000e+02 : f32
      %min3A_374 = vector.broadcast %min3A_373 : f32 to vector<16xf32>
      %min3A_375 = arith.minimumf %max3A_372, %min3A_374 : vector<16xf32>
      %convert_element_type3A_376 = arith.fptosi %min3A_375 : vector<16xf32> to vector<16xi32>
      %add3A_377 = arith.addi %mul3A_15, %convert_element_type3A_376 : vector<16xi32>
      %mul3A_378 = arith.constant 5.120000e+01 : f32
      %mul3A_379 = vector.broadcast %mul3A_378 : f32 to vector<16xf32>
      %mul3A_380 = arith.mulf %get3A_225, %mul3A_379 : vector<16xf32>
      %add3A_381 = arith.constant 2.565000e+02 : f32
      %add3A_382 = vector.broadcast %add3A_381 : f32 to vector<16xf32>
      %add3A_383 = arith.addf %mul3A_380, %add3A_382 : vector<16xf32>
      %max3A_384 = arith.constant 0.000000e+00 : f32
      %max3A_385 = vector.broadcast %max3A_384 : f32 to vector<16xf32>
      %max3A_386 = arith.maximumf %add3A_383, %max3A_385 : vector<16xf32>
      %min3A_387 = arith.constant 5.124000e+02 : f32
      %min3A_388 = vector.broadcast %min3A_387 : f32 to vector<16xf32>
      %min3A_389 = arith.minimumf %max3A_386, %min3A_388 : vector<16xf32>
      %convert_element_type3A_390 = arith.fptosi %min3A_389 : vector<16xf32> to vector<16xi32>
      %add3A_391 = arith.addi %mul3A_15, %convert_element_type3A_390 : vector<16xi32>
      %mul3A_392 = arith.constant 5.120000e+01 : f32
      %mul3A_393 = vector.broadcast %mul3A_392 : f32 to vector<16xf32>
      %mul3A_394 = arith.mulf %get3A_231, %mul3A_393 : vector<16xf32>
      %add3A_395 = arith.constant 2.565000e+02 : f32
      %add3A_396 = vector.broadcast %add3A_395 : f32 to vector<16xf32>
      %add3A_397 = arith.addf %mul3A_394, %add3A_396 : vector<16xf32>
      %max3A_398 = arith.constant 0.000000e+00 : f32
      %max3A_399 = vector.broadcast %max3A_398 : f32 to vector<16xf32>
      %max3A_400 = arith.maximumf %add3A_397, %max3A_399 : vector<16xf32>
      %min3A_401 = arith.constant 5.124000e+02 : f32
      %min3A_402 = vector.broadcast %min3A_401 : f32 to vector<16xf32>
      %min3A_403 = arith.minimumf %max3A_400, %min3A_402 : vector<16xf32>
      %convert_element_type3A_404 = arith.fptosi %min3A_403 : vector<16xf32> to vector<16xi32>
      %add3A_405 = arith.addi %mul3A_15, %convert_element_type3A_404 : vector<16xi32>
      %mul3A_406 = arith.constant 5.120000e+01 : f32
      %mul3A_407 = vector.broadcast %mul3A_406 : f32 to vector<16xf32>
      %mul3A_408 = arith.mulf %get3A_237, %mul3A_407 : vector<16xf32>
      %add3A_409 = arith.constant 2.565000e+02 : f32
      %add3A_410 = vector.broadcast %add3A_409 : f32 to vector<16xf32>
      %add3A_411 = arith.addf %mul3A_408, %add3A_410 : vector<16xf32>
      %max3A_412 = arith.constant 0.000000e+00 : f32
      %max3A_413 = vector.broadcast %max3A_412 : f32 to vector<16xf32>
      %max3A_414 = arith.maximumf %add3A_411, %max3A_413 : vector<16xf32>
      %min3A_415 = arith.constant 5.124000e+02 : f32
      %min3A_416 = vector.broadcast %min3A_415 : f32 to vector<16xf32>
      %min3A_417 = arith.minimumf %max3A_414, %min3A_416 : vector<16xf32>
      %convert_element_type3A_418 = arith.fptosi %min3A_417 : vector<16xf32> to vector<16xi32>
      %add3A_419 = arith.addi %mul3A_15, %convert_element_type3A_418 : vector<16xi32>
      %mul3A_420 = arith.constant 5.120000e+01 : f32
      %mul3A_421 = vector.broadcast %mul3A_420 : f32 to vector<16xf32>
      %mul3A_422 = arith.mulf %get3A_243, %mul3A_421 : vector<16xf32>
      %add3A_423 = arith.constant 2.565000e+02 : f32
      %add3A_424 = vector.broadcast %add3A_423 : f32 to vector<16xf32>
      %add3A_425 = arith.addf %mul3A_422, %add3A_424 : vector<16xf32>
      %max3A_426 = arith.constant 0.000000e+00 : f32
      %max3A_427 = vector.broadcast %max3A_426 : f32 to vector<16xf32>
      %max3A_428 = arith.maximumf %add3A_425, %max3A_427 : vector<16xf32>
      %min3A_429 = arith.constant 5.124000e+02 : f32
      %min3A_430 = vector.broadcast %min3A_429 : f32 to vector<16xf32>
      %min3A_431 = arith.minimumf %max3A_428, %min3A_430 : vector<16xf32>
      %convert_element_type3A_432 = arith.fptosi %min3A_431 : vector<16xf32> to vector<16xi32>
      %add3A_433 = arith.addi %mul3A_15, %convert_element_type3A_432 : vector<16xi32>
      %mul3A_434 = arith.constant 5.120000e+01 : f32
      %mul3A_435 = vector.broadcast %mul3A_434 : f32 to vector<16xf32>
      %mul3A_436 = arith.mulf %get3A_249, %mul3A_435 : vector<16xf32>
      %add3A_437 = arith.constant 2.565000e+02 : f32
      %add3A_438 = vector.broadcast %add3A_437 : f32 to vector<16xf32>
      %add3A_439 = arith.addf %mul3A_436, %add3A_438 : vector<16xf32>
      %max3A_440 = arith.constant 0.000000e+00 : f32
      %max3A_441 = vector.broadcast %max3A_440 : f32 to vector<16xf32>
      %max3A_442 = arith.maximumf %add3A_439, %max3A_441 : vector<16xf32>
      %min3A_443 = arith.constant 5.124000e+02 : f32
      %min3A_444 = vector.broadcast %min3A_443 : f32 to vector<16xf32>
      %min3A_445 = arith.minimumf %max3A_442, %min3A_444 : vector<16xf32>
      %convert_element_type3A_446 = arith.fptosi %min3A_445 : vector<16xf32> to vector<16xi32>
      %add3A_447 = arith.addi %mul3A_15, %convert_element_type3A_446 : vector<16xi32>
      %mul3A_448 = arith.constant 5.120000e+01 : f32
      %mul3A_449 = vector.broadcast %mul3A_448 : f32 to vector<16xf32>
      %mul3A_450 = arith.mulf %get3A_255, %mul3A_449 : vector<16xf32>
      %add3A_451 = arith.constant 2.565000e+02 : f32
      %add3A_452 = vector.broadcast %add3A_451 : f32 to vector<16xf32>
      %add3A_453 = arith.addf %mul3A_450, %add3A_452 : vector<16xf32>
      %max3A_454 = arith.constant 0.000000e+00 : f32
      %max3A_455 = vector.broadcast %max3A_454 : f32 to vector<16xf32>
      %max3A_456 = arith.maximumf %add3A_453, %max3A_455 : vector<16xf32>
      %min3A_457 = arith.constant 5.124000e+02 : f32
      %min3A_458 = vector.broadcast %min3A_457 : f32 to vector<16xf32>
      %min3A_459 = arith.minimumf %max3A_456, %min3A_458 : vector<16xf32>
      %convert_element_type3A_460 = arith.fptosi %min3A_459 : vector<16xf32> to vector<16xi32>
      %add3A_461 = arith.addi %mul3A_15, %convert_element_type3A_460 : vector<16xi32>
      %mul3A_462 = arith.constant 5.120000e+01 : f32
      %mul3A_463 = vector.broadcast %mul3A_462 : f32 to vector<16xf32>
      %mul3A_464 = arith.mulf %get3A_261, %mul3A_463 : vector<16xf32>
      %add3A_465 = arith.constant 2.565000e+02 : f32
      %add3A_466 = vector.broadcast %add3A_465 : f32 to vector<16xf32>
      %add3A_467 = arith.addf %mul3A_464, %add3A_466 : vector<16xf32>
      %max3A_468 = arith.constant 0.000000e+00 : f32
      %max3A_469 = vector.broadcast %max3A_468 : f32 to vector<16xf32>
      %max3A_470 = arith.maximumf %add3A_467, %max3A_469 : vector<16xf32>
      %min3A_471 = arith.constant 5.124000e+02 : f32
      %min3A_472 = vector.broadcast %min3A_471 : f32 to vector<16xf32>
      %min3A_473 = arith.minimumf %max3A_470, %min3A_472 : vector<16xf32>
      %convert_element_type3A_474 = arith.fptosi %min3A_473 : vector<16xf32> to vector<16xi32>
      %add3A_475 = arith.addi %mul3A_15, %convert_element_type3A_474 : vector<16xi32>
      %mul3A_476 = arith.constant 5.120000e+01 : f32
      %mul3A_477 = vector.broadcast %mul3A_476 : f32 to vector<16xf32>
      %mul3A_478 = arith.mulf %get3A_267, %mul3A_477 : vector<16xf32>
      %add3A_479 = arith.constant 2.565000e+02 : f32
      %add3A_480 = vector.broadcast %add3A_479 : f32 to vector<16xf32>
      %add3A_481 = arith.addf %mul3A_478, %add3A_480 : vector<16xf32>
      %max3A_482 = arith.constant 0.000000e+00 : f32
      %max3A_483 = vector.broadcast %max3A_482 : f32 to vector<16xf32>
      %max3A_484 = arith.maximumf %add3A_481, %max3A_483 : vector<16xf32>
      %min3A_485 = arith.constant 5.124000e+02 : f32
      %min3A_486 = vector.broadcast %min3A_485 : f32 to vector<16xf32>
      %min3A_487 = arith.minimumf %max3A_484, %min3A_486 : vector<16xf32>
      %convert_element_type3A_488 = arith.fptosi %min3A_487 : vector<16xf32> to vector<16xi32>
      %add3A_489 = arith.addi %mul3A_15, %convert_element_type3A_488 : vector<16xi32>
      tpu.vector_store_idx %arg6[%add3A_279], %broadcast_in_dim3A_17 {add = true} : memref<8448xf32, #tpu.memory_space<vmem>>[vector<16xi32>], vector<16xf32>,
      tpu.vector_store_idx %arg6[%add3A_293], %broadcast_in_dim3A_17 {add = true} : memref<8448xf32, #tpu.memory_space<vmem>>[vector<16xi32>], vector<16xf32>,
      tpu.vector_store_idx %arg6[%add3A_307], %broadcast_in_dim3A_17 {add = true} : memref<8448xf32, #tpu.memory_space<vmem>>[vector<16xi32>], vector<16xf32>,
      tpu.vector_store_idx %arg6[%add3A_321], %broadcast_in_dim3A_17 {add = true} : memref<8448xf32, #tpu.memory_space<vmem>>[vector<16xi32>], vector<16xf32>,
      tpu.vector_store_idx %arg6[%add3A_335], %broadcast_in_dim3A_17 {add = true} : memref<8448xf32, #tpu.memory_space<vmem>>[vector<16xi32>], vector<16xf32>,
      tpu.vector_store_idx %arg6[%add3A_349], %broadcast_in_dim3A_17 {add = true} : memref<8448xf32, #tpu.memory_space<vmem>>[vector<16xi32>], vector<16xf32>,
      tpu.vector_store_idx %arg6[%add3A_363], %broadcast_in_dim3A_17 {add = true} : memref<8448xf32, #tpu.memory_space<vmem>>[vector<16xi32>], vector<16xf32>,
      tpu.vector_store_idx %arg6[%add3A_377], %broadcast_in_dim3A_17 {add = true} : memref<8448xf32, #tpu.memory_space<vmem>>[vector<16xi32>], vector<16xf32>,
      tpu.vector_store_idx %arg6[%add3A_391], %broadcast_in_dim3A_17 {add = true} : memref<8448xf32, #tpu.memory_space<vmem>>[vector<16xi32>], vector<16xf32>,
      tpu.vector_store_idx %arg6[%add3A_405], %broadcast_in_dim3A_17 {add = true} : memref<8448xf32, #tpu.memory_space<vmem>>[vector<16xi32>], vector<16xf32>,
      tpu.vector_store_idx %arg6[%add3A_419], %broadcast_in_dim3A_17 {add = true} : memref<8448xf32, #tpu.memory_space<vmem>>[vector<16xi32>], vector<16xf32>,
      tpu.vector_store_idx %arg6[%add3A_433], %broadcast_in_dim3A_17 {add = true} : memref<8448xf32, #tpu.memory_space<vmem>>[vector<16xi32>], vector<16xf32>,
      tpu.vector_store_idx %arg6[%add3A_447], %broadcast_in_dim3A_17 {add = true} : memref<8448xf32, #tpu.memory_space<vmem>>[vector<16xi32>], vector<16xf32>,
      tpu.vector_store_idx %arg6[%add3A_461], %broadcast_in_dim3A_17 {add = true} : memref<8448xf32, #tpu.memory_space<vmem>>[vector<16xi32>], vector<16xf32>,
      tpu.vector_store_idx %arg6[%add3A_475], %broadcast_in_dim3A_17 {add = true} : memref<8448xf32, #tpu.memory_space<vmem>>[vector<16xi32>], vector<16xf32>,
      tpu.vector_store_idx %arg6[%add3A_489], %broadcast_in_dim3A_17 {add = true} : memref<8448xf32, #tpu.memory_space<vmem>>[vector<16xi32>], vector<16xf32>,
    }
    %scan3A_108 = arith.constant 16 : i32
    %add3A_109 = arith.constant 24576 : i32
    %add3A_110 = arith.addi %mul3A_2, %add3A_109 : i32
    %dma_start3A_111 = arith.constant 0 : i32
    %dma_start3A_112 = tpu.memref_slice %arg2[%dma_start3A_111, %add3A_110] : memref<6x1000000xf32, #tpu.memory_space<hbm>> -> memref<1x4096xf32, #tpu.memory_space<hbm>>
    %dma_start3A_113 = tpu.memref_squeeze %dma_start3A_112 : memref<1x4096xf32, #tpu.memory_space<hbm>> -> memref<4096xf32, #tpu.memory_space<hbm>>
    %dma_start3A_114 = tpu.memref_slice %arg2[%dma_start3A_111, %add3A_110] : memref<6x1000000xf32, #tpu.memory_space<hbm>> -> memref<1x4096xf32, #tpu.memory_space<hbm>>
    %dma_start3A_115 = tpu.memref_squeeze %dma_start3A_114 : memref<1x4096xf32, #tpu.memory_space<hbm>> -> memref<4096xf32, #tpu.memory_space<hbm>>
    tpu.enqueue_dma source(%dma_start3A_115 : memref<4096xf32, #tpu.memory_space<hbm>>) target(%arg4 : memref<4096xf32, #tpu.memory_space<vmem>>) target_semaphore(%arg9 : memref<!tpu.dma_semaphore, #tpu.memory_space<semaphore_mem>>)
    %dma_wait3A_116 = arith.constant 0 : i32
    %dma_wait3A_117 = tpu.memref_slice %arg2[%dma_wait3A_116, %add3A_92] : memref<6x1000000xf32, #tpu.memory_space<hbm>> -> memref<1x4096xf32, #tpu.memory_space<hbm>>
    %dma_wait3A_118 = tpu.memref_squeeze %dma_wait3A_117 : memref<1x4096xf32, #tpu.memory_space<hbm>> -> memref<4096xf32, #tpu.memory_space<hbm>>
    %dma_wait3A_119 = tpu.memref_slice %arg2[%dma_wait3A_116, %add3A_92] : memref<6x1000000xf32, #tpu.memory_space<hbm>> -> memref<1x4096xf32, #tpu.memory_space<hbm>>
    %dma_wait3A_120 = tpu.memref_squeeze %dma_wait3A_119 : memref<1x4096xf32, #tpu.memory_space<hbm>> -> memref<4096xf32, #tpu.memory_space<hbm>>
    tpu.wait_dma2 semaphore(%arg10 : memref<!tpu.dma_semaphore, #tpu.memory_space<semaphore_mem>>) src(%dma_wait3A_120 : memref<4096xf32, #tpu.memory_space<hbm>>) dst(%arg5 : memref<4096xf32, #tpu.memory_space<vmem>>)
    %scan3A_121 = arith.constant 0 : i32
    %scan3A_122 = arith.constant 0 : i32
    %scan3A_123 = arith.constant 16 : i32
    %scan3A_124 = arith.addi %scan3A_122, %scan3A_123 : i32
    %scan3A_125 = arith.constant 1 : i32
    scf.for %scan3A_170 = %scan3A_122 to %scan3A_124 step %scan3A_125  : i32 {
      %mul3A_171 = arith.constant 16 : i32
      %mul3A_172 = arith.muli %scan3A_170, %mul3A_171 : i32
      %add3A_173 = arith.constant 0 : i32
      %add3A_174 = arith.addi %mul3A_172, %add3A_173 : i32
      %mul3A_175 = arith.constant 16 : i32
      %mul3A_176 = arith.muli %add3A_174, %mul3A_175 : i32
      %get3A = arith.index_cast %mul3A_176 : i32 to index
      %get3A_177 = tpu.vector_load %arg5[%get3A] {strides = array<i32>} : memref<4096xf32, #tpu.memory_space<vmem>>, vector<16xf32>,
      %add3A_178 = arith.constant 1 : i32
      %add3A_179 = arith.addi %mul3A_172, %add3A_178 : i32
      %mul3A_180 = arith.constant 16 : i32
      %mul3A_181 = arith.muli %add3A_179, %mul3A_180 : i32
      %get3A_182 = arith.index_cast %mul3A_181 : i32 to index
      %get3A_183 = tpu.vector_load %arg5[%get3A_182] {strides = array<i32>} : memref<4096xf32, #tpu.memory_space<vmem>>, vector<16xf32>,
      %add3A_184 = arith.constant 2 : i32
      %add3A_185 = arith.addi %mul3A_172, %add3A_184 : i32
      %mul3A_186 = arith.constant 16 : i32
      %mul3A_187 = arith.muli %add3A_185, %mul3A_186 : i32
      %get3A_188 = arith.index_cast %mul3A_187 : i32 to index
      %get3A_189 = tpu.vector_load %arg5[%get3A_188] {strides = array<i32>} : memref<4096xf32, #tpu.memory_space<vmem>>, vector<16xf32>,
      %add3A_190 = arith.constant 3 : i32
      %add3A_191 = arith.addi %mul3A_172, %add3A_190 : i32
      %mul3A_192 = arith.constant 16 : i32
      %mul3A_193 = arith.muli %add3A_191, %mul3A_192 : i32
      %get3A_194 = arith.index_cast %mul3A_193 : i32 to index
      %get3A_195 = tpu.vector_load %arg5[%get3A_194] {strides = array<i32>} : memref<4096xf32, #tpu.memory_space<vmem>>, vector<16xf32>,
      %add3A_196 = arith.constant 4 : i32
      %add3A_197 = arith.addi %mul3A_172, %add3A_196 : i32
      %mul3A_198 = arith.constant 16 : i32
      %mul3A_199 = arith.muli %add3A_197, %mul3A_198 : i32
      %get3A_200 = arith.index_cast %mul3A_199 : i32 to index
      %get3A_201 = tpu.vector_load %arg5[%get3A_200] {strides = array<i32>} : memref<4096xf32, #tpu.memory_space<vmem>>, vector<16xf32>,
      %add3A_202 = arith.constant 5 : i32
      %add3A_203 = arith.addi %mul3A_172, %add3A_202 : i32
      %mul3A_204 = arith.constant 16 : i32
      %mul3A_205 = arith.muli %add3A_203, %mul3A_204 : i32
      %get3A_206 = arith.index_cast %mul3A_205 : i32 to index
      %get3A_207 = tpu.vector_load %arg5[%get3A_206] {strides = array<i32>} : memref<4096xf32, #tpu.memory_space<vmem>>, vector<16xf32>,
      %add3A_208 = arith.constant 6 : i32
      %add3A_209 = arith.addi %mul3A_172, %add3A_208 : i32
      %mul3A_210 = arith.constant 16 : i32
      %mul3A_211 = arith.muli %add3A_209, %mul3A_210 : i32
      %get3A_212 = arith.index_cast %mul3A_211 : i32 to index
      %get3A_213 = tpu.vector_load %arg5[%get3A_212] {strides = array<i32>} : memref<4096xf32, #tpu.memory_space<vmem>>, vector<16xf32>,
      %add3A_214 = arith.constant 7 : i32
      %add3A_215 = arith.addi %mul3A_172, %add3A_214 : i32
      %mul3A_216 = arith.constant 16 : i32
      %mul3A_217 = arith.muli %add3A_215, %mul3A_216 : i32
      %get3A_218 = arith.index_cast %mul3A_217 : i32 to index
      %get3A_219 = tpu.vector_load %arg5[%get3A_218] {strides = array<i32>} : memref<4096xf32, #tpu.memory_space<vmem>>, vector<16xf32>,
      %add3A_220 = arith.constant 8 : i32
      %add3A_221 = arith.addi %mul3A_172, %add3A_220 : i32
      %mul3A_222 = arith.constant 16 : i32
      %mul3A_223 = arith.muli %add3A_221, %mul3A_222 : i32
      %get3A_224 = arith.index_cast %mul3A_223 : i32 to index
      %get3A_225 = tpu.vector_load %arg5[%get3A_224] {strides = array<i32>} : memref<4096xf32, #tpu.memory_space<vmem>>, vector<16xf32>,
      %add3A_226 = arith.constant 9 : i32
      %add3A_227 = arith.addi %mul3A_172, %add3A_226 : i32
      %mul3A_228 = arith.constant 16 : i32
      %mul3A_229 = arith.muli %add3A_227, %mul3A_228 : i32
      %get3A_230 = arith.index_cast %mul3A_229 : i32 to index
      %get3A_231 = tpu.vector_load %arg5[%get3A_230] {strides = array<i32>} : memref<4096xf32, #tpu.memory_space<vmem>>, vector<16xf32>,
      %add3A_232 = arith.constant 10 : i32
      %add3A_233 = arith.addi %mul3A_172, %add3A_232 : i32
      %mul3A_234 = arith.constant 16 : i32
      %mul3A_235 = arith.muli %add3A_233, %mul3A_234 : i32
      %get3A_236 = arith.index_cast %mul3A_235 : i32 to index
      %get3A_237 = tpu.vector_load %arg5[%get3A_236] {strides = array<i32>} : memref<4096xf32, #tpu.memory_space<vmem>>, vector<16xf32>,
      %add3A_238 = arith.constant 11 : i32
      %add3A_239 = arith.addi %mul3A_172, %add3A_238 : i32
      %mul3A_240 = arith.constant 16 : i32
      %mul3A_241 = arith.muli %add3A_239, %mul3A_240 : i32
      %get3A_242 = arith.index_cast %mul3A_241 : i32 to index
      %get3A_243 = tpu.vector_load %arg5[%get3A_242] {strides = array<i32>} : memref<4096xf32, #tpu.memory_space<vmem>>, vector<16xf32>,
      %add3A_244 = arith.constant 12 : i32
      %add3A_245 = arith.addi %mul3A_172, %add3A_244 : i32
      %mul3A_246 = arith.constant 16 : i32
      %mul3A_247 = arith.muli %add3A_245, %mul3A_246 : i32
      %get3A_248 = arith.index_cast %mul3A_247 : i32 to index
      %get3A_249 = tpu.vector_load %arg5[%get3A_248] {strides = array<i32>} : memref<4096xf32, #tpu.memory_space<vmem>>, vector<16xf32>,
      %add3A_250 = arith.constant 13 : i32
      %add3A_251 = arith.addi %mul3A_172, %add3A_250 : i32
      %mul3A_252 = arith.constant 16 : i32
      %mul3A_253 = arith.muli %add3A_251, %mul3A_252 : i32
      %get3A_254 = arith.index_cast %mul3A_253 : i32 to index
      %get3A_255 = tpu.vector_load %arg5[%get3A_254] {strides = array<i32>} : memref<4096xf32, #tpu.memory_space<vmem>>, vector<16xf32>,
      %add3A_256 = arith.constant 14 : i32
      %add3A_257 = arith.addi %mul3A_172, %add3A_256 : i32
      %mul3A_258 = arith.constant 16 : i32
      %mul3A_259 = arith.muli %add3A_257, %mul3A_258 : i32
      %get3A_260 = arith.index_cast %mul3A_259 : i32 to index
      %get3A_261 = tpu.vector_load %arg5[%get3A_260] {strides = array<i32>} : memref<4096xf32, #tpu.memory_space<vmem>>, vector<16xf32>,
      %add3A_262 = arith.constant 15 : i32
      %add3A_263 = arith.addi %mul3A_172, %add3A_262 : i32
      %mul3A_264 = arith.constant 16 : i32
      %mul3A_265 = arith.muli %add3A_263, %mul3A_264 : i32
      %get3A_266 = arith.index_cast %mul3A_265 : i32 to index
      %get3A_267 = tpu.vector_load %arg5[%get3A_266] {strides = array<i32>} : memref<4096xf32, #tpu.memory_space<vmem>>, vector<16xf32>,
      %mul3A_268 = arith.constant 5.120000e+01 : f32
      %mul3A_269 = vector.broadcast %mul3A_268 : f32 to vector<16xf32>
      %mul3A_270 = arith.mulf %get3A_177, %mul3A_269 : vector<16xf32>
      %add3A_271 = arith.constant 2.565000e+02 : f32
      %add3A_272 = vector.broadcast %add3A_271 : f32 to vector<16xf32>
      %add3A_273 = arith.addf %mul3A_270, %add3A_272 : vector<16xf32>
      %max3A = arith.constant 0.000000e+00 : f32
      %max3A_274 = vector.broadcast %max3A : f32 to vector<16xf32>
      %max3A_275 = arith.maximumf %add3A_273, %max3A_274 : vector<16xf32>
      %min3A = arith.constant 5.124000e+02 : f32
      %min3A_276 = vector.broadcast %min3A : f32 to vector<16xf32>
      %min3A_277 = arith.minimumf %max3A_275, %min3A_276 : vector<16xf32>
      %convert_element_type3A_278 = arith.fptosi %min3A_277 : vector<16xf32> to vector<16xi32>
      %add3A_279 = arith.addi %mul3A_15, %convert_element_type3A_278 : vector<16xi32>
      %mul3A_280 = arith.constant 5.120000e+01 : f32
      %mul3A_281 = vector.broadcast %mul3A_280 : f32 to vector<16xf32>
      %mul3A_282 = arith.mulf %get3A_183, %mul3A_281 : vector<16xf32>
      %add3A_283 = arith.constant 2.565000e+02 : f32
      %add3A_284 = vector.broadcast %add3A_283 : f32 to vector<16xf32>
      %add3A_285 = arith.addf %mul3A_282, %add3A_284 : vector<16xf32>
      %max3A_286 = arith.constant 0.000000e+00 : f32
      %max3A_287 = vector.broadcast %max3A_286 : f32 to vector<16xf32>
      %max3A_288 = arith.maximumf %add3A_285, %max3A_287 : vector<16xf32>
      %min3A_289 = arith.constant 5.124000e+02 : f32
      %min3A_290 = vector.broadcast %min3A_289 : f32 to vector<16xf32>
      %min3A_291 = arith.minimumf %max3A_288, %min3A_290 : vector<16xf32>
      %convert_element_type3A_292 = arith.fptosi %min3A_291 : vector<16xf32> to vector<16xi32>
      %add3A_293 = arith.addi %mul3A_15, %convert_element_type3A_292 : vector<16xi32>
      %mul3A_294 = arith.constant 5.120000e+01 : f32
      %mul3A_295 = vector.broadcast %mul3A_294 : f32 to vector<16xf32>
      %mul3A_296 = arith.mulf %get3A_189, %mul3A_295 : vector<16xf32>
      %add3A_297 = arith.constant 2.565000e+02 : f32
      %add3A_298 = vector.broadcast %add3A_297 : f32 to vector<16xf32>
      %add3A_299 = arith.addf %mul3A_296, %add3A_298 : vector<16xf32>
      %max3A_300 = arith.constant 0.000000e+00 : f32
      %max3A_301 = vector.broadcast %max3A_300 : f32 to vector<16xf32>
      %max3A_302 = arith.maximumf %add3A_299, %max3A_301 : vector<16xf32>
      %min3A_303 = arith.constant 5.124000e+02 : f32
      %min3A_304 = vector.broadcast %min3A_303 : f32 to vector<16xf32>
      %min3A_305 = arith.minimumf %max3A_302, %min3A_304 : vector<16xf32>
      %convert_element_type3A_306 = arith.fptosi %min3A_305 : vector<16xf32> to vector<16xi32>
      %add3A_307 = arith.addi %mul3A_15, %convert_element_type3A_306 : vector<16xi32>
      %mul3A_308 = arith.constant 5.120000e+01 : f32
      %mul3A_309 = vector.broadcast %mul3A_308 : f32 to vector<16xf32>
      %mul3A_310 = arith.mulf %get3A_195, %mul3A_309 : vector<16xf32>
      %add3A_311 = arith.constant 2.565000e+02 : f32
      %add3A_312 = vector.broadcast %add3A_311 : f32 to vector<16xf32>
      %add3A_313 = arith.addf %mul3A_310, %add3A_312 : vector<16xf32>
      %max3A_314 = arith.constant 0.000000e+00 : f32
      %max3A_315 = vector.broadcast %max3A_314 : f32 to vector<16xf32>
      %max3A_316 = arith.maximumf %add3A_313, %max3A_315 : vector<16xf32>
      %min3A_317 = arith.constant 5.124000e+02 : f32
      %min3A_318 = vector.broadcast %min3A_317 : f32 to vector<16xf32>
      %min3A_319 = arith.minimumf %max3A_316, %min3A_318 : vector<16xf32>
      %convert_element_type3A_320 = arith.fptosi %min3A_319 : vector<16xf32> to vector<16xi32>
      %add3A_321 = arith.addi %mul3A_15, %convert_element_type3A_320 : vector<16xi32>
      %mul3A_322 = arith.constant 5.120000e+01 : f32
      %mul3A_323 = vector.broadcast %mul3A_322 : f32 to vector<16xf32>
      %mul3A_324 = arith.mulf %get3A_201, %mul3A_323 : vector<16xf32>
      %add3A_325 = arith.constant 2.565000e+02 : f32
      %add3A_326 = vector.broadcast %add3A_325 : f32 to vector<16xf32>
      %add3A_327 = arith.addf %mul3A_324, %add3A_326 : vector<16xf32>
      %max3A_328 = arith.constant 0.000000e+00 : f32
      %max3A_329 = vector.broadcast %max3A_328 : f32 to vector<16xf32>
      %max3A_330 = arith.maximumf %add3A_327, %max3A_329 : vector<16xf32>
      %min3A_331 = arith.constant 5.124000e+02 : f32
      %min3A_332 = vector.broadcast %min3A_331 : f32 to vector<16xf32>
      %min3A_333 = arith.minimumf %max3A_330, %min3A_332 : vector<16xf32>
      %convert_element_type3A_334 = arith.fptosi %min3A_333 : vector<16xf32> to vector<16xi32>
      %add3A_335 = arith.addi %mul3A_15, %convert_element_type3A_334 : vector<16xi32>
      %mul3A_336 = arith.constant 5.120000e+01 : f32
      %mul3A_337 = vector.broadcast %mul3A_336 : f32 to vector<16xf32>
      %mul3A_338 = arith.mulf %get3A_207, %mul3A_337 : vector<16xf32>
      %add3A_339 = arith.constant 2.565000e+02 : f32
      %add3A_340 = vector.broadcast %add3A_339 : f32 to vector<16xf32>
      %add3A_341 = arith.addf %mul3A_338, %add3A_340 : vector<16xf32>
      %max3A_342 = arith.constant 0.000000e+00 : f32
      %max3A_343 = vector.broadcast %max3A_342 : f32 to vector<16xf32>
      %max3A_344 = arith.maximumf %add3A_341, %max3A_343 : vector<16xf32>
      %min3A_345 = arith.constant 5.124000e+02 : f32
      %min3A_346 = vector.broadcast %min3A_345 : f32 to vector<16xf32>
      %min3A_347 = arith.minimumf %max3A_344, %min3A_346 : vector<16xf32>
      %convert_element_type3A_348 = arith.fptosi %min3A_347 : vector<16xf32> to vector<16xi32>
      %add3A_349 = arith.addi %mul3A_15, %convert_element_type3A_348 : vector<16xi32>
      %mul3A_350 = arith.constant 5.120000e+01 : f32
      %mul3A_351 = vector.broadcast %mul3A_350 : f32 to vector<16xf32>
      %mul3A_352 = arith.mulf %get3A_213, %mul3A_351 : vector<16xf32>
      %add3A_353 = arith.constant 2.565000e+02 : f32
      %add3A_354 = vector.broadcast %add3A_353 : f32 to vector<16xf32>
      %add3A_355 = arith.addf %mul3A_352, %add3A_354 : vector<16xf32>
      %max3A_356 = arith.constant 0.000000e+00 : f32
      %max3A_357 = vector.broadcast %max3A_356 : f32 to vector<16xf32>
      %max3A_358 = arith.maximumf %add3A_355, %max3A_357 : vector<16xf32>
      %min3A_359 = arith.constant 5.124000e+02 : f32
      %min3A_360 = vector.broadcast %min3A_359 : f32 to vector<16xf32>
      %min3A_361 = arith.minimumf %max3A_358, %min3A_360 : vector<16xf32>
      %convert_element_type3A_362 = arith.fptosi %min3A_361 : vector<16xf32> to vector<16xi32>
      %add3A_363 = arith.addi %mul3A_15, %convert_element_type3A_362 : vector<16xi32>
      %mul3A_364 = arith.constant 5.120000e+01 : f32
      %mul3A_365 = vector.broadcast %mul3A_364 : f32 to vector<16xf32>
      %mul3A_366 = arith.mulf %get3A_219, %mul3A_365 : vector<16xf32>
      %add3A_367 = arith.constant 2.565000e+02 : f32
      %add3A_368 = vector.broadcast %add3A_367 : f32 to vector<16xf32>
      %add3A_369 = arith.addf %mul3A_366, %add3A_368 : vector<16xf32>
      %max3A_370 = arith.constant 0.000000e+00 : f32
      %max3A_371 = vector.broadcast %max3A_370 : f32 to vector<16xf32>
      %max3A_372 = arith.maximumf %add3A_369, %max3A_371 : vector<16xf32>
      %min3A_373 = arith.constant 5.124000e+02 : f32
      %min3A_374 = vector.broadcast %min3A_373 : f32 to vector<16xf32>
      %min3A_375 = arith.minimumf %max3A_372, %min3A_374 : vector<16xf32>
      %convert_element_type3A_376 = arith.fptosi %min3A_375 : vector<16xf32> to vector<16xi32>
      %add3A_377 = arith.addi %mul3A_15, %convert_element_type3A_376 : vector<16xi32>
      %mul3A_378 = arith.constant 5.120000e+01 : f32
      %mul3A_379 = vector.broadcast %mul3A_378 : f32 to vector<16xf32>
      %mul3A_380 = arith.mulf %get3A_225, %mul3A_379 : vector<16xf32>
      %add3A_381 = arith.constant 2.565000e+02 : f32
      %add3A_382 = vector.broadcast %add3A_381 : f32 to vector<16xf32>
      %add3A_383 = arith.addf %mul3A_380, %add3A_382 : vector<16xf32>
      %max3A_384 = arith.constant 0.000000e+00 : f32
      %max3A_385 = vector.broadcast %max3A_384 : f32 to vector<16xf32>
      %max3A_386 = arith.maximumf %add3A_383, %max3A_385 : vector<16xf32>
      %min3A_387 = arith.constant 5.124000e+02 : f32
      %min3A_388 = vector.broadcast %min3A_387 : f32 to vector<16xf32>
      %min3A_389 = arith.minimumf %max3A_386, %min3A_388 : vector<16xf32>
      %convert_element_type3A_390 = arith.fptosi %min3A_389 : vector<16xf32> to vector<16xi32>
      %add3A_391 = arith.addi %mul3A_15, %convert_element_type3A_390 : vector<16xi32>
      %mul3A_392 = arith.constant 5.120000e+01 : f32
      %mul3A_393 = vector.broadcast %mul3A_392 : f32 to vector<16xf32>
      %mul3A_394 = arith.mulf %get3A_231, %mul3A_393 : vector<16xf32>
      %add3A_395 = arith.constant 2.565000e+02 : f32
      %add3A_396 = vector.broadcast %add3A_395 : f32 to vector<16xf32>
      %add3A_397 = arith.addf %mul3A_394, %add3A_396 : vector<16xf32>
      %max3A_398 = arith.constant 0.000000e+00 : f32
      %max3A_399 = vector.broadcast %max3A_398 : f32 to vector<16xf32>
      %max3A_400 = arith.maximumf %add3A_397, %max3A_399 : vector<16xf32>
      %min3A_401 = arith.constant 5.124000e+02 : f32
      %min3A_402 = vector.broadcast %min3A_401 : f32 to vector<16xf32>
      %min3A_403 = arith.minimumf %max3A_400, %min3A_402 : vector<16xf32>
      %convert_element_type3A_404 = arith.fptosi %min3A_403 : vector<16xf32> to vector<16xi32>
      %add3A_405 = arith.addi %mul3A_15, %convert_element_type3A_404 : vector<16xi32>
      %mul3A_406 = arith.constant 5.120000e+01 : f32
      %mul3A_407 = vector.broadcast %mul3A_406 : f32 to vector<16xf32>
      %mul3A_408 = arith.mulf %get3A_237, %mul3A_407 : vector<16xf32>
      %add3A_409 = arith.constant 2.565000e+02 : f32
      %add3A_410 = vector.broadcast %add3A_409 : f32 to vector<16xf32>
      %add3A_411 = arith.addf %mul3A_408, %add3A_410 : vector<16xf32>
      %max3A_412 = arith.constant 0.000000e+00 : f32
      %max3A_413 = vector.broadcast %max3A_412 : f32 to vector<16xf32>
      %max3A_414 = arith.maximumf %add3A_411, %max3A_413 : vector<16xf32>
      %min3A_415 = arith.constant 5.124000e+02 : f32
      %min3A_416 = vector.broadcast %min3A_415 : f32 to vector<16xf32>
      %min3A_417 = arith.minimumf %max3A_414, %min3A_416 : vector<16xf32>
      %convert_element_type3A_418 = arith.fptosi %min3A_417 : vector<16xf32> to vector<16xi32>
      %add3A_419 = arith.addi %mul3A_15, %convert_element_type3A_418 : vector<16xi32>
      %mul3A_420 = arith.constant 5.120000e+01 : f32
      %mul3A_421 = vector.broadcast %mul3A_420 : f32 to vector<16xf32>
      %mul3A_422 = arith.mulf %get3A_243, %mul3A_421 : vector<16xf32>
      %add3A_423 = arith.constant 2.565000e+02 : f32
      %add3A_424 = vector.broadcast %add3A_423 : f32 to vector<16xf32>
      %add3A_425 = arith.addf %mul3A_422, %add3A_424 : vector<16xf32>
      %max3A_426 = arith.constant 0.000000e+00 : f32
      %max3A_427 = vector.broadcast %max3A_426 : f32 to vector<16xf32>
      %max3A_428 = arith.maximumf %add3A_425, %max3A_427 : vector<16xf32>
      %min3A_429 = arith.constant 5.124000e+02 : f32
      %min3A_430 = vector.broadcast %min3A_429 : f32 to vector<16xf32>
      %min3A_431 = arith.minimumf %max3A_428, %min3A_430 : vector<16xf32>
      %convert_element_type3A_432 = arith.fptosi %min3A_431 : vector<16xf32> to vector<16xi32>
      %add3A_433 = arith.addi %mul3A_15, %convert_element_type3A_432 : vector<16xi32>
      %mul3A_434 = arith.constant 5.120000e+01 : f32
      %mul3A_435 = vector.broadcast %mul3A_434 : f32 to vector<16xf32>
      %mul3A_436 = arith.mulf %get3A_249, %mul3A_435 : vector<16xf32>
      %add3A_437 = arith.constant 2.565000e+02 : f32
      %add3A_438 = vector.broadcast %add3A_437 : f32 to vector<16xf32>
      %add3A_439 = arith.addf %mul3A_436, %add3A_438 : vector<16xf32>
      %max3A_440 = arith.constant 0.000000e+00 : f32
      %max3A_441 = vector.broadcast %max3A_440 : f32 to vector<16xf32>
      %max3A_442 = arith.maximumf %add3A_439, %max3A_441 : vector<16xf32>
      %min3A_443 = arith.constant 5.124000e+02 : f32
      %min3A_444 = vector.broadcast %min3A_443 : f32 to vector<16xf32>
      %min3A_445 = arith.minimumf %max3A_442, %min3A_444 : vector<16xf32>
      %convert_element_type3A_446 = arith.fptosi %min3A_445 : vector<16xf32> to vector<16xi32>
      %add3A_447 = arith.addi %mul3A_15, %convert_element_type3A_446 : vector<16xi32>
      %mul3A_448 = arith.constant 5.120000e+01 : f32
      %mul3A_449 = vector.broadcast %mul3A_448 : f32 to vector<16xf32>
      %mul3A_450 = arith.mulf %get3A_255, %mul3A_449 : vector<16xf32>
      %add3A_451 = arith.constant 2.565000e+02 : f32
      %add3A_452 = vector.broadcast %add3A_451 : f32 to vector<16xf32>
      %add3A_453 = arith.addf %mul3A_450, %add3A_452 : vector<16xf32>
      %max3A_454 = arith.constant 0.000000e+00 : f32
      %max3A_455 = vector.broadcast %max3A_454 : f32 to vector<16xf32>
      %max3A_456 = arith.maximumf %add3A_453, %max3A_455 : vector<16xf32>
      %min3A_457 = arith.constant 5.124000e+02 : f32
      %min3A_458 = vector.broadcast %min3A_457 : f32 to vector<16xf32>
      %min3A_459 = arith.minimumf %max3A_456, %min3A_458 : vector<16xf32>
      %convert_element_type3A_460 = arith.fptosi %min3A_459 : vector<16xf32> to vector<16xi32>
      %add3A_461 = arith.addi %mul3A_15, %convert_element_type3A_460 : vector<16xi32>
      %mul3A_462 = arith.constant 5.120000e+01 : f32
      %mul3A_463 = vector.broadcast %mul3A_462 : f32 to vector<16xf32>
      %mul3A_464 = arith.mulf %get3A_261, %mul3A_463 : vector<16xf32>
      %add3A_465 = arith.constant 2.565000e+02 : f32
      %add3A_466 = vector.broadcast %add3A_465 : f32 to vector<16xf32>
      %add3A_467 = arith.addf %mul3A_464, %add3A_466 : vector<16xf32>
      %max3A_468 = arith.constant 0.000000e+00 : f32
      %max3A_469 = vector.broadcast %max3A_468 : f32 to vector<16xf32>
      %max3A_470 = arith.maximumf %add3A_467, %max3A_469 : vector<16xf32>
      %min3A_471 = arith.constant 5.124000e+02 : f32
      %min3A_472 = vector.broadcast %min3A_471 : f32 to vector<16xf32>
      %min3A_473 = arith.minimumf %max3A_470, %min3A_472 : vector<16xf32>
      %convert_element_type3A_474 = arith.fptosi %min3A_473 : vector<16xf32> to vector<16xi32>
      %add3A_475 = arith.addi %mul3A_15, %convert_element_type3A_474 : vector<16xi32>
      %mul3A_476 = arith.constant 5.120000e+01 : f32
      %mul3A_477 = vector.broadcast %mul3A_476 : f32 to vector<16xf32>
      %mul3A_478 = arith.mulf %get3A_267, %mul3A_477 : vector<16xf32>
      %add3A_479 = arith.constant 2.565000e+02 : f32
      %add3A_480 = vector.broadcast %add3A_479 : f32 to vector<16xf32>
      %add3A_481 = arith.addf %mul3A_478, %add3A_480 : vector<16xf32>
      %max3A_482 = arith.constant 0.000000e+00 : f32
      %max3A_483 = vector.broadcast %max3A_482 : f32 to vector<16xf32>
      %max3A_484 = arith.maximumf %add3A_481, %max3A_483 : vector<16xf32>
      %min3A_485 = arith.constant 5.124000e+02 : f32
      %min3A_486 = vector.broadcast %min3A_485 : f32 to vector<16xf32>
      %min3A_487 = arith.minimumf %max3A_484, %min3A_486 : vector<16xf32>
      %convert_element_type3A_488 = arith.fptosi %min3A_487 : vector<16xf32> to vector<16xi32>
      %add3A_489 = arith.addi %mul3A_15, %convert_element_type3A_488 : vector<16xi32>
      tpu.vector_store_idx %arg6[%add3A_279], %broadcast_in_dim3A_17 {add = true} : memref<8448xf32, #tpu.memory_space<vmem>>[vector<16xi32>], vector<16xf32>,
      tpu.vector_store_idx %arg6[%add3A_293], %broadcast_in_dim3A_17 {add = true} : memref<8448xf32, #tpu.memory_space<vmem>>[vector<16xi32>], vector<16xf32>,
      tpu.vector_store_idx %arg6[%add3A_307], %broadcast_in_dim3A_17 {add = true} : memref<8448xf32, #tpu.memory_space<vmem>>[vector<16xi32>], vector<16xf32>,
      tpu.vector_store_idx %arg6[%add3A_321], %broadcast_in_dim3A_17 {add = true} : memref<8448xf32, #tpu.memory_space<vmem>>[vector<16xi32>], vector<16xf32>,
      tpu.vector_store_idx %arg6[%add3A_335], %broadcast_in_dim3A_17 {add = true} : memref<8448xf32, #tpu.memory_space<vmem>>[vector<16xi32>], vector<16xf32>,
      tpu.vector_store_idx %arg6[%add3A_349], %broadcast_in_dim3A_17 {add = true} : memref<8448xf32, #tpu.memory_space<vmem>>[vector<16xi32>], vector<16xf32>,
      tpu.vector_store_idx %arg6[%add3A_363], %broadcast_in_dim3A_17 {add = true} : memref<8448xf32, #tpu.memory_space<vmem>>[vector<16xi32>], vector<16xf32>,
      tpu.vector_store_idx %arg6[%add3A_377], %broadcast_in_dim3A_17 {add = true} : memref<8448xf32, #tpu.memory_space<vmem>>[vector<16xi32>], vector<16xf32>,
      tpu.vector_store_idx %arg6[%add3A_391], %broadcast_in_dim3A_17 {add = true} : memref<8448xf32, #tpu.memory_space<vmem>>[vector<16xi32>], vector<16xf32>,
      tpu.vector_store_idx %arg6[%add3A_405], %broadcast_in_dim3A_17 {add = true} : memref<8448xf32, #tpu.memory_space<vmem>>[vector<16xi32>], vector<16xf32>,
      tpu.vector_store_idx %arg6[%add3A_419], %broadcast_in_dim3A_17 {add = true} : memref<8448xf32, #tpu.memory_space<vmem>>[vector<16xi32>], vector<16xf32>,
      tpu.vector_store_idx %arg6[%add3A_433], %broadcast_in_dim3A_17 {add = true} : memref<8448xf32, #tpu.memory_space<vmem>>[vector<16xi32>], vector<16xf32>,
      tpu.vector_store_idx %arg6[%add3A_447], %broadcast_in_dim3A_17 {add = true} : memref<8448xf32, #tpu.memory_space<vmem>>[vector<16xi32>], vector<16xf32>,
      tpu.vector_store_idx %arg6[%add3A_461], %broadcast_in_dim3A_17 {add = true} : memref<8448xf32, #tpu.memory_space<vmem>>[vector<16xi32>], vector<16xf32>,
      tpu.vector_store_idx %arg6[%add3A_475], %broadcast_in_dim3A_17 {add = true} : memref<8448xf32, #tpu.memory_space<vmem>>[vector<16xi32>], vector<16xf32>,
      tpu.vector_store_idx %arg6[%add3A_489], %broadcast_in_dim3A_17 {add = true} : memref<8448xf32, #tpu.memory_space<vmem>>[vector<16xi32>], vector<16xf32>,
    }
    %scan3A_126 = arith.constant 16 : i32
    %add3A_127 = arith.constant 28672 : i32
    %add3A_128 = arith.addi %mul3A_2, %add3A_127 : i32
    %dma_start3A_129 = arith.constant 0 : i32
    %dma_start3A_130 = arith.constant 0 : i32
    %dma_start3A_131 = tpu.memref_slice %arg5[%dma_start3A_130] : memref<4096xf32, #tpu.memory_space<vmem>> -> memref<2560xf32, #tpu.memory_space<vmem>>
    %dma_start3A_132 = tpu.memref_slice %arg2[%dma_start3A_129, %add3A_128] : memref<6x1000000xf32, #tpu.memory_space<hbm>> -> memref<1x2560xf32, #tpu.memory_space<hbm>>
    %dma_start3A_133 = tpu.memref_squeeze %dma_start3A_132 : memref<1x2560xf32, #tpu.memory_space<hbm>> -> memref<2560xf32, #tpu.memory_space<hbm>>
    %dma_start3A_134 = arith.constant 0 : i32
    %dma_start3A_135 = tpu.memref_slice %arg5[%dma_start3A_134] : memref<4096xf32, #tpu.memory_space<vmem>> -> memref<2560xf32, #tpu.memory_space<vmem>>
    %dma_start3A_136 = tpu.memref_slice %arg2[%dma_start3A_129, %add3A_128] : memref<6x1000000xf32, #tpu.memory_space<hbm>> -> memref<1x2560xf32, #tpu.memory_space<hbm>>
    %dma_start3A_137 = tpu.memref_squeeze %dma_start3A_136 : memref<1x2560xf32, #tpu.memory_space<hbm>> -> memref<2560xf32, #tpu.memory_space<hbm>>
    tpu.enqueue_dma source(%dma_start3A_137 : memref<2560xf32, #tpu.memory_space<hbm>>) target(%dma_start3A_135 : memref<2560xf32, #tpu.memory_space<vmem>>) target_semaphore(%arg10 : memref<!tpu.dma_semaphore, #tpu.memory_space<semaphore_mem>>)
    %dma_wait3A_138 = arith.constant 0 : i32
    %dma_wait3A_139 = tpu.memref_slice %arg2[%dma_wait3A_138, %add3A_110] : memref<6x1000000xf32, #tpu.memory_space<hbm>> -> memref<1x4096xf32, #tpu.memory_space<hbm>>
    %dma_wait3A_140 = tpu.memref_squeeze %dma_wait3A_139 : memref<1x4096xf32, #tpu.memory_space<hbm>> -> memref<4096xf32, #tpu.memory_space<hbm>>
    %dma_wait3A_141 = tpu.memref_slice %arg2[%dma_wait3A_138, %add3A_110] : memref<6x1000000xf32, #tpu.memory_space<hbm>> -> memref<1x4096xf32, #tpu.memory_space<hbm>>
    %dma_wait3A_142 = tpu.memref_squeeze %dma_wait3A_141 : memref<1x4096xf32, #tpu.memory_space<hbm>> -> memref<4096xf32, #tpu.memory_space<hbm>>
    tpu.wait_dma2 semaphore(%arg9 : memref<!tpu.dma_semaphore, #tpu.memory_space<semaphore_mem>>) src(%dma_wait3A_142 : memref<4096xf32, #tpu.memory_space<hbm>>) dst(%arg4 : memref<4096xf32, #tpu.memory_space<vmem>>)
    %scan3A_143 = arith.constant 0 : i32
    %scan3A_144 = arith.constant 0 : i32
    %scan3A_145 = arith.constant 16 : i32
    %scan3A_146 = arith.addi %scan3A_144, %scan3A_145 : i32
    %scan3A_147 = arith.constant 1 : i32
    scf.for %scan3A_170 = %scan3A_144 to %scan3A_146 step %scan3A_147  : i32 {
      %mul3A_171 = arith.constant 16 : i32
      %mul3A_172 = arith.muli %scan3A_170, %mul3A_171 : i32
      %add3A_173 = arith.constant 0 : i32
      %add3A_174 = arith.addi %mul3A_172, %add3A_173 : i32
      %mul3A_175 = arith.constant 16 : i32
      %mul3A_176 = arith.muli %add3A_174, %mul3A_175 : i32
      %get3A = arith.index_cast %mul3A_176 : i32 to index
      %get3A_177 = tpu.vector_load %arg4[%get3A] {strides = array<i32>} : memref<4096xf32, #tpu.memory_space<vmem>>, vector<16xf32>,
      %add3A_178 = arith.constant 1 : i32
      %add3A_179 = arith.addi %mul3A_172, %add3A_178 : i32
      %mul3A_180 = arith.constant 16 : i32
      %mul3A_181 = arith.muli %add3A_179, %mul3A_180 : i32
      %get3A_182 = arith.index_cast %mul3A_181 : i32 to index
      %get3A_183 = tpu.vector_load %arg4[%get3A_182] {strides = array<i32>} : memref<4096xf32, #tpu.memory_space<vmem>>, vector<16xf32>,
      %add3A_184 = arith.constant 2 : i32
      %add3A_185 = arith.addi %mul3A_172, %add3A_184 : i32
      %mul3A_186 = arith.constant 16 : i32
      %mul3A_187 = arith.muli %add3A_185, %mul3A_186 : i32
      %get3A_188 = arith.index_cast %mul3A_187 : i32 to index
      %get3A_189 = tpu.vector_load %arg4[%get3A_188] {strides = array<i32>} : memref<4096xf32, #tpu.memory_space<vmem>>, vector<16xf32>,
      %add3A_190 = arith.constant 3 : i32
      %add3A_191 = arith.addi %mul3A_172, %add3A_190 : i32
      %mul3A_192 = arith.constant 16 : i32
      %mul3A_193 = arith.muli %add3A_191, %mul3A_192 : i32
      %get3A_194 = arith.index_cast %mul3A_193 : i32 to index
      %get3A_195 = tpu.vector_load %arg4[%get3A_194] {strides = array<i32>} : memref<4096xf32, #tpu.memory_space<vmem>>, vector<16xf32>,
      %add3A_196 = arith.constant 4 : i32
      %add3A_197 = arith.addi %mul3A_172, %add3A_196 : i32
      %mul3A_198 = arith.constant 16 : i32
      %mul3A_199 = arith.muli %add3A_197, %mul3A_198 : i32
      %get3A_200 = arith.index_cast %mul3A_199 : i32 to index
      %get3A_201 = tpu.vector_load %arg4[%get3A_200] {strides = array<i32>} : memref<4096xf32, #tpu.memory_space<vmem>>, vector<16xf32>,
      %add3A_202 = arith.constant 5 : i32
      %add3A_203 = arith.addi %mul3A_172, %add3A_202 : i32
      %mul3A_204 = arith.constant 16 : i32
      %mul3A_205 = arith.muli %add3A_203, %mul3A_204 : i32
      %get3A_206 = arith.index_cast %mul3A_205 : i32 to index
      %get3A_207 = tpu.vector_load %arg4[%get3A_206] {strides = array<i32>} : memref<4096xf32, #tpu.memory_space<vmem>>, vector<16xf32>,
      %add3A_208 = arith.constant 6 : i32
      %add3A_209 = arith.addi %mul3A_172, %add3A_208 : i32
      %mul3A_210 = arith.constant 16 : i32
      %mul3A_211 = arith.muli %add3A_209, %mul3A_210 : i32
      %get3A_212 = arith.index_cast %mul3A_211 : i32 to index
      %get3A_213 = tpu.vector_load %arg4[%get3A_212] {strides = array<i32>} : memref<4096xf32, #tpu.memory_space<vmem>>, vector<16xf32>,
      %add3A_214 = arith.constant 7 : i32
      %add3A_215 = arith.addi %mul3A_172, %add3A_214 : i32
      %mul3A_216 = arith.constant 16 : i32
      %mul3A_217 = arith.muli %add3A_215, %mul3A_216 : i32
      %get3A_218 = arith.index_cast %mul3A_217 : i32 to index
      %get3A_219 = tpu.vector_load %arg4[%get3A_218] {strides = array<i32>} : memref<4096xf32, #tpu.memory_space<vmem>>, vector<16xf32>,
      %add3A_220 = arith.constant 8 : i32
      %add3A_221 = arith.addi %mul3A_172, %add3A_220 : i32
      %mul3A_222 = arith.constant 16 : i32
      %mul3A_223 = arith.muli %add3A_221, %mul3A_222 : i32
      %get3A_224 = arith.index_cast %mul3A_223 : i32 to index
      %get3A_225 = tpu.vector_load %arg4[%get3A_224] {strides = array<i32>} : memref<4096xf32, #tpu.memory_space<vmem>>, vector<16xf32>,
      %add3A_226 = arith.constant 9 : i32
      %add3A_227 = arith.addi %mul3A_172, %add3A_226 : i32
      %mul3A_228 = arith.constant 16 : i32
      %mul3A_229 = arith.muli %add3A_227, %mul3A_228 : i32
      %get3A_230 = arith.index_cast %mul3A_229 : i32 to index
      %get3A_231 = tpu.vector_load %arg4[%get3A_230] {strides = array<i32>} : memref<4096xf32, #tpu.memory_space<vmem>>, vector<16xf32>,
      %add3A_232 = arith.constant 10 : i32
      %add3A_233 = arith.addi %mul3A_172, %add3A_232 : i32
      %mul3A_234 = arith.constant 16 : i32
      %mul3A_235 = arith.muli %add3A_233, %mul3A_234 : i32
      %get3A_236 = arith.index_cast %mul3A_235 : i32 to index
      %get3A_237 = tpu.vector_load %arg4[%get3A_236] {strides = array<i32>} : memref<4096xf32, #tpu.memory_space<vmem>>, vector<16xf32>,
      %add3A_238 = arith.constant 11 : i32
      %add3A_239 = arith.addi %mul3A_172, %add3A_238 : i32
      %mul3A_240 = arith.constant 16 : i32
      %mul3A_241 = arith.muli %add3A_239, %mul3A_240 : i32
      %get3A_242 = arith.index_cast %mul3A_241 : i32 to index
      %get3A_243 = tpu.vector_load %arg4[%get3A_242] {strides = array<i32>} : memref<4096xf32, #tpu.memory_space<vmem>>, vector<16xf32>,
      %add3A_244 = arith.constant 12 : i32
      %add3A_245 = arith.addi %mul3A_172, %add3A_244 : i32
      %mul3A_246 = arith.constant 16 : i32
      %mul3A_247 = arith.muli %add3A_245, %mul3A_246 : i32
      %get3A_248 = arith.index_cast %mul3A_247 : i32 to index
      %get3A_249 = tpu.vector_load %arg4[%get3A_248] {strides = array<i32>} : memref<4096xf32, #tpu.memory_space<vmem>>, vector<16xf32>,
      %add3A_250 = arith.constant 13 : i32
      %add3A_251 = arith.addi %mul3A_172, %add3A_250 : i32
      %mul3A_252 = arith.constant 16 : i32
      %mul3A_253 = arith.muli %add3A_251, %mul3A_252 : i32
      %get3A_254 = arith.index_cast %mul3A_253 : i32 to index
      %get3A_255 = tpu.vector_load %arg4[%get3A_254] {strides = array<i32>} : memref<4096xf32, #tpu.memory_space<vmem>>, vector<16xf32>,
      %add3A_256 = arith.constant 14 : i32
      %add3A_257 = arith.addi %mul3A_172, %add3A_256 : i32
      %mul3A_258 = arith.constant 16 : i32
      %mul3A_259 = arith.muli %add3A_257, %mul3A_258 : i32
      %get3A_260 = arith.index_cast %mul3A_259 : i32 to index
      %get3A_261 = tpu.vector_load %arg4[%get3A_260] {strides = array<i32>} : memref<4096xf32, #tpu.memory_space<vmem>>, vector<16xf32>,
      %add3A_262 = arith.constant 15 : i32
      %add3A_263 = arith.addi %mul3A_172, %add3A_262 : i32
      %mul3A_264 = arith.constant 16 : i32
      %mul3A_265 = arith.muli %add3A_263, %mul3A_264 : i32
      %get3A_266 = arith.index_cast %mul3A_265 : i32 to index
      %get3A_267 = tpu.vector_load %arg4[%get3A_266] {strides = array<i32>} : memref<4096xf32, #tpu.memory_space<vmem>>, vector<16xf32>,
      %mul3A_268 = arith.constant 5.120000e+01 : f32
      %mul3A_269 = vector.broadcast %mul3A_268 : f32 to vector<16xf32>
      %mul3A_270 = arith.mulf %get3A_177, %mul3A_269 : vector<16xf32>
      %add3A_271 = arith.constant 2.565000e+02 : f32
      %add3A_272 = vector.broadcast %add3A_271 : f32 to vector<16xf32>
      %add3A_273 = arith.addf %mul3A_270, %add3A_272 : vector<16xf32>
      %max3A = arith.constant 0.000000e+00 : f32
      %max3A_274 = vector.broadcast %max3A : f32 to vector<16xf32>
      %max3A_275 = arith.maximumf %add3A_273, %max3A_274 : vector<16xf32>
      %min3A = arith.constant 5.124000e+02 : f32
      %min3A_276 = vector.broadcast %min3A : f32 to vector<16xf32>
      %min3A_277 = arith.minimumf %max3A_275, %min3A_276 : vector<16xf32>
      %convert_element_type3A_278 = arith.fptosi %min3A_277 : vector<16xf32> to vector<16xi32>
      %add3A_279 = arith.addi %mul3A_15, %convert_element_type3A_278 : vector<16xi32>
      %mul3A_280 = arith.constant 5.120000e+01 : f32
      %mul3A_281 = vector.broadcast %mul3A_280 : f32 to vector<16xf32>
      %mul3A_282 = arith.mulf %get3A_183, %mul3A_281 : vector<16xf32>
      %add3A_283 = arith.constant 2.565000e+02 : f32
      %add3A_284 = vector.broadcast %add3A_283 : f32 to vector<16xf32>
      %add3A_285 = arith.addf %mul3A_282, %add3A_284 : vector<16xf32>
      %max3A_286 = arith.constant 0.000000e+00 : f32
      %max3A_287 = vector.broadcast %max3A_286 : f32 to vector<16xf32>
      %max3A_288 = arith.maximumf %add3A_285, %max3A_287 : vector<16xf32>
      %min3A_289 = arith.constant 5.124000e+02 : f32
      %min3A_290 = vector.broadcast %min3A_289 : f32 to vector<16xf32>
      %min3A_291 = arith.minimumf %max3A_288, %min3A_290 : vector<16xf32>
      %convert_element_type3A_292 = arith.fptosi %min3A_291 : vector<16xf32> to vector<16xi32>
      %add3A_293 = arith.addi %mul3A_15, %convert_element_type3A_292 : vector<16xi32>
      %mul3A_294 = arith.constant 5.120000e+01 : f32
      %mul3A_295 = vector.broadcast %mul3A_294 : f32 to vector<16xf32>
      %mul3A_296 = arith.mulf %get3A_189, %mul3A_295 : vector<16xf32>
      %add3A_297 = arith.constant 2.565000e+02 : f32
      %add3A_298 = vector.broadcast %add3A_297 : f32 to vector<16xf32>
      %add3A_299 = arith.addf %mul3A_296, %add3A_298 : vector<16xf32>
      %max3A_300 = arith.constant 0.000000e+00 : f32
      %max3A_301 = vector.broadcast %max3A_300 : f32 to vector<16xf32>
      %max3A_302 = arith.maximumf %add3A_299, %max3A_301 : vector<16xf32>
      %min3A_303 = arith.constant 5.124000e+02 : f32
      %min3A_304 = vector.broadcast %min3A_303 : f32 to vector<16xf32>
      %min3A_305 = arith.minimumf %max3A_302, %min3A_304 : vector<16xf32>
      %convert_element_type3A_306 = arith.fptosi %min3A_305 : vector<16xf32> to vector<16xi32>
      %add3A_307 = arith.addi %mul3A_15, %convert_element_type3A_306 : vector<16xi32>
      %mul3A_308 = arith.constant 5.120000e+01 : f32
      %mul3A_309 = vector.broadcast %mul3A_308 : f32 to vector<16xf32>
      %mul3A_310 = arith.mulf %get3A_195, %mul3A_309 : vector<16xf32>
      %add3A_311 = arith.constant 2.565000e+02 : f32
      %add3A_312 = vector.broadcast %add3A_311 : f32 to vector<16xf32>
      %add3A_313 = arith.addf %mul3A_310, %add3A_312 : vector<16xf32>
      %max3A_314 = arith.constant 0.000000e+00 : f32
      %max3A_315 = vector.broadcast %max3A_314 : f32 to vector<16xf32>
      %max3A_316 = arith.maximumf %add3A_313, %max3A_315 : vector<16xf32>
      %min3A_317 = arith.constant 5.124000e+02 : f32
      %min3A_318 = vector.broadcast %min3A_317 : f32 to vector<16xf32>
      %min3A_319 = arith.minimumf %max3A_316, %min3A_318 : vector<16xf32>
      %convert_element_type3A_320 = arith.fptosi %min3A_319 : vector<16xf32> to vector<16xi32>
      %add3A_321 = arith.addi %mul3A_15, %convert_element_type3A_320 : vector<16xi32>
      %mul3A_322 = arith.constant 5.120000e+01 : f32
      %mul3A_323 = vector.broadcast %mul3A_322 : f32 to vector<16xf32>
      %mul3A_324 = arith.mulf %get3A_201, %mul3A_323 : vector<16xf32>
      %add3A_325 = arith.constant 2.565000e+02 : f32
      %add3A_326 = vector.broadcast %add3A_325 : f32 to vector<16xf32>
      %add3A_327 = arith.addf %mul3A_324, %add3A_326 : vector<16xf32>
      %max3A_328 = arith.constant 0.000000e+00 : f32
      %max3A_329 = vector.broadcast %max3A_328 : f32 to vector<16xf32>
      %max3A_330 = arith.maximumf %add3A_327, %max3A_329 : vector<16xf32>
      %min3A_331 = arith.constant 5.124000e+02 : f32
      %min3A_332 = vector.broadcast %min3A_331 : f32 to vector<16xf32>
      %min3A_333 = arith.minimumf %max3A_330, %min3A_332 : vector<16xf32>
      %convert_element_type3A_334 = arith.fptosi %min3A_333 : vector<16xf32> to vector<16xi32>
      %add3A_335 = arith.addi %mul3A_15, %convert_element_type3A_334 : vector<16xi32>
      %mul3A_336 = arith.constant 5.120000e+01 : f32
      %mul3A_337 = vector.broadcast %mul3A_336 : f32 to vector<16xf32>
      %mul3A_338 = arith.mulf %get3A_207, %mul3A_337 : vector<16xf32>
      %add3A_339 = arith.constant 2.565000e+02 : f32
      %add3A_340 = vector.broadcast %add3A_339 : f32 to vector<16xf32>
      %add3A_341 = arith.addf %mul3A_338, %add3A_340 : vector<16xf32>
      %max3A_342 = arith.constant 0.000000e+00 : f32
      %max3A_343 = vector.broadcast %max3A_342 : f32 to vector<16xf32>
      %max3A_344 = arith.maximumf %add3A_341, %max3A_343 : vector<16xf32>
      %min3A_345 = arith.constant 5.124000e+02 : f32
      %min3A_346 = vector.broadcast %min3A_345 : f32 to vector<16xf32>
      %min3A_347 = arith.minimumf %max3A_344, %min3A_346 : vector<16xf32>
      %convert_element_type3A_348 = arith.fptosi %min3A_347 : vector<16xf32> to vector<16xi32>
      %add3A_349 = arith.addi %mul3A_15, %convert_element_type3A_348 : vector<16xi32>
      %mul3A_350 = arith.constant 5.120000e+01 : f32
      %mul3A_351 = vector.broadcast %mul3A_350 : f32 to vector<16xf32>
      %mul3A_352 = arith.mulf %get3A_213, %mul3A_351 : vector<16xf32>
      %add3A_353 = arith.constant 2.565000e+02 : f32
      %add3A_354 = vector.broadcast %add3A_353 : f32 to vector<16xf32>
      %add3A_355 = arith.addf %mul3A_352, %add3A_354 : vector<16xf32>
      %max3A_356 = arith.constant 0.000000e+00 : f32
      %max3A_357 = vector.broadcast %max3A_356 : f32 to vector<16xf32>
      %max3A_358 = arith.maximumf %add3A_355, %max3A_357 : vector<16xf32>
      %min3A_359 = arith.constant 5.124000e+02 : f32
      %min3A_360 = vector.broadcast %min3A_359 : f32 to vector<16xf32>
      %min3A_361 = arith.minimumf %max3A_358, %min3A_360 : vector<16xf32>
      %convert_element_type3A_362 = arith.fptosi %min3A_361 : vector<16xf32> to vector<16xi32>
      %add3A_363 = arith.addi %mul3A_15, %convert_element_type3A_362 : vector<16xi32>
      %mul3A_364 = arith.constant 5.120000e+01 : f32
      %mul3A_365 = vector.broadcast %mul3A_364 : f32 to vector<16xf32>
      %mul3A_366 = arith.mulf %get3A_219, %mul3A_365 : vector<16xf32>
      %add3A_367 = arith.constant 2.565000e+02 : f32
      %add3A_368 = vector.broadcast %add3A_367 : f32 to vector<16xf32>
      %add3A_369 = arith.addf %mul3A_366, %add3A_368 : vector<16xf32>
      %max3A_370 = arith.constant 0.000000e+00 : f32
      %max3A_371 = vector.broadcast %max3A_370 : f32 to vector<16xf32>
      %max3A_372 = arith.maximumf %add3A_369, %max3A_371 : vector<16xf32>
      %min3A_373 = arith.constant 5.124000e+02 : f32
      %min3A_374 = vector.broadcast %min3A_373 : f32 to vector<16xf32>
      %min3A_375 = arith.minimumf %max3A_372, %min3A_374 : vector<16xf32>
      %convert_element_type3A_376 = arith.fptosi %min3A_375 : vector<16xf32> to vector<16xi32>
      %add3A_377 = arith.addi %mul3A_15, %convert_element_type3A_376 : vector<16xi32>
      %mul3A_378 = arith.constant 5.120000e+01 : f32
      %mul3A_379 = vector.broadcast %mul3A_378 : f32 to vector<16xf32>
      %mul3A_380 = arith.mulf %get3A_225, %mul3A_379 : vector<16xf32>
      %add3A_381 = arith.constant 2.565000e+02 : f32
      %add3A_382 = vector.broadcast %add3A_381 : f32 to vector<16xf32>
      %add3A_383 = arith.addf %mul3A_380, %add3A_382 : vector<16xf32>
      %max3A_384 = arith.constant 0.000000e+00 : f32
      %max3A_385 = vector.broadcast %max3A_384 : f32 to vector<16xf32>
      %max3A_386 = arith.maximumf %add3A_383, %max3A_385 : vector<16xf32>
      %min3A_387 = arith.constant 5.124000e+02 : f32
      %min3A_388 = vector.broadcast %min3A_387 : f32 to vector<16xf32>
      %min3A_389 = arith.minimumf %max3A_386, %min3A_388 : vector<16xf32>
      %convert_element_type3A_390 = arith.fptosi %min3A_389 : vector<16xf32> to vector<16xi32>
      %add3A_391 = arith.addi %mul3A_15, %convert_element_type3A_390 : vector<16xi32>
      %mul3A_392 = arith.constant 5.120000e+01 : f32
      %mul3A_393 = vector.broadcast %mul3A_392 : f32 to vector<16xf32>
      %mul3A_394 = arith.mulf %get3A_231, %mul3A_393 : vector<16xf32>
      %add3A_395 = arith.constant 2.565000e+02 : f32
      %add3A_396 = vector.broadcast %add3A_395 : f32 to vector<16xf32>
      %add3A_397 = arith.addf %mul3A_394, %add3A_396 : vector<16xf32>
      %max3A_398 = arith.constant 0.000000e+00 : f32
      %max3A_399 = vector.broadcast %max3A_398 : f32 to vector<16xf32>
      %max3A_400 = arith.maximumf %add3A_397, %max3A_399 : vector<16xf32>
      %min3A_401 = arith.constant 5.124000e+02 : f32
      %min3A_402 = vector.broadcast %min3A_401 : f32 to vector<16xf32>
      %min3A_403 = arith.minimumf %max3A_400, %min3A_402 : vector<16xf32>
      %convert_element_type3A_404 = arith.fptosi %min3A_403 : vector<16xf32> to vector<16xi32>
      %add3A_405 = arith.addi %mul3A_15, %convert_element_type3A_404 : vector<16xi32>
      %mul3A_406 = arith.constant 5.120000e+01 : f32
      %mul3A_407 = vector.broadcast %mul3A_406 : f32 to vector<16xf32>
      %mul3A_408 = arith.mulf %get3A_237, %mul3A_407 : vector<16xf32>
      %add3A_409 = arith.constant 2.565000e+02 : f32
      %add3A_410 = vector.broadcast %add3A_409 : f32 to vector<16xf32>
      %add3A_411 = arith.addf %mul3A_408, %add3A_410 : vector<16xf32>
      %max3A_412 = arith.constant 0.000000e+00 : f32
      %max3A_413 = vector.broadcast %max3A_412 : f32 to vector<16xf32>
      %max3A_414 = arith.maximumf %add3A_411, %max3A_413 : vector<16xf32>
      %min3A_415 = arith.constant 5.124000e+02 : f32
      %min3A_416 = vector.broadcast %min3A_415 : f32 to vector<16xf32>
      %min3A_417 = arith.minimumf %max3A_414, %min3A_416 : vector<16xf32>
      %convert_element_type3A_418 = arith.fptosi %min3A_417 : vector<16xf32> to vector<16xi32>
      %add3A_419 = arith.addi %mul3A_15, %convert_element_type3A_418 : vector<16xi32>
      %mul3A_420 = arith.constant 5.120000e+01 : f32
      %mul3A_421 = vector.broadcast %mul3A_420 : f32 to vector<16xf32>
      %mul3A_422 = arith.mulf %get3A_243, %mul3A_421 : vector<16xf32>
      %add3A_423 = arith.constant 2.565000e+02 : f32
      %add3A_424 = vector.broadcast %add3A_423 : f32 to vector<16xf32>
      %add3A_425 = arith.addf %mul3A_422, %add3A_424 : vector<16xf32>
      %max3A_426 = arith.constant 0.000000e+00 : f32
      %max3A_427 = vector.broadcast %max3A_426 : f32 to vector<16xf32>
      %max3A_428 = arith.maximumf %add3A_425, %max3A_427 : vector<16xf32>
      %min3A_429 = arith.constant 5.124000e+02 : f32
      %min3A_430 = vector.broadcast %min3A_429 : f32 to vector<16xf32>
      %min3A_431 = arith.minimumf %max3A_428, %min3A_430 : vector<16xf32>
      %convert_element_type3A_432 = arith.fptosi %min3A_431 : vector<16xf32> to vector<16xi32>
      %add3A_433 = arith.addi %mul3A_15, %convert_element_type3A_432 : vector<16xi32>
      %mul3A_434 = arith.constant 5.120000e+01 : f32
      %mul3A_435 = vector.broadcast %mul3A_434 : f32 to vector<16xf32>
      %mul3A_436 = arith.mulf %get3A_249, %mul3A_435 : vector<16xf32>
      %add3A_437 = arith.constant 2.565000e+02 : f32
      %add3A_438 = vector.broadcast %add3A_437 : f32 to vector<16xf32>
      %add3A_439 = arith.addf %mul3A_436, %add3A_438 : vector<16xf32>
      %max3A_440 = arith.constant 0.000000e+00 : f32
      %max3A_441 = vector.broadcast %max3A_440 : f32 to vector<16xf32>
      %max3A_442 = arith.maximumf %add3A_439, %max3A_441 : vector<16xf32>
      %min3A_443 = arith.constant 5.124000e+02 : f32
      %min3A_444 = vector.broadcast %min3A_443 : f32 to vector<16xf32>
      %min3A_445 = arith.minimumf %max3A_442, %min3A_444 : vector<16xf32>
      %convert_element_type3A_446 = arith.fptosi %min3A_445 : vector<16xf32> to vector<16xi32>
      %add3A_447 = arith.addi %mul3A_15, %convert_element_type3A_446 : vector<16xi32>
      %mul3A_448 = arith.constant 5.120000e+01 : f32
      %mul3A_449 = vector.broadcast %mul3A_448 : f32 to vector<16xf32>
      %mul3A_450 = arith.mulf %get3A_255, %mul3A_449 : vector<16xf32>
      %add3A_451 = arith.constant 2.565000e+02 : f32
      %add3A_452 = vector.broadcast %add3A_451 : f32 to vector<16xf32>
      %add3A_453 = arith.addf %mul3A_450, %add3A_452 : vector<16xf32>
      %max3A_454 = arith.constant 0.000000e+00 : f32
      %max3A_455 = vector.broadcast %max3A_454 : f32 to vector<16xf32>
      %max3A_456 = arith.maximumf %add3A_453, %max3A_455 : vector<16xf32>
      %min3A_457 = arith.constant 5.124000e+02 : f32
      %min3A_458 = vector.broadcast %min3A_457 : f32 to vector<16xf32>
      %min3A_459 = arith.minimumf %max3A_456, %min3A_458 : vector<16xf32>
      %convert_element_type3A_460 = arith.fptosi %min3A_459 : vector<16xf32> to vector<16xi32>
      %add3A_461 = arith.addi %mul3A_15, %convert_element_type3A_460 : vector<16xi32>
      %mul3A_462 = arith.constant 5.120000e+01 : f32
      %mul3A_463 = vector.broadcast %mul3A_462 : f32 to vector<16xf32>
      %mul3A_464 = arith.mulf %get3A_261, %mul3A_463 : vector<16xf32>
      %add3A_465 = arith.constant 2.565000e+02 : f32
      %add3A_466 = vector.broadcast %add3A_465 : f32 to vector<16xf32>
      %add3A_467 = arith.addf %mul3A_464, %add3A_466 : vector<16xf32>
      %max3A_468 = arith.constant 0.000000e+00 : f32
      %max3A_469 = vector.broadcast %max3A_468 : f32 to vector<16xf32>
      %max3A_470 = arith.maximumf %add3A_467, %max3A_469 : vector<16xf32>
      %min3A_471 = arith.constant 5.124000e+02 : f32
      %min3A_472 = vector.broadcast %min3A_471 : f32 to vector<16xf32>
      %min3A_473 = arith.minimumf %max3A_470, %min3A_472 : vector<16xf32>
      %convert_element_type3A_474 = arith.fptosi %min3A_473 : vector<16xf32> to vector<16xi32>
      %add3A_475 = arith.addi %mul3A_15, %convert_element_type3A_474 : vector<16xi32>
      %mul3A_476 = arith.constant 5.120000e+01 : f32
      %mul3A_477 = vector.broadcast %mul3A_476 : f32 to vector<16xf32>
      %mul3A_478 = arith.mulf %get3A_267, %mul3A_477 : vector<16xf32>
      %add3A_479 = arith.constant 2.565000e+02 : f32
      %add3A_480 = vector.broadcast %add3A_479 : f32 to vector<16xf32>
      %add3A_481 = arith.addf %mul3A_478, %add3A_480 : vector<16xf32>
      %max3A_482 = arith.constant 0.000000e+00 : f32
      %max3A_483 = vector.broadcast %max3A_482 : f32 to vector<16xf32>
      %max3A_484 = arith.maximumf %add3A_481, %max3A_483 : vector<16xf32>
      %min3A_485 = arith.constant 5.124000e+02 : f32
      %min3A_486 = vector.broadcast %min3A_485 : f32 to vector<16xf32>
      %min3A_487 = arith.minimumf %max3A_484, %min3A_486 : vector<16xf32>
      %convert_element_type3A_488 = arith.fptosi %min3A_487 : vector<16xf32> to vector<16xi32>
      %add3A_489 = arith.addi %mul3A_15, %convert_element_type3A_488 : vector<16xi32>
      tpu.vector_store_idx %arg6[%add3A_279], %broadcast_in_dim3A_17 {add = true} : memref<8448xf32, #tpu.memory_space<vmem>>[vector<16xi32>], vector<16xf32>,
      tpu.vector_store_idx %arg6[%add3A_293], %broadcast_in_dim3A_17 {add = true} : memref<8448xf32, #tpu.memory_space<vmem>>[vector<16xi32>], vector<16xf32>,
      tpu.vector_store_idx %arg6[%add3A_307], %broadcast_in_dim3A_17 {add = true} : memref<8448xf32, #tpu.memory_space<vmem>>[vector<16xi32>], vector<16xf32>,
      tpu.vector_store_idx %arg6[%add3A_321], %broadcast_in_dim3A_17 {add = true} : memref<8448xf32, #tpu.memory_space<vmem>>[vector<16xi32>], vector<16xf32>,
      tpu.vector_store_idx %arg6[%add3A_335], %broadcast_in_dim3A_17 {add = true} : memref<8448xf32, #tpu.memory_space<vmem>>[vector<16xi32>], vector<16xf32>,
      tpu.vector_store_idx %arg6[%add3A_349], %broadcast_in_dim3A_17 {add = true} : memref<8448xf32, #tpu.memory_space<vmem>>[vector<16xi32>], vector<16xf32>,
      tpu.vector_store_idx %arg6[%add3A_363], %broadcast_in_dim3A_17 {add = true} : memref<8448xf32, #tpu.memory_space<vmem>>[vector<16xi32>], vector<16xf32>,
      tpu.vector_store_idx %arg6[%add3A_377], %broadcast_in_dim3A_17 {add = true} : memref<8448xf32, #tpu.memory_space<vmem>>[vector<16xi32>], vector<16xf32>,
      tpu.vector_store_idx %arg6[%add3A_391], %broadcast_in_dim3A_17 {add = true} : memref<8448xf32, #tpu.memory_space<vmem>>[vector<16xi32>], vector<16xf32>,
      tpu.vector_store_idx %arg6[%add3A_405], %broadcast_in_dim3A_17 {add = true} : memref<8448xf32, #tpu.memory_space<vmem>>[vector<16xi32>], vector<16xf32>,
      tpu.vector_store_idx %arg6[%add3A_419], %broadcast_in_dim3A_17 {add = true} : memref<8448xf32, #tpu.memory_space<vmem>>[vector<16xi32>], vector<16xf32>,
      tpu.vector_store_idx %arg6[%add3A_433], %broadcast_in_dim3A_17 {add = true} : memref<8448xf32, #tpu.memory_space<vmem>>[vector<16xi32>], vector<16xf32>,
      tpu.vector_store_idx %arg6[%add3A_447], %broadcast_in_dim3A_17 {add = true} : memref<8448xf32, #tpu.memory_space<vmem>>[vector<16xi32>], vector<16xf32>,
      tpu.vector_store_idx %arg6[%add3A_461], %broadcast_in_dim3A_17 {add = true} : memref<8448xf32, #tpu.memory_space<vmem>>[vector<16xi32>], vector<16xf32>,
      tpu.vector_store_idx %arg6[%add3A_475], %broadcast_in_dim3A_17 {add = true} : memref<8448xf32, #tpu.memory_space<vmem>>[vector<16xi32>], vector<16xf32>,
      tpu.vector_store_idx %arg6[%add3A_489], %broadcast_in_dim3A_17 {add = true} : memref<8448xf32, #tpu.memory_space<vmem>>[vector<16xi32>], vector<16xf32>,
    }
    %scan3A_148 = arith.constant 16 : i32
    %dma_wait3A_149 = arith.constant 0 : i32
    %dma_wait3A_150 = arith.constant 0 : i32
    %dma_wait3A_151 = tpu.memref_slice %arg5[%dma_wait3A_150] : memref<4096xf32, #tpu.memory_space<vmem>> -> memref<2560xf32, #tpu.memory_space<vmem>>
    %dma_wait3A_152 = tpu.memref_slice %arg2[%dma_wait3A_149, %add3A_128] : memref<6x1000000xf32, #tpu.memory_space<hbm>> -> memref<1x2560xf32, #tpu.memory_space<hbm>>
    %dma_wait3A_153 = tpu.memref_squeeze %dma_wait3A_152 : memref<1x2560xf32, #tpu.memory_space<hbm>> -> memref<2560xf32, #tpu.memory_space<hbm>>
    %dma_wait3A_154 = arith.constant 0 : i32
    %dma_wait3A_155 = tpu.memref_slice %arg5[%dma_wait3A_154] : memref<4096xf32, #tpu.memory_space<vmem>> -> memref<2560xf32, #tpu.memory_space<vmem>>
    %dma_wait3A_156 = tpu.memref_slice %arg2[%dma_wait3A_149, %add3A_128] : memref<6x1000000xf32, #tpu.memory_space<hbm>> -> memref<1x2560xf32, #tpu.memory_space<hbm>>
    %dma_wait3A_157 = tpu.memref_squeeze %dma_wait3A_156 : memref<1x2560xf32, #tpu.memory_space<hbm>> -> memref<2560xf32, #tpu.memory_space<hbm>>
    tpu.wait_dma2 semaphore(%arg10 : memref<!tpu.dma_semaphore, #tpu.memory_space<semaphore_mem>>) src(%dma_wait3A_157 : memref<2560xf32, #tpu.memory_space<hbm>>) dst(%dma_wait3A_155 : memref<2560xf32, #tpu.memory_space<vmem>>)
    %scan3A_158 = arith.constant 0 : i32
    %scan3A_159 = arith.constant 0 : i32
    %scan3A_160 = arith.constant 10 : i32
    %scan3A_161 = arith.addi %scan3A_159, %scan3A_160 : i32
    %scan3A_162 = arith.constant 1 : i32
    scf.for %scan3A_170 = %scan3A_159 to %scan3A_161 step %scan3A_162  : i32 {
      %mul3A_171 = arith.constant 16 : i32
      %mul3A_172 = arith.muli %scan3A_170, %mul3A_171 : i32
      %add3A_173 = arith.constant 0 : i32
      %add3A_174 = arith.addi %mul3A_172, %add3A_173 : i32
      %mul3A_175 = arith.constant 16 : i32
      %mul3A_176 = arith.muli %add3A_174, %mul3A_175 : i32
      %get3A = arith.index_cast %mul3A_176 : i32 to index
      %get3A_177 = tpu.vector_load %arg5[%get3A] {strides = array<i32>} : memref<4096xf32, #tpu.memory_space<vmem>>, vector<16xf32>,
      %add3A_178 = arith.constant 1 : i32
      %add3A_179 = arith.addi %mul3A_172, %add3A_178 : i32
      %mul3A_180 = arith.constant 16 : i32
      %mul3A_181 = arith.muli %add3A_179, %mul3A_180 : i32
      %get3A_182 = arith.index_cast %mul3A_181 : i32 to index
      %get3A_183 = tpu.vector_load %arg5[%get3A_182] {strides = array<i32>} : memref<4096xf32, #tpu.memory_space<vmem>>, vector<16xf32>,
      %add3A_184 = arith.constant 2 : i32
      %add3A_185 = arith.addi %mul3A_172, %add3A_184 : i32
      %mul3A_186 = arith.constant 16 : i32
      %mul3A_187 = arith.muli %add3A_185, %mul3A_186 : i32
      %get3A_188 = arith.index_cast %mul3A_187 : i32 to index
      %get3A_189 = tpu.vector_load %arg5[%get3A_188] {strides = array<i32>} : memref<4096xf32, #tpu.memory_space<vmem>>, vector<16xf32>,
      %add3A_190 = arith.constant 3 : i32
      %add3A_191 = arith.addi %mul3A_172, %add3A_190 : i32
      %mul3A_192 = arith.constant 16 : i32
      %mul3A_193 = arith.muli %add3A_191, %mul3A_192 : i32
      %get3A_194 = arith.index_cast %mul3A_193 : i32 to index
      %get3A_195 = tpu.vector_load %arg5[%get3A_194] {strides = array<i32>} : memref<4096xf32, #tpu.memory_space<vmem>>, vector<16xf32>,
      %add3A_196 = arith.constant 4 : i32
      %add3A_197 = arith.addi %mul3A_172, %add3A_196 : i32
      %mul3A_198 = arith.constant 16 : i32
      %mul3A_199 = arith.muli %add3A_197, %mul3A_198 : i32
      %get3A_200 = arith.index_cast %mul3A_199 : i32 to index
      %get3A_201 = tpu.vector_load %arg5[%get3A_200] {strides = array<i32>} : memref<4096xf32, #tpu.memory_space<vmem>>, vector<16xf32>,
      %add3A_202 = arith.constant 5 : i32
      %add3A_203 = arith.addi %mul3A_172, %add3A_202 : i32
      %mul3A_204 = arith.constant 16 : i32
      %mul3A_205 = arith.muli %add3A_203, %mul3A_204 : i32
      %get3A_206 = arith.index_cast %mul3A_205 : i32 to index
      %get3A_207 = tpu.vector_load %arg5[%get3A_206] {strides = array<i32>} : memref<4096xf32, #tpu.memory_space<vmem>>, vector<16xf32>,
      %add3A_208 = arith.constant 6 : i32
      %add3A_209 = arith.addi %mul3A_172, %add3A_208 : i32
      %mul3A_210 = arith.constant 16 : i32
      %mul3A_211 = arith.muli %add3A_209, %mul3A_210 : i32
      %get3A_212 = arith.index_cast %mul3A_211 : i32 to index
      %get3A_213 = tpu.vector_load %arg5[%get3A_212] {strides = array<i32>} : memref<4096xf32, #tpu.memory_space<vmem>>, vector<16xf32>,
      %add3A_214 = arith.constant 7 : i32
      %add3A_215 = arith.addi %mul3A_172, %add3A_214 : i32
      %mul3A_216 = arith.constant 16 : i32
      %mul3A_217 = arith.muli %add3A_215, %mul3A_216 : i32
      %get3A_218 = arith.index_cast %mul3A_217 : i32 to index
      %get3A_219 = tpu.vector_load %arg5[%get3A_218] {strides = array<i32>} : memref<4096xf32, #tpu.memory_space<vmem>>, vector<16xf32>,
      %add3A_220 = arith.constant 8 : i32
      %add3A_221 = arith.addi %mul3A_172, %add3A_220 : i32
      %mul3A_222 = arith.constant 16 : i32
      %mul3A_223 = arith.muli %add3A_221, %mul3A_222 : i32
      %get3A_224 = arith.index_cast %mul3A_223 : i32 to index
      %get3A_225 = tpu.vector_load %arg5[%get3A_224] {strides = array<i32>} : memref<4096xf32, #tpu.memory_space<vmem>>, vector<16xf32>,
      %add3A_226 = arith.constant 9 : i32
      %add3A_227 = arith.addi %mul3A_172, %add3A_226 : i32
      %mul3A_228 = arith.constant 16 : i32
      %mul3A_229 = arith.muli %add3A_227, %mul3A_228 : i32
      %get3A_230 = arith.index_cast %mul3A_229 : i32 to index
      %get3A_231 = tpu.vector_load %arg5[%get3A_230] {strides = array<i32>} : memref<4096xf32, #tpu.memory_space<vmem>>, vector<16xf32>,
      %add3A_232 = arith.constant 10 : i32
      %add3A_233 = arith.addi %mul3A_172, %add3A_232 : i32
      %mul3A_234 = arith.constant 16 : i32
      %mul3A_235 = arith.muli %add3A_233, %mul3A_234 : i32
      %get3A_236 = arith.index_cast %mul3A_235 : i32 to index
      %get3A_237 = tpu.vector_load %arg5[%get3A_236] {strides = array<i32>} : memref<4096xf32, #tpu.memory_space<vmem>>, vector<16xf32>,
      %add3A_238 = arith.constant 11 : i32
      %add3A_239 = arith.addi %mul3A_172, %add3A_238 : i32
      %mul3A_240 = arith.constant 16 : i32
      %mul3A_241 = arith.muli %add3A_239, %mul3A_240 : i32
      %get3A_242 = arith.index_cast %mul3A_241 : i32 to index
      %get3A_243 = tpu.vector_load %arg5[%get3A_242] {strides = array<i32>} : memref<4096xf32, #tpu.memory_space<vmem>>, vector<16xf32>,
      %add3A_244 = arith.constant 12 : i32
      %add3A_245 = arith.addi %mul3A_172, %add3A_244 : i32
      %mul3A_246 = arith.constant 16 : i32
      %mul3A_247 = arith.muli %add3A_245, %mul3A_246 : i32
      %get3A_248 = arith.index_cast %mul3A_247 : i32 to index
      %get3A_249 = tpu.vector_load %arg5[%get3A_248] {strides = array<i32>} : memref<4096xf32, #tpu.memory_space<vmem>>, vector<16xf32>,
      %add3A_250 = arith.constant 13 : i32
      %add3A_251 = arith.addi %mul3A_172, %add3A_250 : i32
      %mul3A_252 = arith.constant 16 : i32
      %mul3A_253 = arith.muli %add3A_251, %mul3A_252 : i32
      %get3A_254 = arith.index_cast %mul3A_253 : i32 to index
      %get3A_255 = tpu.vector_load %arg5[%get3A_254] {strides = array<i32>} : memref<4096xf32, #tpu.memory_space<vmem>>, vector<16xf32>,
      %add3A_256 = arith.constant 14 : i32
      %add3A_257 = arith.addi %mul3A_172, %add3A_256 : i32
      %mul3A_258 = arith.constant 16 : i32
      %mul3A_259 = arith.muli %add3A_257, %mul3A_258 : i32
      %get3A_260 = arith.index_cast %mul3A_259 : i32 to index
      %get3A_261 = tpu.vector_load %arg5[%get3A_260] {strides = array<i32>} : memref<4096xf32, #tpu.memory_space<vmem>>, vector<16xf32>,
      %add3A_262 = arith.constant 15 : i32
      %add3A_263 = arith.addi %mul3A_172, %add3A_262 : i32
      %mul3A_264 = arith.constant 16 : i32
      %mul3A_265 = arith.muli %add3A_263, %mul3A_264 : i32
      %get3A_266 = arith.index_cast %mul3A_265 : i32 to index
      %get3A_267 = tpu.vector_load %arg5[%get3A_266] {strides = array<i32>} : memref<4096xf32, #tpu.memory_space<vmem>>, vector<16xf32>,
      %mul3A_268 = arith.constant 5.120000e+01 : f32
      %mul3A_269 = vector.broadcast %mul3A_268 : f32 to vector<16xf32>
      %mul3A_270 = arith.mulf %get3A_177, %mul3A_269 : vector<16xf32>
      %add3A_271 = arith.constant 2.565000e+02 : f32
      %add3A_272 = vector.broadcast %add3A_271 : f32 to vector<16xf32>
      %add3A_273 = arith.addf %mul3A_270, %add3A_272 : vector<16xf32>
      %max3A = arith.constant 0.000000e+00 : f32
      %max3A_274 = vector.broadcast %max3A : f32 to vector<16xf32>
      %max3A_275 = arith.maximumf %add3A_273, %max3A_274 : vector<16xf32>
      %min3A = arith.constant 5.124000e+02 : f32
      %min3A_276 = vector.broadcast %min3A : f32 to vector<16xf32>
      %min3A_277 = arith.minimumf %max3A_275, %min3A_276 : vector<16xf32>
      %convert_element_type3A_278 = arith.fptosi %min3A_277 : vector<16xf32> to vector<16xi32>
      %add3A_279 = arith.addi %mul3A_15, %convert_element_type3A_278 : vector<16xi32>
      %mul3A_280 = arith.constant 5.120000e+01 : f32
      %mul3A_281 = vector.broadcast %mul3A_280 : f32 to vector<16xf32>
      %mul3A_282 = arith.mulf %get3A_183, %mul3A_281 : vector<16xf32>
      %add3A_283 = arith.constant 2.565000e+02 : f32
      %add3A_284 = vector.broadcast %add3A_283 : f32 to vector<16xf32>
      %add3A_285 = arith.addf %mul3A_282, %add3A_284 : vector<16xf32>
      %max3A_286 = arith.constant 0.000000e+00 : f32
      %max3A_287 = vector.broadcast %max3A_286 : f32 to vector<16xf32>
      %max3A_288 = arith.maximumf %add3A_285, %max3A_287 : vector<16xf32>
      %min3A_289 = arith.constant 5.124000e+02 : f32
      %min3A_290 = vector.broadcast %min3A_289 : f32 to vector<16xf32>
      %min3A_291 = arith.minimumf %max3A_288, %min3A_290 : vector<16xf32>
      %convert_element_type3A_292 = arith.fptosi %min3A_291 : vector<16xf32> to vector<16xi32>
      %add3A_293 = arith.addi %mul3A_15, %convert_element_type3A_292 : vector<16xi32>
      %mul3A_294 = arith.constant 5.120000e+01 : f32
      %mul3A_295 = vector.broadcast %mul3A_294 : f32 to vector<16xf32>
      %mul3A_296 = arith.mulf %get3A_189, %mul3A_295 : vector<16xf32>
      %add3A_297 = arith.constant 2.565000e+02 : f32
      %add3A_298 = vector.broadcast %add3A_297 : f32 to vector<16xf32>
      %add3A_299 = arith.addf %mul3A_296, %add3A_298 : vector<16xf32>
      %max3A_300 = arith.constant 0.000000e+00 : f32
      %max3A_301 = vector.broadcast %max3A_300 : f32 to vector<16xf32>
      %max3A_302 = arith.maximumf %add3A_299, %max3A_301 : vector<16xf32>
      %min3A_303 = arith.constant 5.124000e+02 : f32
      %min3A_304 = vector.broadcast %min3A_303 : f32 to vector<16xf32>
      %min3A_305 = arith.minimumf %max3A_302, %min3A_304 : vector<16xf32>
      %convert_element_type3A_306 = arith.fptosi %min3A_305 : vector<16xf32> to vector<16xi32>
      %add3A_307 = arith.addi %mul3A_15, %convert_element_type3A_306 : vector<16xi32>
      %mul3A_308 = arith.constant 5.120000e+01 : f32
      %mul3A_309 = vector.broadcast %mul3A_308 : f32 to vector<16xf32>
      %mul3A_310 = arith.mulf %get3A_195, %mul3A_309 : vector<16xf32>
      %add3A_311 = arith.constant 2.565000e+02 : f32
      %add3A_312 = vector.broadcast %add3A_311 : f32 to vector<16xf32>
      %add3A_313 = arith.addf %mul3A_310, %add3A_312 : vector<16xf32>
      %max3A_314 = arith.constant 0.000000e+00 : f32
      %max3A_315 = vector.broadcast %max3A_314 : f32 to vector<16xf32>
      %max3A_316 = arith.maximumf %add3A_313, %max3A_315 : vector<16xf32>
      %min3A_317 = arith.constant 5.124000e+02 : f32
      %min3A_318 = vector.broadcast %min3A_317 : f32 to vector<16xf32>
      %min3A_319 = arith.minimumf %max3A_316, %min3A_318 : vector<16xf32>
      %convert_element_type3A_320 = arith.fptosi %min3A_319 : vector<16xf32> to vector<16xi32>
      %add3A_321 = arith.addi %mul3A_15, %convert_element_type3A_320 : vector<16xi32>
      %mul3A_322 = arith.constant 5.120000e+01 : f32
      %mul3A_323 = vector.broadcast %mul3A_322 : f32 to vector<16xf32>
      %mul3A_324 = arith.mulf %get3A_201, %mul3A_323 : vector<16xf32>
      %add3A_325 = arith.constant 2.565000e+02 : f32
      %add3A_326 = vector.broadcast %add3A_325 : f32 to vector<16xf32>
      %add3A_327 = arith.addf %mul3A_324, %add3A_326 : vector<16xf32>
      %max3A_328 = arith.constant 0.000000e+00 : f32
      %max3A_329 = vector.broadcast %max3A_328 : f32 to vector<16xf32>
      %max3A_330 = arith.maximumf %add3A_327, %max3A_329 : vector<16xf32>
      %min3A_331 = arith.constant 5.124000e+02 : f32
      %min3A_332 = vector.broadcast %min3A_331 : f32 to vector<16xf32>
      %min3A_333 = arith.minimumf %max3A_330, %min3A_332 : vector<16xf32>
      %convert_element_type3A_334 = arith.fptosi %min3A_333 : vector<16xf32> to vector<16xi32>
      %add3A_335 = arith.addi %mul3A_15, %convert_element_type3A_334 : vector<16xi32>
      %mul3A_336 = arith.constant 5.120000e+01 : f32
      %mul3A_337 = vector.broadcast %mul3A_336 : f32 to vector<16xf32>
      %mul3A_338 = arith.mulf %get3A_207, %mul3A_337 : vector<16xf32>
      %add3A_339 = arith.constant 2.565000e+02 : f32
      %add3A_340 = vector.broadcast %add3A_339 : f32 to vector<16xf32>
      %add3A_341 = arith.addf %mul3A_338, %add3A_340 : vector<16xf32>
      %max3A_342 = arith.constant 0.000000e+00 : f32
      %max3A_343 = vector.broadcast %max3A_342 : f32 to vector<16xf32>
      %max3A_344 = arith.maximumf %add3A_341, %max3A_343 : vector<16xf32>
      %min3A_345 = arith.constant 5.124000e+02 : f32
      %min3A_346 = vector.broadcast %min3A_345 : f32 to vector<16xf32>
      %min3A_347 = arith.minimumf %max3A_344, %min3A_346 : vector<16xf32>
      %convert_element_type3A_348 = arith.fptosi %min3A_347 : vector<16xf32> to vector<16xi32>
      %add3A_349 = arith.addi %mul3A_15, %convert_element_type3A_348 : vector<16xi32>
      %mul3A_350 = arith.constant 5.120000e+01 : f32
      %mul3A_351 = vector.broadcast %mul3A_350 : f32 to vector<16xf32>
      %mul3A_352 = arith.mulf %get3A_213, %mul3A_351 : vector<16xf32>
      %add3A_353 = arith.constant 2.565000e+02 : f32
      %add3A_354 = vector.broadcast %add3A_353 : f32 to vector<16xf32>
      %add3A_355 = arith.addf %mul3A_352, %add3A_354 : vector<16xf32>
      %max3A_356 = arith.constant 0.000000e+00 : f32
      %max3A_357 = vector.broadcast %max3A_356 : f32 to vector<16xf32>
      %max3A_358 = arith.maximumf %add3A_355, %max3A_357 : vector<16xf32>
      %min3A_359 = arith.constant 5.124000e+02 : f32
      %min3A_360 = vector.broadcast %min3A_359 : f32 to vector<16xf32>
      %min3A_361 = arith.minimumf %max3A_358, %min3A_360 : vector<16xf32>
      %convert_element_type3A_362 = arith.fptosi %min3A_361 : vector<16xf32> to vector<16xi32>
      %add3A_363 = arith.addi %mul3A_15, %convert_element_type3A_362 : vector<16xi32>
      %mul3A_364 = arith.constant 5.120000e+01 : f32
      %mul3A_365 = vector.broadcast %mul3A_364 : f32 to vector<16xf32>
      %mul3A_366 = arith.mulf %get3A_219, %mul3A_365 : vector<16xf32>
      %add3A_367 = arith.constant 2.565000e+02 : f32
      %add3A_368 = vector.broadcast %add3A_367 : f32 to vector<16xf32>
      %add3A_369 = arith.addf %mul3A_366, %add3A_368 : vector<16xf32>
      %max3A_370 = arith.constant 0.000000e+00 : f32
      %max3A_371 = vector.broadcast %max3A_370 : f32 to vector<16xf32>
      %max3A_372 = arith.maximumf %add3A_369, %max3A_371 : vector<16xf32>
      %min3A_373 = arith.constant 5.124000e+02 : f32
      %min3A_374 = vector.broadcast %min3A_373 : f32 to vector<16xf32>
      %min3A_375 = arith.minimumf %max3A_372, %min3A_374 : vector<16xf32>
      %convert_element_type3A_376 = arith.fptosi %min3A_375 : vector<16xf32> to vector<16xi32>
      %add3A_377 = arith.addi %mul3A_15, %convert_element_type3A_376 : vector<16xi32>
      %mul3A_378 = arith.constant 5.120000e+01 : f32
      %mul3A_379 = vector.broadcast %mul3A_378 : f32 to vector<16xf32>
      %mul3A_380 = arith.mulf %get3A_225, %mul3A_379 : vector<16xf32>
      %add3A_381 = arith.constant 2.565000e+02 : f32
      %add3A_382 = vector.broadcast %add3A_381 : f32 to vector<16xf32>
      %add3A_383 = arith.addf %mul3A_380, %add3A_382 : vector<16xf32>
      %max3A_384 = arith.constant 0.000000e+00 : f32
      %max3A_385 = vector.broadcast %max3A_384 : f32 to vector<16xf32>
      %max3A_386 = arith.maximumf %add3A_383, %max3A_385 : vector<16xf32>
      %min3A_387 = arith.constant 5.124000e+02 : f32
      %min3A_388 = vector.broadcast %min3A_387 : f32 to vector<16xf32>
      %min3A_389 = arith.minimumf %max3A_386, %min3A_388 : vector<16xf32>
      %convert_element_type3A_390 = arith.fptosi %min3A_389 : vector<16xf32> to vector<16xi32>
      %add3A_391 = arith.addi %mul3A_15, %convert_element_type3A_390 : vector<16xi32>
      %mul3A_392 = arith.constant 5.120000e+01 : f32
      %mul3A_393 = vector.broadcast %mul3A_392 : f32 to vector<16xf32>
      %mul3A_394 = arith.mulf %get3A_231, %mul3A_393 : vector<16xf32>
      %add3A_395 = arith.constant 2.565000e+02 : f32
      %add3A_396 = vector.broadcast %add3A_395 : f32 to vector<16xf32>
      %add3A_397 = arith.addf %mul3A_394, %add3A_396 : vector<16xf32>
      %max3A_398 = arith.constant 0.000000e+00 : f32
      %max3A_399 = vector.broadcast %max3A_398 : f32 to vector<16xf32>
      %max3A_400 = arith.maximumf %add3A_397, %max3A_399 : vector<16xf32>
      %min3A_401 = arith.constant 5.124000e+02 : f32
      %min3A_402 = vector.broadcast %min3A_401 : f32 to vector<16xf32>
      %min3A_403 = arith.minimumf %max3A_400, %min3A_402 : vector<16xf32>
      %convert_element_type3A_404 = arith.fptosi %min3A_403 : vector<16xf32> to vector<16xi32>
      %add3A_405 = arith.addi %mul3A_15, %convert_element_type3A_404 : vector<16xi32>
      %mul3A_406 = arith.constant 5.120000e+01 : f32
      %mul3A_407 = vector.broadcast %mul3A_406 : f32 to vector<16xf32>
      %mul3A_408 = arith.mulf %get3A_237, %mul3A_407 : vector<16xf32>
      %add3A_409 = arith.constant 2.565000e+02 : f32
      %add3A_410 = vector.broadcast %add3A_409 : f32 to vector<16xf32>
      %add3A_411 = arith.addf %mul3A_408, %add3A_410 : vector<16xf32>
      %max3A_412 = arith.constant 0.000000e+00 : f32
      %max3A_413 = vector.broadcast %max3A_412 : f32 to vector<16xf32>
      %max3A_414 = arith.maximumf %add3A_411, %max3A_413 : vector<16xf32>
      %min3A_415 = arith.constant 5.124000e+02 : f32
      %min3A_416 = vector.broadcast %min3A_415 : f32 to vector<16xf32>
      %min3A_417 = arith.minimumf %max3A_414, %min3A_416 : vector<16xf32>
      %convert_element_type3A_418 = arith.fptosi %min3A_417 : vector<16xf32> to vector<16xi32>
      %add3A_419 = arith.addi %mul3A_15, %convert_element_type3A_418 : vector<16xi32>
      %mul3A_420 = arith.constant 5.120000e+01 : f32
      %mul3A_421 = vector.broadcast %mul3A_420 : f32 to vector<16xf32>
      %mul3A_422 = arith.mulf %get3A_243, %mul3A_421 : vector<16xf32>
      %add3A_423 = arith.constant 2.565000e+02 : f32
      %add3A_424 = vector.broadcast %add3A_423 : f32 to vector<16xf32>
      %add3A_425 = arith.addf %mul3A_422, %add3A_424 : vector<16xf32>
      %max3A_426 = arith.constant 0.000000e+00 : f32
      %max3A_427 = vector.broadcast %max3A_426 : f32 to vector<16xf32>
      %max3A_428 = arith.maximumf %add3A_425, %max3A_427 : vector<16xf32>
      %min3A_429 = arith.constant 5.124000e+02 : f32
      %min3A_430 = vector.broadcast %min3A_429 : f32 to vector<16xf32>
      %min3A_431 = arith.minimumf %max3A_428, %min3A_430 : vector<16xf32>
      %convert_element_type3A_432 = arith.fptosi %min3A_431 : vector<16xf32> to vector<16xi32>
      %add3A_433 = arith.addi %mul3A_15, %convert_element_type3A_432 : vector<16xi32>
      %mul3A_434 = arith.constant 5.120000e+01 : f32
      %mul3A_435 = vector.broadcast %mul3A_434 : f32 to vector<16xf32>
      %mul3A_436 = arith.mulf %get3A_249, %mul3A_435 : vector<16xf32>
      %add3A_437 = arith.constant 2.565000e+02 : f32
      %add3A_438 = vector.broadcast %add3A_437 : f32 to vector<16xf32>
      %add3A_439 = arith.addf %mul3A_436, %add3A_438 : vector<16xf32>
      %max3A_440 = arith.constant 0.000000e+00 : f32
      %max3A_441 = vector.broadcast %max3A_440 : f32 to vector<16xf32>
      %max3A_442 = arith.maximumf %add3A_439, %max3A_441 : vector<16xf32>
      %min3A_443 = arith.constant 5.124000e+02 : f32
      %min3A_444 = vector.broadcast %min3A_443 : f32 to vector<16xf32>
      %min3A_445 = arith.minimumf %max3A_442, %min3A_444 : vector<16xf32>
      %convert_element_type3A_446 = arith.fptosi %min3A_445 : vector<16xf32> to vector<16xi32>
      %add3A_447 = arith.addi %mul3A_15, %convert_element_type3A_446 : vector<16xi32>
      %mul3A_448 = arith.constant 5.120000e+01 : f32
      %mul3A_449 = vector.broadcast %mul3A_448 : f32 to vector<16xf32>
      %mul3A_450 = arith.mulf %get3A_255, %mul3A_449 : vector<16xf32>
      %add3A_451 = arith.constant 2.565000e+02 : f32
      %add3A_452 = vector.broadcast %add3A_451 : f32 to vector<16xf32>
      %add3A_453 = arith.addf %mul3A_450, %add3A_452 : vector<16xf32>
      %max3A_454 = arith.constant 0.000000e+00 : f32
      %max3A_455 = vector.broadcast %max3A_454 : f32 to vector<16xf32>
      %max3A_456 = arith.maximumf %add3A_453, %max3A_455 : vector<16xf32>
      %min3A_457 = arith.constant 5.124000e+02 : f32
      %min3A_458 = vector.broadcast %min3A_457 : f32 to vector<16xf32>
      %min3A_459 = arith.minimumf %max3A_456, %min3A_458 : vector<16xf32>
      %convert_element_type3A_460 = arith.fptosi %min3A_459 : vector<16xf32> to vector<16xi32>
      %add3A_461 = arith.addi %mul3A_15, %convert_element_type3A_460 : vector<16xi32>
      %mul3A_462 = arith.constant 5.120000e+01 : f32
      %mul3A_463 = vector.broadcast %mul3A_462 : f32 to vector<16xf32>
      %mul3A_464 = arith.mulf %get3A_261, %mul3A_463 : vector<16xf32>
      %add3A_465 = arith.constant 2.565000e+02 : f32
      %add3A_466 = vector.broadcast %add3A_465 : f32 to vector<16xf32>
      %add3A_467 = arith.addf %mul3A_464, %add3A_466 : vector<16xf32>
      %max3A_468 = arith.constant 0.000000e+00 : f32
      %max3A_469 = vector.broadcast %max3A_468 : f32 to vector<16xf32>
      %max3A_470 = arith.maximumf %add3A_467, %max3A_469 : vector<16xf32>
      %min3A_471 = arith.constant 5.124000e+02 : f32
      %min3A_472 = vector.broadcast %min3A_471 : f32 to vector<16xf32>
      %min3A_473 = arith.minimumf %max3A_470, %min3A_472 : vector<16xf32>
      %convert_element_type3A_474 = arith.fptosi %min3A_473 : vector<16xf32> to vector<16xi32>
      %add3A_475 = arith.addi %mul3A_15, %convert_element_type3A_474 : vector<16xi32>
      %mul3A_476 = arith.constant 5.120000e+01 : f32
      %mul3A_477 = vector.broadcast %mul3A_476 : f32 to vector<16xf32>
      %mul3A_478 = arith.mulf %get3A_267, %mul3A_477 : vector<16xf32>
      %add3A_479 = arith.constant 2.565000e+02 : f32
      %add3A_480 = vector.broadcast %add3A_479 : f32 to vector<16xf32>
      %add3A_481 = arith.addf %mul3A_478, %add3A_480 : vector<16xf32>
      %max3A_482 = arith.constant 0.000000e+00 : f32
      %max3A_483 = vector.broadcast %max3A_482 : f32 to vector<16xf32>
      %max3A_484 = arith.maximumf %add3A_481, %max3A_483 : vector<16xf32>
      %min3A_485 = arith.constant 5.124000e+02 : f32
      %min3A_486 = vector.broadcast %min3A_485 : f32 to vector<16xf32>
      %min3A_487 = arith.minimumf %max3A_484, %min3A_486 : vector<16xf32>
      %convert_element_type3A_488 = arith.fptosi %min3A_487 : vector<16xf32> to vector<16xi32>
      %add3A_489 = arith.addi %mul3A_15, %convert_element_type3A_488 : vector<16xi32>
      tpu.vector_store_idx %arg6[%add3A_279], %broadcast_in_dim3A_17 {add = true} : memref<8448xf32, #tpu.memory_space<vmem>>[vector<16xi32>], vector<16xf32>,
      tpu.vector_store_idx %arg6[%add3A_293], %broadcast_in_dim3A_17 {add = true} : memref<8448xf32, #tpu.memory_space<vmem>>[vector<16xi32>], vector<16xf32>,
      tpu.vector_store_idx %arg6[%add3A_307], %broadcast_in_dim3A_17 {add = true} : memref<8448xf32, #tpu.memory_space<vmem>>[vector<16xi32>], vector<16xf32>,
      tpu.vector_store_idx %arg6[%add3A_321], %broadcast_in_dim3A_17 {add = true} : memref<8448xf32, #tpu.memory_space<vmem>>[vector<16xi32>], vector<16xf32>,
      tpu.vector_store_idx %arg6[%add3A_335], %broadcast_in_dim3A_17 {add = true} : memref<8448xf32, #tpu.memory_space<vmem>>[vector<16xi32>], vector<16xf32>,
      tpu.vector_store_idx %arg6[%add3A_349], %broadcast_in_dim3A_17 {add = true} : memref<8448xf32, #tpu.memory_space<vmem>>[vector<16xi32>], vector<16xf32>,
      tpu.vector_store_idx %arg6[%add3A_363], %broadcast_in_dim3A_17 {add = true} : memref<8448xf32, #tpu.memory_space<vmem>>[vector<16xi32>], vector<16xf32>,
      tpu.vector_store_idx %arg6[%add3A_377], %broadcast_in_dim3A_17 {add = true} : memref<8448xf32, #tpu.memory_space<vmem>>[vector<16xi32>], vector<16xf32>,
      tpu.vector_store_idx %arg6[%add3A_391], %broadcast_in_dim3A_17 {add = true} : memref<8448xf32, #tpu.memory_space<vmem>>[vector<16xi32>], vector<16xf32>,
      tpu.vector_store_idx %arg6[%add3A_405], %broadcast_in_dim3A_17 {add = true} : memref<8448xf32, #tpu.memory_space<vmem>>[vector<16xi32>], vector<16xf32>,
      tpu.vector_store_idx %arg6[%add3A_419], %broadcast_in_dim3A_17 {add = true} : memref<8448xf32, #tpu.memory_space<vmem>>[vector<16xi32>], vector<16xf32>,
      tpu.vector_store_idx %arg6[%add3A_433], %broadcast_in_dim3A_17 {add = true} : memref<8448xf32, #tpu.memory_space<vmem>>[vector<16xi32>], vector<16xf32>,
      tpu.vector_store_idx %arg6[%add3A_447], %broadcast_in_dim3A_17 {add = true} : memref<8448xf32, #tpu.memory_space<vmem>>[vector<16xi32>], vector<16xf32>,
      tpu.vector_store_idx %arg6[%add3A_461], %broadcast_in_dim3A_17 {add = true} : memref<8448xf32, #tpu.memory_space<vmem>>[vector<16xi32>], vector<16xf32>,
      tpu.vector_store_idx %arg6[%add3A_475], %broadcast_in_dim3A_17 {add = true} : memref<8448xf32, #tpu.memory_space<vmem>>[vector<16xi32>], vector<16xf32>,
      tpu.vector_store_idx %arg6[%add3A_489], %broadcast_in_dim3A_17 {add = true} : memref<8448xf32, #tpu.memory_space<vmem>>[vector<16xi32>], vector<16xf32>,
    }
    %scan3A_163 = arith.constant 10 : i32
    %scan3A_164 = arith.constant 0 : i32
    %scan3A_165 = arith.constant 0 : i32
    %scan3A_166 = arith.constant 33 : i32
    %scan3A_167 = arith.addi %scan3A_165, %scan3A_166 : i32
    %scan3A_168 = arith.constant 1 : i32
    scf.for %scan3A_170 = %scan3A_165 to %scan3A_167 step %scan3A_168  : i32 {
      %mul3A_171 = arith.constant 16 : i32
      %mul3A_172 = arith.muli %scan3A_170, %mul3A_171 : i32
      %add3A_173 = arith.constant 0 : i32
      %add3A_174 = arith.addi %add3A_173, %mul3A_172 : i32
      %get3A = arith.index_cast %add3A_174 : i32 to index
      %get3A_175 = tpu.vector_load %arg6[%get3A] {strides = array<i32>} : memref<8448xf32, #tpu.memory_space<vmem>>, vector<16xf32>,
      %add3A_176 = arith.constant 528 : i32
      %add3A_177 = arith.addi %add3A_176, %mul3A_172 : i32
      %get3A_178 = arith.index_cast %add3A_177 : i32 to index
      %get3A_179 = tpu.vector_load %arg6[%get3A_178] {strides = array<i32>} : memref<8448xf32, #tpu.memory_space<vmem>>, vector<16xf32>,
      %add3A_180 = arith.constant 1056 : i32
      %add3A_181 = arith.addi %add3A_180, %mul3A_172 : i32
      %get3A_182 = arith.index_cast %add3A_181 : i32 to index
      %get3A_183 = tpu.vector_load %arg6[%get3A_182] {strides = array<i32>} : memref<8448xf32, #tpu.memory_space<vmem>>, vector<16xf32>,
      %add3A_184 = arith.constant 1584 : i32
      %add3A_185 = arith.addi %add3A_184, %mul3A_172 : i32
      %get3A_186 = arith.index_cast %add3A_185 : i32 to index
      %get3A_187 = tpu.vector_load %arg6[%get3A_186] {strides = array<i32>} : memref<8448xf32, #tpu.memory_space<vmem>>, vector<16xf32>,
      %add3A_188 = arith.constant 2112 : i32
      %add3A_189 = arith.addi %add3A_188, %mul3A_172 : i32
      %get3A_190 = arith.index_cast %add3A_189 : i32 to index
      %get3A_191 = tpu.vector_load %arg6[%get3A_190] {strides = array<i32>} : memref<8448xf32, #tpu.memory_space<vmem>>, vector<16xf32>,
      %add3A_192 = arith.constant 2640 : i32
      %add3A_193 = arith.addi %add3A_192, %mul3A_172 : i32
      %get3A_194 = arith.index_cast %add3A_193 : i32 to index
      %get3A_195 = tpu.vector_load %arg6[%get3A_194] {strides = array<i32>} : memref<8448xf32, #tpu.memory_space<vmem>>, vector<16xf32>,
      %add3A_196 = arith.constant 3168 : i32
      %add3A_197 = arith.addi %add3A_196, %mul3A_172 : i32
      %get3A_198 = arith.index_cast %add3A_197 : i32 to index
      %get3A_199 = tpu.vector_load %arg6[%get3A_198] {strides = array<i32>} : memref<8448xf32, #tpu.memory_space<vmem>>, vector<16xf32>,
      %add3A_200 = arith.constant 3696 : i32
      %add3A_201 = arith.addi %add3A_200, %mul3A_172 : i32
      %get3A_202 = arith.index_cast %add3A_201 : i32 to index
      %get3A_203 = tpu.vector_load %arg6[%get3A_202] {strides = array<i32>} : memref<8448xf32, #tpu.memory_space<vmem>>, vector<16xf32>,
      %add3A_204 = arith.constant 4224 : i32
      %add3A_205 = arith.addi %add3A_204, %mul3A_172 : i32
      %get3A_206 = arith.index_cast %add3A_205 : i32 to index
      %get3A_207 = tpu.vector_load %arg6[%get3A_206] {strides = array<i32>} : memref<8448xf32, #tpu.memory_space<vmem>>, vector<16xf32>,
      %add3A_208 = arith.constant 4752 : i32
      %add3A_209 = arith.addi %add3A_208, %mul3A_172 : i32
      %get3A_210 = arith.index_cast %add3A_209 : i32 to index
      %get3A_211 = tpu.vector_load %arg6[%get3A_210] {strides = array<i32>} : memref<8448xf32, #tpu.memory_space<vmem>>, vector<16xf32>,
      %add3A_212 = arith.constant 5280 : i32
      %add3A_213 = arith.addi %add3A_212, %mul3A_172 : i32
      %get3A_214 = arith.index_cast %add3A_213 : i32 to index
      %get3A_215 = tpu.vector_load %arg6[%get3A_214] {strides = array<i32>} : memref<8448xf32, #tpu.memory_space<vmem>>, vector<16xf32>,
      %add3A_216 = arith.constant 5808 : i32
      %add3A_217 = arith.addi %add3A_216, %mul3A_172 : i32
      %get3A_218 = arith.index_cast %add3A_217 : i32 to index
      %get3A_219 = tpu.vector_load %arg6[%get3A_218] {strides = array<i32>} : memref<8448xf32, #tpu.memory_space<vmem>>, vector<16xf32>,
      %add3A_220 = arith.constant 6336 : i32
      %add3A_221 = arith.addi %add3A_220, %mul3A_172 : i32
      %get3A_222 = arith.index_cast %add3A_221 : i32 to index
      %get3A_223 = tpu.vector_load %arg6[%get3A_222] {strides = array<i32>} : memref<8448xf32, #tpu.memory_space<vmem>>, vector<16xf32>,
      %add3A_224 = arith.constant 6864 : i32
      %add3A_225 = arith.addi %add3A_224, %mul3A_172 : i32
      %get3A_226 = arith.index_cast %add3A_225 : i32 to index
      %get3A_227 = tpu.vector_load %arg6[%get3A_226] {strides = array<i32>} : memref<8448xf32, #tpu.memory_space<vmem>>, vector<16xf32>,
      %add3A_228 = arith.constant 7392 : i32
      %add3A_229 = arith.addi %add3A_228, %mul3A_172 : i32
      %get3A_230 = arith.index_cast %add3A_229 : i32 to index
      %get3A_231 = tpu.vector_load %arg6[%get3A_230] {strides = array<i32>} : memref<8448xf32, #tpu.memory_space<vmem>>, vector<16xf32>,
      %add3A_232 = arith.constant 7920 : i32
      %add3A_233 = arith.addi %add3A_232, %mul3A_172 : i32
      %get3A_234 = arith.index_cast %add3A_233 : i32 to index
      %get3A_235 = tpu.vector_load %arg6[%get3A_234] {strides = array<i32>} : memref<8448xf32, #tpu.memory_space<vmem>>, vector<16xf32>,
      %add3A_236 = arith.addf %get3A_175, %get3A_179 : vector<16xf32>
      %add3A_237 = arith.addf %get3A_183, %get3A_187 : vector<16xf32>
      %add3A_238 = arith.addf %get3A_191, %get3A_195 : vector<16xf32>
      %add3A_239 = arith.addf %get3A_199, %get3A_203 : vector<16xf32>
      %add3A_240 = arith.addf %get3A_207, %get3A_211 : vector<16xf32>
      %add3A_241 = arith.addf %get3A_215, %get3A_219 : vector<16xf32>
      %add3A_242 = arith.addf %get3A_223, %get3A_227 : vector<16xf32>
      %add3A_243 = arith.addf %get3A_231, %get3A_235 : vector<16xf32>
      %add3A_244 = arith.addf %add3A_236, %add3A_237 : vector<16xf32>
      %add3A_245 = arith.addf %add3A_238, %add3A_239 : vector<16xf32>
      %add3A_246 = arith.addf %add3A_240, %add3A_241 : vector<16xf32>
      %add3A_247 = arith.addf %add3A_242, %add3A_243 : vector<16xf32>
      %add3A_248 = arith.addf %add3A_244, %add3A_245 : vector<16xf32>
      %add3A_249 = arith.addf %add3A_246, %add3A_247 : vector<16xf32>
      %add3A_250 = arith.addf %add3A_248, %add3A_249 : vector<16xf32>
      %swap3A = arith.constant 0 : i32
      %swap3A_251 = arith.index_cast %swap3A : i32 to index
      %swap3A_252 = arith.index_cast %mul3A_172 : i32 to index
      %swap3A_253 = tpu.vector_load %arg7[%swap3A_251, %swap3A_252] {strides = array<i32>} : memref<1x528xf32, #tpu.memory_space<vmem>>, vector<16xf32>,
      tpu.vector_store %arg7[%swap3A_251, %swap3A_252], %add3A_250 {strides = array<i32>} : memref<1x528xf32, #tpu.memory_space<vmem>>, vector<16xf32>,
    }
    %scan3A_169 = arith.constant 33 : i32
    "tpu.region"() ({
      %run_scoped3A = tpu.sem_alloc : memref<!tpu.dma_semaphore, #tpu.memory_space<semaphore_mem>>
      %dma_start3A_170 = arith.constant 0 : i32
      %dma_start3A_171 = tpu.memref_slice %arg3[%add3A, %dma_start3A_170] : memref<32x528xf32, #tpu.memory_space<hbm>> -> memref<1x528xf32, #tpu.memory_space<hbm>>
      %dma_start3A_172 = arith.constant 0 : i32
      %dma_start3A_173 = tpu.memref_slice %arg3[%add3A, %dma_start3A_172] : memref<32x528xf32, #tpu.memory_space<hbm>> -> memref<1x528xf32, #tpu.memory_space<hbm>>
      tpu.enqueue_dma source(%arg7 : memref<1x528xf32, #tpu.memory_space<vmem>>) target(%dma_start3A_173 : memref<1x528xf32, #tpu.memory_space<hbm>>) target_semaphore(%run_scoped3A : memref<!tpu.dma_semaphore, #tpu.memory_space<semaphore_mem>>)
      %dma_wait3A_174 = arith.constant 0 : i32
      %dma_wait3A_175 = tpu.memref_slice %arg3[%add3A, %dma_wait3A_174] : memref<32x528xf32, #tpu.memory_space<hbm>> -> memref<1x528xf32, #tpu.memory_space<hbm>>
      %dma_wait3A_176 = arith.constant 0 : i32
      %dma_wait3A_177 = tpu.memref_slice %arg3[%add3A, %dma_wait3A_176] : memref<32x528xf32, #tpu.memory_space<hbm>> -> memref<1x528xf32, #tpu.memory_space<hbm>>
      tpu.wait_dma2 semaphore(%run_scoped3A : memref<!tpu.dma_semaphore, #tpu.memory_space<semaphore_mem>>) src(%arg7 : memref<1x528xf32, #tpu.memory_space<vmem>>) dst(%dma_wait3A_177 : memref<1x528xf32, #tpu.memory_space<hbm>>)
      tpu.yield
    }) : () -> ()
    return
  }
}

module attributes {stable_mosaic.version = 14 : i64} {
  func.func @_tc_finish(%arg0: memref<32x528xf32, #tpu.memory_space<vmem>>, %arg1: memref<1x65xf32, #tpu.memory_space<vmem>>, %arg2: memref<64x1xf32, #tpu.memory_space<vmem>>, %arg3: memref<64x1xf32, #tpu.memory_space<vmem>>) attributes {dimension_semantics = [], scalar_prefetch = 0 : i64, scratch_operands = 0 : i64, tpu.core_type = #tpu.core_type<tc>} {
    %get3A = arith.constant 0 : index
    %get3A_0 = arith.constant 0 : index
    %get3A_1 = vector.load %arg0[%get3A, %get3A_0] : memref<32x528xf32, #tpu.memory_space<vmem>>, vector<32x528xf32>
    %reduce_sum3A = arith.constant dense<0.000000e+00> : vector<528xf32>
    %reduce_sum3A_2 = vector.multi_reduction <add>, %get3A_1, %reduce_sum3A [0] : vector<32x528xf32> to vector<528xf32>
    %broadcast_in_dim3A = vector.shape_cast %reduce_sum3A_2 : vector<528xf32> to vector<1x528xf32>
    %get3A_3 = arith.constant 0 : index
    %get3A_4 = arith.constant 0 : index
    %get3A_5 = vector.load %arg1[%get3A_3, %get3A_4] : memref<1x65xf32, #tpu.memory_space<vmem>>, vector<1x65xf32>
    %slice3A = vector.extract_strided_slice %get3A_5 {offsets = [0, 1], sizes = [1, 1], strides = [1, 1]} : vector<1x65xf32> to vector<1x1xf32>
    %slice3A_6 = vector.extract_strided_slice %get3A_5 {offsets = [0, 0], sizes = [1, 1], strides = [1, 1]} : vector<1x65xf32> to vector<1x1xf32>
    %sub3A = arith.subf %slice3A, %slice3A_6 : vector<1x1xf32>
    %slice3A_7 = vector.extract_strided_slice %get3A_5 {offsets = [0, 0], sizes = [1, 64], strides = [1, 1]} : vector<1x65xf32> to vector<1x64xf32>
    %slice3A_8 = vector.extract_strided_slice %get3A_5 {offsets = [0, 1], sizes = [1, 64], strides = [1, 1]} : vector<1x65xf32> to vector<1x64xf32>
    %add3A = arith.addf %slice3A_7, %slice3A_8 : vector<1x64xf32>
    %mul3A = arith.constant 5.000000e-01 : f32
    %mul3A_9 = vector.broadcast %mul3A : f32 to vector<1x64xf32>
    %mul3A_10 = arith.mulf %mul3A_9, %add3A : vector<1x64xf32>
    %reshape3A = vector.shape_cast %mul3A_10 : vector<1x64xf32> to vector<64x1xf32>
    %iota3A = tpu.iota {dimensions = array<i32: 1>} : vector<1x528xi32>
    %convert_element_type3A = arith.sitofp %iota3A : vector<1x528xi32> to vector<1x528xf32>
    %mul3A_11 = arith.constant 0.01953125 : f32
    %mul3A_12 = vector.broadcast %mul3A_11 : f32 to vector<1x528xf32>
    %mul3A_13 = arith.mulf %mul3A_12, %convert_element_type3A : vector<1x528xf32>
    %add3A_14 = arith.constant -5.000000e+00 : f32
    %add3A_15 = vector.broadcast %add3A_14 : f32 to vector<1x528xf32>
    %add3A_16 = arith.addf %add3A_15, %mul3A_13 : vector<1x528xf32>
    %mul3A_17 = arith.mulf %sub3A, %sub3A : vector<1x1xf32>
    %div3A = arith.constant -5.000000e-01 : f32
    %div3A_18 = vector.broadcast %div3A : f32 to vector<1x1xf32>
    %div3A_19 = arith.divf %div3A_18, %mul3A_17 : vector<1x1xf32>
    %sub3A_20 = vector.broadcast %add3A_16 : vector<1x528xf32> to vector<64x528xf32>
    %sub3A_21 = vector.broadcast %reshape3A : vector<64x1xf32> to vector<64x528xf32>
    %sub3A_22 = arith.subf %sub3A_20, %sub3A_21 : vector<64x528xf32>
    %mul3A_23 = vector.broadcast %div3A_19 : vector<1x1xf32> to vector<64x528xf32>
    %mul3A_24 = arith.mulf %mul3A_23, %sub3A_22 : vector<64x528xf32>
    %mul3A_25 = arith.mulf %mul3A_24, %sub3A_22 : vector<64x528xf32>
    %exp3A = math.exp %mul3A_25 : vector<64x528xf32>
    %get3A_26 = arith.constant 0 : index
    %get3A_27 = arith.constant 0 : index
    %get3A_28 = vector.load %arg2[%get3A_26, %get3A_27] : memref<64x1xf32, #tpu.memory_space<vmem>>, vector<64x1xf32>
    %reshape3A_29 = vector.shape_cast %get3A_28 : vector<64x1xf32> to vector<1x64xf32>
    %sub3A_30 = vector.broadcast %reshape3A_29 : vector<1x64xf32> to vector<64x64xf32>
    %sub3A_31 = vector.broadcast %reshape3A : vector<64x1xf32> to vector<64x64xf32>
    %sub3A_32 = arith.subf %sub3A_30, %sub3A_31 : vector<64x64xf32>
    %mul3A_33 = vector.broadcast %div3A_19 : vector<1x1xf32> to vector<64x64xf32>
    %mul3A_34 = arith.mulf %mul3A_33, %sub3A_32 : vector<64x64xf32>
    %mul3A_35 = arith.mulf %mul3A_34, %sub3A_32 : vector<64x64xf32>
    %exp3A_36 = math.exp %mul3A_35 : vector<64x64xf32>
    %mul3A_37 = vector.broadcast %broadcast_in_dim3A : vector<1x528xf32> to vector<64x528xf32>
    %mul3A_38 = arith.mulf %exp3A, %mul3A_37 : vector<64x528xf32>
    %reduce_sum3A_39 = arith.constant dense<0.000000e+00> : vector<64xf32>
    %reduce_sum3A_40 = vector.multi_reduction <add>, %mul3A_38, %reduce_sum3A_39 [1] : vector<64x528xf32> to vector<64xf32>
    %broadcast_in_dim3A_41 = vector.shape_cast %reduce_sum3A_40 : vector<64xf32> to vector<64x1xf32>
    %reduce_sum3A_42 = arith.constant dense<0.000000e+00> : vector<64xf32>
    %reduce_sum3A_43 = vector.multi_reduction <add>, %exp3A_36, %reduce_sum3A_42 [1] : vector<64x64xf32> to vector<64xf32>
    %broadcast_in_dim3A_44 = vector.shape_cast %reduce_sum3A_43 : vector<64xf32> to vector<64x1xf32>
    %add3A_45 = arith.addf %broadcast_in_dim3A_41, %broadcast_in_dim3A_44 : vector<64x1xf32>
    %mul3A_46 = arith.constant 9.99999997E-7 : f32
    %mul3A_47 = vector.broadcast %mul3A_46 : f32 to vector<64x1xf32>
    %mul3A_48 = arith.mulf %add3A_45, %mul3A_47 : vector<64x1xf32>
    %reduce_sum3A_49 = vector.shape_cast %mul3A_48 : vector<64x1xf32> to vector<1x64x1xf32>
    %reduce_sum3A_50 = arith.constant dense<0.000000e+00> : vector<1xf32>
    %reduce_sum3A_51 = vector.multi_reduction <add>, %reduce_sum3A_49, %reduce_sum3A_50 [1, 2] : vector<1x64x1xf32> to vector<1xf32>
    %reduce_sum3A_52 = vector.shape_cast %reduce_sum3A_51 : vector<1xf32> to vector<1x1x1xf32>
    %reduce_sum3A_53 = vector.extract %reduce_sum3A_52[0, 0, 0] : f32 from vector<1x1x1xf32>
    %mul3A_54 = vector.broadcast %reduce_sum3A_53 : f32 to vector<1x1xf32>
    %mul3A_55 = arith.mulf %mul3A_54, %sub3A : vector<1x1xf32>
    %add3A_56 = arith.constant 1.000000e-10 : f32
    %add3A_57 = vector.broadcast %add3A_56 : f32 to vector<1x1xf32>
    %add3A_58 = arith.addf %mul3A_55, %add3A_57 : vector<1x1xf32>
    %div3A_59 = vector.broadcast %add3A_58 : vector<1x1xf32> to vector<64x1xf32>
    %div3A_60 = arith.divf %mul3A_48, %div3A_59 : vector<64x1xf32>
    %swap3A = arith.constant 0 : index
    %swap3A_61 = arith.constant 0 : index
    %swap3A_62 = vector.load %arg3[%swap3A, %swap3A_61] : memref<64x1xf32, #tpu.memory_space<vmem>>, vector<64x1xf32>
    tpu.vector_store %arg3[%swap3A, %swap3A_61], %div3A_60 {strides = array<i32>} : memref<64x1xf32, #tpu.memory_space<vmem>>, vector<64x1xf32>,
    return
  }
}

</mosaic_0001>

<sc_bundles>
// kernel: kernel.4.cloned.1.call-start
scs
__scs_entry_jumppad:
0x0: {  	(pc) =	sbr.rel $0x88, $3  }
0x1: {  	(tag) =	ssettag $0x0;
	lr =	simm.s32 $0x1  }
0x2: {  	[smem:$0x3F9F] =	sst lr;
	_ =	strace $0xD0000000  }
0x3: {  	_ = 	snop  }
0x4: {  	_ = 	snop  }
0x5: {  	_ = 	snop  }
0x6: {  	_ = 	snop  }
0x7: {  	_ = 	snop  }
__scs_overlays_trampoline_lowered:
0x8: {  	[smem:$0x3FAE] =	sst s0  }
0x9: {  	[smem:$0x3FAF] =	sst s1  }
0xa: {  	[smem:$0x3FB0] =	sst s2  }
0xb: {  	[smem:$0x3FB1] =	sst s3  }
0xc: {  	[smem:$0x3FB2] =	sst s4  }
0xd: {  	[smem:$0x3FB3] =	sst s5  }
0xe: {  	[smem:$0x3FB4] =	sst s6  }
0xf: {  	[smem:$0x3FB5] =	sst s7  }
0x10: {  	[smem:$0x3FB6] =	sst s8  }
0x11: {  	[smem:$0x3FB7] =	sst s9;
	s0 =	simm.s32 @!p0 $0x0  }
0x12: {  	s1 =	sld [smem:$0x3F9D];
	s0 =	simm.s32 @p0 $0x1  }
0x13: {  	[smem:$0x3FB8] =	sst s0;
	s0 =	simm.s32 @!p1 $0x0  }
0x14: {  	s2 =	sld [smem:$0x3F9C];
	s0 =	simm.s32 @p1 $0x1  }
0x15: {  	[smem:$0x3FB9] =	sst s0;
	s0 =	simm.s32 @!p2 $0x0  }
0x16: {  	s3 =	sld [smem:$0x3FDB];
	s0 =	simm.s32 @p2 $0x1  }
0x17: {  	s4 =	simm.s32 $0x1BF5;
	[smem:$0x3FBB] =	sst s0  }
0x18: {  	s0 =	sld [smem:$0x3F9E];
	_ =	swait.ge [sflag:s4], $0x0  }
0x19: {  	s7 =	sld [smem:$0x3F9F]  }
0x1a: {  	s8 =	sadd.s32 $0xFFFFE003, lr  }
0x1b: {  	s9 =	sadd.s32 $0xFFFFFEF7, lr;
	s5 =	simm.s32 $0xFFFFFFFF;
	p2 =	slt.u32 s8, $0xFFFFF086  }
0x1c: {  	p1 =	slt.u32 s9, $0xF7A;
	s5 =	simm.s32 @!p2 $0x0  }
0x1d: {  	s5 =	simm.s32 @p1 $0x1;
	p0 =	seq.s32 s7, s2  }
0x1e: {  	s7 =	smul.u32 @!p0 $0xF7A, s2;
	p2 =	seq.s32 @!p0 s5, $0x0  }
0x1f: {  	s9 =	smul.u32 $0xF7A, s1;
	s8 =	simm.s32 @!p0 $0x1BF5;
	p2 =	por !p2, p0  }
0x20: {  	[sflag:s8] =	ssyncset.s32 @!p0 $0xFFFFF086;
	s6 =	sadd.s32 @!p0 s3, s7;
	s7 =	simm.s32 @!p0 $0x108  }
0x21: {  	s3 =	sadd.s32 s3, s9;
	s6 =	sadd.s32 @!p0 $0x88, s6;
	s7 =	simm.s32 @p2 $0x1082  }
0x22: {  	[simem:s7], [sflag:s8] =	dma.local @!p0 [hbm:s6], $0xF7A  }
0x23: {  	s9 =	sor.u32 $0xD0000000, s2;
	s6 =	simm.s32 $0x108;
	_ =	swait.ge @!p0 [sflag:s8], $0x0  }
0x24: {  	s3 =	sadd.s32 $0x88, s3;
	s6 =	simm.s32 @!p1 $0x1082;
	[sflag:s4] =	ssyncset.s32 $0xFFFFF086  }
0x25: {  	[simem:s6], [sflag:s4] =	dma.local [hbm:s3], $0xF7A  }
0x26: {  	[smem:$0x3F9F] =	sst s1;
	(tag) =	ssettag s2;
	_ =	strace s9  }
0x27: {  	s1 =	sld [smem:$0x3FAF]  }
0x28: {  	s2 =	sld [smem:$0x3FB0]  }
0x29: {  	s4 =	sld [smem:$0x3FB2]  }
0x2a: {  	p0 =	seq.s32 s5, $0x0;
	s5 =	sld [smem:$0x3FB3]  }
0x2b: {  	s6 =	sld [smem:$0x3FB4]  }
0x2c: {  	s7 =	sld [smem:$0x3FB5]  }
0x2d: {  	s3 =	simm.s32 $0x108;
	s8 =	sld [smem:$0x3FB6]  }
0x2e: {  	s3 =	simm.s32 @!p0 $0x1082;
	s9 =	sld [smem:$0x3FB7]  }
0x2f: {  	lr =	sadd.s32 s0, s3;
	s0 =	sld [smem:$0x3FAE]  }
0x30: {  	s3 =	sld [smem:$0x3FB1]  }
0x31: {  	[smem:$0x3FBA] =	sst s10  }
0x32: {  	s10 =	sld [smem:$0x3FB8];
	_ =	sdelay $0x3  }
0x33: {  	p0 =	seq.s32 s10, $0x1;
	s10 =	sld [smem:$0x3FBA];
	_ =	sdelay $0x3  }
0x34: {  	[smem:$0x3FBA] =	sst s10  }
0x35: {  	s10 =	sld [smem:$0x3FB9];
	_ =	sdelay $0x3  }
0x36: {  	p1 =	seq.s32 s10, $0x1;
	s10 =	sld [smem:$0x3FBA];
	_ =	sdelay $0x3  }
0x37: {  	[smem:$0x3FBA] =	sst s10  }
0x38: {  	s10 =	sld [smem:$0x3FBB]  }
0x39: {  	_ = 	snop;
	(pc) =	sbr.ind lr, $3  }
0x3a: {  	_ = 	snop  }
0x3b: {  	_ = 	snop  }
0x3c: {  	p2 =	seq.s32 s10, $0x1;
	s10 =	sld [smem:$0x3FBA]  }
0x3d: {  	_ =	shalt  }
0x3e: {  	_ =	shalt  }
0x3f: {  	_ =	shalt  }
0x40: {  	_ =	shalt  }
0x41: {  	_ =	shalt  }
0x42: {  	_ =	shalt  }
0x43: {  	_ =	shalt  }
0x44: {  	_ =	shalt  }
0x45: {  	_ =	shalt  }
0x46: {  	_ =	shalt  }
0x47: {  	_ =	shalt  }
0x48: {  	_ =	shalt  }
0x49: {  	_ =	shalt  }
0x4a: {  	_ =	shalt  }
0x4b: {  	_ =	shalt  }
0x4c: {  	_ =	shalt  }
0x4d: {  	_ =	shalt  }
0x4e: {  	_ =	shalt  }
0x4f: {  	_ =	shalt  }
0x50: {  	_ =	shalt  }
0x51: {  	_ =	shalt  }
0x52: {  	_ =	shalt  }
0x53: {  	_ =	shalt  }
0x54: {  	_ =	shalt  }
0x55: {  	_ =	shalt  }
0x56: {  	_ =	shalt  }
0x57: {  	_ =	shalt  }
0x58: {  	_ =	shalt  }
0x59: {  	_ =	shalt  }
0x5a: {  	_ =	shalt  }
0x5b: {  	_ =	shalt  }
0x5c: {  	_ =	shalt  }
0x5d: {  	_ =	shalt  }
0x5e: {  	_ =	shalt  }
0x5f: {  	_ =	shalt  }
0x60: {  	_ =	shalt  }
0x61: {  	_ =	shalt  }
0x62: {  	_ =	shalt  }
0x63: {  	_ =	shalt  }
0x64: {  	_ =	shalt  }
0x65: {  	_ =	shalt  }
0x66: {  	_ =	shalt  }
0x67: {  	_ =	shalt  }
0x68: {  	_ =	shalt  }
0x69: {  	_ =	shalt  }
0x6a: {  	_ =	shalt  }
0x6b: {  	_ =	shalt  }
0x6c: {  	_ =	shalt  }
0x6d: {  	_ =	shalt  }
0x6e: {  	_ =	shalt  }
0x6f: {  	_ =	shalt  }
0x70: {  	_ =	shalt  }
0x71: {  	_ =	shalt  }
0x72: {  	_ =	shalt  }
0x73: {  	_ =	shalt  }
0x74: {  	_ =	shalt  }
0x75: {  	_ =	shalt  }
0x76: {  	_ =	shalt  }
0x77: {  	_ =	shalt  }
0x78: {  	_ =	shalt  }
0x79: {  	_ =	shalt  }
0x7a: {  	_ =	shalt  }
0x7b: {  	_ =	shalt  }
0x7c: {  	_ =	shalt  }
0x7d: {  	_ =	shalt  }
0x7e: {  	_ =	shalt  }
0x7f: {  	_ =	shalt  }
0x80: {  	_ =	shalt  }
0x81: {  	_ =	shalt  }
0x82: {  	_ =	shalt  }
0x83: {  	_ =	shalt  }
0x84: {  	_ =	shalt  }
0x85: {  	_ =	shalt  }
0x86: {  	_ =	shalt  }
0x87: {  	_ =	shalt  }
.Lfunc_end0:
.L_simem_size_0:
called_computation_lowered:
.L_overlay_start_0:
0x88: {  	s2 =	sld [smem:$0x3FD9]  }
0x89: {  	s3 =	sld [smem:$0x3FFE];
	_ =	sdelay $0x1  }
0x8a: {  	s1 =	srdreg.scid  }
0x8b: {  	s0 =	sand.u32 $0x1, s1  }
0x8c: {  	s17 =	sshll.u32 s0, $0xA;
	s2 =	sadd.s32 s3, s2  }
0x8d: {  	s2 =	sadd.s32 s2, s17  }
0x8e: {  	[smem:$0x3FC6] =	sst s2  }
0x8f: {  	_ = 	snop  }
0x90: {  	s2 =	sld [smem:$0x3FC9];
	(tm) =	ssettm $0x1  }
0x91: {  	s18 =	sld [smem:$0x3FFB];
	_ =	sdelay $0x3  }
0x92: {  	_ =	strace s18  }
0x93: {  	s3 =	sld [smem:$0x3FFC];
	_ =	sdelay $0x3  }
0x94: {  	_ =	strace s3  }
0x95: {  	s3 =	sld [smem:$0x3FFD];
	_ =	sdelay $0x3  }
0x96: {  	_ =	strace s3  }
0x97: {  	_ =	strace $0x8FFFFFFF  }
0x98: {  	s19 =	sld [smem:$0x3FDB];
	_ =	sdelay $0x1  }
0x99: {  	s4 =	simm.s32 $_scs_section_size  }
0x9a: {  	s5 =	simm.s32 $_size__tile_overlayer_lowered;
	s6 =	simm.s32 $_tile_overlayer_lowered  }
0x9b: {  	s22 =	simm.s32 $0x1BFF;
	s21 =	sshll.u32 s6, $0x1;
	s3 =	sadd.s32 s4, s19  }
0x9c: {  	s7 =	simm.s32 $0x0;
	s20 =	sshll.u32 s5, $0x1;
	s5 =	sadd.s32 s21, s3  }
0x9d: {  	[timem:s7], [sflag:s22] =	dma.local [hbm:s5], s20  }
0x9e: {  	_ =	swait.ge [sflag:s22], s20  }
0x9f: {  	s4 =	ssub.s32 $0x0, s20;
	[sflag:s22] =	ssyncset.done $0x0  }
0xa0: {  	[sflag:s22] =	ssyncadd.s32 s4;
	_ =	sdelay $0x1  }
0xa1: {  	s23 =	simm.s32 $0x1B8B  }
0xa2: {  	_ =	swait.ge [sflag:s23], $0x1  }
0xa3: {  	[sflag:s23] =	ssyncset.done $0x0  }
0xa4: {  	s25 =	simm.s32 $0x1B8E;
	s24 =	sld [smem:$0x3FFE];
	[sflag:s23] =	ssyncadd.s32 $0xFFFFFFFF  }
0xa5: {  	s26 =	simm.s32 $execute0_lowered;
	[smem:$0x3FD2] =	sst s25  }
0xa6: {  	s5 =	sshll.u32 s26, $0x1;
	_ =	strace $0x80000046;
	[dreg:$0x1] =	wrdreg $0xFFFFFFFF  }
0xa7: {  	s28 =	simm.s32 $_size_execute0_lowered;
	s3 =	sadd.s32 s3, s5;
	[dreg:$0x0] =	wrdreg $0x0  }
0xa8: {  	s5 =	sshll.u32 s28, $0x1;
	[dreg:$0x2] =	wrdreg s3  }
0xa9: {  	[dreg:$0x3] =	wrdreg s5  }
0xaa: {  	[dreg:$0x4] =	wrdreg $0xC0  }
0xab: {  	_ =	task [dreg:s7], $0x5FFFF  }
0xac: {  	[dreg:$0x1] =	wrdreg $0xFFFFFFFF  }
0xad: {  	[dreg:$0x0] =	wrdreg $0x60  }
0xae: {  	[dreg:$0x2] =	wrdreg s2  }
0xaf: {  	[dreg:$0x3] =	wrdreg s24  }
0xb0: {  	[dreg:$0x4] =	wrdreg $0x9  }
0xb1: {  	_ =	task.clear_ibuf [dreg:s7], $0x5FFFF;
	_ =	strace $0x90000046  }
0xb2: {  	s29 =	simm.s32 $0x9;
	_ =	strace $0x80000048  }
0xb3: {  	_ =	swait.ge [sflag:s29], $0x1  }
0xb4: {  	[sflag:s29] =	ssyncadd.s32 $0xFFFFFFFF  }
0xb5: {  	_ =	strace $0x90000048  }
0xb6: {  	_ =	sfence  }
0xb7: {  	s30 =	sld [smem:$0x0];
	_ =	sdelay $0x2  }
0xb8: {  	s31 =	sshll.u32 s1, $0xD;
	s1 =	sshrl.u32 s1, $0x2  }
0xb9: {  	s3 =	sand.u32 $0x4000, s31;
	s1 =	sadd.s32 s1, s30  }
0xba: {  	s0 =	sor.u32 s3, s0;
	s1 =	sshll.u32 s1, $0x11  }
0xbb: {  	s0 =	sor.u32 s1, s0  }
0xbc: {  	s0 =	sadd.s32 $0x8F2B, s0  }
0xbd: {  	[sflag:s0] =	ssyncadd.remote.s32 $0x1  }
0xbe: {  	_ =	sfence.sel $0xFFFF  }
0xbf: {  	[dreg:$0x0] =	wrdreg $0xFFFFFFFF;
	(pc) =	sbr.abs _section_cstart, $3  }
0xc0: {  	[dreg:$0x1] =	wrdreg $0xFFFFFFFF  }
0xc1: {  	_ =	task.clear_ibuf [dreg:s7], $0x2FFFF;
	_ =	strace $0x9FFFFFFF  }
0xc2: {  	(tm) =	ssettm $0x7FFFFFFF  }
0xc3: {  	_ =	shalt  }
tec
execute0_lowered:
.L_overlay_start_1:
0x0: {  	(tag) =	ssettag $0x1  }
0x1: {  	s4 =	rddreg [dreg:$0x0];
	s1 =	srdreg.scid  }
0x2: {  	s0 =	stileid.u32;
	s3 =	rddreg [dreg:$0x1];
	s14 =	simm.s32 $0x80  }
0x3: {  	s15 =	simm.s32 $0x400;
	s17 =	simm.s32 $0x3;
	s18 =	simm.s32 $0x2000  }
0x4: {  	s19 =	simm.s32 $0x1000;
	s20 =	simm.s32 $0x1;
	s21 =	simm.s32 $0x2  }
0x5: {  	s22 =	simm.s32 $0x4100;
	s23 =	simm.s32 $0x0;
	s5 =	sand.u32 $0x1, s1  }
0x6: {  	s2 =	sshll.u32 s0, $0x1;
	s1 =	rddreg [dreg:$0x2];
	s6 =	sshrl.u32 s0, $0x2  }
0x7: {  	s16 =	sor.u32 s5, s2;
	s2 =	simm.s32 $0x0;
	s6 =	smul.u32 $0x1400, s6  }
0x8: {  	s5 =	ssub.s32 $0x2, s5;
	s7 =	sshll.u32 s16, $0x7;
	s29 =	smul.u32 $0x3D000, s16  }
0x9: {  	[smem:$0x7FF] =	sst s2;
	s8 =	smul.u32 $0x7A00, s16;
	s30 =	sshrl.u32 s5, $0x1  }
0xa: {  	p0 =	sne.s32 s16, $0x0;
	s16 =	simm.s32 $0x4380;
	s7 =	sand.u32 $0x380, s7  }
0xb: {  	_ =	strace $0x80000047;
	s13 =	ssub.s32 s5, s30;
	s6 =	sor.u32 s6, s7  }
0xc: {  	s31 =	sshrl.u32 s29, $0x3;
	s13 =	smax.u32 s13, $0x1;
	s6 =	sshrl.u32 s6, $0x3  }
0xd: {  	s11 =	sadd.s32 s4, s31;
	s12 =	sadd.s32 s6, s3;
	s3 =	sadd.s32 s4, s8  }
0xe: {  	v1 =	vlaneseq.u32;
	s4 =	sadd.s32 $0xF4000, s4;
	s5 =	sadd.s32 $0x1000, s11;
	s6 =	sadd.s32 $0x2000, s11  }
0xf: {  	v1 =	vmul.u32 $0x210, v1;
	s7 =	sadd.s32 $0x3000, s11;
	s8 =	sadd.s32 $0x4000, s11;
	s9 =	sadd.s32 $0x5000, s11  }
0x10: {  	v0 =	vimm.f32 $0.0e+00;
	v2 =	vimm.f32 $1.000000000e+00;
	s10 =	sadd.s32 $0x6000, s11;
	s11 =	sadd.s32 $0x7000, s11;
	s12 =	sadd.s32 $0x400, s12  }
.LBB2_1:
0x11: {  	[tilespmem:s2], [sflag:$0x1] =	stream.strided.gather [hbm4b:s3+s14], $0x1000, s15, s14, $0x38;
	[tilespmem:$0x4580] =	vst v63  }
0x12: {  	s24 =	simm.s32 $0x0;
	s25 =	simm.s32 $0x200  }
.LBB2_2:
0x13: {  	p1 =	sne.s32 s25, $0x8200;
	[tilespmem:s24+$0x2070] =	vst v0  }
0x14: {  	[tilespmem:s24+$0x2000] =	vst v0  }
0x15: {  	[tilespmem:s24+$0x2010] =	vst v0  }
.Ltmp0:
0x16: {  	[tilespmem:s24+$0x2020] =	vst v0;
	(pc) =	sbr.rel @p1 .LBB2_2-.Ltmp0, $4  }
0x17: {  	[tilespmem:s24+$0x2030] =	vst v0  }
0x18: {  	[tilespmem:s24+$0x2040] =	vst v0  }
0x19: {  	[tilespmem:s24+$0x2050] =	vst v0  }
0x1a: {  	[tilespmem:s24+$0x2060] =	vst v0;
	s24 =	sshra.s32 s25, $0x2;
	s25 =	sadd.s32 $0x200, s25  }
0x1b: {  	[tilespmem:s24+$0x2070] =	vst v0  }
0x1c: {  	[tilespmem:s24+$0x2000] =	vst v0  }
0x1d: {  	[tilespmem:s24+$0x2010] =	vst v0  }
.Ltmp1:
0x1e: {  	[tilespmem:s24+$0x2020] =	vst v0;
	(pc) =	sbr.rel @p0 .LBB2_6-.Ltmp1, $4  }
0x1f: {  	[tilespmem:s24+$0x2030] =	vst v0  }
0x20: {  	[tilespmem:s24+$0x2040] =	vst v0  }
0x21: {  	[tilespmem:s24+$0x2050] =	vst v0  }
0x22: {  	[tilespmem:s24+$0x2060] =	vst v0  }
0x23: {  	[tilespmem:s16], [sflag:$0x3] =	stream.strided.gather [hbm4b:s4+s14], $0x200, s15, s14, $0x38;
	[tilespmem:$0x4580] =	vst v63  }
0x24: {  	_ =	swait.ge [sflag:s17], $0x200  }
0x25: {  	[sflag:s17] =	ssyncset.done $0x0  }
0x26: {  	s24 =	simm.s32 $0x0;
	p1 =	por $0x1, $0x1;
	[sflag:s17] =	ssyncadd.s32 $0xFFFFFE00  }
.LBB2_5:
0x27: {  	s24 =	sshra.s32 s24, $0x2  }
0x28: {  	v3 =	vld [tilespmem:s24+$0x4380]  }
0x29: {  	v4 =	vld [tilespmem:s24+$0x4390]  }
0x2a: {  	v5 =	vld [tilespmem:s24+$0x43A0]  }
0x2b: {  	v6 =	vld [tilespmem:s24+$0x43B0]  }
0x2c: {  	v7 =	vld [tilespmem:s24+$0x43C0]  }
0x2d: {  	v8 =	vld [tilespmem:s24+$0x43D0]  }
0x2e: {  	v9 =	vld [tilespmem:s24+$0x43E0]  }
0x2f: {  	v10 =	vld [tilespmem:s24+$0x43F0]  }
0x30: {  	v11 =	vld [tilespmem:s24+$0x4400]  }
0x31: {  	v12 =	vld [tilespmem:s24+$0x4410]  }
0x32: {  	v13 =	vld [tilespmem:s24+$0x4420];
	v3 =	vmul.f32 $5.120000080e+01, v3;
	v4 =	vmul.f32 $5.120000080e+01, v4  }
0x33: {  	v14 =	vld [tilespmem:s24+$0x4430];
	v5 =	vmul.f32 $5.120000080e+01, v5;
	v6 =	vmul.f32 $5.120000080e+01, v6  }
0x34: {  	v15 =	vld [tilespmem:s24+$0x4440];
	v7 =	vmul.f32 $5.120000080e+01, v7;
	v8 =	vmul.f32 $5.120000080e+01, v8  }
0x35: {  	v16 =	vld [tilespmem:s24+$0x4450];
	v9 =	vmul.f32 $5.120000080e+01, v9;
	v10 =	vmul.f32 $5.120000080e+01, v10  }
0x36: {  	v17 =	vld [tilespmem:s24+$0x4460];
	v11 =	vmul.f32 $5.120000080e+01, v11;
	v12 =	vmul.f32 $5.120000080e+01, v12  }
0x37: {  	v18 =	vld [tilespmem:s24+$0x4470];
	v13 =	vmul.f32 $5.120000080e+01, v13;
	v3 =	vadd.f32 $2.565000000e+02, v3;
	v4 =	vadd.f32 $2.565000000e+02, v4  }
0x38: {  	v14 =	vmul.f32 $5.120000080e+01, v14;
	v5 =	vadd.f32 $2.565000000e+02, v5;
	v6 =	vadd.f32 $2.565000000e+02, v6  }
0x39: {  	v15 =	vmul.f32 $5.120000080e+01, v15;
	v7 =	vadd.f32 $2.565000000e+02, v7;
	v8 =	vadd.f32 $2.565000000e+02, v8  }
0x3a: {  	v16 =	vmul.f32 $5.120000080e+01, v16;
	v9 =	vadd.f32 $2.565000000e+02, v9;
	v10 =	vadd.f32 $2.565000000e+02, v10  }
0x3b: {  	v17 =	vmul.f32 $5.120000080e+01, v17;
	v11 =	vadd.f32 $2.565000000e+02, v11;
	v12 =	vadd.f32 $2.565000000e+02, v12  }
0x3c: {  	v57 =	vmul.f32 $5.120000080e+01, v18;
	v13 =	vadd.f32 $2.565000000e+02, v13;
	v14 =	vadd.f32 $2.565000000e+02, v14  }
0x3d: {  	v15 =	vadd.f32 $2.565000000e+02, v15;
	v56 =	vadd.f32 $2.565000000e+02, v16  }
0x3e: {  	v59 =	vadd.f32 $2.565000000e+02, v17;
	v61 =	vadd.f32 $2.565000000e+02, v57;
	v3 =	vmax.f32 v3, $0.0e+00  }
0x3f: {  	v4 =	vmax.f32 v4, $0.0e+00;
	v5 =	vmax.f32 v5, $0.0e+00;
	v6 =	vmax.f32 v6, $0.0e+00  }
0x40: {  	v7 =	vmax.f32 v7, $0.0e+00;
	v8 =	vmax.f32 v8, $0.0e+00;
	v9 =	vmax.f32 v9, $0.0e+00  }
0x41: {  	v10 =	vmax.f32 v10, $0.0e+00;
	v11 =	vmax.f32 v11, $0.0e+00;
	v12 =	vmax.f32 v12, $0.0e+00  }
0x42: {  	v13 =	vmax.f32 v13, $0.0e+00;
	v14 =	vmax.f32 v14, $0.0e+00;
	v60 =	vmax.f32 v56, $0.0e+00  }
0x43: {  	v62 =	vmax.f32 v59, $0.0e+00;
	v63 =	vmax.f32 v61, $0.0e+00;
	v3 =	vmin.f32 v3, $5.124000240e+02  }
0x44: {  	v4 =	vmin.f32 v4, $5.124000240e+02;
	v5 =	vmin.f32 v5, $5.124000240e+02;
	v6 =	vmin.f32 v6, $5.124000240e+02  }
0x45: {  	v7 =	vmin.f32 v7, $5.124000240e+02;
	v8 =	vmin.f32 v8, $5.124000240e+02;
	v9 =	vmin.f32 v9, $5.124000240e+02  }
0x46: {  	v10 =	vmin.f32 v10, $5.124000240e+02;
	v3 =	vtrunc.f32 v3;
	v4 =	vtrunc.f32 v4  }
0x47: {  	v11 =	vmin.f32 v11, $5.124000240e+02;
	v5 =	vtrunc.f32 v5;
	v6 =	vtrunc.f32 v6  }
0x48: {  	v12 =	vmin.f32 v12, $5.124000240e+02;
	v7 =	vtrunc.f32 v7;
	v8 =	vtrunc.f32 v8  }
0x49: {  	v13 =	vmin.f32 v13, $5.124000240e+02;
	v9 =	vtrunc.f32 v9;
	v3 =	vcvt.f32.s32 v3  }
0x4a: {  	v14 =	vmin.f32 v14, $5.124000240e+02;
	v10 =	vtrunc.f32 v10;
	v4 =	vcvt.f32.s32 v4  }
0x4b: {  	v11 =	vtrunc.f32 v11;
	v5 =	vcvt.f32.s32 v5;
	v3 =	vadd.s32 v1, v3  }
0x4c: {  	v12 =	vtrunc.f32 v12;
	v6 =	vcvt.f32.s32 v6;
	v4 =	vadd.s32 v1, v4  }
0x4d: {  	v13 =	vtrunc.f32 v13;
	v7 =	vcvt.f32.s32 v7;
	v5 =	vadd.s32 v1, v5  }
0x4e: {  	v14 =	vtrunc.f32 v14;
	v8 =	vcvt.f32.s32 v8;
	v6 =	vadd.s32 v1, v6  }
0x4f: {  	v9 =	vcvt.f32.s32 v9;
	v10 =	vcvt.f32.s32 v10;
	v7 =	vadd.s32 v1, v7  }
0x50: {  	v11 =	vcvt.f32.s32 v11;
	v12 =	vcvt.f32.s32 v12;
	v8 =	vadd.s32 v1, v8;
	[tilespmem:v3+s18+$0x0] =	vst.idx.add.f32.msk $0xffff, v2  }
0x51: {  	v13 =	vcvt.f32.s32 v13;
	v14 =	vcvt.f32.s32 v14;
	v9 =	vadd.s32 v1, v9;
	[tilespmem:v4+s18+$0x0] =	vst.idx.add.f32.msk $0xffff, v2  }
0x52: {  	v10 =	vadd.s32 v1, v10;
	v11 =	vadd.s32 v1, v11;
	v3 =	vmax.f32 v15, $0.0e+00;
	[tilespmem:v5+s18+$0x0] =	vst.idx.add.f32.msk $0xffff, v2  }
0x53: {  	v12 =	vadd.s32 v1, v12;
	v13 =	vadd.s32 v1, v13;
	v3 =	vmin.f32 v3, $5.124000240e+02;
	[tilespmem:v6+s18+$0x0] =	vst.idx.add.f32.msk $0xffff, v2  }
0x54: {  	v58 =	vadd.s32 v1, v14;
	v3 =	vtrunc.f32 v3;
	v5 =	vmin.f32 v60, $5.124000240e+02;
	[tilespmem:v7+s18+$0x0] =	vst.idx.add.f32.msk $0xffff, v2  }
0x55: {  	v3 =	vcvt.f32.s32 v3;
	v5 =	vtrunc.f32 v5;
	v6 =	vmin.f32 v62, $5.124000240e+02;
	[tilespmem:v8+s18+$0x0] =	vst.idx.add.f32.msk $0xffff, v2  }
0x56: {  	v5 =	vcvt.f32.s32 v5;
	v6 =	vtrunc.f32 v6;
	v7 =	vmin.f32 v63, $5.124000240e+02;
	[tilespmem:v9+s18+$0x0] =	vst.idx.add.f32.msk $0xffff, v2  }
0x57: {  	v3 =	vadd.s32 v1, v3;
	v6 =	vcvt.f32.s32 v6;
	v7 =	vtrunc.f32 v7;
	[tilespmem:v10+s18+$0x0] =	vst.idx.add.f32.msk $0xffff, v2  }
0x58: {  	v5 =	vadd.s32 v1, v5;
	v7 =	vcvt.f32.s32 v7;
	[tilespmem:v11+s18+$0x0] =	vst.idx.add.f32.msk $0xffff, v2  }
0x59: {  	v6 =	vadd.s32 v1, v6;
	[tilespmem:v12+s18+$0x0] =	vst.idx.add.f32.msk $0xffff, v2  }
0x5a: {  	p2 =	por p1, p1;
	v7 =	vadd.s32 v1, v7;
	[tilespmem:v13+s18+$0x0] =	vst.idx.add.f32.msk $0xffff, v2  }
.Ltmp2:
0x5b: {  	[tilespmem:v58+s18+$0x0] =	vst.idx.add.f32.msk $0xffff, v2;
	(pc) =	sbr.rel @p2 .LBB2_5-.Ltmp2, $4  }
0x5c: {  	[tilespmem:v3+s18+$0x0] =	vst.idx.add.f32.msk $0xffff, v2  }
0x5d: {  	[tilespmem:v5+s18+$0x0] =	vst.idx.add.f32.msk $0xffff, v2  }
0x5e: {  	[tilespmem:v6+s18+$0x0] =	vst.idx.add.f32.msk $0xffff, v2  }
0x5f: {  	p1 =	por $0x0, $0x0;
	s24 =	simm.s32 $0x400;
	[tilespmem:v7+s18+$0x0] =	vst.idx.add.f32.msk $0xffff, v2  }
.LBB2_6:
0x60: {  	[tilespmem:s19], [sflag:$0x2] =	stream.strided.gather [hbm4b:s5+s14], $0x1000, s15, s14, $0x38;
	[tilespmem:$0x4580] =	vst v63  }
0x61: {  	_ =	swait.ge [sflag:s20], $0x1000  }
0x62: {  	[sflag:s20] =	ssyncset.done $0x0  }
0x63: {  	s24 =	simm.s32 $0x0;
	[sflag:s20] =	ssyncadd.s32 $0xFFFFF000  }
0x64: {  	v3 =	vld [tilespmem:s24+$0x0]  }
0x65: {  	v4 =	vld [tilespmem:s24+$0x10]  }
0x66: {  	v5 =	vld [tilespmem:s24+$0x20]  }
0x67: {  	v6 =	vld [tilespmem:s24+$0x30]  }
0x68: {  	v7 =	vld [tilespmem:s24+$0x40]  }
0x69: {  	v8 =	vld [tilespmem:s24+$0x50]  }
0x6a: {  	v10 =	vld [tilespmem:s24+$0xF0]  }
0x6b: {  	v3 =	vmul.f32 $5.120000080e+01, v3  }
0x6c: {  	v4 =	vmul.f32 $5.120000080e+01, v4  }
0x6d: {  	v5 =	vmul.f32 $5.120000080e+01, v5;
	v6 =	vmul.f32 $5.120000080e+01, v6;
	v3 =	vadd.f32 $2.565000000e+02, v3  }
0x6e: {  	v7 =	vmul.f32 $5.120000080e+01, v7;
	v8 =	vmul.f32 $5.120000080e+01, v8;
	v4 =	vadd.f32 $2.565000000e+02, v4  }
0x6f: {  	v10 =	vmul.f32 $5.120000080e+01, v10;
	v5 =	vadd.f32 $2.565000000e+02, v5;
	v3 =	vmax.f32 v3, $0.0e+00  }
0x70: {  	v9 =	vld [tilespmem:s24+$0x60];
	v6 =	vadd.f32 $2.565000000e+02, v6;
	v4 =	vmax.f32 v4, $0.0e+00;
	v3 =	vmin.f32 v3, $5.124000240e+02  }
0x71: {  	v7 =	vadd.f32 $2.565000000e+02, v7;
	v4 =	vmin.f32 v4, $5.124000240e+02;
	v3 =	vtrunc.f32 v3  }
0x72: {  	v5 =	vmax.f32 v5, $0.0e+00;
	v4 =	vtrunc.f32 v4;
	v3 =	vcvt.f32.s32 v3  }
0x73: {  	v11 =	vld [tilespmem:s24+$0xE0];
	v7 =	vmax.f32 v7, $0.0e+00;
	v5 =	vmin.f32 v5, $5.124000240e+02;
	v4 =	vcvt.f32.s32 v4  }
0x74: {  	v14 =	vld [tilespmem:s24+$0x70];
	v12 =	vadd.s32 v1, v3;
	v3 =	vmax.f32 v6, $0.0e+00;
	v6 =	vadd.f32 $2.565000000e+02, v8  }
0x75: {  	v8 =	vld [tilespmem:s24+$0xD0];
	v13 =	vadd.s32 v1, v4;
	v4 =	vtrunc.f32 v5;
	v5 =	vmul.f32 $5.120000080e+01, v9  }
0x76: {  	v9 =	vld [tilespmem:s24+$0x80];
	v4 =	vcvt.f32.s32 v4;
	v15 =	vmin.f32 v3, $5.124000240e+02;
	v3 =	vmin.f32 v7, $5.124000240e+02  }
0x77: {  	v6 =	vmax.f32 v6, $0.0e+00;
	v3 =	vtrunc.f32 v3  }
0x78: {  	v7 =	vld [tilespmem:s24+$0xC0];
	v17 =	vadd.f32 $2.565000000e+02, v5;
	v16 =	vadd.s32 v1, v4;
	v4 =	vadd.f32 $2.565000000e+02, v10  }
0x79: {  	v19 =	vld [tilespmem:s24+$0xA0];
	v5 =	vmul.f32 $5.120000080e+01, v11;
	v10 =	vcvt.f32.s32 v3;
	v6 =	vmin.f32 v6, $5.124000240e+02  }
0x7a: {  	v11 =	vld [tilespmem:s24+$0x90];
	v6 =	vtrunc.f32 v6;
	v18 =	vmul.f32 $5.120000080e+01, v8;
	v3 =	vmax.f32 v4, $0.0e+00  }
0x7b: {  	v4 =	vadd.s32 v1, v10;
	v9 =	vmul.f32 $5.120000080e+01, v9;
	v10 =	vmul.f32 $5.120000080e+01, v14  }
0x7c: {  	v8 =	vmax.f32 v17, $0.0e+00;
	v14 =	vtrunc.f32 v15;
	v15 =	vld [tilespmem:s24+$0xB0];
	v6 =	vcvt.f32.s32 v6  }
0x7d: {  	[tilespmem:v12+s18+$0x0] =	vst.idx.add.f32.msk $0xffff, v2;
	v8 =	vmin.f32 v8, $5.124000240e+02;
	v63 =	vmul.f32 $5.120000080e+01, v7;
	v14 =	vcvt.f32.s32 v14  }
0x7e: {  	[tilespmem:v13+s18+$0x0] =	vst.idx.add.f32.msk $0xffff, v2;
	v13 =	vmul.f32 $5.120000080e+01, v19;
	v8 =	vtrunc.f32 v8  }
0x7f: {  	v9 =	vadd.f32 $2.565000000e+02, v9;
	v11 =	vmul.f32 $5.120000080e+01, v11;
	v8 =	vcvt.f32.s32 v8  }
0x80: {  	v10 =	vadd.f32 $2.565000000e+02, v10;
	v7 =	vadd.s32 v1, v6;
	v20 =	vadd.s32 v1, v14  }
0x81: {  	v9 =	vmax.f32 v9, $0.0e+00;
	v11 =	vadd.f32 $2.565000000e+02, v11;
	v6 =	vadd.s32 v1, v8  }
0x82: {  	v8 =	vmax.f32 v10, $0.0e+00;
	v10 =	vmin.f32 v9, $5.124000240e+02;
	v9 =	vadd.f32 $2.565000000e+02, v63  }
0x83: {  	v14 =	vmul.f32 $5.120000080e+01, v15;
	v10 =	vtrunc.f32 v10;
	v11 =	vmax.f32 v11, $0.0e+00  }
0x84: {  	v8 =	vmin.f32 v8, $5.124000240e+02;
	v12 =	vcvt.f32.s32 v10;
	v10 =	vmin.f32 v11, $5.124000240e+02  }
0x85: {  	v8 =	vtrunc.f32 v8;
	v15 =	vadd.f32 $2.565000000e+02, v14;
	v11 =	vtrunc.f32 v10  }
0x86: {  	[tilespmem:v16+s18+$0x0] =	vst.idx.add.f32.msk $0xffff, v2;
	v10 =	vcvt.f32.s32 v8;
	v8 =	vadd.s32 v1, v12;
	v14 =	vcvt.f32.s32 v11  }
0x87: {  	s24 =	simm.s32 $0x400;
	[tilespmem:v20+s18+$0x0] =	vst.idx.add.f32.msk $0xffff, v2;
	v12 =	vadd.f32 $2.565000000e+02, v13;
	v13 =	vmax.f32 v15, $0.0e+00;
	v11 =	vadd.f32 $2.565000000e+02, v18  }
.LBB2_7:
0x88: {  	p1 =	sne.s32 s24, $0x3C00;
	v14 =	vadd.s32 v1, v14;
	v9 =	vmax.f32 v9, $0.0e+00;
	v5 =	vadd.f32 $2.565000000e+02, v5;
	[tilespmem:v4+s18+$0x0] =	vst.idx.add.f32.msk $0xffff, v2;
	s25 =	smov.u32 s24;
	s24 =	sadd.s32 $0x400, s24  }
0x89: {  	v4 =	vmax.f32 v12, $0.0e+00;
	v12 =	vmin.f32 v13, $5.124000240e+02;
	v9 =	vmin.f32 v9, $5.124000240e+02;
	[tilespmem:v7+s18+$0x0] =	vst.idx.add.f32.msk $0xffff, v2  }
0x8a: {  	v7 =	vadd.s32 v1, v10;
	v4 =	vmin.f32 v4, $5.124000240e+02;
	v9 =	vtrunc.f32 v9;
	[tilespmem:v6+s18+$0x0] =	vst.idx.add.f32.msk $0xffff, v2  }
0x8b: {  	v4 =	vtrunc.f32 v4;
	v6 =	vcvt.f32.s32 v9;
	v9 =	vmax.f32 v11, $0.0e+00  }
0x8c: {  	v10 =	vtrunc.f32 v12;
	v4 =	vcvt.f32.s32 v4;
	v9 =	vmin.f32 v9, $5.124000240e+02  }
0x8d: {  	v5 =	vmax.f32 v5, $0.0e+00;
	v6 =	vadd.s32 v1, v6;
	v9 =	vtrunc.f32 v9  }
0x8e: {  	v5 =	vmin.f32 v5, $5.124000240e+02;
	v4 =	vadd.s32 v1, v4;
	v9 =	vcvt.f32.s32 v9  }
0x8f: {  	v3 =	vmin.f32 v3, $5.124000240e+02;
	v10 =	vcvt.f32.s32 v10;
	v5 =	vtrunc.f32 v5;
	[tilespmem:v7+s18+$0x0] =	vst.idx.add.f32.msk $0xffff, v2  }
0x90: {  	v3 =	vtrunc.f32 v3;
	v5 =	vcvt.f32.s32 v5;
	v7 =	vadd.s32 v1, v9;
	[tilespmem:v8+s18+$0x0] =	vst.idx.add.f32.msk $0xffff, v2  }
0x91: {  	v3 =	vcvt.f32.s32 v3;
	v8 =	vadd.s32 v1, v10;
	[tilespmem:v14+s18+$0x0] =	vst.idx.add.f32.msk $0xffff, v2  }
0x92: {  	v5 =	vadd.s32 v1, v5  }
0x93: {  	v3 =	vadd.s32 v1, v3;
	[tilespmem:v4+s18+$0x0] =	vst.idx.add.f32.msk $0xffff, v2;
	_ =	sdelay $0x2  }
0x94: {  	[tilespmem:v8+s18+$0x0] =	vst.idx.add.f32.msk $0xffff, v2  }
0x95: {  	[tilespmem:v6+s18+$0x0] =	vst.idx.add.f32.msk $0xffff, v2  }
0x96: {  	[tilespmem:v7+s18+$0x0] =	vst.idx.add.f32.msk $0xffff, v2  }
0x97: {  	[tilespmem:v5+s18+$0x0] =	vst.idx.add.f32.msk $0xffff, v2  }
0x98: {  	s25 =	sshra.s32 s25, $0x2;
	[tilespmem:v3+s18+$0x0] =	vst.idx.add.f32.msk $0xffff, v2  }
0x99: {  	v3 =	vld [tilespmem:s25+$0x0]  }
0x9a: {  	v4 =	vld [tilespmem:s25+$0x10]  }
0x9b: {  	v5 =	vld [tilespmem:s25+$0x20]  }
0x9c: {  	v6 =	vld [tilespmem:s25+$0x30]  }
0x9d: {  	v7 =	vld [tilespmem:s25+$0x40]  }
0x9e: {  	v3 =	vmul.f32 $5.120000080e+01, v3  }
0x9f: {  	v8 =	vld [tilespmem:s25+$0x50];
	v4 =	vmul.f32 $5.120000080e+01, v4  }
0xa0: {  	v3 =	vadd.f32 $2.565000000e+02, v3;
	v5 =	vmul.f32 $5.120000080e+01, v5  }
0xa1: {  	v4 =	vadd.f32 $2.565000000e+02, v4;
	v6 =	vmul.f32 $5.120000080e+01, v6  }
0xa2: {  	v9 =	vld [tilespmem:s25+$0x60];
	v3 =	vmax.f32 v3, $0.0e+00;
	v5 =	vadd.f32 $2.565000000e+02, v5;
	v7 =	vmul.f32 $5.120000080e+01, v7  }
0xa3: {  	v10 =	vld [tilespmem:s25+$0xF0];
	v3 =	vmin.f32 v3, $5.124000240e+02;
	v4 =	vmax.f32 v4, $0.0e+00;
	v6 =	vadd.f32 $2.565000000e+02, v6  }
0xa4: {  	v11 =	vld [tilespmem:s25+$0xE0];
	v3 =	vtrunc.f32 v3;
	v4 =	vmin.f32 v4, $5.124000240e+02;
	v8 =	vmul.f32 $5.120000080e+01, v8  }
0xa5: {  	v5 =	vmax.f32 v5, $0.0e+00;
	v12 =	vld [tilespmem:s25+$0xD0];
	v3 =	vcvt.f32.s32 v3;
	v4 =	vtrunc.f32 v4  }
0xa6: {  	v7 =	vadd.f32 $2.565000000e+02, v7;
	v5 =	vmin.f32 v5, $5.124000240e+02;
	v13 =	vld [tilespmem:s25+$0x70];
	v4 =	vcvt.f32.s32 v4  }
0xa7: {  	v6 =	vmax.f32 v6, $0.0e+00;
	v8 =	vadd.f32 $2.565000000e+02, v8;
	v14 =	vld [tilespmem:s25+$0x80];
	v3 =	vadd.s32 v1, v3  }
0xa8: {  	v5 =	vtrunc.f32 v5;
	v9 =	vmul.f32 $5.120000080e+01, v9;
	v15 =	vld [tilespmem:s25+$0xC0];
	v4 =	vadd.s32 v1, v4  }
0xa9: {  	v7 =	vmax.f32 v7, $0.0e+00;
	v5 =	vcvt.f32.s32 v5;
	v10 =	vmul.f32 $5.120000080e+01, v10;
	v16 =	vld [tilespmem:s25+$0xB0]  }
0xaa: {  	v6 =	vmin.f32 v6, $5.124000240e+02;
	v7 =	vmin.f32 v7, $5.124000240e+02;
	v8 =	vmax.f32 v8, $0.0e+00;
	v17 =	vld [tilespmem:s25+$0x90]  }
0xab: {  	v19 =	vadd.s32 v1, v5;
	v5 =	vtrunc.f32 v7;
	v7 =	vadd.f32 $2.565000000e+02, v10;
	v18 =	vld [tilespmem:s25+$0xA0]  }
0xac: {  	v9 =	vadd.f32 $2.565000000e+02, v9;
	v10 =	vcvt.f32.s32 v5;
	v5 =	vmul.f32 $5.120000080e+01, v11;
	[tilespmem:v3+s18+$0x0] =	vst.idx.add.f32.msk $0xffff, v2  }
0xad: {  	v8 =	vmin.f32 v8, $5.124000240e+02;
	v11 =	vmul.f32 $5.120000080e+01, v12;
	v3 =	vmax.f32 v7, $0.0e+00;
	[tilespmem:v4+s18+$0x0] =	vst.idx.add.f32.msk $0xffff, v2  }
0xae: {  	v7 =	vmax.f32 v9, $0.0e+00;
	v9 =	vmul.f32 $5.120000080e+01, v14;
	v4 =	vadd.s32 v1, v10  }
0xaf: {  	v8 =	vtrunc.f32 v8;
	v7 =	vmin.f32 v7, $5.124000240e+02;
	v10 =	vmul.f32 $5.120000080e+01, v13  }
0xb0: {  	v6 =	vtrunc.f32 v6;
	v7 =	vtrunc.f32 v7;
	v9 =	vadd.f32 $2.565000000e+02, v9  }
0xb1: {  	v8 =	vcvt.f32.s32 v8;
	v12 =	vcvt.f32.s32 v7;
	v10 =	vadd.f32 $2.565000000e+02, v10;
	[tilespmem:v19+s18+$0x0] =	vst.idx.add.f32.msk $0xffff, v2  }
0xb2: {  	v14 =	vmul.f32 $5.120000080e+01, v15;
	v13 =	vmul.f32 $5.120000080e+01, v17;
	v9 =	vmax.f32 v9, $0.0e+00  }
0xb3: {  	v15 =	vcvt.f32.s32 v6;
	v7 =	vadd.s32 v1, v8;
	v6 =	vadd.s32 v1, v12  }
0xb4: {  	v8 =	vmax.f32 v10, $0.0e+00;
	v10 =	vmin.f32 v9, $5.124000240e+02;
	v12 =	vadd.f32 $2.565000000e+02, v13  }
0xb5: {  	v15 =	vadd.s32 v1, v15;
	v9 =	vadd.f32 $2.565000000e+02, v14;
	v8 =	vmin.f32 v8, $5.124000240e+02  }
.Ltmp3:
0xb6: {  	v13 =	vmul.f32 $5.120000080e+01, v16;
	v10 =	vtrunc.f32 v10;
	v12 =	vmax.f32 v12, $0.0e+00;
	(pc) =	sbr.rel @p1 .LBB2_7-.Ltmp3, $4  }
0xb7: {  	v8 =	vtrunc.f32 v8;
	v14 =	vcvt.f32.s32 v10;
	v10 =	vmin.f32 v12, $5.124000240e+02  }
0xb8: {  	v16 =	vmul.f32 $5.120000080e+01, v18;
	v13 =	vadd.f32 $2.565000000e+02, v13;
	v12 =	vtrunc.f32 v10  }
0xb9: {  	v10 =	vcvt.f32.s32 v8;
	v8 =	vadd.s32 v1, v14;
	v14 =	vcvt.f32.s32 v12  }
0xba: {  	v11 =	vadd.f32 $2.565000000e+02, v11;
	v13 =	vmax.f32 v13, $0.0e+00;
	v12 =	vadd.f32 $2.565000000e+02, v16;
	[tilespmem:v15+s18+$0x0] =	vst.idx.add.f32.msk $0xffff, v2  }
0xbb: {  	v14 =	vadd.s32 v1, v14;
	v9 =	vmax.f32 v9, $0.0e+00;
	v5 =	vadd.f32 $2.565000000e+02, v5  }
0xbc: {  	v13 =	vmin.f32 v13, $5.124000240e+02;
	v10 =	vadd.s32 v1, v10;
	v12 =	vmax.f32 v12, $0.0e+00  }
0xbd: {  	v3 =	vmin.f32 v3, $5.124000240e+02;
	v9 =	vmin.f32 v9, $5.124000240e+02;
	v12 =	vmin.f32 v12, $5.124000240e+02  }
0xbe: {  	v11 =	vmax.f32 v11, $0.0e+00;
	v13 =	vtrunc.f32 v13;
	v12 =	vtrunc.f32 v12  }
0xbf: {  	v9 =	vtrunc.f32 v9;
	v11 =	vmin.f32 v11, $5.124000240e+02;
	v12 =	vcvt.f32.s32 v12  }
0xc0: {  	[tilespmem:v4+s18+$0x0] =	vst.idx.add.f32.msk $0xffff, v2;
	v5 =	vmax.f32 v5, $0.0e+00;
	v4 =	vtrunc.f32 v11;
	v11 =	vcvt.f32.s32 v13  }
0xc1: {  	[tilespmem:v7+s18+$0x0] =	vst.idx.add.f32.msk $0xffff, v2;
	v9 =	vcvt.f32.s32 v9;
	v5 =	vmin.f32 v5, $5.124000240e+02;
	v7 =	vadd.s32 v1, v12  }
0xc2: {  	[tilespmem:v6+s18+$0x0] =	vst.idx.add.f32.msk $0xffff, v2;
	v4 =	vcvt.f32.s32 v4;
	v5 =	vtrunc.f32 v5;
	v6 =	vadd.s32 v1, v11  }
0xc3: {  	v3 =	vtrunc.f32 v3;
	v9 =	vadd.s32 v1, v9;
	[tilespmem:v10+s18+$0x0] =	vst.idx.add.f32.msk $0xffff, v2;
	v5 =	vcvt.f32.s32 v5  }
0xc4: {  	v3 =	vcvt.f32.s32 v3;
	v4 =	vadd.s32 v1, v4;
	[tilespmem:v8+s18+$0x0] =	vst.idx.add.f32.msk $0xffff, v2  }
0xc5: {  	[tilespmem:v14+s18+$0x0] =	vst.idx.add.f32.msk $0xffff, v2;
	v5 =	vadd.s32 v1, v5  }
0xc6: {  	v3 =	vadd.s32 v1, v3;
	[tilespmem:v7+s18+$0x0] =	vst.idx.add.f32.msk $0xffff, v2  }
0xc7: {  	[tilespmem:v6+s18+$0x0] =	vst.idx.add.f32.msk $0xffff, v2  }
0xc8: {  	[tilespmem:v9+s18+$0x0] =	vst.idx.add.f32.msk $0xffff, v2  }
0xc9: {  	[tilespmem:v4+s18+$0x0] =	vst.idx.add.f32.msk $0xffff, v2  }
0xca: {  	[tilespmem:v5+s18+$0x0] =	vst.idx.add.f32.msk $0xffff, v2  }
0xcb: {  	s24 =	simm.s32 $0x0;
	[tilespmem:v3+s18+$0x0] =	vst.idx.add.f32.msk $0xffff, v2  }
0xcc: {  	[tilespmem:s24], [sflag:$0x1] =	stream.strided.gather [hbm4b:s6+s14], $0x1000, s15, s14, $0x38;
	[tilespmem:$0x4580] =	vst v63  }
0xcd: {  	_ =	swait.ge [sflag:s21], $0x1000  }
0xce: {  	[sflag:s21] =	ssyncset.done $0x0  }
0xcf: {  	s31 =	simm.s32 $0x0;
	[sflag:s21] =	ssyncadd.s32 $0xFFFFF000  }
0xd0: {  	v3 =	vld [tilespmem:s31+$0x1000]  }
0xd1: {  	v4 =	vld [tilespmem:s31+$0x1010]  }
0xd2: {  	v5 =	vld [tilespmem:s31+$0x1020]  }
0xd3: {  	v6 =	vld [tilespmem:s31+$0x1030]  }
0xd4: {  	v7 =	vld [tilespmem:s31+$0x1040]  }
0xd5: {  	v8 =	vld [tilespmem:s31+$0x1050]  }
0xd6: {  	v10 =	vld [tilespmem:s31+$0x10F0]  }
0xd7: {  	v3 =	vmul.f32 $5.120000080e+01, v3  }
0xd8: {  	v4 =	vmul.f32 $5.120000080e+01, v4  }
0xd9: {  	v5 =	vmul.f32 $5.120000080e+01, v5;
	v6 =	vmul.f32 $5.120000080e+01, v6;
	v3 =	vadd.f32 $2.565000000e+02, v3  }
0xda: {  	v7 =	vmul.f32 $5.120000080e+01, v7;
	v8 =	vmul.f32 $5.120000080e+01, v8;
	v4 =	vadd.f32 $2.565000000e+02, v4  }
0xdb: {  	v10 =	vmul.f32 $5.120000080e+01, v10;
	v5 =	vadd.f32 $2.565000000e+02, v5;
	v3 =	vmax.f32 v3, $0.0e+00  }
0xdc: {  	v9 =	vld [tilespmem:s31+$0x1060];
	v6 =	vadd.f32 $2.565000000e+02, v6;
	v4 =	vmax.f32 v4, $0.0e+00;
	v3 =	vmin.f32 v3, $5.124000240e+02  }
0xdd: {  	v7 =	vadd.f32 $2.565000000e+02, v7;
	v4 =	vmin.f32 v4, $5.124000240e+02;
	v3 =	vtrunc.f32 v3  }
0xde: {  	v5 =	vmax.f32 v5, $0.0e+00;
	v4 =	vtrunc.f32 v4;
	v3 =	vcvt.f32.s32 v3  }
0xdf: {  	v11 =	vld [tilespmem:s31+$0x10E0];
	v7 =	vmax.f32 v7, $0.0e+00;
	v5 =	vmin.f32 v5, $5.124000240e+02;
	v4 =	vcvt.f32.s32 v4  }
0xe0: {  	v14 =	vld [tilespmem:s31+$0x1070];
	v12 =	vadd.s32 v1, v3;
	v3 =	vmax.f32 v6, $0.0e+00;
	v6 =	vadd.f32 $2.565000000e+02, v8  }
0xe1: {  	v8 =	vld [tilespmem:s31+$0x10D0];
	v13 =	vadd.s32 v1, v4;
	v4 =	vtrunc.f32 v5;
	v5 =	vmul.f32 $5.120000080e+01, v9  }
0xe2: {  	v9 =	vld [tilespmem:s31+$0x1080];
	v4 =	vcvt.f32.s32 v4;
	v15 =	vmin.f32 v3, $5.124000240e+02;
	v3 =	vmin.f32 v7, $5.124000240e+02  }
0xe3: {  	v6 =	vmax.f32 v6, $0.0e+00;
	v3 =	vtrunc.f32 v3  }
0xe4: {  	v7 =	vld [tilespmem:s31+$0x10C0];
	v17 =	vadd.f32 $2.565000000e+02, v5;
	v16 =	vadd.s32 v1, v4;
	v4 =	vadd.f32 $2.565000000e+02, v10  }
0xe5: {  	v19 =	vld [tilespmem:s31+$0x10A0];
	v5 =	vmul.f32 $5.120000080e+01, v11;
	v10 =	vcvt.f32.s32 v3;
	v6 =	vmin.f32 v6, $5.124000240e+02  }
0xe6: {  	v11 =	vld [tilespmem:s31+$0x1090];
	v6 =	vtrunc.f32 v6;
	v18 =	vmul.f32 $5.120000080e+01, v8;
	v3 =	vmax.f32 v4, $0.0e+00  }
0xe7: {  	v4 =	vadd.s32 v1, v10;
	v9 =	vmul.f32 $5.120000080e+01, v9;
	v10 =	vmul.f32 $5.120000080e+01, v14  }
0xe8: {  	v8 =	vmax.f32 v17, $0.0e+00;
	v14 =	vtrunc.f32 v15;
	v15 =	vld [tilespmem:s31+$0x10B0];
	v6 =	vcvt.f32.s32 v6  }
0xe9: {  	[tilespmem:v12+s18+$0x0] =	vst.idx.add.f32.msk $0xffff, v2;
	v8 =	vmin.f32 v8, $5.124000240e+02;
	v63 =	vmul.f32 $5.120000080e+01, v7;
	v14 =	vcvt.f32.s32 v14  }
0xea: {  	[tilespmem:v13+s18+$0x0] =	vst.idx.add.f32.msk $0xffff, v2;
	v13 =	vmul.f32 $5.120000080e+01, v19;
	v8 =	vtrunc.f32 v8  }
0xeb: {  	v9 =	vadd.f32 $2.565000000e+02, v9;
	v11 =	vmul.f32 $5.120000080e+01, v11;
	v8 =	vcvt.f32.s32 v8  }
0xec: {  	v10 =	vadd.f32 $2.565000000e+02, v10;
	v7 =	vadd.s32 v1, v6;
	v20 =	vadd.s32 v1, v14  }
0xed: {  	v9 =	vmax.f32 v9, $0.0e+00;
	v11 =	vadd.f32 $2.565000000e+02, v11;
	v6 =	vadd.s32 v1, v8  }
0xee: {  	v8 =	vmax.f32 v10, $0.0e+00;
	v10 =	vmin.f32 v9, $5.124000240e+02;
	v9 =	vadd.f32 $2.565000000e+02, v63  }
0xef: {  	v14 =	vmul.f32 $5.120000080e+01, v15;
	v10 =	vtrunc.f32 v10;
	v11 =	vmax.f32 v11, $0.0e+00  }
0xf0: {  	v8 =	vmin.f32 v8, $5.124000240e+02;
	v12 =	vcvt.f32.s32 v10;
	v10 =	vmin.f32 v11, $5.124000240e+02  }
0xf1: {  	v8 =	vtrunc.f32 v8;
	v15 =	vadd.f32 $2.565000000e+02, v14;
	v11 =	vtrunc.f32 v10  }
0xf2: {  	[tilespmem:v16+s18+$0x0] =	vst.idx.add.f32.msk $0xffff, v2;
	v10 =	vcvt.f32.s32 v8;
	v8 =	vadd.s32 v1, v12;
	v14 =	vcvt.f32.s32 v11  }
0xf3: {  	s24 =	simm.s32 $0x400;
	[tilespmem:v20+s18+$0x0] =	vst.idx.add.f32.msk $0xffff, v2;
	v12 =	vadd.f32 $2.565000000e+02, v13;
	v13 =	vmax.f32 v15, $0.0e+00;
	v11 =	vadd.f32 $2.565000000e+02, v18  }
.LBB2_9:
0xf4: {  	p1 =	sne.s32 s24, $0x3C00;
	v14 =	vadd.s32 v1, v14;
	v9 =	vmax.f32 v9, $0.0e+00;
	v5 =	vadd.f32 $2.565000000e+02, v5;
	[tilespmem:v4+s18+$0x0] =	vst.idx.add.f32.msk $0xffff, v2;
	s25 =	smov.u32 s24;
	s24 =	sadd.s32 $0x400, s24  }
0xf5: {  	v4 =	vmax.f32 v12, $0.0e+00;
	v12 =	vmin.f32 v13, $5.124000240e+02;
	v9 =	vmin.f32 v9, $5.124000240e+02;
	[tilespmem:v7+s18+$0x0] =	vst.idx.add.f32.msk $0xffff, v2  }
0xf6: {  	v7 =	vadd.s32 v1, v10;
	v4 =	vmin.f32 v4, $5.124000240e+02;
	v9 =	vtrunc.f32 v9;
	[tilespmem:v6+s18+$0x0] =	vst.idx.add.f32.msk $0xffff, v2  }
0xf7: {  	v4 =	vtrunc.f32 v4;
	v6 =	vcvt.f32.s32 v9;
	v9 =	vmax.f32 v11, $0.0e+00  }
0xf8: {  	v10 =	vtrunc.f32 v12;
	v4 =	vcvt.f32.s32 v4;
	v9 =	vmin.f32 v9, $5.124000240e+02  }
0xf9: {  	v5 =	vmax.f32 v5, $0.0e+00;
	v6 =	vadd.s32 v1, v6;
	v9 =	vtrunc.f32 v9  }
0xfa: {  	v5 =	vmin.f32 v5, $5.124000240e+02;
	v4 =	vadd.s32 v1, v4;
	v9 =	vcvt.f32.s32 v9  }
0xfb: {  	v3 =	vmin.f32 v3, $5.124000240e+02;
	v10 =	vcvt.f32.s32 v10;
	v5 =	vtrunc.f32 v5;
	[tilespmem:v7+s18+$0x0] =	vst.idx.add.f32.msk $0xffff, v2  }
0xfc: {  	v3 =	vtrunc.f32 v3;
	v5 =	vcvt.f32.s32 v5;
	v7 =	vadd.s32 v1, v9;
	[tilespmem:v8+s18+$0x0] =	vst.idx.add.f32.msk $0xffff, v2  }
0xfd: {  	v3 =	vcvt.f32.s32 v3;
	v8 =	vadd.s32 v1, v10;
	[tilespmem:v14+s18+$0x0] =	vst.idx.add.f32.msk $0xffff, v2  }
0xfe: {  	v5 =	vadd.s32 v1, v5  }
0xff: {  	v3 =	vadd.s32 v1, v3;
	[tilespmem:v4+s18+$0x0] =	vst.idx.add.f32.msk $0xffff, v2;
	_ =	sdelay $0x2  }
0x100: {  	[tilespmem:v8+s18+$0x0] =	vst.idx.add.f32.msk $0xffff, v2  }
0x101: {  	[tilespmem:v6+s18+$0x0] =	vst.idx.add.f32.msk $0xffff, v2  }
0x102: {  	[tilespmem:v7+s18+$0x0] =	vst.idx.add.f32.msk $0xffff, v2  }
0x103: {  	[tilespmem:v5+s18+$0x0] =	vst.idx.add.f32.msk $0xffff, v2  }
0x104: {  	s25 =	sshra.s32 s25, $0x2;
	[tilespmem:v3+s18+$0x0] =	vst.idx.add.f32.msk $0xffff, v2  }
0x105: {  	v3 =	vld [tilespmem:s25+$0x1000]  }
0x106: {  	v4 =	vld [tilespmem:s25+$0x1010]  }
0x107: {  	v5 =	vld [tilespmem:s25+$0x1020]  }
0x108: {  	v6 =	vld [tilespmem:s25+$0x1030]  }
0x109: {  	v7 =	vld [tilespmem:s25+$0x1040]  }
0x10a: {  	v3 =	vmul.f32 $5.120000080e+01, v3  }
0x10b: {  	v8 =	vld [tilespmem:s25+$0x1050];
	v4 =	vmul.f32 $5.120000080e+01, v4  }
0x10c: {  	v3 =	vadd.f32 $2.565000000e+02, v3;
	v5 =	vmul.f32 $5.120000080e+01, v5  }
0x10d: {  	v4 =	vadd.f32 $2.565000000e+02, v4;
	v6 =	vmul.f32 $5.120000080e+01, v6  }
0x10e: {  	v9 =	vld [tilespmem:s25+$0x1060];
	v3 =	vmax.f32 v3, $0.0e+00;
	v5 =	vadd.f32 $2.565000000e+02, v5;
	v7 =	vmul.f32 $5.120000080e+01, v7  }
0x10f: {  	v10 =	vld [tilespmem:s25+$0x10F0];
	v3 =	vmin.f32 v3, $5.124000240e+02;
	v4 =	vmax.f32 v4, $0.0e+00;
	v6 =	vadd.f32 $2.565000000e+02, v6  }
0x110: {  	v11 =	vld [tilespmem:s25+$0x10E0];
	v3 =	vtrunc.f32 v3;
	v4 =	vmin.f32 v4, $5.124000240e+02;
	v8 =	vmul.f32 $5.120000080e+01, v8  }
0x111: {  	v5 =	vmax.f32 v5, $0.0e+00;
	v12 =	vld [tilespmem:s25+$0x10D0];
	v3 =	vcvt.f32.s32 v3;
	v4 =	vtrunc.f32 v4  }
0x112: {  	v7 =	vadd.f32 $2.565000000e+02, v7;
	v5 =	vmin.f32 v5, $5.124000240e+02;
	v13 =	vld [tilespmem:s25+$0x1070];
	v4 =	vcvt.f32.s32 v4  }
0x113: {  	v6 =	vmax.f32 v6, $0.0e+00;
	v8 =	vadd.f32 $2.565000000e+02, v8;
	v14 =	vld [tilespmem:s25+$0x1080];
	v3 =	vadd.s32 v1, v3  }
0x114: {  	v5 =	vtrunc.f32 v5;
	v9 =	vmul.f32 $5.120000080e+01, v9;
	v15 =	vld [tilespmem:s25+$0x10C0];
	v4 =	vadd.s32 v1, v4  }
0x115: {  	v7 =	vmax.f32 v7, $0.0e+00;
	v5 =	vcvt.f32.s32 v5;
	v10 =	vmul.f32 $5.120000080e+01, v10;
	v16 =	vld [tilespmem:s25+$0x10B0]  }
0x116: {  	v6 =	vmin.f32 v6, $5.124000240e+02;
	v7 =	vmin.f32 v7, $5.124000240e+02;
	v8 =	vmax.f32 v8, $0.0e+00;
	v17 =	vld [tilespmem:s25+$0x1090]  }
0x117: {  	v19 =	vadd.s32 v1, v5;
	v5 =	vtrunc.f32 v7;
	v7 =	vadd.f32 $2.565000000e+02, v10;
	v18 =	vld [tilespmem:s25+$0x10A0]  }
0x118: {  	v9 =	vadd.f32 $2.565000000e+02, v9;
	v10 =	vcvt.f32.s32 v5;
	v5 =	vmul.f32 $5.120000080e+01, v11;
	[tilespmem:v3+s18+$0x0] =	vst.idx.add.f32.msk $0xffff, v2  }
0x119: {  	v8 =	vmin.f32 v8, $5.124000240e+02;
	v11 =	vmul.f32 $5.120000080e+01, v12;
	v3 =	vmax.f32 v7, $0.0e+00;
	[tilespmem:v4+s18+$0x0] =	vst.idx.add.f32.msk $0xffff, v2  }
0x11a: {  	v7 =	vmax.f32 v9, $0.0e+00;
	v9 =	vmul.f32 $5.120000080e+01, v14;
	v4 =	vadd.s32 v1, v10  }
0x11b: {  	v8 =	vtrunc.f32 v8;
	v7 =	vmin.f32 v7, $5.124000240e+02;
	v10 =	vmul.f32 $5.120000080e+01, v13  }
0x11c: {  	v6 =	vtrunc.f32 v6;
	v7 =	vtrunc.f32 v7;
	v9 =	vadd.f32 $2.565000000e+02, v9  }
0x11d: {  	v8 =	vcvt.f32.s32 v8;
	v12 =	vcvt.f32.s32 v7;
	v10 =	vadd.f32 $2.565000000e+02, v10;
	[tilespmem:v19+s18+$0x0] =	vst.idx.add.f32.msk $0xffff, v2  }
0x11e: {  	v14 =	vmul.f32 $5.120000080e+01, v15;
	v13 =	vmul.f32 $5.120000080e+01, v17;
	v9 =	vmax.f32 v9, $0.0e+00  }
0x11f: {  	v15 =	vcvt.f32.s32 v6;
	v7 =	vadd.s32 v1, v8;
	v6 =	vadd.s32 v1, v12  }
0x120: {  	v8 =	vmax.f32 v10, $0.0e+00;
	v10 =	vmin.f32 v9, $5.124000240e+02;
	v12 =	vadd.f32 $2.565000000e+02, v13  }
0x121: {  	v15 =	vadd.s32 v1, v15;
	v9 =	vadd.f32 $2.565000000e+02, v14;
	v8 =	vmin.f32 v8, $5.124000240e+02  }
.Ltmp4:
0x122: {  	v13 =	vmul.f32 $5.120000080e+01, v16;
	v10 =	vtrunc.f32 v10;
	v12 =	vmax.f32 v12, $0.0e+00;
	(pc) =	sbr.rel @p1 .LBB2_9-.Ltmp4, $4  }
0x123: {  	v8 =	vtrunc.f32 v8;
	v14 =	vcvt.f32.s32 v10;
	v10 =	vmin.f32 v12, $5.124000240e+02  }
0x124: {  	v16 =	vmul.f32 $5.120000080e+01, v18;
	v13 =	vadd.f32 $2.565000000e+02, v13;
	v12 =	vtrunc.f32 v10  }
0x125: {  	v10 =	vcvt.f32.s32 v8;
	v8 =	vadd.s32 v1, v14;
	v14 =	vcvt.f32.s32 v12  }
0x126: {  	v11 =	vadd.f32 $2.565000000e+02, v11;
	v13 =	vmax.f32 v13, $0.0e+00;
	v12 =	vadd.f32 $2.565000000e+02, v16;
	[tilespmem:v15+s18+$0x0] =	vst.idx.add.f32.msk $0xffff, v2  }
0x127: {  	v14 =	vadd.s32 v1, v14;
	v9 =	vmax.f32 v9, $0.0e+00;
	v5 =	vadd.f32 $2.565000000e+02, v5  }
0x128: {  	v13 =	vmin.f32 v13, $5.124000240e+02;
	v10 =	vadd.s32 v1, v10;
	v12 =	vmax.f32 v12, $0.0e+00  }
0x129: {  	v3 =	vmin.f32 v3, $5.124000240e+02;
	v9 =	vmin.f32 v9, $5.124000240e+02;
	v12 =	vmin.f32 v12, $5.124000240e+02  }
0x12a: {  	v11 =	vmax.f32 v11, $0.0e+00;
	v13 =	vtrunc.f32 v13;
	v12 =	vtrunc.f32 v12  }
0x12b: {  	v9 =	vtrunc.f32 v9;
	v11 =	vmin.f32 v11, $5.124000240e+02;
	v12 =	vcvt.f32.s32 v12  }
0x12c: {  	[tilespmem:v4+s18+$0x0] =	vst.idx.add.f32.msk $0xffff, v2;
	v5 =	vmax.f32 v5, $0.0e+00;
	v4 =	vtrunc.f32 v11;
	v11 =	vcvt.f32.s32 v13  }
0x12d: {  	[tilespmem:v7+s18+$0x0] =	vst.idx.add.f32.msk $0xffff, v2;
	v9 =	vcvt.f32.s32 v9;
	v5 =	vmin.f32 v5, $5.124000240e+02;
	v7 =	vadd.s32 v1, v12  }
0x12e: {  	[tilespmem:v6+s18+$0x0] =	vst.idx.add.f32.msk $0xffff, v2;
	v4 =	vcvt.f32.s32 v4;
	v5 =	vtrunc.f32 v5;
	v6 =	vadd.s32 v1, v11  }
0x12f: {  	v3 =	vtrunc.f32 v3;
	v9 =	vadd.s32 v1, v9;
	[tilespmem:v10+s18+$0x0] =	vst.idx.add.f32.msk $0xffff, v2;
	v5 =	vcvt.f32.s32 v5  }
0x130: {  	v3 =	vcvt.f32.s32 v3;
	v4 =	vadd.s32 v1, v4;
	[tilespmem:v8+s18+$0x0] =	vst.idx.add.f32.msk $0xffff, v2  }
0x131: {  	[tilespmem:v14+s18+$0x0] =	vst.idx.add.f32.msk $0xffff, v2;
	v5 =	vadd.s32 v1, v5  }
0x132: {  	v3 =	vadd.s32 v1, v3;
	[tilespmem:v7+s18+$0x0] =	vst.idx.add.f32.msk $0xffff, v2  }
0x133: {  	[tilespmem:v6+s18+$0x0] =	vst.idx.add.f32.msk $0xffff, v2  }
0x134: {  	[tilespmem:v9+s18+$0x0] =	vst.idx.add.f32.msk $0xffff, v2  }
0x135: {  	[tilespmem:v4+s18+$0x0] =	vst.idx.add.f32.msk $0xffff, v2  }
0x136: {  	[tilespmem:v5+s18+$0x0] =	vst.idx.add.f32.msk $0xffff, v2  }
0x137: {  	[tilespmem:v3+s18+$0x0] =	vst.idx.add.f32.msk $0xffff, v2  }
0x138: {  	[tilespmem:s19], [sflag:$0x2] =	stream.strided.gather [hbm4b:s7+s14], $0x1000, s15, s14, $0x38;
	[tilespmem:$0x4580] =	vst v63  }
0x139: {  	_ =	swait.ge [sflag:s20], $0x1000  }
0x13a: {  	[sflag:s20] =	ssyncset.done $0x0  }
0x13b: {  	s24 =	simm.s32 $0x0;
	[sflag:s20] =	ssyncadd.s32 $0xFFFFF000  }
0x13c: {  	v3 =	vld [tilespmem:s24+$0x0]  }
0x13d: {  	v4 =	vld [tilespmem:s24+$0x10]  }
0x13e: {  	v5 =	vld [tilespmem:s24+$0x20]  }
0x13f: {  	v6 =	vld [tilespmem:s24+$0x30]  }
0x140: {  	v7 =	vld [tilespmem:s24+$0x40]  }
0x141: {  	v8 =	vld [tilespmem:s24+$0x50]  }
0x142: {  	v10 =	vld [tilespmem:s24+$0xF0]  }
0x143: {  	v3 =	vmul.f32 $5.120000080e+01, v3  }
0x144: {  	v4 =	vmul.f32 $5.120000080e+01, v4  }
0x145: {  	v5 =	vmul.f32 $5.120000080e+01, v5;
	v6 =	vmul.f32 $5.120000080e+01, v6;
	v3 =	vadd.f32 $2.565000000e+02, v3  }
0x146: {  	v7 =	vmul.f32 $5.120000080e+01, v7;
	v8 =	vmul.f32 $5.120000080e+01, v8;
	v4 =	vadd.f32 $2.565000000e+02, v4  }
0x147: {  	v10 =	vmul.f32 $5.120000080e+01, v10;
	v5 =	vadd.f32 $2.565000000e+02, v5;
	v3 =	vmax.f32 v3, $0.0e+00  }
0x148: {  	v9 =	vld [tilespmem:s24+$0x60];
	v6 =	vadd.f32 $2.565000000e+02, v6;
	v4 =	vmax.f32 v4, $0.0e+00;
	v3 =	vmin.f32 v3, $5.124000240e+02  }
0x149: {  	v7 =	vadd.f32 $2.565000000e+02, v7;
	v4 =	vmin.f32 v4, $5.124000240e+02;
	v3 =	vtrunc.f32 v3  }
0x14a: {  	v5 =	vmax.f32 v5, $0.0e+00;
	v4 =	vtrunc.f32 v4;
	v3 =	vcvt.f32.s32 v3  }
0x14b: {  	v11 =	vld [tilespmem:s24+$0xE0];
	v7 =	vmax.f32 v7, $0.0e+00;
	v5 =	vmin.f32 v5, $5.124000240e+02;
	v4 =	vcvt.f32.s32 v4  }
0x14c: {  	v14 =	vld [tilespmem:s24+$0x70];
	v12 =	vadd.s32 v1, v3;
	v3 =	vmax.f32 v6, $0.0e+00;
	v6 =	vadd.f32 $2.565000000e+02, v8  }
0x14d: {  	v8 =	vld [tilespmem:s24+$0xD0];
	v13 =	vadd.s32 v1, v4;
	v4 =	vtrunc.f32 v5;
	v5 =	vmul.f32 $5.120000080e+01, v9  }
0x14e: {  	v9 =	vld [tilespmem:s24+$0x80];
	v4 =	vcvt.f32.s32 v4;
	v15 =	vmin.f32 v3, $5.124000240e+02;
	v3 =	vmin.f32 v7, $5.124000240e+02  }
0x14f: {  	v6 =	vmax.f32 v6, $0.0e+00;
	v3 =	vtrunc.f32 v3  }
0x150: {  	v7 =	vld [tilespmem:s24+$0xC0];
	v17 =	vadd.f32 $2.565000000e+02, v5;
	v16 =	vadd.s32 v1, v4;
	v4 =	vadd.f32 $2.565000000e+02, v10  }
0x151: {  	v19 =	vld [tilespmem:s24+$0xA0];
	v5 =	vmul.f32 $5.120000080e+01, v11;
	v10 =	vcvt.f32.s32 v3;
	v6 =	vmin.f32 v6, $5.124000240e+02  }
0x152: {  	v11 =	vld [tilespmem:s24+$0x90];
	v6 =	vtrunc.f32 v6;
	v18 =	vmul.f32 $5.120000080e+01, v8;
	v3 =	vmax.f32 v4, $0.0e+00  }
0x153: {  	v4 =	vadd.s32 v1, v10;
	v9 =	vmul.f32 $5.120000080e+01, v9;
	v10 =	vmul.f32 $5.120000080e+01, v14  }
0x154: {  	v8 =	vmax.f32 v17, $0.0e+00;
	v14 =	vtrunc.f32 v15;
	v15 =	vld [tilespmem:s24+$0xB0];
	v6 =	vcvt.f32.s32 v6  }
0x155: {  	[tilespmem:v12+s18+$0x0] =	vst.idx.add.f32.msk $0xffff, v2;
	v8 =	vmin.f32 v8, $5.124000240e+02;
	v63 =	vmul.f32 $5.120000080e+01, v7;
	v14 =	vcvt.f32.s32 v14  }
0x156: {  	[tilespmem:v13+s18+$0x0] =	vst.idx.add.f32.msk $0xffff, v2;
	v13 =	vmul.f32 $5.120000080e+01, v19;
	v8 =	vtrunc.f32 v8  }
0x157: {  	v9 =	vadd.f32 $2.565000000e+02, v9;
	v11 =	vmul.f32 $5.120000080e+01, v11;
	v8 =	vcvt.f32.s32 v8  }
0x158: {  	v10 =	vadd.f32 $2.565000000e+02, v10;
	v7 =	vadd.s32 v1, v6;
	v20 =	vadd.s32 v1, v14  }
0x159: {  	v9 =	vmax.f32 v9, $0.0e+00;
	v11 =	vadd.f32 $2.565000000e+02, v11;
	v6 =	vadd.s32 v1, v8  }
0x15a: {  	v8 =	vmax.f32 v10, $0.0e+00;
	v10 =	vmin.f32 v9, $5.124000240e+02;
	v9 =	vadd.f32 $2.565000000e+02, v63  }
0x15b: {  	v14 =	vmul.f32 $5.120000080e+01, v15;
	v10 =	vtrunc.f32 v10;
	v11 =	vmax.f32 v11, $0.0e+00  }
0x15c: {  	v8 =	vmin.f32 v8, $5.124000240e+02;
	v12 =	vcvt.f32.s32 v10;
	v10 =	vmin.f32 v11, $5.124000240e+02  }
0x15d: {  	v8 =	vtrunc.f32 v8;
	v15 =	vadd.f32 $2.565000000e+02, v14;
	v11 =	vtrunc.f32 v10  }
0x15e: {  	[tilespmem:v16+s18+$0x0] =	vst.idx.add.f32.msk $0xffff, v2;
	v10 =	vcvt.f32.s32 v8;
	v8 =	vadd.s32 v1, v12;
	v14 =	vcvt.f32.s32 v11  }
0x15f: {  	s24 =	simm.s32 $0x400;
	[tilespmem:v20+s18+$0x0] =	vst.idx.add.f32.msk $0xffff, v2;
	v12 =	vadd.f32 $2.565000000e+02, v13;
	v13 =	vmax.f32 v15, $0.0e+00;
	v11 =	vadd.f32 $2.565000000e+02, v18  }
.LBB2_11:
0x160: {  	p1 =	sne.s32 s24, $0x3C00;
	v14 =	vadd.s32 v1, v14;
	v9 =	vmax.f32 v9, $0.0e+00;
	v5 =	vadd.f32 $2.565000000e+02, v5;
	[tilespmem:v4+s18+$0x0] =	vst.idx.add.f32.msk $0xffff, v2;
	s25 =	smov.u32 s24;
	s24 =	sadd.s32 $0x400, s24  }
0x161: {  	v4 =	vmax.f32 v12, $0.0e+00;
	v12 =	vmin.f32 v13, $5.124000240e+02;
	v9 =	vmin.f32 v9, $5.124000240e+02;
	[tilespmem:v7+s18+$0x0] =	vst.idx.add.f32.msk $0xffff, v2  }
0x162: {  	v7 =	vadd.s32 v1, v10;
	v4 =	vmin.f32 v4, $5.124000240e+02;
	v9 =	vtrunc.f32 v9;
	[tilespmem:v6+s18+$0x0] =	vst.idx.add.f32.msk $0xffff, v2  }
0x163: {  	v4 =	vtrunc.f32 v4;
	v6 =	vcvt.f32.s32 v9;
	v9 =	vmax.f32 v11, $0.0e+00  }
0x164: {  	v10 =	vtrunc.f32 v12;
	v4 =	vcvt.f32.s32 v4;
	v9 =	vmin.f32 v9, $5.124000240e+02  }
0x165: {  	v5 =	vmax.f32 v5, $0.0e+00;
	v6 =	vadd.s32 v1, v6;
	v9 =	vtrunc.f32 v9  }
0x166: {  	v5 =	vmin.f32 v5, $5.124000240e+02;
	v4 =	vadd.s32 v1, v4;
	v9 =	vcvt.f32.s32 v9  }
0x167: {  	v3 =	vmin.f32 v3, $5.124000240e+02;
	v10 =	vcvt.f32.s32 v10;
	v5 =	vtrunc.f32 v5;
	[tilespmem:v7+s18+$0x0] =	vst.idx.add.f32.msk $0xffff, v2  }
0x168: {  	v3 =	vtrunc.f32 v3;
	v5 =	vcvt.f32.s32 v5;
	v7 =	vadd.s32 v1, v9;
	[tilespmem:v8+s18+$0x0] =	vst.idx.add.f32.msk $0xffff, v2  }
0x169: {  	v3 =	vcvt.f32.s32 v3;
	v8 =	vadd.s32 v1, v10;
	[tilespmem:v14+s18+$0x0] =	vst.idx.add.f32.msk $0xffff, v2  }
0x16a: {  	v5 =	vadd.s32 v1, v5  }
0x16b: {  	v3 =	vadd.s32 v1, v3;
	[tilespmem:v4+s18+$0x0] =	vst.idx.add.f32.msk $0xffff, v2;
	_ =	sdelay $0x2  }
0x16c: {  	[tilespmem:v8+s18+$0x0] =	vst.idx.add.f32.msk $0xffff, v2  }
0x16d: {  	[tilespmem:v6+s18+$0x0] =	vst.idx.add.f32.msk $0xffff, v2  }
0x16e: {  	[tilespmem:v7+s18+$0x0] =	vst.idx.add.f32.msk $0xffff, v2  }
0x16f: {  	[tilespmem:v5+s18+$0x0] =	vst.idx.add.f32.msk $0xffff, v2  }
0x170: {  	s25 =	sshra.s32 s25, $0x2;
	[tilespmem:v3+s18+$0x0] =	vst.idx.add.f32.msk $0xffff, v2  }
0x171: {  	v3 =	vld [tilespmem:s25+$0x0]  }
0x172: {  	v4 =	vld [tilespmem:s25+$0x10]  }
0x173: {  	v5 =	vld [tilespmem:s25+$0x20]  }
0x174: {  	v6 =	vld [tilespmem:s25+$0x30]  }
0x175: {  	v7 =	vld [tilespmem:s25+$0x40]  }
0x176: {  	v3 =	vmul.f32 $5.120000080e+01, v3  }
0x177: {  	v8 =	vld [tilespmem:s25+$0x50];
	v4 =	vmul.f32 $5.120000080e+01, v4  }
0x178: {  	v3 =	vadd.f32 $2.565000000e+02, v3;
	v5 =	vmul.f32 $5.120000080e+01, v5  }
0x179: {  	v4 =	vadd.f32 $2.565000000e+02, v4;
	v6 =	vmul.f32 $5.120000080e+01, v6  }
0x17a: {  	v9 =	vld [tilespmem:s25+$0x60];
	v3 =	vmax.f32 v3, $0.0e+00;
	v5 =	vadd.f32 $2.565000000e+02, v5;
	v7 =	vmul.f32 $5.120000080e+01, v7  }
0x17b: {  	v10 =	vld [tilespmem:s25+$0xF0];
	v3 =	vmin.f32 v3, $5.124000240e+02;
	v4 =	vmax.f32 v4, $0.0e+00;
	v6 =	vadd.f32 $2.565000000e+02, v6  }
0x17c: {  	v11 =	vld [tilespmem:s25+$0xE0];
	v3 =	vtrunc.f32 v3;
	v4 =	vmin.f32 v4, $5.124000240e+02;
	v8 =	vmul.f32 $5.120000080e+01, v8  }
0x17d: {  	v5 =	vmax.f32 v5, $0.0e+00;
	v12 =	vld [tilespmem:s25+$0xD0];
	v3 =	vcvt.f32.s32 v3;
	v4 =	vtrunc.f32 v4  }
0x17e: {  	v7 =	vadd.f32 $2.565000000e+02, v7;
	v5 =	vmin.f32 v5, $5.124000240e+02;
	v13 =	vld [tilespmem:s25+$0x70];
	v4 =	vcvt.f32.s32 v4  }
0x17f: {  	v6 =	vmax.f32 v6, $0.0e+00;
	v8 =	vadd.f32 $2.565000000e+02, v8;
	v14 =	vld [tilespmem:s25+$0x80];
	v3 =	vadd.s32 v1, v3  }
0x180: {  	v5 =	vtrunc.f32 v5;
	v9 =	vmul.f32 $5.120000080e+01, v9;
	v15 =	vld [tilespmem:s25+$0xC0];
	v4 =	vadd.s32 v1, v4  }
0x181: {  	v7 =	vmax.f32 v7, $0.0e+00;
	v5 =	vcvt.f32.s32 v5;
	v10 =	vmul.f32 $5.120000080e+01, v10;
	v16 =	vld [tilespmem:s25+$0xB0]  }
0x182: {  	v6 =	vmin.f32 v6, $5.124000240e+02;
	v7 =	vmin.f32 v7, $5.124000240e+02;
	v8 =	vmax.f32 v8, $0.0e+00;
	v17 =	vld [tilespmem:s25+$0x90]  }
0x183: {  	v19 =	vadd.s32 v1, v5;
	v5 =	vtrunc.f32 v7;
	v7 =	vadd.f32 $2.565000000e+02, v10;
	v18 =	vld [tilespmem:s25+$0xA0]  }
0x184: {  	v9 =	vadd.f32 $2.565000000e+02, v9;
	v10 =	vcvt.f32.s32 v5;
	v5 =	vmul.f32 $5.120000080e+01, v11;
	[tilespmem:v3+s18+$0x0] =	vst.idx.add.f32.msk $0xffff, v2  }
0x185: {  	v8 =	vmin.f32 v8, $5.124000240e+02;
	v11 =	vmul.f32 $5.120000080e+01, v12;
	v3 =	vmax.f32 v7, $0.0e+00;
	[tilespmem:v4+s18+$0x0] =	vst.idx.add.f32.msk $0xffff, v2  }
0x186: {  	v7 =	vmax.f32 v9, $0.0e+00;
	v9 =	vmul.f32 $5.120000080e+01, v14;
	v4 =	vadd.s32 v1, v10  }
0x187: {  	v8 =	vtrunc.f32 v8;
	v7 =	vmin.f32 v7, $5.124000240e+02;
	v10 =	vmul.f32 $5.120000080e+01, v13  }
0x188: {  	v6 =	vtrunc.f32 v6;
	v7 =	vtrunc.f32 v7;
	v9 =	vadd.f32 $2.565000000e+02, v9  }
0x189: {  	v8 =	vcvt.f32.s32 v8;
	v12 =	vcvt.f32.s32 v7;
	v10 =	vadd.f32 $2.565000000e+02, v10;
	[tilespmem:v19+s18+$0x0] =	vst.idx.add.f32.msk $0xffff, v2  }
0x18a: {  	v14 =	vmul.f32 $5.120000080e+01, v15;
	v13 =	vmul.f32 $5.120000080e+01, v17;
	v9 =	vmax.f32 v9, $0.0e+00  }
0x18b: {  	v15 =	vcvt.f32.s32 v6;
	v7 =	vadd.s32 v1, v8;
	v6 =	vadd.s32 v1, v12  }
0x18c: {  	v8 =	vmax.f32 v10, $0.0e+00;
	v10 =	vmin.f32 v9, $5.124000240e+02;
	v12 =	vadd.f32 $2.565000000e+02, v13  }
0x18d: {  	v15 =	vadd.s32 v1, v15;
	v9 =	vadd.f32 $2.565000000e+02, v14;
	v8 =	vmin.f32 v8, $5.124000240e+02  }
.Ltmp5:
0x18e: {  	v13 =	vmul.f32 $5.120000080e+01, v16;
	v10 =	vtrunc.f32 v10;
	v12 =	vmax.f32 v12, $0.0e+00;
	(pc) =	sbr.rel @p1 .LBB2_11-.Ltmp5, $4  }
0x18f: {  	v8 =	vtrunc.f32 v8;
	v14 =	vcvt.f32.s32 v10;
	v10 =	vmin.f32 v12, $5.124000240e+02  }
0x190: {  	v16 =	vmul.f32 $5.120000080e+01, v18;
	v13 =	vadd.f32 $2.565000000e+02, v13;
	v12 =	vtrunc.f32 v10  }
0x191: {  	v10 =	vcvt.f32.s32 v8;
	v8 =	vadd.s32 v1, v14;
	v14 =	vcvt.f32.s32 v12  }
0x192: {  	v11 =	vadd.f32 $2.565000000e+02, v11;
	v13 =	vmax.f32 v13, $0.0e+00;
	v12 =	vadd.f32 $2.565000000e+02, v16;
	[tilespmem:v15+s18+$0x0] =	vst.idx.add.f32.msk $0xffff, v2  }
0x193: {  	v14 =	vadd.s32 v1, v14;
	v9 =	vmax.f32 v9, $0.0e+00;
	v5 =	vadd.f32 $2.565000000e+02, v5  }
0x194: {  	v13 =	vmin.f32 v13, $5.124000240e+02;
	v10 =	vadd.s32 v1, v10;
	v12 =	vmax.f32 v12, $0.0e+00  }
0x195: {  	v3 =	vmin.f32 v3, $5.124000240e+02;
	v9 =	vmin.f32 v9, $5.124000240e+02;
	v12 =	vmin.f32 v12, $5.124000240e+02  }
0x196: {  	v11 =	vmax.f32 v11, $0.0e+00;
	v13 =	vtrunc.f32 v13;
	v12 =	vtrunc.f32 v12  }
0x197: {  	v9 =	vtrunc.f32 v9;
	v11 =	vmin.f32 v11, $5.124000240e+02;
	v12 =	vcvt.f32.s32 v12  }
0x198: {  	[tilespmem:v4+s18+$0x0] =	vst.idx.add.f32.msk $0xffff, v2;
	v5 =	vmax.f32 v5, $0.0e+00;
	v4 =	vtrunc.f32 v11;
	v11 =	vcvt.f32.s32 v13  }
0x199: {  	[tilespmem:v7+s18+$0x0] =	vst.idx.add.f32.msk $0xffff, v2;
	v9 =	vcvt.f32.s32 v9;
	v5 =	vmin.f32 v5, $5.124000240e+02;
	v7 =	vadd.s32 v1, v12  }
0x19a: {  	[tilespmem:v6+s18+$0x0] =	vst.idx.add.f32.msk $0xffff, v2;
	v4 =	vcvt.f32.s32 v4;
	v5 =	vtrunc.f32 v5;
	v6 =	vadd.s32 v1, v11  }
0x19b: {  	v3 =	vtrunc.f32 v3;
	v9 =	vadd.s32 v1, v9;
	[tilespmem:v10+s18+$0x0] =	vst.idx.add.f32.msk $0xffff, v2;
	v5 =	vcvt.f32.s32 v5  }
0x19c: {  	v3 =	vcvt.f32.s32 v3;
	v4 =	vadd.s32 v1, v4;
	[tilespmem:v8+s18+$0x0] =	vst.idx.add.f32.msk $0xffff, v2  }
0x19d: {  	[tilespmem:v14+s18+$0x0] =	vst.idx.add.f32.msk $0xffff, v2;
	v5 =	vadd.s32 v1, v5  }
0x19e: {  	v3 =	vadd.s32 v1, v3;
	[tilespmem:v7+s18+$0x0] =	vst.idx.add.f32.msk $0xffff, v2  }
0x19f: {  	[tilespmem:v6+s18+$0x0] =	vst.idx.add.f32.msk $0xffff, v2  }
0x1a0: {  	[tilespmem:v9+s18+$0x0] =	vst.idx.add.f32.msk $0xffff, v2  }
0x1a1: {  	[tilespmem:v4+s18+$0x0] =	vst.idx.add.f32.msk $0xffff, v2  }
0x1a2: {  	[tilespmem:v5+s18+$0x0] =	vst.idx.add.f32.msk $0xffff, v2  }
0x1a3: {  	s24 =	simm.s32 $0x0;
	[tilespmem:v3+s18+$0x0] =	vst.idx.add.f32.msk $0xffff, v2  }
0x1a4: {  	[tilespmem:s24], [sflag:$0x1] =	stream.strided.gather [hbm4b:s8+s14], $0x1000, s15, s14, $0x38;
	[tilespmem:$0x4580] =	vst v63  }
0x1a5: {  	_ =	swait.ge [sflag:s21], $0x1000  }
0x1a6: {  	[sflag:s21] =	ssyncset.done $0x0  }
0x1a7: {  	s31 =	simm.s32 $0x0;
	[sflag:s21] =	ssyncadd.s32 $0xFFFFF000  }
0x1a8: {  	v3 =	vld [tilespmem:s31+$0x1000]  }
0x1a9: {  	v4 =	vld [tilespmem:s31+$0x1010]  }
0x1aa: {  	v5 =	vld [tilespmem:s31+$0x1020]  }
0x1ab: {  	v6 =	vld [tilespmem:s31+$0x1030]  }
0x1ac: {  	v7 =	vld [tilespmem:s31+$0x1040]  }
0x1ad: {  	v8 =	vld [tilespmem:s31+$0x1050]  }
0x1ae: {  	v10 =	vld [tilespmem:s31+$0x10F0]  }
0x1af: {  	v3 =	vmul.f32 $5.120000080e+01, v3  }
0x1b0: {  	v4 =	vmul.f32 $5.120000080e+01, v4  }
0x1b1: {  	v5 =	vmul.f32 $5.120000080e+01, v5;
	v6 =	vmul.f32 $5.120000080e+01, v6;
	v3 =	vadd.f32 $2.565000000e+02, v3  }
0x1b2: {  	v7 =	vmul.f32 $5.120000080e+01, v7;
	v8 =	vmul.f32 $5.120000080e+01, v8;
	v4 =	vadd.f32 $2.565000000e+02, v4  }
0x1b3: {  	v10 =	vmul.f32 $5.120000080e+01, v10;
	v5 =	vadd.f32 $2.565000000e+02, v5;
	v3 =	vmax.f32 v3, $0.0e+00  }
0x1b4: {  	v9 =	vld [tilespmem:s31+$0x1060];
	v6 =	vadd.f32 $2.565000000e+02, v6;
	v4 =	vmax.f32 v4, $0.0e+00;
	v3 =	vmin.f32 v3, $5.124000240e+02  }
0x1b5: {  	v7 =	vadd.f32 $2.565000000e+02, v7;
	v4 =	vmin.f32 v4, $5.124000240e+02;
	v3 =	vtrunc.f32 v3  }
0x1b6: {  	v5 =	vmax.f32 v5, $0.0e+00;
	v4 =	vtrunc.f32 v4;
	v3 =	vcvt.f32.s32 v3  }
0x1b7: {  	v11 =	vld [tilespmem:s31+$0x10E0];
	v7 =	vmax.f32 v7, $0.0e+00;
	v5 =	vmin.f32 v5, $5.124000240e+02;
	v4 =	vcvt.f32.s32 v4  }
0x1b8: {  	v14 =	vld [tilespmem:s31+$0x1070];
	v12 =	vadd.s32 v1, v3;
	v3 =	vmax.f32 v6, $0.0e+00;
	v6 =	vadd.f32 $2.565000000e+02, v8  }
0x1b9: {  	v8 =	vld [tilespmem:s31+$0x10D0];
	v13 =	vadd.s32 v1, v4;
	v4 =	vtrunc.f32 v5;
	v5 =	vmul.f32 $5.120000080e+01, v9  }
0x1ba: {  	v9 =	vld [tilespmem:s31+$0x1080];
	v4 =	vcvt.f32.s32 v4;
	v15 =	vmin.f32 v3, $5.124000240e+02;
	v3 =	vmin.f32 v7, $5.124000240e+02  }
0x1bb: {  	v6 =	vmax.f32 v6, $0.0e+00;
	v3 =	vtrunc.f32 v3  }
0x1bc: {  	v7 =	vld [tilespmem:s31+$0x10C0];
	v17 =	vadd.f32 $2.565000000e+02, v5;
	v16 =	vadd.s32 v1, v4;
	v4 =	vadd.f32 $2.565000000e+02, v10  }
0x1bd: {  	v19 =	vld [tilespmem:s31+$0x10A0];
	v5 =	vmul.f32 $5.120000080e+01, v11;
	v10 =	vcvt.f32.s32 v3;
	v6 =	vmin.f32 v6, $5.124000240e+02  }
0x1be: {  	v11 =	vld [tilespmem:s31+$0x1090];
	v6 =	vtrunc.f32 v6;
	v18 =	vmul.f32 $5.120000080e+01, v8;
	v3 =	vmax.f32 v4, $0.0e+00  }
0x1bf: {  	v4 =	vadd.s32 v1, v10;
	v9 =	vmul.f32 $5.120000080e+01, v9;
	v10 =	vmul.f32 $5.120000080e+01, v14  }
0x1c0: {  	v8 =	vmax.f32 v17, $0.0e+00;
	v14 =	vtrunc.f32 v15;
	v15 =	vld [tilespmem:s31+$0x10B0];
	v6 =	vcvt.f32.s32 v6  }
0x1c1: {  	[tilespmem:v12+s18+$0x0] =	vst.idx.add.f32.msk $0xffff, v2;
	v8 =	vmin.f32 v8, $5.124000240e+02;
	v63 =	vmul.f32 $5.120000080e+01, v7;
	v14 =	vcvt.f32.s32 v14  }
0x1c2: {  	[tilespmem:v13+s18+$0x0] =	vst.idx.add.f32.msk $0xffff, v2;
	v13 =	vmul.f32 $5.120000080e+01, v19;
	v8 =	vtrunc.f32 v8  }
0x1c3: {  	v9 =	vadd.f32 $2.565000000e+02, v9;
	v11 =	vmul.f32 $5.120000080e+01, v11;
	v8 =	vcvt.f32.s32 v8  }
0x1c4: {  	v10 =	vadd.f32 $2.565000000e+02, v10;
	v7 =	vadd.s32 v1, v6;
	v20 =	vadd.s32 v1, v14  }
0x1c5: {  	v9 =	vmax.f32 v9, $0.0e+00;
	v11 =	vadd.f32 $2.565000000e+02, v11;
	v6 =	vadd.s32 v1, v8  }
0x1c6: {  	v8 =	vmax.f32 v10, $0.0e+00;
	v10 =	vmin.f32 v9, $5.124000240e+02;
	v9 =	vadd.f32 $2.565000000e+02, v63  }
0x1c7: {  	v14 =	vmul.f32 $5.120000080e+01, v15;
	v10 =	vtrunc.f32 v10;
	v11 =	vmax.f32 v11, $0.0e+00  }
0x1c8: {  	v8 =	vmin.f32 v8, $5.124000240e+02;
	v12 =	vcvt.f32.s32 v10;
	v10 =	vmin.f32 v11, $5.124000240e+02  }
0x1c9: {  	v8 =	vtrunc.f32 v8;
	v15 =	vadd.f32 $2.565000000e+02, v14;
	v11 =	vtrunc.f32 v10  }
0x1ca: {  	[tilespmem:v16+s18+$0x0] =	vst.idx.add.f32.msk $0xffff, v2;
	v10 =	vcvt.f32.s32 v8;
	v8 =	vadd.s32 v1, v12;
	v14 =	vcvt.f32.s32 v11  }
0x1cb: {  	s24 =	simm.s32 $0x400;
	[tilespmem:v20+s18+$0x0] =	vst.idx.add.f32.msk $0xffff, v2;
	v12 =	vadd.f32 $2.565000000e+02, v13;
	v13 =	vmax.f32 v15, $0.0e+00;
	v11 =	vadd.f32 $2.565000000e+02, v18  }
.LBB2_13:
0x1cc: {  	p1 =	sne.s32 s24, $0x3C00;
	v14 =	vadd.s32 v1, v14;
	v9 =	vmax.f32 v9, $0.0e+00;
	v5 =	vadd.f32 $2.565000000e+02, v5;
	[tilespmem:v4+s18+$0x0] =	vst.idx.add.f32.msk $0xffff, v2;
	s25 =	smov.u32 s24;
	s24 =	sadd.s32 $0x400, s24  }
0x1cd: {  	v4 =	vmax.f32 v12, $0.0e+00;
	v12 =	vmin.f32 v13, $5.124000240e+02;
	v9 =	vmin.f32 v9, $5.124000240e+02;
	[tilespmem:v7+s18+$0x0] =	vst.idx.add.f32.msk $0xffff, v2  }
0x1ce: {  	v7 =	vadd.s32 v1, v10;
	v4 =	vmin.f32 v4, $5.124000240e+02;
	v9 =	vtrunc.f32 v9;
	[tilespmem:v6+s18+$0x0] =	vst.idx.add.f32.msk $0xffff, v2  }
0x1cf: {  	v4 =	vtrunc.f32 v4;
	v6 =	vcvt.f32.s32 v9;
	v9 =	vmax.f32 v11, $0.0e+00  }
0x1d0: {  	v10 =	vtrunc.f32 v12;
	v4 =	vcvt.f32.s32 v4;
	v9 =	vmin.f32 v9, $5.124000240e+02  }
0x1d1: {  	v5 =	vmax.f32 v5, $0.0e+00;
	v6 =	vadd.s32 v1, v6;
	v9 =	vtrunc.f32 v9  }
0x1d2: {  	v5 =	vmin.f32 v5, $5.124000240e+02;
	v4 =	vadd.s32 v1, v4;
	v9 =	vcvt.f32.s32 v9  }
0x1d3: {  	v3 =	vmin.f32 v3, $5.124000240e+02;
	v10 =	vcvt.f32.s32 v10;
	v5 =	vtrunc.f32 v5;
	[tilespmem:v7+s18+$0x0] =	vst.idx.add.f32.msk $0xffff, v2  }
0x1d4: {  	v3 =	vtrunc.f32 v3;
	v5 =	vcvt.f32.s32 v5;
	v7 =	vadd.s32 v1, v9;
	[tilespmem:v8+s18+$0x0] =	vst.idx.add.f32.msk $0xffff, v2  }
0x1d5: {  	v3 =	vcvt.f32.s32 v3;
	v8 =	vadd.s32 v1, v10;
	[tilespmem:v14+s18+$0x0] =	vst.idx.add.f32.msk $0xffff, v2  }
0x1d6: {  	v5 =	vadd.s32 v1, v5  }
0x1d7: {  	v3 =	vadd.s32 v1, v3;
	[tilespmem:v4+s18+$0x0] =	vst.idx.add.f32.msk $0xffff, v2;
	_ =	sdelay $0x2  }
0x1d8: {  	[tilespmem:v8+s18+$0x0] =	vst.idx.add.f32.msk $0xffff, v2  }
0x1d9: {  	[tilespmem:v6+s18+$0x0] =	vst.idx.add.f32.msk $0xffff, v2  }
0x1da: {  	[tilespmem:v7+s18+$0x0] =	vst.idx.add.f32.msk $0xffff, v2  }
0x1db: {  	[tilespmem:v5+s18+$0x0] =	vst.idx.add.f32.msk $0xffff, v2  }
0x1dc: {  	s25 =	sshra.s32 s25, $0x2;
	[tilespmem:v3+s18+$0x0] =	vst.idx.add.f32.msk $0xffff, v2  }
0x1dd: {  	v3 =	vld [tilespmem:s25+$0x1000]  }
0x1de: {  	v4 =	vld [tilespmem:s25+$0x1010]  }
0x1df: {  	v5 =	vld [tilespmem:s25+$0x1020]  }
0x1e0: {  	v6 =	vld [tilespmem:s25+$0x1030]  }
0x1e1: {  	v7 =	vld [tilespmem:s25+$0x1040]  }
0x1e2: {  	v3 =	vmul.f32 $5.120000080e+01, v3  }
0x1e3: {  	v8 =	vld [tilespmem:s25+$0x1050];
	v4 =	vmul.f32 $5.120000080e+01, v4  }
0x1e4: {  	v3 =	vadd.f32 $2.565000000e+02, v3;
	v5 =	vmul.f32 $5.120000080e+01, v5  }
0x1e5: {  	v4 =	vadd.f32 $2.565000000e+02, v4;
	v6 =	vmul.f32 $5.120000080e+01, v6  }
0x1e6: {  	v9 =	vld [tilespmem:s25+$0x1060];
	v3 =	vmax.f32 v3, $0.0e+00;
	v5 =	vadd.f32 $2.565000000e+02, v5;
	v7 =	vmul.f32 $5.120000080e+01, v7  }
0x1e7: {  	v10 =	vld [tilespmem:s25+$0x10F0];
	v3 =	vmin.f32 v3, $5.124000240e+02;
	v4 =	vmax.f32 v4, $0.0e+00;
	v6 =	vadd.f32 $2.565000000e+02, v6  }
0x1e8: {  	v11 =	vld [tilespmem:s25+$0x10E0];
	v3 =	vtrunc.f32 v3;
	v4 =	vmin.f32 v4, $5.124000240e+02;
	v8 =	vmul.f32 $5.120000080e+01, v8  }
0x1e9: {  	v5 =	vmax.f32 v5, $0.0e+00;
	v12 =	vld [tilespmem:s25+$0x10D0];
	v3 =	vcvt.f32.s32 v3;
	v4 =	vtrunc.f32 v4  }
0x1ea: {  	v7 =	vadd.f32 $2.565000000e+02, v7;
	v5 =	vmin.f32 v5, $5.124000240e+02;
	v13 =	vld [tilespmem:s25+$0x1070];
	v4 =	vcvt.f32.s32 v4  }
0x1eb: {  	v6 =	vmax.f32 v6, $0.0e+00;
	v8 =	vadd.f32 $2.565000000e+02, v8;
	v14 =	vld [tilespmem:s25+$0x1080];
	v3 =	vadd.s32 v1, v3  }
0x1ec: {  	v5 =	vtrunc.f32 v5;
	v9 =	vmul.f32 $5.120000080e+01, v9;
	v15 =	vld [tilespmem:s25+$0x10C0];
	v4 =	vadd.s32 v1, v4  }
0x1ed: {  	v7 =	vmax.f32 v7, $0.0e+00;
	v5 =	vcvt.f32.s32 v5;
	v10 =	vmul.f32 $5.120000080e+01, v10;
	v16 =	vld [tilespmem:s25+$0x10B0]  }
0x1ee: {  	v6 =	vmin.f32 v6, $5.124000240e+02;
	v7 =	vmin.f32 v7, $5.124000240e+02;
	v8 =	vmax.f32 v8, $0.0e+00;
	v17 =	vld [tilespmem:s25+$0x1090]  }
0x1ef: {  	v19 =	vadd.s32 v1, v5;
	v5 =	vtrunc.f32 v7;
	v7 =	vadd.f32 $2.565000000e+02, v10;
	v18 =	vld [tilespmem:s25+$0x10A0]  }
0x1f0: {  	v9 =	vadd.f32 $2.565000000e+02, v9;
	v10 =	vcvt.f32.s32 v5;
	v5 =	vmul.f32 $5.120000080e+01, v11;
	[tilespmem:v3+s18+$0x0] =	vst.idx.add.f32.msk $0xffff, v2  }
0x1f1: {  	v8 =	vmin.f32 v8, $5.124000240e+02;
	v11 =	vmul.f32 $5.120000080e+01, v12;
	v3 =	vmax.f32 v7, $0.0e+00;
	[tilespmem:v4+s18+$0x0] =	vst.idx.add.f32.msk $0xffff, v2  }
0x1f2: {  	v7 =	vmax.f32 v9, $0.0e+00;
	v9 =	vmul.f32 $5.120000080e+01, v14;
	v4 =	vadd.s32 v1, v10  }
0x1f3: {  	v8 =	vtrunc.f32 v8;
	v7 =	vmin.f32 v7, $5.124000240e+02;
	v10 =	vmul.f32 $5.120000080e+01, v13  }
0x1f4: {  	v6 =	vtrunc.f32 v6;
	v7 =	vtrunc.f32 v7;
	v9 =	vadd.f32 $2.565000000e+02, v9  }
0x1f5: {  	v8 =	vcvt.f32.s32 v8;
	v12 =	vcvt.f32.s32 v7;
	v10 =	vadd.f32 $2.565000000e+02, v10;
	[tilespmem:v19+s18+$0x0] =	vst.idx.add.f32.msk $0xffff, v2  }
0x1f6: {  	v14 =	vmul.f32 $5.120000080e+01, v15;
	v13 =	vmul.f32 $5.120000080e+01, v17;
	v9 =	vmax.f32 v9, $0.0e+00  }
0x1f7: {  	v15 =	vcvt.f32.s32 v6;
	v7 =	vadd.s32 v1, v8;
	v6 =	vadd.s32 v1, v12  }
0x1f8: {  	v8 =	vmax.f32 v10, $0.0e+00;
	v10 =	vmin.f32 v9, $5.124000240e+02;
	v12 =	vadd.f32 $2.565000000e+02, v13  }
0x1f9: {  	v15 =	vadd.s32 v1, v15;
	v9 =	vadd.f32 $2.565000000e+02, v14;
	v8 =	vmin.f32 v8, $5.124000240e+02  }
.Ltmp6:
0x1fa: {  	v13 =	vmul.f32 $5.120000080e+01, v16;
	v10 =	vtrunc.f32 v10;
	v12 =	vmax.f32 v12, $0.0e+00;
	(pc) =	sbr.rel @p1 .LBB2_13-.Ltmp6, $4  }
0x1fb: {  	v8 =	vtrunc.f32 v8;
	v14 =	vcvt.f32.s32 v10;
	v10 =	vmin.f32 v12, $5.124000240e+02  }
0x1fc: {  	v16 =	vmul.f32 $5.120000080e+01, v18;
	v13 =	vadd.f32 $2.565000000e+02, v13;
	v12 =	vtrunc.f32 v10  }
0x1fd: {  	v10 =	vcvt.f32.s32 v8;
	v8 =	vadd.s32 v1, v14;
	v14 =	vcvt.f32.s32 v12  }
0x1fe: {  	v11 =	vadd.f32 $2.565000000e+02, v11;
	v13 =	vmax.f32 v13, $0.0e+00;
	v12 =	vadd.f32 $2.565000000e+02, v16;
	[tilespmem:v15+s18+$0x0] =	vst.idx.add.f32.msk $0xffff, v2  }
0x1ff: {  	v14 =	vadd.s32 v1, v14;
	v9 =	vmax.f32 v9, $0.0e+00;
	v5 =	vadd.f32 $2.565000000e+02, v5  }
0x200: {  	v13 =	vmin.f32 v13, $5.124000240e+02;
	v10 =	vadd.s32 v1, v10;
	v12 =	vmax.f32 v12, $0.0e+00  }
0x201: {  	v3 =	vmin.f32 v3, $5.124000240e+02;
	v9 =	vmin.f32 v9, $5.124000240e+02;
	v12 =	vmin.f32 v12, $5.124000240e+02  }
0x202: {  	v11 =	vmax.f32 v11, $0.0e+00;
	v13 =	vtrunc.f32 v13;
	v12 =	vtrunc.f32 v12  }
0x203: {  	v9 =	vtrunc.f32 v9;
	v11 =	vmin.f32 v11, $5.124000240e+02;
	v12 =	vcvt.f32.s32 v12  }
0x204: {  	[tilespmem:v4+s18+$0x0] =	vst.idx.add.f32.msk $0xffff, v2;
	v5 =	vmax.f32 v5, $0.0e+00;
	v4 =	vtrunc.f32 v11;
	v11 =	vcvt.f32.s32 v13  }
0x205: {  	[tilespmem:v7+s18+$0x0] =	vst.idx.add.f32.msk $0xffff, v2;
	v9 =	vcvt.f32.s32 v9;
	v5 =	vmin.f32 v5, $5.124000240e+02;
	v7 =	vadd.s32 v1, v12  }
0x206: {  	[tilespmem:v6+s18+$0x0] =	vst.idx.add.f32.msk $0xffff, v2;
	v4 =	vcvt.f32.s32 v4;
	v5 =	vtrunc.f32 v5;
	v6 =	vadd.s32 v1, v11  }
0x207: {  	v3 =	vtrunc.f32 v3;
	v9 =	vadd.s32 v1, v9;
	[tilespmem:v10+s18+$0x0] =	vst.idx.add.f32.msk $0xffff, v2;
	v5 =	vcvt.f32.s32 v5  }
0x208: {  	v3 =	vcvt.f32.s32 v3;
	v4 =	vadd.s32 v1, v4;
	[tilespmem:v8+s18+$0x0] =	vst.idx.add.f32.msk $0xffff, v2  }
0x209: {  	[tilespmem:v14+s18+$0x0] =	vst.idx.add.f32.msk $0xffff, v2;
	v5 =	vadd.s32 v1, v5  }
0x20a: {  	v3 =	vadd.s32 v1, v3;
	[tilespmem:v7+s18+$0x0] =	vst.idx.add.f32.msk $0xffff, v2  }
0x20b: {  	[tilespmem:v6+s18+$0x0] =	vst.idx.add.f32.msk $0xffff, v2  }
0x20c: {  	[tilespmem:v9+s18+$0x0] =	vst.idx.add.f32.msk $0xffff, v2  }
0x20d: {  	[tilespmem:v4+s18+$0x0] =	vst.idx.add.f32.msk $0xffff, v2  }
0x20e: {  	[tilespmem:v5+s18+$0x0] =	vst.idx.add.f32.msk $0xffff, v2  }
0x20f: {  	[tilespmem:v3+s18+$0x0] =	vst.idx.add.f32.msk $0xffff, v2  }
0x210: {  	[tilespmem:s19], [sflag:$0x2] =	stream.strided.gather [hbm4b:s9+s14], $0x1000, s15, s14, $0x38;
	[tilespmem:$0x4580] =	vst v63  }
0x211: {  	_ =	swait.ge [sflag:s20], $0x1000  }
0x212: {  	[sflag:s20] =	ssyncset.done $0x0  }
0x213: {  	s24 =	simm.s32 $0x0;
	[sflag:s20] =	ssyncadd.s32 $0xFFFFF000  }
0x214: {  	v3 =	vld [tilespmem:s24+$0x0]  }
0x215: {  	v4 =	vld [tilespmem:s24+$0x10]  }
0x216: {  	v5 =	vld [tilespmem:s24+$0x20]  }
0x217: {  	v6 =	vld [tilespmem:s24+$0x30]  }
0x218: {  	v7 =	vld [tilespmem:s24+$0x40]  }
0x219: {  	v8 =	vld [tilespmem:s24+$0x50]  }
0x21a: {  	v10 =	vld [tilespmem:s24+$0xF0]  }
0x21b: {  	v3 =	vmul.f32 $5.120000080e+01, v3  }
0x21c: {  	v4 =	vmul.f32 $5.120000080e+01, v4  }
0x21d: {  	v5 =	vmul.f32 $5.120000080e+01, v5;
	v6 =	vmul.f32 $5.120000080e+01, v6;
	v3 =	vadd.f32 $2.565000000e+02, v3  }
0x21e: {  	v7 =	vmul.f32 $5.120000080e+01, v7;
	v8 =	vmul.f32 $5.120000080e+01, v8;
	v4 =	vadd.f32 $2.565000000e+02, v4  }
0x21f: {  	v10 =	vmul.f32 $5.120000080e+01, v10;
	v5 =	vadd.f32 $2.565000000e+02, v5;
	v3 =	vmax.f32 v3, $0.0e+00  }
0x220: {  	v9 =	vld [tilespmem:s24+$0x60];
	v6 =	vadd.f32 $2.565000000e+02, v6;
	v4 =	vmax.f32 v4, $0.0e+00;
	v3 =	vmin.f32 v3, $5.124000240e+02  }
0x221: {  	v7 =	vadd.f32 $2.565000000e+02, v7;
	v4 =	vmin.f32 v4, $5.124000240e+02;
	v3 =	vtrunc.f32 v3  }
0x222: {  	v5 =	vmax.f32 v5, $0.0e+00;
	v4 =	vtrunc.f32 v4;
	v3 =	vcvt.f32.s32 v3  }
0x223: {  	v11 =	vld [tilespmem:s24+$0xE0];
	v7 =	vmax.f32 v7, $0.0e+00;
	v5 =	vmin.f32 v5, $5.124000240e+02;
	v4 =	vcvt.f32.s32 v4  }
0x224: {  	v14 =	vld [tilespmem:s24+$0x70];
	v12 =	vadd.s32 v1, v3;
	v3 =	vmax.f32 v6, $0.0e+00;
	v6 =	vadd.f32 $2.565000000e+02, v8  }
0x225: {  	v8 =	vld [tilespmem:s24+$0xD0];
	v13 =	vadd.s32 v1, v4;
	v4 =	vtrunc.f32 v5;
	v5 =	vmul.f32 $5.120000080e+01, v9  }
0x226: {  	v9 =	vld [tilespmem:s24+$0x80];
	v4 =	vcvt.f32.s32 v4;
	v15 =	vmin.f32 v3, $5.124000240e+02;
	v3 =	vmin.f32 v7, $5.124000240e+02  }
0x227: {  	v6 =	vmax.f32 v6, $0.0e+00;
	v3 =	vtrunc.f32 v3  }
0x228: {  	v7 =	vld [tilespmem:s24+$0xC0];
	v17 =	vadd.f32 $2.565000000e+02, v5;
	v16 =	vadd.s32 v1, v4;
	v4 =	vadd.f32 $2.565000000e+02, v10  }
0x229: {  	v19 =	vld [tilespmem:s24+$0xA0];
	v5 =	vmul.f32 $5.120000080e+01, v11;
	v10 =	vcvt.f32.s32 v3;
	v6 =	vmin.f32 v6, $5.124000240e+02  }
0x22a: {  	v11 =	vld [tilespmem:s24+$0x90];
	v6 =	vtrunc.f32 v6;
	v18 =	vmul.f32 $5.120000080e+01, v8;
	v3 =	vmax.f32 v4, $0.0e+00  }
0x22b: {  	v4 =	vadd.s32 v1, v10;
	v9 =	vmul.f32 $5.120000080e+01, v9;
	v10 =	vmul.f32 $5.120000080e+01, v14  }
0x22c: {  	v8 =	vmax.f32 v17, $0.0e+00;
	v14 =	vtrunc.f32 v15;
	v15 =	vld [tilespmem:s24+$0xB0];
	v6 =	vcvt.f32.s32 v6  }
0x22d: {  	[tilespmem:v12+s18+$0x0] =	vst.idx.add.f32.msk $0xffff, v2;
	v8 =	vmin.f32 v8, $5.124000240e+02;
	v63 =	vmul.f32 $5.120000080e+01, v7;
	v14 =	vcvt.f32.s32 v14  }
0x22e: {  	[tilespmem:v13+s18+$0x0] =	vst.idx.add.f32.msk $0xffff, v2;
	v13 =	vmul.f32 $5.120000080e+01, v19;
	v8 =	vtrunc.f32 v8  }
0x22f: {  	v9 =	vadd.f32 $2.565000000e+02, v9;
	v11 =	vmul.f32 $5.120000080e+01, v11;
	v8 =	vcvt.f32.s32 v8  }
0x230: {  	v10 =	vadd.f32 $2.565000000e+02, v10;
	v7 =	vadd.s32 v1, v6;
	v20 =	vadd.s32 v1, v14  }
0x231: {  	v9 =	vmax.f32 v9, $0.0e+00;
	v11 =	vadd.f32 $2.565000000e+02, v11;
	v6 =	vadd.s32 v1, v8  }
0x232: {  	v8 =	vmax.f32 v10, $0.0e+00;
	v10 =	vmin.f32 v9, $5.124000240e+02;
	v9 =	vadd.f32 $2.565000000e+02, v63  }
0x233: {  	v14 =	vmul.f32 $5.120000080e+01, v15;
	v10 =	vtrunc.f32 v10;
	v11 =	vmax.f32 v11, $0.0e+00  }
0x234: {  	v8 =	vmin.f32 v8, $5.124000240e+02;
	v12 =	vcvt.f32.s32 v10;
	v10 =	vmin.f32 v11, $5.124000240e+02  }
0x235: {  	v8 =	vtrunc.f32 v8;
	v15 =	vadd.f32 $2.565000000e+02, v14;
	v11 =	vtrunc.f32 v10  }
0x236: {  	[tilespmem:v16+s18+$0x0] =	vst.idx.add.f32.msk $0xffff, v2;
	v10 =	vcvt.f32.s32 v8;
	v8 =	vadd.s32 v1, v12;
	v14 =	vcvt.f32.s32 v11  }
0x237: {  	s24 =	simm.s32 $0x400;
	[tilespmem:v20+s18+$0x0] =	vst.idx.add.f32.msk $0xffff, v2;
	v12 =	vadd.f32 $2.565000000e+02, v13;
	v13 =	vmax.f32 v15, $0.0e+00;
	v11 =	vadd.f32 $2.565000000e+02, v18  }
.LBB2_15:
0x238: {  	p1 =	sne.s32 s24, $0x3C00;
	v14 =	vadd.s32 v1, v14;
	v9 =	vmax.f32 v9, $0.0e+00;
	v5 =	vadd.f32 $2.565000000e+02, v5;
	[tilespmem:v4+s18+$0x0] =	vst.idx.add.f32.msk $0xffff, v2;
	s25 =	smov.u32 s24;
	s24 =	sadd.s32 $0x400, s24  }
0x239: {  	v4 =	vmax.f32 v12, $0.0e+00;
	v12 =	vmin.f32 v13, $5.124000240e+02;
	v9 =	vmin.f32 v9, $5.124000240e+02;
	[tilespmem:v7+s18+$0x0] =	vst.idx.add.f32.msk $0xffff, v2  }
0x23a: {  	v7 =	vadd.s32 v1, v10;
	v4 =	vmin.f32 v4, $5.124000240e+02;
	v9 =	vtrunc.f32 v9;
	[tilespmem:v6+s18+$0x0] =	vst.idx.add.f32.msk $0xffff, v2  }
0x23b: {  	v4 =	vtrunc.f32 v4;
	v6 =	vcvt.f32.s32 v9;
	v9 =	vmax.f32 v11, $0.0e+00  }
0x23c: {  	v10 =	vtrunc.f32 v12;
	v4 =	vcvt.f32.s32 v4;
	v9 =	vmin.f32 v9, $5.124000240e+02  }
0x23d: {  	v5 =	vmax.f32 v5, $0.0e+00;
	v6 =	vadd.s32 v1, v6;
	v9 =	vtrunc.f32 v9  }
0x23e: {  	v5 =	vmin.f32 v5, $5.124000240e+02;
	v4 =	vadd.s32 v1, v4;
	v9 =	vcvt.f32.s32 v9  }
0x23f: {  	v3 =	vmin.f32 v3, $5.124000240e+02;
	v10 =	vcvt.f32.s32 v10;
	v5 =	vtrunc.f32 v5;
	[tilespmem:v7+s18+$0x0] =	vst.idx.add.f32.msk $0xffff, v2  }
0x240: {  	v3 =	vtrunc.f32 v3;
	v5 =	vcvt.f32.s32 v5;
	v7 =	vadd.s32 v1, v9;
	[tilespmem:v8+s18+$0x0] =	vst.idx.add.f32.msk $0xffff, v2  }
0x241: {  	v3 =	vcvt.f32.s32 v3;
	v8 =	vadd.s32 v1, v10;
	[tilespmem:v14+s18+$0x0] =	vst.idx.add.f32.msk $0xffff, v2  }
0x242: {  	v5 =	vadd.s32 v1, v5  }
0x243: {  	v3 =	vadd.s32 v1, v3;
	[tilespmem:v4+s18+$0x0] =	vst.idx.add.f32.msk $0xffff, v2;
	_ =	sdelay $0x2  }
0x244: {  	[tilespmem:v8+s18+$0x0] =	vst.idx.add.f32.msk $0xffff, v2  }
0x245: {  	[tilespmem:v6+s18+$0x0] =	vst.idx.add.f32.msk $0xffff, v2  }
0x246: {  	[tilespmem:v7+s18+$0x0] =	vst.idx.add.f32.msk $0xffff, v2  }
0x247: {  	[tilespmem:v5+s18+$0x0] =	vst.idx.add.f32.msk $0xffff, v2  }
0x248: {  	s25 =	sshra.s32 s25, $0x2;
	[tilespmem:v3+s18+$0x0] =	vst.idx.add.f32.msk $0xffff, v2  }
0x249: {  	v3 =	vld [tilespmem:s25+$0x0]  }
0x24a: {  	v4 =	vld [tilespmem:s25+$0x10]  }
0x24b: {  	v5 =	vld [tilespmem:s25+$0x20]  }
0x24c: {  	v6 =	vld [tilespmem:s25+$0x30]  }
0x24d: {  	v7 =	vld [tilespmem:s25+$0x40]  }
0x24e: {  	v3 =	vmul.f32 $5.120000080e+01, v3  }
0x24f: {  	v8 =	vld [tilespmem:s25+$0x50];
	v4 =	vmul.f32 $5.120000080e+01, v4  }
0x250: {  	v3 =	vadd.f32 $2.565000000e+02, v3;
	v5 =	vmul.f32 $5.120000080e+01, v5  }
0x251: {  	v4 =	vadd.f32 $2.565000000e+02, v4;
	v6 =	vmul.f32 $5.120000080e+01, v6  }
0x252: {  	v9 =	vld [tilespmem:s25+$0x60];
	v3 =	vmax.f32 v3, $0.0e+00;
	v5 =	vadd.f32 $2.565000000e+02, v5;
	v7 =	vmul.f32 $5.120000080e+01, v7  }
0x253: {  	v10 =	vld [tilespmem:s25+$0xF0];
	v3 =	vmin.f32 v3, $5.124000240e+02;
	v4 =	vmax.f32 v4, $0.0e+00;
	v6 =	vadd.f32 $2.565000000e+02, v6  }
0x254: {  	v11 =	vld [tilespmem:s25+$0xE0];
	v3 =	vtrunc.f32 v3;
	v4 =	vmin.f32 v4, $5.124000240e+02;
	v8 =	vmul.f32 $5.120000080e+01, v8  }
0x255: {  	v5 =	vmax.f32 v5, $0.0e+00;
	v12 =	vld [tilespmem:s25+$0xD0];
	v3 =	vcvt.f32.s32 v3;
	v4 =	vtrunc.f32 v4  }
0x256: {  	v7 =	vadd.f32 $2.565000000e+02, v7;
	v5 =	vmin.f32 v5, $5.124000240e+02;
	v13 =	vld [tilespmem:s25+$0x70];
	v4 =	vcvt.f32.s32 v4  }
0x257: {  	v6 =	vmax.f32 v6, $0.0e+00;
	v8 =	vadd.f32 $2.565000000e+02, v8;
	v14 =	vld [tilespmem:s25+$0x80];
	v3 =	vadd.s32 v1, v3  }
0x258: {  	v5 =	vtrunc.f32 v5;
	v9 =	vmul.f32 $5.120000080e+01, v9;
	v15 =	vld [tilespmem:s25+$0xC0];
	v4 =	vadd.s32 v1, v4  }
0x259: {  	v7 =	vmax.f32 v7, $0.0e+00;
	v5 =	vcvt.f32.s32 v5;
	v10 =	vmul.f32 $5.120000080e+01, v10;
	v16 =	vld [tilespmem:s25+$0xB0]  }
0x25a: {  	v6 =	vmin.f32 v6, $5.124000240e+02;
	v7 =	vmin.f32 v7, $5.124000240e+02;
	v8 =	vmax.f32 v8, $0.0e+00;
	v17 =	vld [tilespmem:s25+$0x90]  }
0x25b: {  	v19 =	vadd.s32 v1, v5;
	v5 =	vtrunc.f32 v7;
	v7 =	vadd.f32 $2.565000000e+02, v10;
	v18 =	vld [tilespmem:s25+$0xA0]  }
0x25c: {  	v9 =	vadd.f32 $2.565000000e+02, v9;
	v10 =	vcvt.f32.s32 v5;
	v5 =	vmul.f32 $5.120000080e+01, v11;
	[tilespmem:v3+s18+$0x0] =	vst.idx.add.f32.msk $0xffff, v2  }
0x25d: {  	v8 =	vmin.f32 v8, $5.124000240e+02;
	v11 =	vmul.f32 $5.120000080e+01, v12;
	v3 =	vmax.f32 v7, $0.0e+00;
	[tilespmem:v4+s18+$0x0] =	vst.idx.add.f32.msk $0xffff, v2  }
0x25e: {  	v7 =	vmax.f32 v9, $0.0e+00;
	v9 =	vmul.f32 $5.120000080e+01, v14;
	v4 =	vadd.s32 v1, v10  }
0x25f: {  	v8 =	vtrunc.f32 v8;
	v7 =	vmin.f32 v7, $5.124000240e+02;
	v10 =	vmul.f32 $5.120000080e+01, v13  }
0x260: {  	v6 =	vtrunc.f32 v6;
	v7 =	vtrunc.f32 v7;
	v9 =	vadd.f32 $2.565000000e+02, v9  }
0x261: {  	v8 =	vcvt.f32.s32 v8;
	v12 =	vcvt.f32.s32 v7;
	v10 =	vadd.f32 $2.565000000e+02, v10;
	[tilespmem:v19+s18+$0x0] =	vst.idx.add.f32.msk $0xffff, v2  }
0x262: {  	v14 =	vmul.f32 $5.120000080e+01, v15;
	v13 =	vmul.f32 $5.120000080e+01, v17;
	v9 =	vmax.f32 v9, $0.0e+00  }
0x263: {  	v15 =	vcvt.f32.s32 v6;
	v7 =	vadd.s32 v1, v8;
	v6 =	vadd.s32 v1, v12  }
0x264: {  	v8 =	vmax.f32 v10, $0.0e+00;
	v10 =	vmin.f32 v9, $5.124000240e+02;
	v12 =	vadd.f32 $2.565000000e+02, v13  }
0x265: {  	v15 =	vadd.s32 v1, v15;
	v9 =	vadd.f32 $2.565000000e+02, v14;
	v8 =	vmin.f32 v8, $5.124000240e+02  }
.Ltmp7:
0x266: {  	v13 =	vmul.f32 $5.120000080e+01, v16;
	v10 =	vtrunc.f32 v10;
	v12 =	vmax.f32 v12, $0.0e+00;
	(pc) =	sbr.rel @p1 .LBB2_15-.Ltmp7, $4  }
0x267: {  	v8 =	vtrunc.f32 v8;
	v14 =	vcvt.f32.s32 v10;
	v10 =	vmin.f32 v12, $5.124000240e+02  }
0x268: {  	v16 =	vmul.f32 $5.120000080e+01, v18;
	v13 =	vadd.f32 $2.565000000e+02, v13;
	v12 =	vtrunc.f32 v10  }
0x269: {  	v10 =	vcvt.f32.s32 v8;
	v8 =	vadd.s32 v1, v14;
	v14 =	vcvt.f32.s32 v12  }
0x26a: {  	v11 =	vadd.f32 $2.565000000e+02, v11;
	v13 =	vmax.f32 v13, $0.0e+00;
	v12 =	vadd.f32 $2.565000000e+02, v16;
	[tilespmem:v15+s18+$0x0] =	vst.idx.add.f32.msk $0xffff, v2  }
0x26b: {  	v14 =	vadd.s32 v1, v14;
	v9 =	vmax.f32 v9, $0.0e+00;
	v5 =	vadd.f32 $2.565000000e+02, v5  }
0x26c: {  	v13 =	vmin.f32 v13, $5.124000240e+02;
	v10 =	vadd.s32 v1, v10;
	v12 =	vmax.f32 v12, $0.0e+00  }
0x26d: {  	v3 =	vmin.f32 v3, $5.124000240e+02;
	v9 =	vmin.f32 v9, $5.124000240e+02;
	v12 =	vmin.f32 v12, $5.124000240e+02  }
0x26e: {  	v11 =	vmax.f32 v11, $0.0e+00;
	v13 =	vtrunc.f32 v13;
	v12 =	vtrunc.f32 v12  }
0x26f: {  	v9 =	vtrunc.f32 v9;
	v11 =	vmin.f32 v11, $5.124000240e+02;
	v12 =	vcvt.f32.s32 v12  }
0x270: {  	[tilespmem:v4+s18+$0x0] =	vst.idx.add.f32.msk $0xffff, v2;
	v5 =	vmax.f32 v5, $0.0e+00;
	v4 =	vtrunc.f32 v11;
	v11 =	vcvt.f32.s32 v13  }
0x271: {  	[tilespmem:v7+s18+$0x0] =	vst.idx.add.f32.msk $0xffff, v2;
	v9 =	vcvt.f32.s32 v9;
	v5 =	vmin.f32 v5, $5.124000240e+02;
	v7 =	vadd.s32 v1, v12  }
0x272: {  	[tilespmem:v6+s18+$0x0] =	vst.idx.add.f32.msk $0xffff, v2;
	v4 =	vcvt.f32.s32 v4;
	v5 =	vtrunc.f32 v5;
	v6 =	vadd.s32 v1, v11  }
0x273: {  	v3 =	vtrunc.f32 v3;
	v9 =	vadd.s32 v1, v9;
	[tilespmem:v10+s18+$0x0] =	vst.idx.add.f32.msk $0xffff, v2;
	v5 =	vcvt.f32.s32 v5  }
0x274: {  	v3 =	vcvt.f32.s32 v3;
	v4 =	vadd.s32 v1, v4;
	[tilespmem:v8+s18+$0x0] =	vst.idx.add.f32.msk $0xffff, v2  }
0x275: {  	[tilespmem:v14+s18+$0x0] =	vst.idx.add.f32.msk $0xffff, v2;
	v5 =	vadd.s32 v1, v5  }
0x276: {  	v3 =	vadd.s32 v1, v3;
	[tilespmem:v7+s18+$0x0] =	vst.idx.add.f32.msk $0xffff, v2  }
0x277: {  	[tilespmem:v6+s18+$0x0] =	vst.idx.add.f32.msk $0xffff, v2  }
0x278: {  	[tilespmem:v9+s18+$0x0] =	vst.idx.add.f32.msk $0xffff, v2  }
0x279: {  	[tilespmem:v4+s18+$0x0] =	vst.idx.add.f32.msk $0xffff, v2  }
0x27a: {  	[tilespmem:v5+s18+$0x0] =	vst.idx.add.f32.msk $0xffff, v2  }
0x27b: {  	s24 =	simm.s32 $0x0;
	[tilespmem:v3+s18+$0x0] =	vst.idx.add.f32.msk $0xffff, v2  }
0x27c: {  	[tilespmem:s24], [sflag:$0x1] =	stream.strided.gather [hbm4b:s10+s14], $0x1000, s15, s14, $0x38;
	[tilespmem:$0x4580] =	vst v63  }
0x27d: {  	_ =	swait.ge [sflag:s21], $0x1000  }
0x27e: {  	[sflag:s21] =	ssyncset.done $0x0  }
0x27f: {  	s31 =	simm.s32 $0x0;
	[sflag:s21] =	ssyncadd.s32 $0xFFFFF000  }
0x280: {  	v3 =	vld [tilespmem:s31+$0x1000]  }
0x281: {  	v4 =	vld [tilespmem:s31+$0x1010]  }
0x282: {  	v5 =	vld [tilespmem:s31+$0x1020]  }
0x283: {  	v6 =	vld [tilespmem:s31+$0x1030]  }
0x284: {  	v7 =	vld [tilespmem:s31+$0x1040]  }
0x285: {  	v8 =	vld [tilespmem:s31+$0x1050]  }
0x286: {  	v10 =	vld [tilespmem:s31+$0x10F0]  }
0x287: {  	v3 =	vmul.f32 $5.120000080e+01, v3  }
0x288: {  	v4 =	vmul.f32 $5.120000080e+01, v4  }
0x289: {  	v5 =	vmul.f32 $5.120000080e+01, v5;
	v6 =	vmul.f32 $5.120000080e+01, v6;
	v3 =	vadd.f32 $2.565000000e+02, v3  }
0x28a: {  	v7 =	vmul.f32 $5.120000080e+01, v7;
	v8 =	vmul.f32 $5.120000080e+01, v8;
	v4 =	vadd.f32 $2.565000000e+02, v4  }
0x28b: {  	v10 =	vmul.f32 $5.120000080e+01, v10;
	v5 =	vadd.f32 $2.565000000e+02, v5;
	v3 =	vmax.f32 v3, $0.0e+00  }
0x28c: {  	v9 =	vld [tilespmem:s31+$0x1060];
	v6 =	vadd.f32 $2.565000000e+02, v6;
	v4 =	vmax.f32 v4, $0.0e+00;
	v3 =	vmin.f32 v3, $5.124000240e+02  }
0x28d: {  	v7 =	vadd.f32 $2.565000000e+02, v7;
	v4 =	vmin.f32 v4, $5.124000240e+02;
	v3 =	vtrunc.f32 v3  }
0x28e: {  	v5 =	vmax.f32 v5, $0.0e+00;
	v4 =	vtrunc.f32 v4;
	v3 =	vcvt.f32.s32 v3  }
0x28f: {  	v11 =	vld [tilespmem:s31+$0x10E0];
	v7 =	vmax.f32 v7, $0.0e+00;
	v5 =	vmin.f32 v5, $5.124000240e+02;
	v4 =	vcvt.f32.s32 v4  }
0x290: {  	v14 =	vld [tilespmem:s31+$0x1070];
	v12 =	vadd.s32 v1, v3;
	v3 =	vmax.f32 v6, $0.0e+00;
	v6 =	vadd.f32 $2.565000000e+02, v8  }
0x291: {  	v8 =	vld [tilespmem:s31+$0x10D0];
	v13 =	vadd.s32 v1, v4;
	v4 =	vtrunc.f32 v5;
	v5 =	vmul.f32 $5.120000080e+01, v9  }
0x292: {  	v9 =	vld [tilespmem:s31+$0x1080];
	v4 =	vcvt.f32.s32 v4;
	v15 =	vmin.f32 v3, $5.124000240e+02;
	v3 =	vmin.f32 v7, $5.124000240e+02  }
0x293: {  	v6 =	vmax.f32 v6, $0.0e+00;
	v3 =	vtrunc.f32 v3  }
0x294: {  	v7 =	vld [tilespmem:s31+$0x10C0];
	v17 =	vadd.f32 $2.565000000e+02, v5;
	v16 =	vadd.s32 v1, v4;
	v4 =	vadd.f32 $2.565000000e+02, v10  }
0x295: {  	v19 =	vld [tilespmem:s31+$0x10A0];
	v5 =	vmul.f32 $5.120000080e+01, v11;
	v10 =	vcvt.f32.s32 v3;
	v6 =	vmin.f32 v6, $5.124000240e+02  }
0x296: {  	v11 =	vld [tilespmem:s31+$0x1090];
	v6 =	vtrunc.f32 v6;
	v18 =	vmul.f32 $5.120000080e+01, v8;
	v3 =	vmax.f32 v4, $0.0e+00  }
0x297: {  	v4 =	vadd.s32 v1, v10;
	v9 =	vmul.f32 $5.120000080e+01, v9;
	v10 =	vmul.f32 $5.120000080e+01, v14  }
0x298: {  	v8 =	vmax.f32 v17, $0.0e+00;
	v14 =	vtrunc.f32 v15;
	v15 =	vld [tilespmem:s31+$0x10B0];
	v6 =	vcvt.f32.s32 v6  }
0x299: {  	[tilespmem:v12+s18+$0x0] =	vst.idx.add.f32.msk $0xffff, v2;
	v8 =	vmin.f32 v8, $5.124000240e+02;
	v63 =	vmul.f32 $5.120000080e+01, v7;
	v14 =	vcvt.f32.s32 v14  }
0x29a: {  	[tilespmem:v13+s18+$0x0] =	vst.idx.add.f32.msk $0xffff, v2;
	v13 =	vmul.f32 $5.120000080e+01, v19;
	v8 =	vtrunc.f32 v8  }
0x29b: {  	v9 =	vadd.f32 $2.565000000e+02, v9;
	v11 =	vmul.f32 $5.120000080e+01, v11;
	v8 =	vcvt.f32.s32 v8  }
0x29c: {  	v10 =	vadd.f32 $2.565000000e+02, v10;
	v7 =	vadd.s32 v1, v6;
	v20 =	vadd.s32 v1, v14  }
0x29d: {  	v9 =	vmax.f32 v9, $0.0e+00;
	v11 =	vadd.f32 $2.565000000e+02, v11;
	v6 =	vadd.s32 v1, v8  }
0x29e: {  	v8 =	vmax.f32 v10, $0.0e+00;
	v10 =	vmin.f32 v9, $5.124000240e+02;
	v9 =	vadd.f32 $2.565000000e+02, v63  }
0x29f: {  	v14 =	vmul.f32 $5.120000080e+01, v15;
	v10 =	vtrunc.f32 v10;
	v11 =	vmax.f32 v11, $0.0e+00  }
0x2a0: {  	v8 =	vmin.f32 v8, $5.124000240e+02;
	v12 =	vcvt.f32.s32 v10;
	v10 =	vmin.f32 v11, $5.124000240e+02  }
0x2a1: {  	v8 =	vtrunc.f32 v8;
	v15 =	vadd.f32 $2.565000000e+02, v14;
	v11 =	vtrunc.f32 v10  }
0x2a2: {  	[tilespmem:v16+s18+$0x0] =	vst.idx.add.f32.msk $0xffff, v2;
	v10 =	vcvt.f32.s32 v8;
	v8 =	vadd.s32 v1, v12;
	v14 =	vcvt.f32.s32 v11  }
0x2a3: {  	s24 =	simm.s32 $0x400;
	[tilespmem:v20+s18+$0x0] =	vst.idx.add.f32.msk $0xffff, v2;
	v12 =	vadd.f32 $2.565000000e+02, v13;
	v13 =	vmax.f32 v15, $0.0e+00;
	v11 =	vadd.f32 $2.565000000e+02, v18  }
.LBB2_17:
0x2a4: {  	p1 =	sne.s32 s24, $0x3C00;
	v14 =	vadd.s32 v1, v14;
	v9 =	vmax.f32 v9, $0.0e+00;
	v5 =	vadd.f32 $2.565000000e+02, v5;
	[tilespmem:v4+s18+$0x0] =	vst.idx.add.f32.msk $0xffff, v2;
	s25 =	smov.u32 s24;
	s24 =	sadd.s32 $0x400, s24  }
0x2a5: {  	v4 =	vmax.f32 v12, $0.0e+00;
	v12 =	vmin.f32 v13, $5.124000240e+02;
	v9 =	vmin.f32 v9, $5.124000240e+02;
	[tilespmem:v7+s18+$0x0] =	vst.idx.add.f32.msk $0xffff, v2  }
0x2a6: {  	v7 =	vadd.s32 v1, v10;
	v4 =	vmin.f32 v4, $5.124000240e+02;
	v9 =	vtrunc.f32 v9;
	[tilespmem:v6+s18+$0x0] =	vst.idx.add.f32.msk $0xffff, v2  }
0x2a7: {  	v4 =	vtrunc.f32 v4;
	v6 =	vcvt.f32.s32 v9;
	v9 =	vmax.f32 v11, $0.0e+00  }
0x2a8: {  	v10 =	vtrunc.f32 v12;
	v4 =	vcvt.f32.s32 v4;
	v9 =	vmin.f32 v9, $5.124000240e+02  }
0x2a9: {  	v5 =	vmax.f32 v5, $0.0e+00;
	v6 =	vadd.s32 v1, v6;
	v9 =	vtrunc.f32 v9  }
0x2aa: {  	v5 =	vmin.f32 v5, $5.124000240e+02;
	v4 =	vadd.s32 v1, v4;
	v9 =	vcvt.f32.s32 v9  }
0x2ab: {  	v3 =	vmin.f32 v3, $5.124000240e+02;
	v10 =	vcvt.f32.s32 v10;
	v5 =	vtrunc.f32 v5;
	[tilespmem:v7+s18+$0x0] =	vst.idx.add.f32.msk $0xffff, v2  }
0x2ac: {  	v3 =	vtrunc.f32 v3;
	v5 =	vcvt.f32.s32 v5;
	v7 =	vadd.s32 v1, v9;
	[tilespmem:v8+s18+$0x0] =	vst.idx.add.f32.msk $0xffff, v2  }
0x2ad: {  	v3 =	vcvt.f32.s32 v3;
	v8 =	vadd.s32 v1, v10;
	[tilespmem:v14+s18+$0x0] =	vst.idx.add.f32.msk $0xffff, v2  }
0x2ae: {  	v5 =	vadd.s32 v1, v5  }
0x2af: {  	v3 =	vadd.s32 v1, v3;
	[tilespmem:v4+s18+$0x0] =	vst.idx.add.f32.msk $0xffff, v2;
	_ =	sdelay $0x2  }
0x2b0: {  	[tilespmem:v8+s18+$0x0] =	vst.idx.add.f32.msk $0xffff, v2  }
0x2b1: {  	[tilespmem:v6+s18+$0x0] =	vst.idx.add.f32.msk $0xffff, v2  }
0x2b2: {  	[tilespmem:v7+s18+$0x0] =	vst.idx.add.f32.msk $0xffff, v2  }
0x2b3: {  	[tilespmem:v5+s18+$0x0] =	vst.idx.add.f32.msk $0xffff, v2  }
0x2b4: {  	s25 =	sshra.s32 s25, $0x2;
	[tilespmem:v3+s18+$0x0] =	vst.idx.add.f32.msk $0xffff, v2  }
0x2b5: {  	v3 =	vld [tilespmem:s25+$0x1000]  }
0x2b6: {  	v4 =	vld [tilespmem:s25+$0x1010]  }
0x2b7: {  	v5 =	vld [tilespmem:s25+$0x1020]  }
0x2b8: {  	v6 =	vld [tilespmem:s25+$0x1030]  }
0x2b9: {  	v7 =	vld [tilespmem:s25+$0x1040]  }
0x2ba: {  	v3 =	vmul.f32 $5.120000080e+01, v3  }
0x2bb: {  	v8 =	vld [tilespmem:s25+$0x1050];
	v4 =	vmul.f32 $5.120000080e+01, v4  }
0x2bc: {  	v3 =	vadd.f32 $2.565000000e+02, v3;
	v5 =	vmul.f32 $5.120000080e+01, v5  }
0x2bd: {  	v4 =	vadd.f32 $2.565000000e+02, v4;
	v6 =	vmul.f32 $5.120000080e+01, v6  }
0x2be: {  	v9 =	vld [tilespmem:s25+$0x1060];
	v3 =	vmax.f32 v3, $0.0e+00;
	v5 =	vadd.f32 $2.565000000e+02, v5;
	v7 =	vmul.f32 $5.120000080e+01, v7  }
0x2bf: {  	v10 =	vld [tilespmem:s25+$0x10F0];
	v3 =	vmin.f32 v3, $5.124000240e+02;
	v4 =	vmax.f32 v4, $0.0e+00;
	v6 =	vadd.f32 $2.565000000e+02, v6  }
0x2c0: {  	v11 =	vld [tilespmem:s25+$0x10E0];
	v3 =	vtrunc.f32 v3;
	v4 =	vmin.f32 v4, $5.124000240e+02;
	v8 =	vmul.f32 $5.120000080e+01, v8  }
0x2c1: {  	v5 =	vmax.f32 v5, $0.0e+00;
	v12 =	vld [tilespmem:s25+$0x10D0];
	v3 =	vcvt.f32.s32 v3;
	v4 =	vtrunc.f32 v4  }
0x2c2: {  	v7 =	vadd.f32 $2.565000000e+02, v7;
	v5 =	vmin.f32 v5, $5.124000240e+02;
	v13 =	vld [tilespmem:s25+$0x1070];
	v4 =	vcvt.f32.s32 v4  }
0x2c3: {  	v6 =	vmax.f32 v6, $0.0e+00;
	v8 =	vadd.f32 $2.565000000e+02, v8;
	v14 =	vld [tilespmem:s25+$0x1080];
	v3 =	vadd.s32 v1, v3  }
0x2c4: {  	v5 =	vtrunc.f32 v5;
	v9 =	vmul.f32 $5.120000080e+01, v9;
	v15 =	vld [tilespmem:s25+$0x10C0];
	v4 =	vadd.s32 v1, v4  }
0x2c5: {  	v7 =	vmax.f32 v7, $0.0e+00;
	v5 =	vcvt.f32.s32 v5;
	v10 =	vmul.f32 $5.120000080e+01, v10;
	v16 =	vld [tilespmem:s25+$0x10B0]  }
0x2c6: {  	v6 =	vmin.f32 v6, $5.124000240e+02;
	v7 =	vmin.f32 v7, $5.124000240e+02;
	v8 =	vmax.f32 v8, $0.0e+00;
	v17 =	vld [tilespmem:s25+$0x1090]  }
0x2c7: {  	v19 =	vadd.s32 v1, v5;
	v5 =	vtrunc.f32 v7;
	v7 =	vadd.f32 $2.565000000e+02, v10;
	v18 =	vld [tilespmem:s25+$0x10A0]  }
0x2c8: {  	v9 =	vadd.f32 $2.565000000e+02, v9;
	v10 =	vcvt.f32.s32 v5;
	v5 =	vmul.f32 $5.120000080e+01, v11;
	[tilespmem:v3+s18+$0x0] =	vst.idx.add.f32.msk $0xffff, v2  }
0x2c9: {  	v8 =	vmin.f32 v8, $5.124000240e+02;
	v11 =	vmul.f32 $5.120000080e+01, v12;
	v3 =	vmax.f32 v7, $0.0e+00;
	[tilespmem:v4+s18+$0x0] =	vst.idx.add.f32.msk $0xffff, v2  }
0x2ca: {  	v7 =	vmax.f32 v9, $0.0e+00;
	v9 =	vmul.f32 $5.120000080e+01, v14;
	v4 =	vadd.s32 v1, v10  }
0x2cb: {  	v8 =	vtrunc.f32 v8;
	v7 =	vmin.f32 v7, $5.124000240e+02;
	v10 =	vmul.f32 $5.120000080e+01, v13  }
0x2cc: {  	v6 =	vtrunc.f32 v6;
	v7 =	vtrunc.f32 v7;
	v9 =	vadd.f32 $2.565000000e+02, v9  }
0x2cd: {  	v8 =	vcvt.f32.s32 v8;
	v12 =	vcvt.f32.s32 v7;
	v10 =	vadd.f32 $2.565000000e+02, v10;
	[tilespmem:v19+s18+$0x0] =	vst.idx.add.f32.msk $0xffff, v2  }
0x2ce: {  	v14 =	vmul.f32 $5.120000080e+01, v15;
	v13 =	vmul.f32 $5.120000080e+01, v17;
	v9 =	vmax.f32 v9, $0.0e+00  }
0x2cf: {  	v15 =	vcvt.f32.s32 v6;
	v7 =	vadd.s32 v1, v8;
	v6 =	vadd.s32 v1, v12  }
0x2d0: {  	v8 =	vmax.f32 v10, $0.0e+00;
	v10 =	vmin.f32 v9, $5.124000240e+02;
	v12 =	vadd.f32 $2.565000000e+02, v13  }
0x2d1: {  	v15 =	vadd.s32 v1, v15;
	v9 =	vadd.f32 $2.565000000e+02, v14;
	v8 =	vmin.f32 v8, $5.124000240e+02  }
.Ltmp8:
0x2d2: {  	v13 =	vmul.f32 $5.120000080e+01, v16;
	v10 =	vtrunc.f32 v10;
	v12 =	vmax.f32 v12, $0.0e+00;
	(pc) =	sbr.rel @p1 .LBB2_17-.Ltmp8, $4  }
0x2d3: {  	v8 =	vtrunc.f32 v8;
	v14 =	vcvt.f32.s32 v10;
	v10 =	vmin.f32 v12, $5.124000240e+02  }
0x2d4: {  	v16 =	vmul.f32 $5.120000080e+01, v18;
	v13 =	vadd.f32 $2.565000000e+02, v13;
	v12 =	vtrunc.f32 v10  }
0x2d5: {  	v10 =	vcvt.f32.s32 v8;
	v8 =	vadd.s32 v1, v14;
	v14 =	vcvt.f32.s32 v12  }
0x2d6: {  	v11 =	vadd.f32 $2.565000000e+02, v11;
	v13 =	vmax.f32 v13, $0.0e+00;
	v12 =	vadd.f32 $2.565000000e+02, v16;
	[tilespmem:v15+s18+$0x0] =	vst.idx.add.f32.msk $0xffff, v2  }
0x2d7: {  	v14 =	vadd.s32 v1, v14;
	v9 =	vmax.f32 v9, $0.0e+00;
	v5 =	vadd.f32 $2.565000000e+02, v5  }
0x2d8: {  	v13 =	vmin.f32 v13, $5.124000240e+02;
	v10 =	vadd.s32 v1, v10;
	v12 =	vmax.f32 v12, $0.0e+00  }
0x2d9: {  	v3 =	vmin.f32 v3, $5.124000240e+02;
	v9 =	vmin.f32 v9, $5.124000240e+02;
	v12 =	vmin.f32 v12, $5.124000240e+02  }
0x2da: {  	v11 =	vmax.f32 v11, $0.0e+00;
	v13 =	vtrunc.f32 v13;
	v12 =	vtrunc.f32 v12  }
0x2db: {  	v9 =	vtrunc.f32 v9;
	v11 =	vmin.f32 v11, $5.124000240e+02;
	v12 =	vcvt.f32.s32 v12  }
0x2dc: {  	[tilespmem:v4+s18+$0x0] =	vst.idx.add.f32.msk $0xffff, v2;
	v5 =	vmax.f32 v5, $0.0e+00;
	v4 =	vtrunc.f32 v11;
	v11 =	vcvt.f32.s32 v13  }
0x2dd: {  	[tilespmem:v7+s18+$0x0] =	vst.idx.add.f32.msk $0xffff, v2;
	v9 =	vcvt.f32.s32 v9;
	v5 =	vmin.f32 v5, $5.124000240e+02;
	v7 =	vadd.s32 v1, v12  }
0x2de: {  	[tilespmem:v6+s18+$0x0] =	vst.idx.add.f32.msk $0xffff, v2;
	v4 =	vcvt.f32.s32 v4;
	v5 =	vtrunc.f32 v5;
	v6 =	vadd.s32 v1, v11  }
0x2df: {  	v3 =	vtrunc.f32 v3;
	v9 =	vadd.s32 v1, v9;
	[tilespmem:v10+s18+$0x0] =	vst.idx.add.f32.msk $0xffff, v2;
	v5 =	vcvt.f32.s32 v5  }
0x2e0: {  	v3 =	vcvt.f32.s32 v3;
	v4 =	vadd.s32 v1, v4;
	[tilespmem:v8+s18+$0x0] =	vst.idx.add.f32.msk $0xffff, v2  }
0x2e1: {  	[tilespmem:v14+s18+$0x0] =	vst.idx.add.f32.msk $0xffff, v2;
	v5 =	vadd.s32 v1, v5  }
0x2e2: {  	v3 =	vadd.s32 v1, v3;
	[tilespmem:v7+s18+$0x0] =	vst.idx.add.f32.msk $0xffff, v2  }
0x2e3: {  	[tilespmem:v6+s18+$0x0] =	vst.idx.add.f32.msk $0xffff, v2  }
0x2e4: {  	[tilespmem:v9+s18+$0x0] =	vst.idx.add.f32.msk $0xffff, v2  }
0x2e5: {  	[tilespmem:v4+s18+$0x0] =	vst.idx.add.f32.msk $0xffff, v2  }
0x2e6: {  	[tilespmem:v5+s18+$0x0] =	vst.idx.add.f32.msk $0xffff, v2  }
0x2e7: {  	[tilespmem:v3+s18+$0x0] =	vst.idx.add.f32.msk $0xffff, v2  }
0x2e8: {  	[tilespmem:s19], [sflag:$0x2] =	stream.strided.gather [hbm4b:s11+s14], $0xA00, s15, s14, $0x38;
	[tilespmem:$0x4580] =	vst v63  }
0x2e9: {  	_ =	swait.ge [sflag:s20], $0x1000  }
0x2ea: {  	[sflag:s20] =	ssyncset.done $0x0  }
0x2eb: {  	s24 =	simm.s32 $0x0;
	[sflag:s20] =	ssyncadd.s32 $0xFFFFF000  }
0x2ec: {  	v3 =	vld [tilespmem:s24+$0x0]  }
0x2ed: {  	v4 =	vld [tilespmem:s24+$0x10]  }
0x2ee: {  	v5 =	vld [tilespmem:s24+$0x20]  }
0x2ef: {  	v6 =	vld [tilespmem:s24+$0x30]  }
0x2f0: {  	v7 =	vld [tilespmem:s24+$0x40]  }
0x2f1: {  	v8 =	vld [tilespmem:s24+$0x50]  }
0x2f2: {  	v10 =	vld [tilespmem:s24+$0xF0]  }
0x2f3: {  	v3 =	vmul.f32 $5.120000080e+01, v3  }
0x2f4: {  	v4 =	vmul.f32 $5.120000080e+01, v4  }
0x2f5: {  	v5 =	vmul.f32 $5.120000080e+01, v5;
	v6 =	vmul.f32 $5.120000080e+01, v6;
	v3 =	vadd.f32 $2.565000000e+02, v3  }
0x2f6: {  	v7 =	vmul.f32 $5.120000080e+01, v7;
	v8 =	vmul.f32 $5.120000080e+01, v8;
	v4 =	vadd.f32 $2.565000000e+02, v4  }
0x2f7: {  	v10 =	vmul.f32 $5.120000080e+01, v10;
	v5 =	vadd.f32 $2.565000000e+02, v5;
	v3 =	vmax.f32 v3, $0.0e+00  }
0x2f8: {  	v9 =	vld [tilespmem:s24+$0x60];
	v6 =	vadd.f32 $2.565000000e+02, v6;
	v4 =	vmax.f32 v4, $0.0e+00;
	v3 =	vmin.f32 v3, $5.124000240e+02  }
0x2f9: {  	v7 =	vadd.f32 $2.565000000e+02, v7;
	v4 =	vmin.f32 v4, $5.124000240e+02;
	v3 =	vtrunc.f32 v3  }
0x2fa: {  	v5 =	vmax.f32 v5, $0.0e+00;
	v4 =	vtrunc.f32 v4;
	v3 =	vcvt.f32.s32 v3  }
0x2fb: {  	v11 =	vld [tilespmem:s24+$0xE0];
	v7 =	vmax.f32 v7, $0.0e+00;
	v5 =	vmin.f32 v5, $5.124000240e+02;
	v4 =	vcvt.f32.s32 v4  }
0x2fc: {  	v14 =	vld [tilespmem:s24+$0x70];
	v12 =	vadd.s32 v1, v3;
	v3 =	vmax.f32 v6, $0.0e+00;
	v6 =	vadd.f32 $2.565000000e+02, v8  }
0x2fd: {  	v8 =	vld [tilespmem:s24+$0xD0];
	v13 =	vadd.s32 v1, v4;
	v4 =	vtrunc.f32 v5;
	v5 =	vmul.f32 $5.120000080e+01, v9  }
0x2fe: {  	v9 =	vld [tilespmem:s24+$0x80];
	v4 =	vcvt.f32.s32 v4;
	v15 =	vmin.f32 v3, $5.124000240e+02;
	v3 =	vmin.f32 v7, $5.124000240e+02  }
0x2ff: {  	v6 =	vmax.f32 v6, $0.0e+00;
	v3 =	vtrunc.f32 v3  }
0x300: {  	v7 =	vld [tilespmem:s24+$0xC0];
	v17 =	vadd.f32 $2.565000000e+02, v5;
	v16 =	vadd.s32 v1, v4;
	v4 =	vadd.f32 $2.565000000e+02, v10  }
0x301: {  	v19 =	vld [tilespmem:s24+$0xA0];
	v5 =	vmul.f32 $5.120000080e+01, v11;
	v10 =	vcvt.f32.s32 v3;
	v6 =	vmin.f32 v6, $5.124000240e+02  }
0x302: {  	v11 =	vld [tilespmem:s24+$0x90];
	v6 =	vtrunc.f32 v6;
	v18 =	vmul.f32 $5.120000080e+01, v8;
	v3 =	vmax.f32 v4, $0.0e+00  }
0x303: {  	v4 =	vadd.s32 v1, v10;
	v9 =	vmul.f32 $5.120000080e+01, v9;
	v10 =	vmul.f32 $5.120000080e+01, v14  }
0x304: {  	v8 =	vmax.f32 v17, $0.0e+00;
	v14 =	vtrunc.f32 v15;
	v15 =	vld [tilespmem:s24+$0xB0];
	v6 =	vcvt.f32.s32 v6  }
0x305: {  	[tilespmem:v12+s18+$0x0] =	vst.idx.add.f32.msk $0xffff, v2;
	v8 =	vmin.f32 v8, $5.124000240e+02;
	v63 =	vmul.f32 $5.120000080e+01, v7;
	v14 =	vcvt.f32.s32 v14  }
0x306: {  	[tilespmem:v13+s18+$0x0] =	vst.idx.add.f32.msk $0xffff, v2;
	v13 =	vmul.f32 $5.120000080e+01, v19;
	v8 =	vtrunc.f32 v8  }
0x307: {  	v9 =	vadd.f32 $2.565000000e+02, v9;
	v11 =	vmul.f32 $5.120000080e+01, v11;
	v8 =	vcvt.f32.s32 v8  }
0x308: {  	v10 =	vadd.f32 $2.565000000e+02, v10;
	v7 =	vadd.s32 v1, v6;
	v20 =	vadd.s32 v1, v14  }
0x309: {  	v9 =	vmax.f32 v9, $0.0e+00;
	v11 =	vadd.f32 $2.565000000e+02, v11;
	v6 =	vadd.s32 v1, v8  }
0x30a: {  	v8 =	vmax.f32 v10, $0.0e+00;
	v10 =	vmin.f32 v9, $5.124000240e+02;
	v9 =	vadd.f32 $2.565000000e+02, v63  }
0x30b: {  	v14 =	vmul.f32 $5.120000080e+01, v15;
	v10 =	vtrunc.f32 v10;
	v11 =	vmax.f32 v11, $0.0e+00  }
0x30c: {  	v8 =	vmin.f32 v8, $5.124000240e+02;
	v12 =	vcvt.f32.s32 v10;
	v10 =	vmin.f32 v11, $5.124000240e+02  }
0x30d: {  	v8 =	vtrunc.f32 v8;
	v15 =	vadd.f32 $2.565000000e+02, v14;
	v11 =	vtrunc.f32 v10  }
0x30e: {  	[tilespmem:v16+s18+$0x0] =	vst.idx.add.f32.msk $0xffff, v2;
	v10 =	vcvt.f32.s32 v8;
	v8 =	vadd.s32 v1, v12;
	v14 =	vcvt.f32.s32 v11  }
0x30f: {  	s24 =	simm.s32 $0x400;
	[tilespmem:v20+s18+$0x0] =	vst.idx.add.f32.msk $0xffff, v2;
	v12 =	vadd.f32 $2.565000000e+02, v13;
	v13 =	vmax.f32 v15, $0.0e+00;
	v11 =	vadd.f32 $2.565000000e+02, v18  }
.LBB2_19:
0x310: {  	p1 =	sne.s32 s24, $0x3C00;
	v14 =	vadd.s32 v1, v14;
	v9 =	vmax.f32 v9, $0.0e+00;
	v5 =	vadd.f32 $2.565000000e+02, v5;
	[tilespmem:v4+s18+$0x0] =	vst.idx.add.f32.msk $0xffff, v2;
	s25 =	smov.u32 s24;
	s24 =	sadd.s32 $0x400, s24  }
0x311: {  	v4 =	vmax.f32 v12, $0.0e+00;
	v12 =	vmin.f32 v13, $5.124000240e+02;
	v9 =	vmin.f32 v9, $5.124000240e+02;
	[tilespmem:v7+s18+$0x0] =	vst.idx.add.f32.msk $0xffff, v2  }
0x312: {  	v7 =	vadd.s32 v1, v10;
	v4 =	vmin.f32 v4, $5.124000240e+02;
	v9 =	vtrunc.f32 v9;
	[tilespmem:v6+s18+$0x0] =	vst.idx.add.f32.msk $0xffff, v2  }
0x313: {  	v4 =	vtrunc.f32 v4;
	v6 =	vcvt.f32.s32 v9;
	v9 =	vmax.f32 v11, $0.0e+00  }
0x314: {  	v10 =	vtrunc.f32 v12;
	v4 =	vcvt.f32.s32 v4;
	v9 =	vmin.f32 v9, $5.124000240e+02  }
0x315: {  	v5 =	vmax.f32 v5, $0.0e+00;
	v6 =	vadd.s32 v1, v6;
	v9 =	vtrunc.f32 v9  }
0x316: {  	v5 =	vmin.f32 v5, $5.124000240e+02;
	v4 =	vadd.s32 v1, v4;
	v9 =	vcvt.f32.s32 v9  }
0x317: {  	v3 =	vmin.f32 v3, $5.124000240e+02;
	v10 =	vcvt.f32.s32 v10;
	v5 =	vtrunc.f32 v5;
	[tilespmem:v7+s18+$0x0] =	vst.idx.add.f32.msk $0xffff, v2  }
0x318: {  	v3 =	vtrunc.f32 v3;
	v5 =	vcvt.f32.s32 v5;
	v7 =	vadd.s32 v1, v9;
	[tilespmem:v8+s18+$0x0] =	vst.idx.add.f32.msk $0xffff, v2  }
0x319: {  	v3 =	vcvt.f32.s32 v3;
	v8 =	vadd.s32 v1, v10;
	[tilespmem:v14+s18+$0x0] =	vst.idx.add.f32.msk $0xffff, v2  }
0x31a: {  	v5 =	vadd.s32 v1, v5  }
0x31b: {  	v3 =	vadd.s32 v1, v3;
	[tilespmem:v4+s18+$0x0] =	vst.idx.add.f32.msk $0xffff, v2;
	_ =	sdelay $0x2  }
0x31c: {  	[tilespmem:v8+s18+$0x0] =	vst.idx.add.f32.msk $0xffff, v2  }
0x31d: {  	[tilespmem:v6+s18+$0x0] =	vst.idx.add.f32.msk $0xffff, v2  }
0x31e: {  	[tilespmem:v7+s18+$0x0] =	vst.idx.add.f32.msk $0xffff, v2  }
0x31f: {  	[tilespmem:v5+s18+$0x0] =	vst.idx.add.f32.msk $0xffff, v2  }
0x320: {  	s25 =	sshra.s32 s25, $0x2;
	[tilespmem:v3+s18+$0x0] =	vst.idx.add.f32.msk $0xffff, v2  }
0x321: {  	v3 =	vld [tilespmem:s25+$0x0]  }
0x322: {  	v4 =	vld [tilespmem:s25+$0x10]  }
0x323: {  	v5 =	vld [tilespmem:s25+$0x20]  }
0x324: {  	v6 =	vld [tilespmem:s25+$0x30]  }
0x325: {  	v7 =	vld [tilespmem:s25+$0x40]  }
0x326: {  	v3 =	vmul.f32 $5.120000080e+01, v3  }
0x327: {  	v8 =	vld [tilespmem:s25+$0x50];
	v4 =	vmul.f32 $5.120000080e+01, v4  }
0x328: {  	v3 =	vadd.f32 $2.565000000e+02, v3;
	v5 =	vmul.f32 $5.120000080e+01, v5  }
0x329: {  	v4 =	vadd.f32 $2.565000000e+02, v4;
	v6 =	vmul.f32 $5.120000080e+01, v6  }
0x32a: {  	v9 =	vld [tilespmem:s25+$0x60];
	v3 =	vmax.f32 v3, $0.0e+00;
	v5 =	vadd.f32 $2.565000000e+02, v5;
	v7 =	vmul.f32 $5.120000080e+01, v7  }
0x32b: {  	v10 =	vld [tilespmem:s25+$0xF0];
	v3 =	vmin.f32 v3, $5.124000240e+02;
	v4 =	vmax.f32 v4, $0.0e+00;
	v6 =	vadd.f32 $2.565000000e+02, v6  }
0x32c: {  	v11 =	vld [tilespmem:s25+$0xE0];
	v3 =	vtrunc.f32 v3;
	v4 =	vmin.f32 v4, $5.124000240e+02;
	v8 =	vmul.f32 $5.120000080e+01, v8  }
0x32d: {  	v5 =	vmax.f32 v5, $0.0e+00;
	v12 =	vld [tilespmem:s25+$0xD0];
	v3 =	vcvt.f32.s32 v3;
	v4 =	vtrunc.f32 v4  }
0x32e: {  	v7 =	vadd.f32 $2.565000000e+02, v7;
	v5 =	vmin.f32 v5, $5.124000240e+02;
	v13 =	vld [tilespmem:s25+$0x70];
	v4 =	vcvt.f32.s32 v4  }
0x32f: {  	v6 =	vmax.f32 v6, $0.0e+00;
	v8 =	vadd.f32 $2.565000000e+02, v8;
	v14 =	vld [tilespmem:s25+$0x80];
	v3 =	vadd.s32 v1, v3  }
0x330: {  	v5 =	vtrunc.f32 v5;
	v9 =	vmul.f32 $5.120000080e+01, v9;
	v15 =	vld [tilespmem:s25+$0xC0];
	v4 =	vadd.s32 v1, v4  }
0x331: {  	v7 =	vmax.f32 v7, $0.0e+00;
	v5 =	vcvt.f32.s32 v5;
	v10 =	vmul.f32 $5.120000080e+01, v10;
	v16 =	vld [tilespmem:s25+$0xB0]  }
0x332: {  	v6 =	vmin.f32 v6, $5.124000240e+02;
	v7 =	vmin.f32 v7, $5.124000240e+02;
	v8 =	vmax.f32 v8, $0.0e+00;
	v17 =	vld [tilespmem:s25+$0x90]  }
0x333: {  	v19 =	vadd.s32 v1, v5;
	v5 =	vtrunc.f32 v7;
	v7 =	vadd.f32 $2.565000000e+02, v10;
	v18 =	vld [tilespmem:s25+$0xA0]  }
0x334: {  	v9 =	vadd.f32 $2.565000000e+02, v9;
	v10 =	vcvt.f32.s32 v5;
	v5 =	vmul.f32 $5.120000080e+01, v11;
	[tilespmem:v3+s18+$0x0] =	vst.idx.add.f32.msk $0xffff, v2  }
0x335: {  	v8 =	vmin.f32 v8, $5.124000240e+02;
	v11 =	vmul.f32 $5.120000080e+01, v12;
	v3 =	vmax.f32 v7, $0.0e+00;
	[tilespmem:v4+s18+$0x0] =	vst.idx.add.f32.msk $0xffff, v2  }
0x336: {  	v7 =	vmax.f32 v9, $0.0e+00;
	v9 =	vmul.f32 $5.120000080e+01, v14;
	v4 =	vadd.s32 v1, v10  }
0x337: {  	v8 =	vtrunc.f32 v8;
	v7 =	vmin.f32 v7, $5.124000240e+02;
	v10 =	vmul.f32 $5.120000080e+01, v13  }
0x338: {  	v6 =	vtrunc.f32 v6;
	v7 =	vtrunc.f32 v7;
	v9 =	vadd.f32 $2.565000000e+02, v9  }
0x339: {  	v8 =	vcvt.f32.s32 v8;
	v12 =	vcvt.f32.s32 v7;
	v10 =	vadd.f32 $2.565000000e+02, v10;
	[tilespmem:v19+s18+$0x0] =	vst.idx.add.f32.msk $0xffff, v2  }
0x33a: {  	v14 =	vmul.f32 $5.120000080e+01, v15;
	v13 =	vmul.f32 $5.120000080e+01, v17;
	v9 =	vmax.f32 v9, $0.0e+00  }
0x33b: {  	v15 =	vcvt.f32.s32 v6;
	v7 =	vadd.s32 v1, v8;
	v6 =	vadd.s32 v1, v12  }
0x33c: {  	v8 =	vmax.f32 v10, $0.0e+00;
	v10 =	vmin.f32 v9, $5.124000240e+02;
	v12 =	vadd.f32 $2.565000000e+02, v13  }
0x33d: {  	v15 =	vadd.s32 v1, v15;
	v9 =	vadd.f32 $2.565000000e+02, v14;
	v8 =	vmin.f32 v8, $5.124000240e+02  }
.Ltmp9:
0x33e: {  	v13 =	vmul.f32 $5.120000080e+01, v16;
	v10 =	vtrunc.f32 v10;
	v12 =	vmax.f32 v12, $0.0e+00;
	(pc) =	sbr.rel @p1 .LBB2_19-.Ltmp9, $4  }
0x33f: {  	v8 =	vtrunc.f32 v8;
	v14 =	vcvt.f32.s32 v10;
	v10 =	vmin.f32 v12, $5.124000240e+02  }
0x340: {  	v16 =	vmul.f32 $5.120000080e+01, v18;
	v13 =	vadd.f32 $2.565000000e+02, v13;
	v12 =	vtrunc.f32 v10  }
0x341: {  	v10 =	vcvt.f32.s32 v8;
	v8 =	vadd.s32 v1, v14;
	v14 =	vcvt.f32.s32 v12  }
0x342: {  	v11 =	vadd.f32 $2.565000000e+02, v11;
	v13 =	vmax.f32 v13, $0.0e+00;
	v12 =	vadd.f32 $2.565000000e+02, v16;
	[tilespmem:v15+s18+$0x0] =	vst.idx.add.f32.msk $0xffff, v2  }
0x343: {  	v14 =	vadd.s32 v1, v14;
	v9 =	vmax.f32 v9, $0.0e+00;
	v5 =	vadd.f32 $2.565000000e+02, v5  }
0x344: {  	v13 =	vmin.f32 v13, $5.124000240e+02;
	v10 =	vadd.s32 v1, v10;
	v12 =	vmax.f32 v12, $0.0e+00  }
0x345: {  	v3 =	vmin.f32 v3, $5.124000240e+02;
	v9 =	vmin.f32 v9, $5.124000240e+02;
	v12 =	vmin.f32 v12, $5.124000240e+02  }
0x346: {  	v11 =	vmax.f32 v11, $0.0e+00;
	v13 =	vtrunc.f32 v13;
	v12 =	vtrunc.f32 v12  }
0x347: {  	v9 =	vtrunc.f32 v9;
	v11 =	vmin.f32 v11, $5.124000240e+02;
	v12 =	vcvt.f32.s32 v12  }
0x348: {  	[tilespmem:v4+s18+$0x0] =	vst.idx.add.f32.msk $0xffff, v2;
	v5 =	vmax.f32 v5, $0.0e+00;
	v4 =	vtrunc.f32 v11;
	v11 =	vcvt.f32.s32 v13  }
0x349: {  	[tilespmem:v7+s18+$0x0] =	vst.idx.add.f32.msk $0xffff, v2;
	v9 =	vcvt.f32.s32 v9;
	v5 =	vmin.f32 v5, $5.124000240e+02;
	v7 =	vadd.s32 v1, v12  }
0x34a: {  	[tilespmem:v6+s18+$0x0] =	vst.idx.add.f32.msk $0xffff, v2;
	v4 =	vcvt.f32.s32 v4;
	v5 =	vtrunc.f32 v5;
	v6 =	vadd.s32 v1, v11  }
0x34b: {  	v3 =	vtrunc.f32 v3;
	v9 =	vadd.s32 v1, v9;
	[tilespmem:v10+s18+$0x0] =	vst.idx.add.f32.msk $0xffff, v2;
	v5 =	vcvt.f32.s32 v5  }
0x34c: {  	v3 =	vcvt.f32.s32 v3;
	v4 =	vadd.s32 v1, v4;
	[tilespmem:v8+s18+$0x0] =	vst.idx.add.f32.msk $0xffff, v2  }
0x34d: {  	[tilespmem:v14+s18+$0x0] =	vst.idx.add.f32.msk $0xffff, v2;
	v5 =	vadd.s32 v1, v5  }
0x34e: {  	v3 =	vadd.s32 v1, v3;
	[tilespmem:v7+s18+$0x0] =	vst.idx.add.f32.msk $0xffff, v2  }
0x34f: {  	[tilespmem:v6+s18+$0x0] =	vst.idx.add.f32.msk $0xffff, v2  }
0x350: {  	[tilespmem:v9+s18+$0x0] =	vst.idx.add.f32.msk $0xffff, v2  }
0x351: {  	[tilespmem:v4+s18+$0x0] =	vst.idx.add.f32.msk $0xffff, v2  }
0x352: {  	[tilespmem:v5+s18+$0x0] =	vst.idx.add.f32.msk $0xffff, v2  }
0x353: {  	[tilespmem:v3+s18+$0x0] =	vst.idx.add.f32.msk $0xffff, v2  }
0x354: {  	_ =	swait.ge [sflag:s21], $0xA00  }
0x355: {  	[sflag:s21] =	ssyncset.done $0x0  }
0x356: {  	s24 =	simm.s32 $0x0;
	[sflag:s21] =	ssyncadd.s32 $0xFFFFF600  }
0x357: {  	v3 =	vld [tilespmem:s24+$0x1000]  }
0x358: {  	v4 =	vld [tilespmem:s24+$0x1010]  }
0x359: {  	v5 =	vld [tilespmem:s24+$0x1020]  }
0x35a: {  	v6 =	vld [tilespmem:s24+$0x1030]  }
0x35b: {  	v7 =	vld [tilespmem:s24+$0x1040]  }
0x35c: {  	v8 =	vld [tilespmem:s24+$0x1050]  }
0x35d: {  	v10 =	vld [tilespmem:s24+$0x10F0]  }
0x35e: {  	v3 =	vmul.f32 $5.120000080e+01, v3  }
0x35f: {  	v4 =	vmul.f32 $5.120000080e+01, v4  }
0x360: {  	v5 =	vmul.f32 $5.120000080e+01, v5;
	v6 =	vmul.f32 $5.120000080e+01, v6;
	v3 =	vadd.f32 $2.565000000e+02, v3  }
0x361: {  	v7 =	vmul.f32 $5.120000080e+01, v7;
	v8 =	vmul.f32 $5.120000080e+01, v8;
	v4 =	vadd.f32 $2.565000000e+02, v4  }
0x362: {  	v10 =	vmul.f32 $5.120000080e+01, v10;
	v5 =	vadd.f32 $2.565000000e+02, v5;
	v3 =	vmax.f32 v3, $0.0e+00  }
0x363: {  	v9 =	vld [tilespmem:s24+$0x1060];
	v6 =	vadd.f32 $2.565000000e+02, v6;
	v4 =	vmax.f32 v4, $0.0e+00;
	v3 =	vmin.f32 v3, $5.124000240e+02  }
0x364: {  	v7 =	vadd.f32 $2.565000000e+02, v7;
	v4 =	vmin.f32 v4, $5.124000240e+02;
	v3 =	vtrunc.f32 v3  }
0x365: {  	v5 =	vmax.f32 v5, $0.0e+00;
	v4 =	vtrunc.f32 v4;
	v3 =	vcvt.f32.s32 v3  }
0x366: {  	v11 =	vld [tilespmem:s24+$0x10E0];
	v7 =	vmax.f32 v7, $0.0e+00;
	v5 =	vmin.f32 v5, $5.124000240e+02;
	v4 =	vcvt.f32.s32 v4  }
0x367: {  	v14 =	vld [tilespmem:s24+$0x1070];
	v12 =	vadd.s32 v1, v3;
	v3 =	vmax.f32 v6, $0.0e+00;
	v6 =	vadd.f32 $2.565000000e+02, v8  }
0x368: {  	v8 =	vld [tilespmem:s24+$0x10D0];
	v13 =	vadd.s32 v1, v4;
	v4 =	vtrunc.f32 v5;
	v5 =	vmul.f32 $5.120000080e+01, v9  }
0x369: {  	v9 =	vld [tilespmem:s24+$0x1080];
	v4 =	vcvt.f32.s32 v4;
	v15 =	vmin.f32 v3, $5.124000240e+02;
	v3 =	vmin.f32 v7, $5.124000240e+02  }
0x36a: {  	v6 =	vmax.f32 v6, $0.0e+00;
	v3 =	vtrunc.f32 v3  }
0x36b: {  	v7 =	vld [tilespmem:s24+$0x10C0];
	v17 =	vadd.f32 $2.565000000e+02, v5;
	v16 =	vadd.s32 v1, v4;
	v4 =	vadd.f32 $2.565000000e+02, v10  }
0x36c: {  	v19 =	vld [tilespmem:s24+$0x10A0];
	v5 =	vmul.f32 $5.120000080e+01, v11;
	v10 =	vcvt.f32.s32 v3;
	v6 =	vmin.f32 v6, $5.124000240e+02  }
0x36d: {  	v11 =	vld [tilespmem:s24+$0x1090];
	v6 =	vtrunc.f32 v6;
	v18 =	vmul.f32 $5.120000080e+01, v8;
	v3 =	vmax.f32 v4, $0.0e+00  }
0x36e: {  	v4 =	vadd.s32 v1, v10;
	v9 =	vmul.f32 $5.120000080e+01, v9;
	v10 =	vmul.f32 $5.120000080e+01, v14  }
0x36f: {  	v8 =	vmax.f32 v17, $0.0e+00;
	v14 =	vtrunc.f32 v15;
	v15 =	vld [tilespmem:s24+$0x10B0];
	v6 =	vcvt.f32.s32 v6  }
0x370: {  	[tilespmem:v12+s18+$0x0] =	vst.idx.add.f32.msk $0xffff, v2;
	v8 =	vmin.f32 v8, $5.124000240e+02;
	v63 =	vmul.f32 $5.120000080e+01, v7;
	v14 =	vcvt.f32.s32 v14  }
0x371: {  	[tilespmem:v13+s18+$0x0] =	vst.idx.add.f32.msk $0xffff, v2;
	v13 =	vmul.f32 $5.120000080e+01, v19;
	v8 =	vtrunc.f32 v8  }
0x372: {  	v9 =	vadd.f32 $2.565000000e+02, v9;
	v11 =	vmul.f32 $5.120000080e+01, v11;
	v8 =	vcvt.f32.s32 v8  }
0x373: {  	v10 =	vadd.f32 $2.565000000e+02, v10;
	v7 =	vadd.s32 v1, v6;
	v20 =	vadd.s32 v1, v14  }
0x374: {  	v9 =	vmax.f32 v9, $0.0e+00;
	v11 =	vadd.f32 $2.565000000e+02, v11;
	v6 =	vadd.s32 v1, v8  }
0x375: {  	v8 =	vmax.f32 v10, $0.0e+00;
	v10 =	vmin.f32 v9, $5.124000240e+02;
	v9 =	vadd.f32 $2.565000000e+02, v63  }
0x376: {  	v14 =	vmul.f32 $5.120000080e+01, v15;
	v10 =	vtrunc.f32 v10;
	v11 =	vmax.f32 v11, $0.0e+00  }
0x377: {  	v8 =	vmin.f32 v8, $5.124000240e+02;
	v12 =	vcvt.f32.s32 v10;
	v10 =	vmin.f32 v11, $5.124000240e+02  }
0x378: {  	v8 =	vtrunc.f32 v8;
	v15 =	vadd.f32 $2.565000000e+02, v14;
	v11 =	vtrunc.f32 v10  }
0x379: {  	[tilespmem:v16+s18+$0x0] =	vst.idx.add.f32.msk $0xffff, v2;
	v10 =	vcvt.f32.s32 v8;
	v8 =	vadd.s32 v1, v12;
	v14 =	vcvt.f32.s32 v11  }
0x37a: {  	s25 =	simm.s32 $0x400;
	s24 =	simm.s32 $0x0;
	[tilespmem:v20+s18+$0x0] =	vst.idx.add.f32.msk $0xffff, v2;
	v12 =	vadd.f32 $2.565000000e+02, v13;
	v13 =	vmax.f32 v15, $0.0e+00;
	v11 =	vadd.f32 $2.565000000e+02, v18  }
.LBB2_21:
0x37b: {  	p1 =	sne.s32 s25, $0x2400;
	v14 =	vadd.s32 v1, v14;
	v9 =	vmax.f32 v9, $0.0e+00;
	v5 =	vadd.f32 $2.565000000e+02, v5;
	[tilespmem:v4+s18+$0x0] =	vst.idx.add.f32.msk $0xffff, v2;
	s26 =	smov.u32 s25;
	s25 =	sadd.s32 $0x400, s25  }
0x37c: {  	v4 =	vmax.f32 v12, $0.0e+00;
	v12 =	vmin.f32 v13, $5.124000240e+02;
	v9 =	vmin.f32 v9, $5.124000240e+02;
	[tilespmem:v7+s18+$0x0] =	vst.idx.add.f32.msk $0xffff, v2  }
0x37d: {  	v7 =	vadd.s32 v1, v10;
	v4 =	vmin.f32 v4, $5.124000240e+02;
	v9 =	vtrunc.f32 v9;
	[tilespmem:v6+s18+$0x0] =	vst.idx.add.f32.msk $0xffff, v2  }
0x37e: {  	v4 =	vtrunc.f32 v4;
	v6 =	vcvt.f32.s32 v9;
	v9 =	vmax.f32 v11, $0.0e+00  }
0x37f: {  	v10 =	vtrunc.f32 v12;
	v4 =	vcvt.f32.s32 v4;
	v9 =	vmin.f32 v9, $5.124000240e+02  }
0x380: {  	v5 =	vmax.f32 v5, $0.0e+00;
	v6 =	vadd.s32 v1, v6;
	v9 =	vtrunc.f32 v9  }
0x381: {  	v5 =	vmin.f32 v5, $5.124000240e+02;
	v4 =	vadd.s32 v1, v4;
	v9 =	vcvt.f32.s32 v9  }
0x382: {  	v3 =	vmin.f32 v3, $5.124000240e+02;
	v10 =	vcvt.f32.s32 v10;
	v5 =	vtrunc.f32 v5;
	[tilespmem:v7+s18+$0x0] =	vst.idx.add.f32.msk $0xffff, v2  }
0x383: {  	v3 =	vtrunc.f32 v3;
	v5 =	vcvt.f32.s32 v5;
	v7 =	vadd.s32 v1, v9;
	[tilespmem:v8+s18+$0x0] =	vst.idx.add.f32.msk $0xffff, v2  }
0x384: {  	v3 =	vcvt.f32.s32 v3;
	v8 =	vadd.s32 v1, v10;
	[tilespmem:v14+s18+$0x0] =	vst.idx.add.f32.msk $0xffff, v2  }
0x385: {  	v5 =	vadd.s32 v1, v5  }
0x386: {  	v3 =	vadd.s32 v1, v3;
	[tilespmem:v4+s18+$0x0] =	vst.idx.add.f32.msk $0xffff, v2;
	_ =	sdelay $0x2  }
0x387: {  	[tilespmem:v8+s18+$0x0] =	vst.idx.add.f32.msk $0xffff, v2  }
0x388: {  	[tilespmem:v6+s18+$0x0] =	vst.idx.add.f32.msk $0xffff, v2  }
0x389: {  	[tilespmem:v7+s18+$0x0] =	vst.idx.add.f32.msk $0xffff, v2  }
0x38a: {  	[tilespmem:v5+s18+$0x0] =	vst.idx.add.f32.msk $0xffff, v2  }
0x38b: {  	s26 =	sshra.s32 s26, $0x2;
	[tilespmem:v3+s18+$0x0] =	vst.idx.add.f32.msk $0xffff, v2  }
0x38c: {  	v3 =	vld [tilespmem:s26+$0x1000]  }
0x38d: {  	v4 =	vld [tilespmem:s26+$0x1010]  }
0x38e: {  	v5 =	vld [tilespmem:s26+$0x1020]  }
0x38f: {  	v6 =	vld [tilespmem:s26+$0x1030]  }
0x390: {  	v7 =	vld [tilespmem:s26+$0x1040]  }
0x391: {  	v3 =	vmul.f32 $5.120000080e+01, v3  }
0x392: {  	v8 =	vld [tilespmem:s26+$0x1050];
	v4 =	vmul.f32 $5.120000080e+01, v4  }
0x393: {  	v3 =	vadd.f32 $2.565000000e+02, v3;
	v5 =	vmul.f32 $5.120000080e+01, v5  }
0x394: {  	v4 =	vadd.f32 $2.565000000e+02, v4;
	v6 =	vmul.f32 $5.120000080e+01, v6  }
0x395: {  	v9 =	vld [tilespmem:s26+$0x1060];
	v3 =	vmax.f32 v3, $0.0e+00;
	v5 =	vadd.f32 $2.565000000e+02, v5;
	v7 =	vmul.f32 $5.120000080e+01, v7  }
0x396: {  	v10 =	vld [tilespmem:s26+$0x10F0];
	v3 =	vmin.f32 v3, $5.124000240e+02;
	v4 =	vmax.f32 v4, $0.0e+00;
	v6 =	vadd.f32 $2.565000000e+02, v6  }
0x397: {  	v11 =	vld [tilespmem:s26+$0x10E0];
	v3 =	vtrunc.f32 v3;
	v4 =	vmin.f32 v4, $5.124000240e+02;
	v8 =	vmul.f32 $5.120000080e+01, v8  }
0x398: {  	v5 =	vmax.f32 v5, $0.0e+00;
	v12 =	vld [tilespmem:s26+$0x10D0];
	v3 =	vcvt.f32.s32 v3;
	v4 =	vtrunc.f32 v4  }
0x399: {  	v7 =	vadd.f32 $2.565000000e+02, v7;
	v5 =	vmin.f32 v5, $5.124000240e+02;
	v13 =	vld [tilespmem:s26+$0x1070];
	v4 =	vcvt.f32.s32 v4  }
0x39a: {  	v6 =	vmax.f32 v6, $0.0e+00;
	v8 =	vadd.f32 $2.565000000e+02, v8;
	v14 =	vld [tilespmem:s26+$0x1080];
	v3 =	vadd.s32 v1, v3  }
0x39b: {  	v5 =	vtrunc.f32 v5;
	v9 =	vmul.f32 $5.120000080e+01, v9;
	v15 =	vld [tilespmem:s26+$0x10C0];
	v4 =	vadd.s32 v1, v4  }
0x39c: {  	v7 =	vmax.f32 v7, $0.0e+00;
	v5 =	vcvt.f32.s32 v5;
	v10 =	vmul.f32 $5.120000080e+01, v10;
	v16 =	vld [tilespmem:s26+$0x10B0]  }
0x39d: {  	v6 =	vmin.f32 v6, $5.124000240e+02;
	v7 =	vmin.f32 v7, $5.124000240e+02;
	v8 =	vmax.f32 v8, $0.0e+00;
	v17 =	vld [tilespmem:s26+$0x1090]  }
0x39e: {  	v19 =	vadd.s32 v1, v5;
	v5 =	vtrunc.f32 v7;
	v7 =	vadd.f32 $2.565000000e+02, v10;
	v18 =	vld [tilespmem:s26+$0x10A0]  }
0x39f: {  	v9 =	vadd.f32 $2.565000000e+02, v9;
	v10 =	vcvt.f32.s32 v5;
	v5 =	vmul.f32 $5.120000080e+01, v11;
	[tilespmem:v3+s18+$0x0] =	vst.idx.add.f32.msk $0xffff, v2  }
0x3a0: {  	v8 =	vmin.f32 v8, $5.124000240e+02;
	v11 =	vmul.f32 $5.120000080e+01, v12;
	v3 =	vmax.f32 v7, $0.0e+00;
	[tilespmem:v4+s18+$0x0] =	vst.idx.add.f32.msk $0xffff, v2  }
0x3a1: {  	v7 =	vmax.f32 v9, $0.0e+00;
	v9 =	vmul.f32 $5.120000080e+01, v14;
	v4 =	vadd.s32 v1, v10  }
0x3a2: {  	v8 =	vtrunc.f32 v8;
	v7 =	vmin.f32 v7, $5.124000240e+02;
	v10 =	vmul.f32 $5.120000080e+01, v13  }
0x3a3: {  	v6 =	vtrunc.f32 v6;
	v7 =	vtrunc.f32 v7;
	v9 =	vadd.f32 $2.565000000e+02, v9  }
0x3a4: {  	v8 =	vcvt.f32.s32 v8;
	v12 =	vcvt.f32.s32 v7;
	v10 =	vadd.f32 $2.565000000e+02, v10;
	[tilespmem:v19+s18+$0x0] =	vst.idx.add.f32.msk $0xffff, v2  }
0x3a5: {  	v14 =	vmul.f32 $5.120000080e+01, v15;
	v13 =	vmul.f32 $5.120000080e+01, v17;
	v9 =	vmax.f32 v9, $0.0e+00  }
0x3a6: {  	v15 =	vcvt.f32.s32 v6;
	v7 =	vadd.s32 v1, v8;
	v6 =	vadd.s32 v1, v12  }
0x3a7: {  	v8 =	vmax.f32 v10, $0.0e+00;
	v10 =	vmin.f32 v9, $5.124000240e+02;
	v12 =	vadd.f32 $2.565000000e+02, v13  }
0x3a8: {  	v15 =	vadd.s32 v1, v15;
	v9 =	vadd.f32 $2.565000000e+02, v14;
	v8 =	vmin.f32 v8, $5.124000240e+02  }
.Ltmp10:
0x3a9: {  	v13 =	vmul.f32 $5.120000080e+01, v16;
	v10 =	vtrunc.f32 v10;
	v12 =	vmax.f32 v12, $0.0e+00;
	(pc) =	sbr.rel @p1 .LBB2_21-.Ltmp10, $4  }
0x3aa: {  	v8 =	vtrunc.f32 v8;
	v14 =	vcvt.f32.s32 v10;
	v10 =	vmin.f32 v12, $5.124000240e+02  }
0x3ab: {  	v16 =	vmul.f32 $5.120000080e+01, v18;
	v13 =	vadd.f32 $2.565000000e+02, v13;
	v12 =	vtrunc.f32 v10  }
0x3ac: {  	v10 =	vcvt.f32.s32 v8;
	v8 =	vadd.s32 v1, v14;
	v14 =	vcvt.f32.s32 v12  }
0x3ad: {  	v11 =	vadd.f32 $2.565000000e+02, v11;
	v13 =	vmax.f32 v13, $0.0e+00;
	v12 =	vadd.f32 $2.565000000e+02, v16;
	[tilespmem:v15+s18+$0x0] =	vst.idx.add.f32.msk $0xffff, v2  }
0x3ae: {  	v14 =	vadd.s32 v1, v14;
	v9 =	vmax.f32 v9, $0.0e+00;
	v5 =	vadd.f32 $2.565000000e+02, v5  }
0x3af: {  	v13 =	vmin.f32 v13, $5.124000240e+02;
	v10 =	vadd.s32 v1, v10;
	v12 =	vmax.f32 v12, $0.0e+00  }
0x3b0: {  	v3 =	vmin.f32 v3, $5.124000240e+02;
	v9 =	vmin.f32 v9, $5.124000240e+02;
	v12 =	vmin.f32 v12, $5.124000240e+02  }
0x3b1: {  	v11 =	vmax.f32 v11, $0.0e+00;
	v13 =	vtrunc.f32 v13;
	v12 =	vtrunc.f32 v12  }
0x3b2: {  	v9 =	vtrunc.f32 v9;
	v11 =	vmin.f32 v11, $5.124000240e+02;
	v12 =	vcvt.f32.s32 v12  }
0x3b3: {  	[tilespmem:v4+s18+$0x0] =	vst.idx.add.f32.msk $0xffff, v2;
	v5 =	vmax.f32 v5, $0.0e+00;
	v4 =	vtrunc.f32 v11;
	v11 =	vcvt.f32.s32 v13  }
0x3b4: {  	[tilespmem:v7+s18+$0x0] =	vst.idx.add.f32.msk $0xffff, v2;
	v9 =	vcvt.f32.s32 v9;
	v5 =	vmin.f32 v5, $5.124000240e+02;
	v7 =	vadd.s32 v1, v12  }
0x3b5: {  	[tilespmem:v6+s18+$0x0] =	vst.idx.add.f32.msk $0xffff, v2;
	v4 =	vcvt.f32.s32 v4;
	v5 =	vtrunc.f32 v5;
	v6 =	vadd.s32 v1, v11  }
0x3b6: {  	v3 =	vtrunc.f32 v3;
	v9 =	vadd.s32 v1, v9;
	[tilespmem:v10+s18+$0x0] =	vst.idx.add.f32.msk $0xffff, v2;
	v5 =	vcvt.f32.s32 v5  }
0x3b7: {  	v3 =	vcvt.f32.s32 v3;
	v4 =	vadd.s32 v1, v4;
	[tilespmem:v8+s18+$0x0] =	vst.idx.add.f32.msk $0xffff, v2  }
0x3b8: {  	[tilespmem:v14+s18+$0x0] =	vst.idx.add.f32.msk $0xffff, v2;
	v5 =	vadd.s32 v1, v5  }
0x3b9: {  	v3 =	vadd.s32 v1, v3;
	[tilespmem:v7+s18+$0x0] =	vst.idx.add.f32.msk $0xffff, v2  }
0x3ba: {  	[tilespmem:v6+s18+$0x0] =	vst.idx.add.f32.msk $0xffff, v2  }
0x3bb: {  	[tilespmem:v9+s18+$0x0] =	vst.idx.add.f32.msk $0xffff, v2  }
0x3bc: {  	[tilespmem:v4+s18+$0x0] =	vst.idx.add.f32.msk $0xffff, v2  }
0x3bd: {  	[tilespmem:v5+s18+$0x0] =	vst.idx.add.f32.msk $0xffff, v2  }
0x3be: {  	s25 =	simm.s32 $0x3290;
	[tilespmem:v3+s18+$0x0] =	vst.idx.add.f32.msk $0xffff, v2  }
0x3bf: {  	v3 =	vld [tilespmem:s25+$0xFFFFEF80]  }
0x3c0: {  	v4 =	vld [tilespmem:s25+$0xFFFFED70]  }
0x3c1: {  	v5 =	vld [tilespmem:s25+$0xFFFFF190]  }
0x3c2: {  	v6 =	vld [tilespmem:s25+$0xFFFFF3A0]  }
0x3c3: {  	v7 =	vld [tilespmem:s25+$0xFFFFF5B0]  }
0x3c4: {  	v8 =	vld [tilespmem:s25+$0xFFFFF7C0]  }
0x3c5: {  	v9 =	vld [tilespmem:s25+$0xFFFFF9D0]  }
0x3c6: {  	s24 =	sand.u32 $0x3F0, s24;
	v10 =	vld [tilespmem:s25+$0xFFFFFBE0]  }
0x3c7: {  	v11 =	vld [tilespmem:s24+$0x3080]  }
0x3c8: {  	v12 =	vld [tilespmem:s25+$0x0]  }
0x3c9: {  	v13 =	vld [tilespmem:s25+$0x210]  }
0x3ca: {  	v14 =	vld [tilespmem:s25+$0x420]  }
0x3cb: {  	v15 =	vld [tilespmem:s25+$0x630]  }
0x3cc: {  	v16 =	vld [tilespmem:s25+$0x840]  }
0x3cd: {  	v17 =	vld [tilespmem:s25+$0xA50]  }
0x3ce: {  	v18 =	vld [tilespmem:s25+$0xC60];
	_ =	sdelay $0x1  }
0x3cf: {  	v3 =	vadd.f32 v3, v4;
	v4 =	vadd.f32 v6, v5  }
0x3d0: {  	v5 =	vadd.f32 v8, v7;
	v6 =	vadd.f32 v10, v9  }
0x3d1: {  	v7 =	vadd.f32 v12, v11;
	v8 =	vadd.f32 v14, v13  }
0x3d2: {  	v9 =	vadd.f32 v16, v15;
	v10 =	vadd.f32 v18, v17  }
0x3d3: {  	v3 =	vadd.f32 v4, v3;
	v4 =	vadd.f32 v6, v5  }
0x3d4: {  	v5 =	vadd.f32 v8, v7;
	v6 =	vadd.f32 v10, v9;
	_ =	sdelay $0x1  }
0x3d5: {  	v3 =	vadd.f32 v4, v3;
	v4 =	vadd.f32 v6, v5;
	_ =	sdelay $0x1  }
0x3d6: {  	v3 =	vadd.f32 v4, v3  }
0x3d7: {  	s24 =	simm.s32 $0x4100  }
0x3d8: {  	s25 =	simm.s32 $0x32A0;
	[tilespmem:s24+$0x0] =	vst v3  }
0x3d9: {  	v3 =	vld [tilespmem:s25+$0xFFFFEF80]  }
0x3da: {  	v4 =	vld [tilespmem:s25+$0xFFFFED70]  }
0x3db: {  	v5 =	vld [tilespmem:s25+$0xFFFFF190]  }
0x3dc: {  	v6 =	vld [tilespmem:s25+$0xFFFFF3A0]  }
0x3dd: {  	v7 =	vld [tilespmem:s25+$0xFFFFF5B0]  }
0x3de: {  	v8 =	vld [tilespmem:s25+$0xFFFFF7C0]  }
0x3df: {  	s26 =	simm.s32 $0x10;
	v9 =	vld [tilespmem:s25+$0xFFFFF9D0]  }
0x3e0: {  	s26 =	sand.u32 $0x3F0, s26;
	v10 =	vld [tilespmem:s25+$0xFFFFFBE0]  }
0x3e1: {  	v11 =	vld [tilespmem:s26+$0x3080]  }
0x3e2: {  	v12 =	vld [tilespmem:s25+$0x0]  }
0x3e3: {  	v13 =	vld [tilespmem:s25+$0x210]  }
0x3e4: {  	v14 =	vld [tilespmem:s25+$0x420]  }
0x3e5: {  	v15 =	vld [tilespmem:s25+$0x630]  }
0x3e6: {  	v16 =	vld [tilespmem:s25+$0x840]  }
0x3e7: {  	v17 =	vld [tilespmem:s25+$0xA50];
	s26 =	simm.s32 $0x20  }
.LBB2_23:
0x3e8: {  	p1 =	sne.s32 s26, $0x200;
	v18 =	vld [tilespmem:s25+$0xC60];
	_ =	sdelay $0x1  }
0x3e9: {  	v3 =	vadd.f32 v3, v4;
	v4 =	vadd.f32 v6, v5  }
0x3ea: {  	v5 =	vadd.f32 v8, v7;
	v6 =	vadd.f32 v10, v9  }
0x3eb: {  	v7 =	vadd.f32 v12, v11;
	v8 =	vadd.f32 v14, v13  }
0x3ec: {  	v9 =	vadd.f32 v16, v15;
	v10 =	vadd.f32 v18, v17  }
0x3ed: {  	v3 =	vadd.f32 v4, v3;
	v4 =	vadd.f32 v6, v5  }
0x3ee: {  	v5 =	vadd.f32 v8, v7;
	v6 =	vadd.f32 v10, v9;
	_ =	sdelay $0x1  }
0x3ef: {  	v3 =	vadd.f32 v4, v3;
	v4 =	vadd.f32 v6, v5;
	_ =	sdelay $0x1  }
0x3f0: {  	v3 =	vadd.f32 v4, v3  }
0x3f1: {  	s24 =	sadd.s32 $0x10, s24  }
0x3f2: {  	s25 =	sadd.s32 $0x10, s25;
	[tilespmem:s24+$0x0] =	vst v3  }
0x3f3: {  	v3 =	vld [tilespmem:s25+$0xFFFFEF80]  }
0x3f4: {  	v4 =	vld [tilespmem:s25+$0xFFFFED70]  }
0x3f5: {  	v5 =	vld [tilespmem:s25+$0xFFFFF190]  }
0x3f6: {  	v6 =	vld [tilespmem:s25+$0xFFFFF3A0]  }
0x3f7: {  	v7 =	vld [tilespmem:s25+$0xFFFFF5B0]  }
0x3f8: {  	v8 =	vld [tilespmem:s25+$0xFFFFF7C0]  }
0x3f9: {  	v9 =	vld [tilespmem:s25+$0xFFFFF9D0]  }
0x3fa: {  	s28 =	sand.u32 $0x3F0, s26;
	v10 =	vld [tilespmem:s25+$0xFFFFFBE0]  }
0x3fb: {  	v11 =	vld [tilespmem:s28+$0x3080]  }
0x3fc: {  	v12 =	vld [tilespmem:s25+$0x0]  }
.Ltmp11:
0x3fd: {  	v13 =	vld [tilespmem:s25+$0x210];
	(pc) =	sbr.rel @p1 .LBB2_23-.Ltmp11, $4  }
0x3fe: {  	v14 =	vld [tilespmem:s25+$0x420]  }
0x3ff: {  	v15 =	vld [tilespmem:s25+$0x630]  }
0x400: {  	v16 =	vld [tilespmem:s25+$0x840]  }
0x401: {  	s26 =	sadd.s32 $0x10, s26;
	v17 =	vld [tilespmem:s25+$0xA50]  }
0x402: {  	v18 =	vld [tilespmem:s25+$0xC60];
	_ =	sdelay $0x1  }
0x403: {  	v3 =	vadd.f32 v3, v4;
	v53 =	vadd.f32 v6, v5  }
0x404: {  	v54 =	vadd.f32 v8, v7;
	v55 =	vadd.f32 v10, v9  }
0x405: {  	v56 =	vadd.f32 v12, v11;
	v57 =	vadd.f32 v14, v13  }
0x406: {  	v58 =	vadd.f32 v16, v15;
	v59 =	vadd.f32 v18, v17  }
0x407: {  	v3 =	vadd.f32 v53, v3;
	v60 =	vadd.f32 v55, v54  }
0x408: {  	v61 =	vadd.f32 v57, v56;
	v62 =	vadd.f32 v59, v58;
	_ =	sdelay $0x1  }
0x409: {  	v3 =	vadd.f32 v60, v3;
	v63 =	vadd.f32 v62, v61;
	_ =	sdelay $0x1  }
0x40a: {  	s23 =	sadd.s32 $0x1, s23;
	v3 =	vadd.f32 v63, v3  }
0x40b: {  	s24 =	sadd.s32 $0x10, s24;
	p1 =	sne.s32 s23, s13  }
.Ltmp12:
0x40c: {  	[tilespmem:s24+$0x0] =	vst v3;
	(pc) =	sbr.rel @p1 .LBB2_1-.Ltmp12, $4  }
0x40d: {  	[hbm4b:s12+s14] =	stream.strided.scatter [tilespmem:s22], [sflag:$0x3], $0x280, s15, s14, $0x38;
	[tilespmem:$0x4580] =	vst v63  }
0x40e: {  	_ =	swait.ge [sflag:s17], $0x280  }
0x40f: {  	[sflag:s17] =	ssyncset.done $0x0  }
0x410: {  	[sflag:s17] =	ssyncadd.s32 $0xFFFFFD80  }
0x411: {  	_ =	sfence.sel $0x180000  }
0x412: {  	[bflag:$0x0] =	sbarrier.arrive $0xFFFF  }
0x413: {  	p0 =	sne.s32 s0, $0x0;
	_ =	strace $0x90000047  }
0x414: {  	s0 =	sadd.s32 @!p0 $0x100000, s1;
	[bflag:$0x2] =	sbarrier.arrive $0xFFFF  }
0x415: {  	[sflag:s0] =	ssyncadd.tile.s32 @!p0 $0x1;
	_ =	shalt  }
.Lfunc_end2:
_tile_overlayer_lowered:
.L_overlay_start_2:
0x416: {  	(tag) =	ssettag $0x2  }
0x417: {  	s0 =	rddreg [dreg:$0x0];
	s2 =	stileid.u32  }
0x418: {  	s1 =	rddreg [dreg:$0x1];
	p0 =	sne.s32 s2, $0x0  }
0x419: {  	s3 =	rddreg [dreg:$0x2];
	[bflag:$0x3] =	sbarrier.arrive $0xFFFF;
	s2 =	simm.s32 @!p0 $0x1C03  }
0x41a: {  	[timem:s3], [sflag:s2] =	dma.local @!p0 [hbm:s0], s1  }
0x41b: {  	s0 =	simm.s32 @!p0 $0x3  }
0x41c: {  	_ =	swait.ge @!p0 [sflag:s0], s1  }
0x41d: {  	s1 =	ssub.s32 @!p0 $0x0, s1;
	[sflag:s0] =	ssyncset.done @!p0 $0x0  }
0x41e: {  	[sflag:s0] =	ssyncadd.s32 @!p0 s1  }
0x41f: {  	[bflag:$0x3] =	sbarrier.arrive $0xFFFF  }
0x420: {  	_ =	shalt  }

</sc_bundles>
